<compile_context>
chip_gen: v7x
topology: tpu7x:2x2x1
jax: 0.10.2.dev20260603
libtpu: 0.0.44.dev20260713+nightly
codegen_flags: <defaults>
</compile_context>

<pallas_src>
import functools

import jax
import jax.numpy as jnp
from jax import lax
from jax.experimental import pallas as pl
from jax.experimental.pallas import tpu as pltpu
from jax.experimental.pallas import tpu_sc as plsc

jax.config.update("jax_default_matmul_precision", "highest")

_PREC = jax.lax.Precision.HIGHEST
_TC_PARAMS = pltpu.CompilerParams(vmem_limit_bytes=64 * 1024 * 1024)

N = 10000
E = 320000
D = 128
C_OUT = 10
CH = 128
NCHUNK = 2560
EPAD = NCHUNK * CH
NACC = 10240
RPT = NACC // 16
TRASH = 10200
K1 = 8000
K2 = 6400
SROW = NACC // 128


def _build_sc_agg():
    mesh = plsc.VectorSubcoreMesh(core_axis_name="c", subcore_axis_name="s")

    @functools.partial(
        pl.kernel,
        out_type=(
            jax.ShapeDtypeStruct((2, NACC, D), jnp.float32),
            jax.ShapeDtypeStruct((2, NACC), jnp.float32),
        ),
        mesh=mesh,
        scratch_types=[
            pltpu.VMEM((3, CH), jnp.int32),
            pltpu.VMEM((3, CH), jnp.int32),
            pltpu.VMEM((2, CH), jnp.float32),
            pltpu.VMEM((2, CH, D), jnp.float32),
            pltpu.VMEM_SHARED((NACC, D), jnp.float32),
            pltpu.VMEM_SHARED((NACC,), jnp.float32),
            pltpu.SemaphoreType.DMA,
            pltpu.SemaphoreType.DMA,
            pltpu.SemaphoreType.DMA,
            pltpu.SemaphoreType.DMA,
            pltpu.SemaphoreType.DMA,
        ],
    )
    def agg(hm, src2d, dst2d, mf, z2d, z1, acc_out, deg_out,
            src3, dst3, val2, rows2, acc_sh, deg_sh,
            sem_g, sem_h, sem_s, sem_t, sem_i):
        c = lax.axis_index("c")
        s = lax.axis_index("s")
        wid = s * 2 + c
        NCH = NCHUNK // 32
        base = wid * NCH

        def idx_issue(k, slot):
            pltpu.async_copy(src2d.at[pl.ds(base + k, 1)],
                             src3.at[pl.ds(slot, 1)], sem_i)
            pltpu.async_copy(dst2d.at[pl.ds(base + k, 1)],
                             dst3.at[pl.ds(slot, 1)], sem_i)

        def idx_wait(k, slot):
            pltpu.make_async_copy(src2d.at[pl.ds(base + k, 1)],
                                  src3.at[pl.ds(slot, 1)], sem_i).wait()
            pltpu.make_async_copy(dst2d.at[pl.ds(base + k, 1)],
                                  dst3.at[pl.ds(slot, 1)], sem_i).wait()

        idx_issue(0, 0)
        idx_issue(1, 1)
        pltpu.sync_copy(z2d, acc_sh.at[pl.ds(s * RPT, RPT)])
        pltpu.sync_copy(z1, deg_sh.at[pl.ds(s * RPT, RPT)])
        plsc.subcore_barrier()
        idx_wait(0, 0)
        pltpu.async_copy(hm.at[src3.at[0]], rows2.at[0], sem_g)
        pltpu.async_copy(mf.at[src3.at[0]], val2.at[0], sem_h)

        def body(i, carry):
            b = lax.rem(i, 2)
            nb = 1 - b
            s_cur = lax.rem(i, 3)
            s_nxt = lax.rem(i + 1, 3)
            s_pre = lax.rem(i + 2, 3)

            @pl.when(i >= 1)
            def _wait_prev_scatter():
                s_old = lax.rem(i - 1, 3)
                pltpu.make_async_copy(rows2.at[nb],
                                      acc_sh.at[dst3.at[s_old]],
                                      sem_s).wait()
                pltpu.make_async_copy(val2.at[nb],
                                      deg_sh.at[dst3.at[s_old]],
                                      sem_t).wait()

            @pl.when(i + 2 < NCH)
            def _prefetch_idx():
                idx_issue(i + 2, s_pre)

            @pl.when(i + 1 < NCH)
            def _issue_next_gather():
                idx_wait(i + 1, s_nxt)
                pltpu.async_copy(hm.at[src3.at[s_nxt]], rows2.at[nb], sem_g)
                pltpu.async_copy(mf.at[src3.at[s_nxt]], val2.at[nb], sem_h)

            pltpu.make_async_copy(hm.at[src3.at[s_cur]], rows2.at[b],
                                  sem_g).wait()
            pltpu.make_async_copy(mf.at[src3.at[s_cur]], val2.at[b],
                                  sem_h).wait()
            pltpu.async_copy(rows2.at[b], acc_sh.at[dst3.at[s_cur]], sem_s,
                             add=True)
            pltpu.async_copy(val2.at[b], deg_sh.at[dst3.at[s_cur]], sem_t,
                             add=True)
            return carry

        lax.fori_loop(0, NCH, body, 0)
        lb = lax.rem(NCH - 1, 2)
        ls = lax.rem(NCH - 1, 3)
        pltpu.make_async_copy(rows2.at[lb], acc_sh.at[dst3.at[ls]],
                              sem_s).wait()
        pltpu.make_async_copy(val2.at[lb], deg_sh.at[dst3.at[ls]],
                              sem_t).wait()
        plsc.subcore_barrier()
        pltpu.sync_copy(acc_sh.at[pl.ds(s * RPT, RPT)],
                        acc_out.at[c, pl.ds(s * RPT, RPT)])
        pltpu.sync_copy(deg_sh.at[pl.ds(s * RPT, RPT)],
                        deg_out.at[c, pl.ds(s * RPT, RPT)])

    return agg


_sc_agg = _build_sc_agg()


def _bn0_body(x_ref, g_ref, b_ref, o_ref):
    x = x_ref[...]
    mu = jnp.mean(x, axis=0, keepdims=True)
    xc = x - mu
    var = jnp.mean(xc * xc, axis=0, keepdims=True)
    o_ref[...] = xc / jnp.sqrt(var + 1e-5) * g_ref[...] + b_ref[...]


_bn0 = pl.pallas_call(
    _bn0_body, out_shape=jax.ShapeDtypeStruct((N, D), jnp.float32),
    compiler_params=_TC_PARAMS)


def _aggdiv_body(acc_ref, deg_ref, o_ref):
    a = acc_ref[0, :N, :] + acc_ref[1, :N, :]
    o_ref[...] = a / jnp.maximum(deg_ref[...], 1.0)


_aggdiv = pl.pallas_call(
    _aggdiv_body, out_shape=jax.ShapeDtypeStruct((N, D), jnp.float32),
    compiler_params=_TC_PARAMS)


def _sage_z(agg_ref, h_ref, wl_ref, bl_ref, wr_ref):
    return (jnp.dot(agg_ref[...], wl_ref[...],
                    preferred_element_type=jnp.float32, precision=_PREC)
            + bl_ref[...]
            + jnp.dot(h_ref[...], wr_ref[...],
                      preferred_element_type=jnp.float32, precision=_PREC))


def _masked_bn(z, m, k, g_ref, b_ref):
    zm = z * m
    mu = jnp.sum(zm, axis=0, keepdims=True) * (1.0 / k)
    xc = z - mu
    var = jnp.sum(xc * xc * m, axis=0, keepdims=True) * (1.0 / k)
    return xc / jnp.sqrt(var + 1e-5) * g_ref[...] + b_ref[...]


def _comb_bn_body(k, agg_ref, h_ref, m_ref, wl_ref, bl_ref, wr_ref,
                  g_ref, b_ref, o_ref):
    z = jnp.maximum(_sage_z(agg_ref, h_ref, wl_ref, bl_ref, wr_ref), 0.0)
    m = m_ref[...]
    o_ref[...] = _masked_bn(z, m, k, g_ref, b_ref) * m


def _zscore_body(agg_ref, h_ref, wl_ref, bl_ref, wr_ref, wcol_ref,
                 z_ref, s_ref):
    z = jnp.maximum(_sage_z(agg_ref, h_ref, wl_ref, bl_ref, wr_ref), 0.0)
    z_ref[...] = z
    w = wcol_ref[...]
    s_ref[...] = (jnp.dot(z, w, preferred_element_type=jnp.float32,
                          precision=_PREC)
                  / jnp.sqrt(jnp.sum(w * w)))


_zscore = pl.pallas_call(
    _zscore_body,
    out_shape=(jax.ShapeDtypeStruct((N, D), jnp.float32),
               jax.ShapeDtypeStruct((N, 1), jnp.float32)),
    compiler_params=_TC_PARAMS)


def _topk_body(knew, s_ref, m_ref, keep_ref):
    scm = jnp.where(m_ref[...] > 0, s_ref[...], -3.0e38)
    u = lax.bitcast_convert_type(scm, jnp.int32)
    ordv = jnp.where(u >= 0, u, u ^ jnp.int32(0x7FFFFFFF))

    def bs(i, lh):
        lo, hi = lh
        mid = (lo >> 1) + (hi >> 1) + (lo & hi & 1)
        big = jnp.sum(jnp.where(ordv >= mid, 1, 0)) >= knew
        return (jnp.where(big, mid, lo), jnp.where(big, hi, mid))

    T, _ = lax.fori_loop(0, 34, bs, (jnp.int32(-(2**31)),
                                     jnp.int32(2**31 - 1)))
    cnt_gt = jnp.sum(jnp.where(ordv > T, 1, 0))
    r = knew - cnt_gt
    tie = ordv == T
    idx = (lax.broadcasted_iota(jnp.int32, (SROW, 128), 0) * 128
           + lax.broadcasted_iota(jnp.int32, (SROW, 128), 1))

    def bs2(i, lh):
        lo, hi = lh
        mid = (lo + hi) >> 1
        ok = jnp.sum(jnp.where(tie & (idx <= mid), 1, 0)) >= r
        return (jnp.where(ok, lo, mid + 1), jnp.where(ok, mid, hi))

    _, jstar = lax.fori_loop(0, 15, bs2, (jnp.int32(0),
                                          jnp.int32(SROW * 128 - 1)))
    keep_ref[...] = jnp.where((ordv > T) | (tie & (idx <= jstar)), 1.0, 0.0)


def _make_topk(knew):
    return pl.pallas_call(
        functools.partial(_topk_body, knew),
        out_shape=jax.ShapeDtypeStruct((SROW, 128), jnp.float32),
        compiler_params=_TC_PARAMS)


def _scale_bn_body(k, z_ref, s_ref, m_ref, g_ref, b_ref, o_ref):
    hs = z_ref[...] * jnp.tanh(s_ref[...])
    m = m_ref[...]
    o_ref[...] = _masked_bn(hs, m, k, g_ref, b_ref) * m


def _make_scale_bn(k):
    return pl.pallas_call(
        functools.partial(_scale_bn_body, k),
        out_shape=jax.ShapeDtypeStruct((N, D), jnp.float32),
        compiler_params=_TC_PARAMS)


def _final_body(agg_ref, h_ref, m_ref, wl_ref, bl_ref, wr_ref,
                lw_ref, lb_ref, o_ref):
    z = _sage_z(agg_ref, h_ref, wl_ref, bl_ref, wr_ref)
    gm = jnp.sum(z * m_ref[...], axis=0, keepdims=True) * (1.0 / K2)
    o_ref[...] = (jnp.dot(gm, lw_ref[...], preferred_element_type=jnp.float32,
                          precision=_PREC)
                  + lb_ref[...])


def _make_comb(k):
    return pl.pallas_call(
        functools.partial(_comb_bn_body, k),
        out_shape=jax.ShapeDtypeStruct((N, D), jnp.float32),
        compiler_params=_TC_PARAMS)


_comb_n = _make_comb(N)
_comb_k1 = _make_comb(K1)
_comb_k2 = _make_comb(K2)
_topk_k1 = _make_topk(K1)
_topk_k2 = _make_topk(K2)
_scale_bn_k1 = _make_scale_bn(K1)
_scale_bn_k2 = _make_scale_bn(K2)
_final = pl.pallas_call(
    _final_body, out_shape=jax.ShapeDtypeStruct((1, C_OUT), jnp.float32),
    compiler_params=_TC_PARAMS)


def _degc(deg):
    return (deg[0, :N] + deg[1, :N]).reshape(N, 1)


def _pack80(v, pad_val):
    return jnp.concatenate(
        [v, jnp.full((SROW * 128 - N,), pad_val, jnp.float32)]
    ).reshape(SROW, 128)


def kernel(x, edge_index, batch, gamma, beta, Wl, bl, Wr, p, linW, linb):
    f32 = jnp.float32
    src = edge_index[0].astype(jnp.int32)
    dst = edge_index[1].astype(jnp.int32)
    src2d = jnp.concatenate(
        [src, jnp.zeros((EPAD - E,), jnp.int32)]).reshape(NCHUNK, CH)
    dst2d = jnp.concatenate(
        [dst, jnp.full((EPAD - E,), TRASH, jnp.int32)]).reshape(NCHUNK, CH)
    z2d = jnp.zeros((RPT, D), f32)
    z1 = jnp.zeros((RPT,), f32)
    ones_m = jnp.ones((N, 1), f32)
    ones_mf = jnp.ones((N,), f32)

    g = [gamma[i].reshape(1, D) for i in range(7)]
    b = [beta[i].reshape(1, D) for i in range(7)]
    blr = [bl[i].reshape(1, D) for i in range(7)]
    w0 = p[0].reshape(D, 1)
    w1 = p[1].reshape(D, 1)
    lbr = linb.reshape(1, C_OUT)

    hm = _bn0(x, g[0], b[0])
    acc, deg = _sc_agg(hm, src2d, dst2d, ones_mf, z2d, z1)
    agg = _aggdiv(acc, _degc(deg))
    hm = _comb_n(agg, hm, ones_m, Wl[0], blr[0], Wr[0], g[1], b[1])

    acc, deg = _sc_agg(hm, src2d, dst2d, ones_mf, z2d, z1)
    agg = _aggdiv(acc, _degc(deg))
    z, sc = _zscore(agg, hm, Wl[1], blr[1], Wr[1], w0)
    keep = _topk_k1(_pack80(sc.reshape(N), -3.0e38), _pack80(ones_mf, 0.0))
    m1 = keep.reshape(SROW * 128)[:N].reshape(N, 1)
    mf1 = m1.reshape(N)
    hm = _scale_bn_k1(z, sc, m1, g[2], b[2])

    acc, deg = _sc_agg(hm, src2d, dst2d, mf1, z2d, z1)
    agg = _aggdiv(acc, _degc(deg))
    hm = _comb_k1(agg, hm, m1, Wl[2], blr[2], Wr[2], g[3], b[3])

    acc, deg = _sc_agg(hm, src2d, dst2d, mf1, z2d, z1)
    agg = _aggdiv(acc, _degc(deg))
    z, sc = _zscore(agg, hm, Wl[3], blr[3], Wr[3], w1)
    keep = _topk_k2(_pack80(sc.reshape(N), -3.0e38), _pack80(mf1, 0.0))
    m2 = keep.reshape(SROW * 128)[:N].reshape(N, 1)
    mf2 = m2.reshape(N)
    hm = _scale_bn_k2(z, sc, m2, g[4], b[4])

    acc, deg = _sc_agg(hm, src2d, dst2d, mf2, z2d, z1)
    agg = _aggdiv(acc, _degc(deg))
    hm = _comb_k2(agg, hm, m2, Wl[4], blr[4], Wr[4], g[5], b[5])
    acc, deg = _sc_agg(hm, src2d, dst2d, mf2, z2d, z1)
    agg = _aggdiv(acc, _degc(deg))
    hm = _comb_k2(agg, hm, m2, Wl[5], blr[5], Wr[5], g[6], b[6])

    acc, deg = _sc_agg(hm, src2d, dst2d, mf2, z2d, z1)
    agg = _aggdiv(acc, _degc(deg))
    return _final(agg, hm, m2, Wl[6], blr[6], Wr[6], linW, lbr)

# --- scband reference (transcript-rebuilt; emitter-appended) ---
"""Pipeline reference for scband-gcn-62818191671845 (READ-ONLY COPY).

The authoritative reference and input builder live on the scoring server;
editing this copy changes nothing except your own understanding.
"""

import jax, jax.numpy as jnp
import numpy as np

N = 10000
E = 320000
D = 128
H = 128
C = 10

def setup_inputs(seed: int = 0):
    key = jax.random.key(seed)
    ks = jax.random.split(key, 8)
    x = jax.random.normal(ks[0], (N, D), dtype=jnp.float32)
    edge_index = jax.random.randint(ks[1], (2, E), 0, N)
    batch = jnp.zeros((N,), dtype=jnp.int32)
    gamma = jnp.ones((7, H), dtype=jnp.float32)
    beta = jnp.zeros((7, H), dtype=jnp.float32)
    Wl = jax.random.normal(ks[2], (7, H, H), dtype=jnp.float32) * 0.05
    bl = jnp.zeros((7, H), dtype=jnp.float32)
    Wr = jax.random.normal(ks[3], (7, H, H), dtype=jnp.float32) * 0.05
    p = jax.random.normal(ks[4], (2, H), dtype=jnp.float32)
    linW = jax.random.normal(ks[5], (H, C), dtype=jnp.float32) * 0.05
    linb = jnp.zeros((C,), dtype=jnp.float32)
    return {"x": x, "edge_index": edge_index, "batch": batch, "gamma": gamma, "beta": beta,
            "Wl": Wl, "bl": bl, "Wr": Wr, "p": p, "linW": linW, "linb": linb}

def _bn(x, g, b):
    mu = jnp.mean(x, axis=0)
    var = jnp.var(x, axis=0)
    return (x - mu) / jnp.sqrt(var + 1e-5) * g + b

def _sage(x, src, dst, valid, n, Wl, bl, Wr):
    # PyG SAGEConv with mean aggregation: lin_l(mean_neighbors) + lin_r(x)
    msg = x[src] * valid[:, None]
    agg = jax.ops.segment_sum(msg, dst, num_segments=n)
    deg = jax.ops.segment_sum(valid, dst, num_segments=n)
    agg = agg / jnp.maximum(deg, 1.0)[:, None]
    return agg @ Wl + bl + x @ Wr

def _topk_pool(x, src, dst, valid, batch, w, k):
    # PyG TopKPooling (single graph): score = x.w/||w||, keep top-k, scale by tanh(score)
    score = (x @ w) / jnp.linalg.norm(w)
    _, perm = jax.lax.top_k(score, k)
    x_new = x[perm] * jnp.tanh(score[perm])[:, None]
    n_old = x.shape[0]
    inv = jnp.full((n_old,), -1, dtype=jnp.int32).at[perm].set(jnp.arange(k, dtype=jnp.int32))
    src_m = inv[src]
    dst_m = inv[dst]
    valid_new = valid * ((src_m >= 0) & (dst_m >= 0)).astype(jnp.float32)
    src_new = jnp.where(src_m >= 0, src_m, 0)
    dst_new = jnp.where(valid_new > 0, jnp.where(dst_m >= 0, dst_m, k), k)  # k => dropped by segment_sum
    return x_new, src_new, dst_new, valid_new, batch[perm]

def reference(x, edge_index, batch, gamma, beta, Wl, bl, Wr, p, linW, linb):
    src = edge_index[0].astype(jnp.int32)
    dst = edge_index[1].astype(jnp.int32)
    valid = jnp.ones((src.shape[0],), dtype=jnp.float32)
    n = N
    h = _bn(x, gamma[0], beta[0])
    h = jax.nn.relu(_sage(h, src, dst, valid, n, Wl[0], bl[0], Wr[0]))
    h = _bn(h, gamma[1], beta[1])
    h = jax.nn.relu(_sage(h, src, dst, valid, n, Wl[1], bl[1], Wr[1]))
    n = 8000  # ceil(0.8 * 10000)
    h, src, dst, valid, batch = _topk_pool(h, src, dst, valid, batch, p[0], n)
    h = _bn(h, gamma[2], beta[2])
    h = jax.nn.relu(_sage(h, src, dst, valid, n, Wl[2], bl[2], Wr[2]))
    h = _bn(h, gamma[3], beta[3])
    h = jax.nn.relu(_sage(h, src, dst, valid, n, Wl[3], bl[3], Wr[3]))
    n = 6400  # ceil(0.8 * 8000)
    h, src, dst, valid, batch = _topk_pool(h, src, dst, valid, batch, p[1], n)
    h = _bn(h, gamma[4], beta[4])
    h = jax.nn.relu(_sage(h, src, dst, valid, n, Wl[4], bl[4], Wr[4]))
    h = _bn(h, gamma[5], beta[5])
    h = jax.nn.relu(_sage(h, src, dst, valid, n, Wl[5], bl[5], Wr[5]))
    h = _bn(h, gamma[6], beta[6])
    h = _sage(h, src, dst, valid, n, Wl[6], bl[6], Wr[6])
    num = jax.ops.segment_sum(h, batch, num_segments=1)
    cnt = jax.ops.segment_sum(jnp.ones((n,), dtype=jnp.float32), batch, num_segments=1)
    gm = num / cnt[:, None]
    return gm @ linW + linb

if __name__ == "__main__":
    import jax
    _d = setup_inputs()
    print(jax.jit(kernel)(*tuple(_d.values())))

</pallas_src>

<mosaic_0001>
#map = affine_map<(d0, d1) -> (0, 0)>
#map1 = affine_map<(d0, d1) -> (0)>
#map2 = affine_map<(d0, d1) -> (0, 0, 0)>
module attributes {stable_mosaic.version = 14 : i64} {
  func.func @agg(%arg0: i32, %arg1: i32, %arg2: memref<10000x128xf32, #tpu.memory_space<hbm>>, %arg3: memref<2560x128xi32, #tpu.memory_space<hbm>>, %arg4: memref<2560x128xi32, #tpu.memory_space<hbm>>, %arg5: memref<10000xf32, #tpu.memory_space<hbm>>, %arg6: memref<640x128xf32, #tpu.memory_space<hbm>>, %arg7: memref<640xf32, #tpu.memory_space<hbm>>, %arg8: memref<2x10240x128xf32, #tpu.memory_space<hbm>>, %arg9: memref<2x10240xf32, #tpu.memory_space<hbm>>, %arg10: memref<3x128xi32, #tpu.memory_space<vmem>>, %arg11: memref<3x128xi32, #tpu.memory_space<vmem>>, %arg12: memref<2x128xf32, #tpu.memory_space<vmem>>, %arg13: memref<2x128x128xf32, #tpu.memory_space<vmem>>, %arg14: memref<10240x128xf32, #tpu.memory_space<vmem_shared>>, %arg15: memref<10240xf32, #tpu.memory_space<vmem_shared>>, %arg16: memref<!tpu.dma_semaphore, #tpu.memory_space<semaphore_mem>>, %arg17: memref<!tpu.dma_semaphore, #tpu.memory_space<semaphore_mem>>, %arg18: memref<!tpu.dma_semaphore, #tpu.memory_space<semaphore_mem>>, %arg19: memref<!tpu.dma_semaphore, #tpu.memory_space<semaphore_mem>>, %arg20: memref<!tpu.dma_semaphore, #tpu.memory_space<semaphore_mem>>) attributes {dimension_semantics = [#tpu.dimension_semantics<core_parallel>, #tpu.dimension_semantics<subcore_parallel>], iteration_bounds = array<i64: 2, 16>, scalar_prefetch = 0 : i64, scratch_operands = 11 : i64, tpu.core_type = #tpu.core_type<sc_vector_subcore>, window_params = [{transform_indices = #map}, {transform_indices = #map}, {transform_indices = #map}, {transform_indices = #map1}, {transform_indices = #map}, {transform_indices = #map1}, {transform_indices = #map2}, {transform_indices = #map}]} {
    %mul3A = arith.constant 2 : i32
    %mul3A_0 = arith.muli %arg1, %mul3A : i32
    %add3A = arith.addi %mul3A_0, %arg0 : i32
    %mul3A_1 = arith.constant 80 : i32
    %mul3A_2 = arith.muli %add3A, %mul3A_1 : i32
    %add3A_3 = arith.constant 0 : i32
    %add3A_4 = arith.addi %mul3A_2, %add3A_3 : i32
    %dma_start3A = arith.constant 0 : i32
    %dma_start3A_5 = arith.constant 0 : i32
    %dma_start3A_6 = tpu.memref_slice %arg10[%dma_start3A, %dma_start3A_5] : memref<3x128xi32, #tpu.memory_space<vmem>> -> memref<1x128xi32, #tpu.memory_space<vmem>>
    %dma_start3A_7 = arith.constant 0 : i32
    %dma_start3A_8 = tpu.memref_slice %arg3[%add3A_4, %dma_start3A_7] : memref<2560x128xi32, #tpu.memory_space<hbm>> -> memref<1x128xi32, #tpu.memory_space<hbm>>
    %dma_start3A_9 = arith.constant 0 : i32
    %dma_start3A_10 = arith.constant 0 : i32
    %dma_start3A_11 = tpu.memref_slice %arg10[%dma_start3A_9, %dma_start3A_10] : memref<3x128xi32, #tpu.memory_space<vmem>> -> memref<1x128xi32, #tpu.memory_space<vmem>>
    %dma_start3A_12 = arith.constant 0 : i32
    %dma_start3A_13 = tpu.memref_slice %arg3[%add3A_4, %dma_start3A_12] : memref<2560x128xi32, #tpu.memory_space<hbm>> -> memref<1x128xi32, #tpu.memory_space<hbm>>
    tpu.enqueue_dma source(%dma_start3A_13 : memref<1x128xi32, #tpu.memory_space<hbm>>) target(%dma_start3A_11 : memref<1x128xi32, #tpu.memory_space<vmem>>) target_semaphore(%arg20 : memref<!tpu.dma_semaphore, #tpu.memory_space<semaphore_mem>>)
    %add3A_14 = arith.constant 0 : i32
    %add3A_15 = arith.addi %mul3A_2, %add3A_14 : i32
    %dma_start3A_16 = arith.constant 0 : i32
    %dma_start3A_17 = arith.constant 0 : i32
    %dma_start3A_18 = tpu.memref_slice %arg11[%dma_start3A_16, %dma_start3A_17] : memref<3x128xi32, #tpu.memory_space<vmem>> -> memref<1x128xi32, #tpu.memory_space<vmem>>
    %dma_start3A_19 = arith.constant 0 : i32
    %dma_start3A_20 = tpu.memref_slice %arg4[%add3A_15, %dma_start3A_19] : memref<2560x128xi32, #tpu.memory_space<hbm>> -> memref<1x128xi32, #tpu.memory_space<hbm>>
    %dma_start3A_21 = arith.constant 0 : i32
    %dma_start3A_22 = arith.constant 0 : i32
    %dma_start3A_23 = tpu.memref_slice %arg11[%dma_start3A_21, %dma_start3A_22] : memref<3x128xi32, #tpu.memory_space<vmem>> -> memref<1x128xi32, #tpu.memory_space<vmem>>
    %dma_start3A_24 = arith.constant 0 : i32
    %dma_start3A_25 = tpu.memref_slice %arg4[%add3A_15, %dma_start3A_24] : memref<2560x128xi32, #tpu.memory_space<hbm>> -> memref<1x128xi32, #tpu.memory_space<hbm>>
    tpu.enqueue_dma source(%dma_start3A_25 : memref<1x128xi32, #tpu.memory_space<hbm>>) target(%dma_start3A_23 : memref<1x128xi32, #tpu.memory_space<vmem>>) target_semaphore(%arg20 : memref<!tpu.dma_semaphore, #tpu.memory_space<semaphore_mem>>)
    %add3A_26 = arith.constant 1 : i32
    %add3A_27 = arith.addi %mul3A_2, %add3A_26 : i32
    %dma_start3A_28 = arith.constant 1 : i32
    %dma_start3A_29 = arith.constant 0 : i32
    %dma_start3A_30 = tpu.memref_slice %arg10[%dma_start3A_28, %dma_start3A_29] : memref<3x128xi32, #tpu.memory_space<vmem>> -> memref<1x128xi32, #tpu.memory_space<vmem>>
    %dma_start3A_31 = arith.constant 0 : i32
    %dma_start3A_32 = tpu.memref_slice %arg3[%add3A_27, %dma_start3A_31] : memref<2560x128xi32, #tpu.memory_space<hbm>> -> memref<1x128xi32, #tpu.memory_space<hbm>>
    %dma_start3A_33 = arith.constant 1 : i32
    %dma_start3A_34 = arith.constant 0 : i32
    %dma_start3A_35 = tpu.memref_slice %arg10[%dma_start3A_33, %dma_start3A_34] : memref<3x128xi32, #tpu.memory_space<vmem>> -> memref<1x128xi32, #tpu.memory_space<vmem>>
    %dma_start3A_36 = arith.constant 0 : i32
    %dma_start3A_37 = tpu.memref_slice %arg3[%add3A_27, %dma_start3A_36] : memref<2560x128xi32, #tpu.memory_space<hbm>> -> memref<1x128xi32, #tpu.memory_space<hbm>>
    tpu.enqueue_dma source(%dma_start3A_37 : memref<1x128xi32, #tpu.memory_space<hbm>>) target(%dma_start3A_35 : memref<1x128xi32, #tpu.memory_space<vmem>>) target_semaphore(%arg20 : memref<!tpu.dma_semaphore, #tpu.memory_space<semaphore_mem>>)
    %add3A_38 = arith.constant 1 : i32
    %add3A_39 = arith.addi %mul3A_2, %add3A_38 : i32
    %dma_start3A_40 = arith.constant 1 : i32
    %dma_start3A_41 = arith.constant 0 : i32
    %dma_start3A_42 = tpu.memref_slice %arg11[%dma_start3A_40, %dma_start3A_41] : memref<3x128xi32, #tpu.memory_space<vmem>> -> memref<1x128xi32, #tpu.memory_space<vmem>>
    %dma_start3A_43 = arith.constant 0 : i32
    %dma_start3A_44 = tpu.memref_slice %arg4[%add3A_39, %dma_start3A_43] : memref<2560x128xi32, #tpu.memory_space<hbm>> -> memref<1x128xi32, #tpu.memory_space<hbm>>
    %dma_start3A_45 = arith.constant 1 : i32
    %dma_start3A_46 = arith.constant 0 : i32
    %dma_start3A_47 = tpu.memref_slice %arg11[%dma_start3A_45, %dma_start3A_46] : memref<3x128xi32, #tpu.memory_space<vmem>> -> memref<1x128xi32, #tpu.memory_space<vmem>>
    %dma_start3A_48 = arith.constant 0 : i32
    %dma_start3A_49 = tpu.memref_slice %arg4[%add3A_39, %dma_start3A_48] : memref<2560x128xi32, #tpu.memory_space<hbm>> -> memref<1x128xi32, #tpu.memory_space<hbm>>
    tpu.enqueue_dma source(%dma_start3A_49 : memref<1x128xi32, #tpu.memory_space<hbm>>) target(%dma_start3A_47 : memref<1x128xi32, #tpu.memory_space<vmem>>) target_semaphore(%arg20 : memref<!tpu.dma_semaphore, #tpu.memory_space<semaphore_mem>>)
    %mul3A_50 = arith.constant 640 : i32
    %mul3A_51 = arith.muli %arg1, %mul3A_50 : i32
    "tpu.region"() ({
      %run_scoped3A = tpu.sem_alloc : memref<!tpu.dma_semaphore, #tpu.memory_space<semaphore_mem>>
      %dma_start3A_136 = arith.constant 0 : i32
      %dma_start3A_137 = tpu.memref_slice %arg14[%mul3A_51, %dma_start3A_136] : memref<10240x128xf32, #tpu.memory_space<vmem_shared>> -> memref<640x128xf32, #tpu.memory_space<vmem_shared>>
      tpu.enqueue_dma source(%arg6 : memref<640x128xf32, #tpu.memory_space<hbm>>) target(%dma_start3A_137 : memref<640x128xf32, #tpu.memory_space<vmem_shared>>) target_semaphore(%run_scoped3A : memref<!tpu.dma_semaphore, #tpu.memory_space<semaphore_mem>>)
      %dma_wait3A_138 = arith.constant 0 : i32
      %dma_wait3A_139 = tpu.memref_slice %arg14[%mul3A_51, %dma_wait3A_138] : memref<10240x128xf32, #tpu.memory_space<vmem_shared>> -> memref<640x128xf32, #tpu.memory_space<vmem_shared>>
      tpu.wait_dma2 semaphore(%run_scoped3A : memref<!tpu.dma_semaphore, #tpu.memory_space<semaphore_mem>>) src(%arg6 : memref<640x128xf32, #tpu.memory_space<hbm>>) dst(%dma_wait3A_139 : memref<640x128xf32, #tpu.memory_space<vmem_shared>>)
      tpu.yield
    }) : () -> ()
    %mul3A_52 = arith.constant 640 : i32
    %mul3A_53 = arith.muli %arg1, %mul3A_52 : i32
    "tpu.region"() ({
      %run_scoped3A = tpu.sem_alloc : memref<!tpu.dma_semaphore, #tpu.memory_space<semaphore_mem>>
      %dma_start3A_136 = tpu.memref_slice %arg15[%mul3A_53] : memref<10240xf32, #tpu.memory_space<vmem_shared>> -> memref<640xf32, #tpu.memory_space<vmem_shared>>
      tpu.enqueue_dma source(%arg7 : memref<640xf32, #tpu.memory_space<hbm>>) target(%dma_start3A_136 : memref<640xf32, #tpu.memory_space<vmem_shared>>) target_semaphore(%run_scoped3A : memref<!tpu.dma_semaphore, #tpu.memory_space<semaphore_mem>>)
      %dma_wait3A_137 = tpu.memref_slice %arg15[%mul3A_53] : memref<10240xf32, #tpu.memory_space<vmem_shared>> -> memref<640xf32, #tpu.memory_space<vmem_shared>>
      tpu.wait_dma2 semaphore(%run_scoped3A : memref<!tpu.dma_semaphore, #tpu.memory_space<semaphore_mem>>) src(%arg7 : memref<640xf32, #tpu.memory_space<hbm>>) dst(%dma_wait3A_137 : memref<640xf32, #tpu.memory_space<vmem_shared>>)
      tpu.yield
    }) : () -> ()
    %barrier3A = arith.constant 0 : index
    tpu.barrier barrier_id(%barrier3A)
    %add3A_54 = arith.constant 0 : i32
    %add3A_55 = arith.addi %mul3A_2, %add3A_54 : i32
    %dma_wait3A = arith.constant 0 : i32
    %dma_wait3A_56 = arith.constant 0 : i32
    %dma_wait3A_57 = tpu.memref_slice %arg10[%dma_wait3A, %dma_wait3A_56] : memref<3x128xi32, #tpu.memory_space<vmem>> -> memref<1x128xi32, #tpu.memory_space<vmem>>
    %dma_wait3A_58 = arith.constant 0 : i32
    %dma_wait3A_59 = tpu.memref_slice %arg3[%add3A_55, %dma_wait3A_58] : memref<2560x128xi32, #tpu.memory_space<hbm>> -> memref<1x128xi32, #tpu.memory_space<hbm>>
    %dma_wait3A_60 = arith.constant 0 : i32
    %dma_wait3A_61 = arith.constant 0 : i32
    %dma_wait3A_62 = tpu.memref_slice %arg10[%dma_wait3A_60, %dma_wait3A_61] : memref<3x128xi32, #tpu.memory_space<vmem>> -> memref<1x128xi32, #tpu.memory_space<vmem>>
    %dma_wait3A_63 = arith.constant 0 : i32
    %dma_wait3A_64 = tpu.memref_slice %arg3[%add3A_55, %dma_wait3A_63] : memref<2560x128xi32, #tpu.memory_space<hbm>> -> memref<1x128xi32, #tpu.memory_space<hbm>>
    tpu.wait_dma2 semaphore(%arg20 : memref<!tpu.dma_semaphore, #tpu.memory_space<semaphore_mem>>) src(%dma_wait3A_64 : memref<1x128xi32, #tpu.memory_space<hbm>>) dst(%dma_wait3A_62 : memref<1x128xi32, #tpu.memory_space<vmem>>)
    %add3A_65 = arith.constant 0 : i32
    %add3A_66 = arith.addi %mul3A_2, %add3A_65 : i32
    %dma_wait3A_67 = arith.constant 0 : i32
    %dma_wait3A_68 = arith.constant 0 : i32
    %dma_wait3A_69 = tpu.memref_slice %arg11[%dma_wait3A_67, %dma_wait3A_68] : memref<3x128xi32, #tpu.memory_space<vmem>> -> memref<1x128xi32, #tpu.memory_space<vmem>>
    %dma_wait3A_70 = arith.constant 0 : i32
    %dma_wait3A_71 = tpu.memref_slice %arg4[%add3A_66, %dma_wait3A_70] : memref<2560x128xi32, #tpu.memory_space<hbm>> -> memref<1x128xi32, #tpu.memory_space<hbm>>
    %dma_wait3A_72 = arith.constant 0 : i32
    %dma_wait3A_73 = arith.constant 0 : i32
    %dma_wait3A_74 = tpu.memref_slice %arg11[%dma_wait3A_72, %dma_wait3A_73] : memref<3x128xi32, #tpu.memory_space<vmem>> -> memref<1x128xi32, #tpu.memory_space<vmem>>
    %dma_wait3A_75 = arith.constant 0 : i32
    %dma_wait3A_76 = tpu.memref_slice %arg4[%add3A_66, %dma_wait3A_75] : memref<2560x128xi32, #tpu.memory_space<hbm>> -> memref<1x128xi32, #tpu.memory_space<hbm>>
    tpu.wait_dma2 semaphore(%arg20 : memref<!tpu.dma_semaphore, #tpu.memory_space<semaphore_mem>>) src(%dma_wait3A_76 : memref<1x128xi32, #tpu.memory_space<hbm>>) dst(%dma_wait3A_74 : memref<1x128xi32, #tpu.memory_space<vmem>>)
    %dma_start3A_77 = arith.constant 0 : i32
    %dma_start3A_78 = arith.constant 0 : i32
    %dma_start3A_79 = arith.constant 0 : i32
    %dma_start3A_80 = arith.constant 0 : i32
    %dma_start3A_81 = tpu.memref_slice %arg13[%dma_start3A_78, %dma_start3A_79, %dma_start3A_80] : memref<2x128x128xf32, #tpu.memory_space<vmem>> -> memref<1x128x128xf32, #tpu.memory_space<vmem>>
    %dma_start3A_82 = tpu.memref_squeeze %dma_start3A_81 : memref<1x128x128xf32, #tpu.memory_space<vmem>> -> memref<128x128xf32, #tpu.memory_space<vmem>>
    %dma_start3A_83 = arith.constant 0 : i32
    %dma_start3A_84 = tpu.memref_slice %arg10[%dma_start3A_77, %dma_start3A_83] : memref<3x128xi32, #tpu.memory_space<vmem>> -> memref<1x128xi32, #tpu.memory_space<vmem>>
    %dma_start3A_85 = tpu.memref_squeeze %dma_start3A_84 : memref<1x128xi32, #tpu.memory_space<vmem>> -> memref<128xi32, #tpu.memory_space<vmem>>
    %dma_start3A_86 = arith.constant 0 : i32
    %dma_start3A_87 = arith.constant 0 : i32
    %dma_start3A_88 = tpu.memref_slice %arg2[%dma_start3A_86, %dma_start3A_87] : memref<10000x128xf32, #tpu.memory_space<hbm>> -> memref<10000x128xf32, #tpu.memory_space<hbm>>
    tpu.enqueue_indirect_dma source(%dma_start3A_88 : memref<10000x128xf32, #tpu.memory_space<hbm>>) target(%dma_start3A_82 : memref<128x128xf32, #tpu.memory_space<vmem>>) offsets(%dma_start3A_85 : memref<128xi32, #tpu.memory_space<vmem>>) semaphore(%arg16 : memref<!tpu.dma_semaphore, #tpu.memory_space<semaphore_mem>>)
    %dma_start3A_89 = arith.constant 0 : i32
    %dma_start3A_90 = arith.constant 0 : i32
    %dma_start3A_91 = arith.constant 0 : i32
    %dma_start3A_92 = tpu.memref_slice %arg12[%dma_start3A_90, %dma_start3A_91] : memref<2x128xf32, #tpu.memory_space<vmem>> -> memref<1x128xf32, #tpu.memory_space<vmem>>
    %dma_start3A_93 = tpu.memref_squeeze %dma_start3A_92 : memref<1x128xf32, #tpu.memory_space<vmem>> -> memref<128xf32, #tpu.memory_space<vmem>>
    %dma_start3A_94 = arith.constant 0 : i32
    %dma_start3A_95 = tpu.memref_slice %arg10[%dma_start3A_89, %dma_start3A_94] : memref<3x128xi32, #tpu.memory_space<vmem>> -> memref<1x128xi32, #tpu.memory_space<vmem>>
    %dma_start3A_96 = tpu.memref_squeeze %dma_start3A_95 : memref<1x128xi32, #tpu.memory_space<vmem>> -> memref<128xi32, #tpu.memory_space<vmem>>
    %dma_start3A_97 = arith.constant 0 : i32
    %dma_start3A_98 = tpu.memref_slice %arg5[%dma_start3A_97] : memref<10000xf32, #tpu.memory_space<hbm>> -> memref<10000xf32, #tpu.memory_space<hbm>>
    tpu.enqueue_indirect_dma source(%dma_start3A_98 : memref<10000xf32, #tpu.memory_space<hbm>>) target(%dma_start3A_93 : memref<128xf32, #tpu.memory_space<vmem>>) offsets(%dma_start3A_96 : memref<128xi32, #tpu.memory_space<vmem>>) semaphore(%arg17 : memref<!tpu.dma_semaphore, #tpu.memory_space<semaphore_mem>>)
    %scan3A = arith.constant 0 : i32
    %scan3A_99 = arith.constant 0 : i32
    %scan3A_100 = arith.constant 80 : i32
    %scan3A_101 = arith.addi %scan3A_99, %scan3A_100 : i32
    %scan3A_102 = arith.constant 1 : i32
    scf.for %scan3A_136 = %scan3A_99 to %scan3A_101 step %scan3A_102  : i32 {
      %rem3A_137 = arith.constant 2 : i32
      %rem3A_138 = arith.remsi %scan3A_136, %rem3A_137 : i32
      %sub3A = arith.constant 1 : i32
      %sub3A_139 = arith.subi %sub3A, %rem3A_138 : i32
      %rem3A_140 = arith.constant 3 : i32
      %rem3A_141 = arith.remsi %scan3A_136, %rem3A_140 : i32
      %add3A_142 = arith.constant 1 : i32
      %add3A_143 = arith.addi %scan3A_136, %add3A_142 : i32
      %rem3A_144 = arith.constant 3 : i32
      %rem3A_145 = arith.remsi %add3A_143, %rem3A_144 : i32
      %add3A_146 = arith.constant 2 : i32
      %add3A_147 = arith.addi %scan3A_136, %add3A_146 : i32
      %rem3A_148 = arith.constant 3 : i32
      %rem3A_149 = arith.remsi %add3A_147, %rem3A_148 : i32
      %ge3A = arith.constant 1 : i32
      %ge3A_150 = arith.cmpi sge, %scan3A_136, %ge3A : i32
      %convert_element_type3A = arith.extui %ge3A_150 : i1 to i32
      %cond3A = arith.constant 0 : i32
      %cond3A_151 = arith.cmpi ne, %convert_element_type3A, %cond3A : i32
      scf.if %cond3A_151 {
        %sub3A_201 = arith.constant 1 : i32
        %sub3A_202 = arith.subi %scan3A_136, %sub3A_201 : i32
        %rem3A_203 = arith.constant 3 : i32
        %rem3A_204 = arith.remsi %sub3A_202, %rem3A_203 : i32
        %dma_wait3A_205 = arith.constant 0 : i32
        %dma_wait3A_206 = arith.constant 0 : i32
        %dma_wait3A_207 = tpu.memref_slice %arg13[%sub3A_139, %dma_wait3A_205, %dma_wait3A_206] : memref<2x128x128xf32, #tpu.memory_space<vmem>> -> memref<1x128x128xf32, #tpu.memory_space<vmem>>
        %dma_wait3A_208 = tpu.memref_squeeze %dma_wait3A_207 : memref<1x128x128xf32, #tpu.memory_space<vmem>> -> memref<128x128xf32, #tpu.memory_space<vmem>>
        %dma_wait3A_209 = arith.constant 0 : i32
        %dma_wait3A_210 = tpu.memref_slice %arg11[%rem3A_204, %dma_wait3A_209] : memref<3x128xi32, #tpu.memory_space<vmem>> -> memref<1x128xi32, #tpu.memory_space<vmem>>
        %dma_wait3A_211 = tpu.memref_squeeze %dma_wait3A_210 : memref<1x128xi32, #tpu.memory_space<vmem>> -> memref<128xi32, #tpu.memory_space<vmem>>
        %dma_wait3A_212 = arith.constant 0 : i32
        %dma_wait3A_213 = arith.constant 0 : i32
        %dma_wait3A_214 = tpu.memref_slice %arg14[%dma_wait3A_212, %dma_wait3A_213] : memref<10240x128xf32, #tpu.memory_space<vmem_shared>> -> memref<10240x128xf32, #tpu.memory_space<vmem_shared>>
        tpu.wait_indirect_dma semaphore(%arg18 : memref<!tpu.dma_semaphore, #tpu.memory_space<semaphore_mem>>) src(%dma_wait3A_208 : memref<128x128xf32, #tpu.memory_space<vmem>>) dst(%dma_wait3A_214 : memref<10240x128xf32, #tpu.memory_space<vmem_shared>>)
        %dma_wait3A_215 = arith.constant 0 : i32
        %dma_wait3A_216 = tpu.memref_slice %arg12[%sub3A_139, %dma_wait3A_215] : memref<2x128xf32, #tpu.memory_space<vmem>> -> memref<1x128xf32, #tpu.memory_space<vmem>>
        %dma_wait3A_217 = tpu.memref_squeeze %dma_wait3A_216 : memref<1x128xf32, #tpu.memory_space<vmem>> -> memref<128xf32, #tpu.memory_space<vmem>>
        %dma_wait3A_218 = arith.constant 0 : i32
        %dma_wait3A_219 = tpu.memref_slice %arg11[%rem3A_204, %dma_wait3A_218] : memref<3x128xi32, #tpu.memory_space<vmem>> -> memref<1x128xi32, #tpu.memory_space<vmem>>
        %dma_wait3A_220 = tpu.memref_squeeze %dma_wait3A_219 : memref<1x128xi32, #tpu.memory_space<vmem>> -> memref<128xi32, #tpu.memory_space<vmem>>
        %dma_wait3A_221 = arith.constant 0 : i32
        %dma_wait3A_222 = tpu.memref_slice %arg15[%dma_wait3A_221] : memref<10240xf32, #tpu.memory_space<vmem_shared>> -> memref<10240xf32, #tpu.memory_space<vmem_shared>>
        tpu.wait_indirect_dma semaphore(%arg19 : memref<!tpu.dma_semaphore, #tpu.memory_space<semaphore_mem>>) src(%dma_wait3A_217 : memref<128xf32, #tpu.memory_space<vmem>>) dst(%dma_wait3A_222 : memref<10240xf32, #tpu.memory_space<vmem_shared>>)
      } else {
      }
      %add3A_152 = arith.constant 2 : i32
      %add3A_153 = arith.addi %scan3A_136, %add3A_152 : i32
      %lt3A = arith.constant 80 : i32
      %lt3A_154 = arith.cmpi slt, %add3A_153, %lt3A : i32
      %convert_element_type3A_155 = arith.extui %lt3A_154 : i1 to i32
      %cond3A_156 = arith.constant 0 : i32
      %cond3A_157 = arith.cmpi ne, %convert_element_type3A_155, %cond3A_156 : i32
      scf.if %cond3A_157 {
        %add3A_201 = arith.constant 2 : i32
        %add3A_202 = arith.addi %scan3A_136, %add3A_201 : i32
        %add3A_203 = arith.addi %mul3A_2, %add3A_202 : i32
        %dma_start3A_204 = arith.constant 0 : i32
        %dma_start3A_205 = tpu.memref_slice %arg10[%rem3A_149, %dma_start3A_204] : memref<3x128xi32, #tpu.memory_space<vmem>> -> memref<1x128xi32, #tpu.memory_space<vmem>>
        %dma_start3A_206 = arith.constant 0 : i32
        %dma_start3A_207 = tpu.memref_slice %arg3[%add3A_203, %dma_start3A_206] : memref<2560x128xi32, #tpu.memory_space<hbm>> -> memref<1x128xi32, #tpu.memory_space<hbm>>
        %dma_start3A_208 = arith.constant 0 : i32
        %dma_start3A_209 = tpu.memref_slice %arg10[%rem3A_149, %dma_start3A_208] : memref<3x128xi32, #tpu.memory_space<vmem>> -> memref<1x128xi32, #tpu.memory_space<vmem>>
        %dma_start3A_210 = arith.constant 0 : i32
        %dma_start3A_211 = tpu.memref_slice %arg3[%add3A_203, %dma_start3A_210] : memref<2560x128xi32, #tpu.memory_space<hbm>> -> memref<1x128xi32, #tpu.memory_space<hbm>>
        tpu.enqueue_dma source(%dma_start3A_211 : memref<1x128xi32, #tpu.memory_space<hbm>>) target(%dma_start3A_209 : memref<1x128xi32, #tpu.memory_space<vmem>>) target_semaphore(%arg20 : memref<!tpu.dma_semaphore, #tpu.memory_space<semaphore_mem>>)
        %add3A_212 = arith.addi %mul3A_2, %add3A_202 : i32
        %dma_start3A_213 = arith.constant 0 : i32
        %dma_start3A_214 = tpu.memref_slice %arg11[%rem3A_149, %dma_start3A_213] : memref<3x128xi32, #tpu.memory_space<vmem>> -> memref<1x128xi32, #tpu.memory_space<vmem>>
        %dma_start3A_215 = arith.constant 0 : i32
        %dma_start3A_216 = tpu.memref_slice %arg4[%add3A_212, %dma_start3A_215] : memref<2560x128xi32, #tpu.memory_space<hbm>> -> memref<1x128xi32, #tpu.memory_space<hbm>>
        %dma_start3A_217 = arith.constant 0 : i32
        %dma_start3A_218 = tpu.memref_slice %arg11[%rem3A_149, %dma_start3A_217] : memref<3x128xi32, #tpu.memory_space<vmem>> -> memref<1x128xi32, #tpu.memory_space<vmem>>
        %dma_start3A_219 = arith.constant 0 : i32
        %dma_start3A_220 = tpu.memref_slice %arg4[%add3A_212, %dma_start3A_219] : memref<2560x128xi32, #tpu.memory_space<hbm>> -> memref<1x128xi32, #tpu.memory_space<hbm>>
        tpu.enqueue_dma source(%dma_start3A_220 : memref<1x128xi32, #tpu.memory_space<hbm>>) target(%dma_start3A_218 : memref<1x128xi32, #tpu.memory_space<vmem>>) target_semaphore(%arg20 : memref<!tpu.dma_semaphore, #tpu.memory_space<semaphore_mem>>)
      } else {
      }
      %add3A_158 = arith.constant 1 : i32
      %add3A_159 = arith.addi %scan3A_136, %add3A_158 : i32
      %lt3A_160 = arith.constant 80 : i32
      %lt3A_161 = arith.cmpi slt, %add3A_159, %lt3A_160 : i32
      %convert_element_type3A_162 = arith.extui %lt3A_161 : i1 to i32
      %cond3A_163 = arith.constant 0 : i32
      %cond3A_164 = arith.cmpi ne, %convert_element_type3A_162, %cond3A_163 : i32
      scf.if %cond3A_164 {
        %add3A_201 = arith.constant 1 : i32
        %add3A_202 = arith.addi %scan3A_136, %add3A_201 : i32
        %add3A_203 = arith.addi %mul3A_2, %add3A_202 : i32
        %dma_wait3A_204 = arith.constant 0 : i32
        %dma_wait3A_205 = tpu.memref_slice %arg10[%rem3A_145, %dma_wait3A_204] : memref<3x128xi32, #tpu.memory_space<vmem>> -> memref<1x128xi32, #tpu.memory_space<vmem>>
        %dma_wait3A_206 = arith.constant 0 : i32
        %dma_wait3A_207 = tpu.memref_slice %arg3[%add3A_203, %dma_wait3A_206] : memref<2560x128xi32, #tpu.memory_space<hbm>> -> memref<1x128xi32, #tpu.memory_space<hbm>>
        %dma_wait3A_208 = arith.constant 0 : i32
        %dma_wait3A_209 = tpu.memref_slice %arg10[%rem3A_145, %dma_wait3A_208] : memref<3x128xi32, #tpu.memory_space<vmem>> -> memref<1x128xi32, #tpu.memory_space<vmem>>
        %dma_wait3A_210 = arith.constant 0 : i32
        %dma_wait3A_211 = tpu.memref_slice %arg3[%add3A_203, %dma_wait3A_210] : memref<2560x128xi32, #tpu.memory_space<hbm>> -> memref<1x128xi32, #tpu.memory_space<hbm>>
        tpu.wait_dma2 semaphore(%arg20 : memref<!tpu.dma_semaphore, #tpu.memory_space<semaphore_mem>>) src(%dma_wait3A_211 : memref<1x128xi32, #tpu.memory_space<hbm>>) dst(%dma_wait3A_209 : memref<1x128xi32, #tpu.memory_space<vmem>>)
        %add3A_212 = arith.addi %mul3A_2, %add3A_202 : i32
        %dma_wait3A_213 = arith.constant 0 : i32
        %dma_wait3A_214 = tpu.memref_slice %arg11[%rem3A_145, %dma_wait3A_213] : memref<3x128xi32, #tpu.memory_space<vmem>> -> memref<1x128xi32, #tpu.memory_space<vmem>>
        %dma_wait3A_215 = arith.constant 0 : i32
        %dma_wait3A_216 = tpu.memref_slice %arg4[%add3A_212, %dma_wait3A_215] : memref<2560x128xi32, #tpu.memory_space<hbm>> -> memref<1x128xi32, #tpu.memory_space<hbm>>
        %dma_wait3A_217 = arith.constant 0 : i32
        %dma_wait3A_218 = tpu.memref_slice %arg11[%rem3A_145, %dma_wait3A_217] : memref<3x128xi32, #tpu.memory_space<vmem>> -> memref<1x128xi32, #tpu.memory_space<vmem>>
        %dma_wait3A_219 = arith.constant 0 : i32
        %dma_wait3A_220 = tpu.memref_slice %arg4[%add3A_212, %dma_wait3A_219] : memref<2560x128xi32, #tpu.memory_space<hbm>> -> memref<1x128xi32, #tpu.memory_space<hbm>>
        tpu.wait_dma2 semaphore(%arg20 : memref<!tpu.dma_semaphore, #tpu.memory_space<semaphore_mem>>) src(%dma_wait3A_220 : memref<1x128xi32, #tpu.memory_space<hbm>>) dst(%dma_wait3A_218 : memref<1x128xi32, #tpu.memory_space<vmem>>)
        %dma_start3A_221 = arith.constant 0 : i32
        %dma_start3A_222 = arith.constant 0 : i32
        %dma_start3A_223 = tpu.memref_slice %arg13[%sub3A_139, %dma_start3A_221, %dma_start3A_222] : memref<2x128x128xf32, #tpu.memory_space<vmem>> -> memref<1x128x128xf32, #tpu.memory_space<vmem>>
        %dma_start3A_224 = tpu.memref_squeeze %dma_start3A_223 : memref<1x128x128xf32, #tpu.memory_space<vmem>> -> memref<128x128xf32, #tpu.memory_space<vmem>>
        %dma_start3A_225 = arith.constant 0 : i32
        %dma_start3A_226 = tpu.memref_slice %arg10[%rem3A_145, %dma_start3A_225] : memref<3x128xi32, #tpu.memory_space<vmem>> -> memref<1x128xi32, #tpu.memory_space<vmem>>
        %dma_start3A_227 = tpu.memref_squeeze %dma_start3A_226 : memref<1x128xi32, #tpu.memory_space<vmem>> -> memref<128xi32, #tpu.memory_space<vmem>>
        %dma_start3A_228 = arith.constant 0 : i32
        %dma_start3A_229 = arith.constant 0 : i32
        %dma_start3A_230 = tpu.memref_slice %arg2[%dma_start3A_228, %dma_start3A_229] : memref<10000x128xf32, #tpu.memory_space<hbm>> -> memref<10000x128xf32, #tpu.memory_space<hbm>>
        tpu.enqueue_indirect_dma source(%dma_start3A_230 : memref<10000x128xf32, #tpu.memory_space<hbm>>) target(%dma_start3A_224 : memref<128x128xf32, #tpu.memory_space<vmem>>) offsets(%dma_start3A_227 : memref<128xi32, #tpu.memory_space<vmem>>) semaphore(%arg16 : memref<!tpu.dma_semaphore, #tpu.memory_space<semaphore_mem>>)
        %dma_start3A_231 = arith.constant 0 : i32
        %dma_start3A_232 = tpu.memref_slice %arg12[%sub3A_139, %dma_start3A_231] : memref<2x128xf32, #tpu.memory_space<vmem>> -> memref<1x128xf32, #tpu.memory_space<vmem>>
        %dma_start3A_233 = tpu.memref_squeeze %dma_start3A_232 : memref<1x128xf32, #tpu.memory_space<vmem>> -> memref<128xf32, #tpu.memory_space<vmem>>
        %dma_start3A_234 = arith.constant 0 : i32
        %dma_start3A_235 = tpu.memref_slice %arg10[%rem3A_145, %dma_start3A_234] : memref<3x128xi32, #tpu.memory_space<vmem>> -> memref<1x128xi32, #tpu.memory_space<vmem>>
        %dma_start3A_236 = tpu.memref_squeeze %dma_start3A_235 : memref<1x128xi32, #tpu.memory_space<vmem>> -> memref<128xi32, #tpu.memory_space<vmem>>
        %dma_start3A_237 = arith.constant 0 : i32
        %dma_start3A_238 = tpu.memref_slice %arg5[%dma_start3A_237] : memref<10000xf32, #tpu.memory_space<hbm>> -> memref<10000xf32, #tpu.memory_space<hbm>>
        tpu.enqueue_indirect_dma source(%dma_start3A_238 : memref<10000xf32, #tpu.memory_space<hbm>>) target(%dma_start3A_233 : memref<128xf32, #tpu.memory_space<vmem>>) offsets(%dma_start3A_236 : memref<128xi32, #tpu.memory_space<vmem>>) semaphore(%arg17 : memref<!tpu.dma_semaphore, #tpu.memory_space<semaphore_mem>>)
      } else {
      }
      %dma_wait3A_165 = arith.constant 0 : i32
      %dma_wait3A_166 = arith.constant 0 : i32
      %dma_wait3A_167 = tpu.memref_slice %arg13[%rem3A_138, %dma_wait3A_165, %dma_wait3A_166] : memref<2x128x128xf32, #tpu.memory_space<vmem>> -> memref<1x128x128xf32, #tpu.memory_space<vmem>>
      %dma_wait3A_168 = tpu.memref_squeeze %dma_wait3A_167 : memref<1x128x128xf32, #tpu.memory_space<vmem>> -> memref<128x128xf32, #tpu.memory_space<vmem>>
      %dma_wait3A_169 = arith.constant 0 : i32
      %dma_wait3A_170 = tpu.memref_slice %arg10[%rem3A_141, %dma_wait3A_169] : memref<3x128xi32, #tpu.memory_space<vmem>> -> memref<1x128xi32, #tpu.memory_space<vmem>>
      %dma_wait3A_171 = tpu.memref_squeeze %dma_wait3A_170 : memref<1x128xi32, #tpu.memory_space<vmem>> -> memref<128xi32, #tpu.memory_space<vmem>>
      %dma_wait3A_172 = arith.constant 0 : i32
      %dma_wait3A_173 = arith.constant 0 : i32
      %dma_wait3A_174 = tpu.memref_slice %arg2[%dma_wait3A_172, %dma_wait3A_173] : memref<10000x128xf32, #tpu.memory_space<hbm>> -> memref<10000x128xf32, #tpu.memory_space<hbm>>
      tpu.wait_indirect_dma semaphore(%arg16 : memref<!tpu.dma_semaphore, #tpu.memory_space<semaphore_mem>>) src(%dma_wait3A_174 : memref<10000x128xf32, #tpu.memory_space<hbm>>) dst(%dma_wait3A_168 : memref<128x128xf32, #tpu.memory_space<vmem>>)
      %dma_wait3A_175 = arith.constant 0 : i32
      %dma_wait3A_176 = tpu.memref_slice %arg12[%rem3A_138, %dma_wait3A_175] : memref<2x128xf32, #tpu.memory_space<vmem>> -> memref<1x128xf32, #tpu.memory_space<vmem>>
      %dma_wait3A_177 = tpu.memref_squeeze %dma_wait3A_176 : memref<1x128xf32, #tpu.memory_space<vmem>> -> memref<128xf32, #tpu.memory_space<vmem>>
      %dma_wait3A_178 = arith.constant 0 : i32
      %dma_wait3A_179 = tpu.memref_slice %arg10[%rem3A_141, %dma_wait3A_178] : memref<3x128xi32, #tpu.memory_space<vmem>> -> memref<1x128xi32, #tpu.memory_space<vmem>>
      %dma_wait3A_180 = tpu.memref_squeeze %dma_wait3A_179 : memref<1x128xi32, #tpu.memory_space<vmem>> -> memref<128xi32, #tpu.memory_space<vmem>>
      %dma_wait3A_181 = arith.constant 0 : i32
      %dma_wait3A_182 = tpu.memref_slice %arg5[%dma_wait3A_181] : memref<10000xf32, #tpu.memory_space<hbm>> -> memref<10000xf32, #tpu.memory_space<hbm>>
      tpu.wait_indirect_dma semaphore(%arg17 : memref<!tpu.dma_semaphore, #tpu.memory_space<semaphore_mem>>) src(%dma_wait3A_182 : memref<10000xf32, #tpu.memory_space<hbm>>) dst(%dma_wait3A_177 : memref<128xf32, #tpu.memory_space<vmem>>)
      %dma_start3A_183 = arith.constant 0 : i32
      %dma_start3A_184 = arith.constant 0 : i32
      %dma_start3A_185 = tpu.memref_slice %arg13[%rem3A_138, %dma_start3A_183, %dma_start3A_184] : memref<2x128x128xf32, #tpu.memory_space<vmem>> -> memref<1x128x128xf32, #tpu.memory_space<vmem>>
      %dma_start3A_186 = tpu.memref_squeeze %dma_start3A_185 : memref<1x128x128xf32, #tpu.memory_space<vmem>> -> memref<128x128xf32, #tpu.memory_space<vmem>>
      %dma_start3A_187 = arith.constant 0 : i32
      %dma_start3A_188 = tpu.memref_slice %arg11[%rem3A_141, %dma_start3A_187] : memref<3x128xi32, #tpu.memory_space<vmem>> -> memref<1x128xi32, #tpu.memory_space<vmem>>
      %dma_start3A_189 = tpu.memref_squeeze %dma_start3A_188 : memref<1x128xi32, #tpu.memory_space<vmem>> -> memref<128xi32, #tpu.memory_space<vmem>>
      %dma_start3A_190 = arith.constant 0 : i32
      %dma_start3A_191 = arith.constant 0 : i32
      %dma_start3A_192 = tpu.memref_slice %arg14[%dma_start3A_190, %dma_start3A_191] : memref<10240x128xf32, #tpu.memory_space<vmem_shared>> -> memref<10240x128xf32, #tpu.memory_space<vmem_shared>>
      tpu.enqueue_indirect_dma source(%dma_start3A_186 : memref<128x128xf32, #tpu.memory_space<vmem>>) target(%dma_start3A_192 : memref<10240x128xf32, #tpu.memory_space<vmem_shared>>) offsets(%dma_start3A_189 : memref<128xi32, #tpu.memory_space<vmem>>) semaphore(%arg18 : memref<!tpu.dma_semaphore, #tpu.memory_space<semaphore_mem>>) {add = true}
      %dma_start3A_193 = arith.constant 0 : i32
      %dma_start3A_194 = tpu.memref_slice %arg12[%rem3A_138, %dma_start3A_193] : memref<2x128xf32, #tpu.memory_space<vmem>> -> memref<1x128xf32, #tpu.memory_space<vmem>>
      %dma_start3A_195 = tpu.memref_squeeze %dma_start3A_194 : memref<1x128xf32, #tpu.memory_space<vmem>> -> memref<128xf32, #tpu.memory_space<vmem>>
      %dma_start3A_196 = arith.constant 0 : i32
      %dma_start3A_197 = tpu.memref_slice %arg11[%rem3A_141, %dma_start3A_196] : memref<3x128xi32, #tpu.memory_space<vmem>> -> memref<1x128xi32, #tpu.memory_space<vmem>>
      %dma_start3A_198 = tpu.memref_squeeze %dma_start3A_197 : memref<1x128xi32, #tpu.memory_space<vmem>> -> memref<128xi32, #tpu.memory_space<vmem>>
      %dma_start3A_199 = arith.constant 0 : i32
      %dma_start3A_200 = tpu.memref_slice %arg15[%dma_start3A_199] : memref<10240xf32, #tpu.memory_space<vmem_shared>> -> memref<10240xf32, #tpu.memory_space<vmem_shared>>
      tpu.enqueue_indirect_dma source(%dma_start3A_195 : memref<128xf32, #tpu.memory_space<vmem>>) target(%dma_start3A_200 : memref<10240xf32, #tpu.memory_space<vmem_shared>>) offsets(%dma_start3A_198 : memref<128xi32, #tpu.memory_space<vmem>>) semaphore(%arg19 : memref<!tpu.dma_semaphore, #tpu.memory_space<semaphore_mem>>) {add = true}
    }
    %scan3A_103 = arith.constant 80 : i32
    %rem3A = arith.constant 79 : i32
    %rem3A_104 = arith.constant 2 : i32
    %rem3A_105 = arith.remsi %rem3A, %rem3A_104 : i32
    %rem3A_106 = arith.constant 79 : i32
    %rem3A_107 = arith.constant 3 : i32
    %rem3A_108 = arith.remsi %rem3A_106, %rem3A_107 : i32
    %dma_wait3A_109 = arith.constant 0 : i32
    %dma_wait3A_110 = arith.constant 0 : i32
    %dma_wait3A_111 = tpu.memref_slice %arg13[%rem3A_105, %dma_wait3A_109, %dma_wait3A_110] : memref<2x128x128xf32, #tpu.memory_space<vmem>> -> memref<1x128x128xf32, #tpu.memory_space<vmem>>
    %dma_wait3A_112 = tpu.memref_squeeze %dma_wait3A_111 : memref<1x128x128xf32, #tpu.memory_space<vmem>> -> memref<128x128xf32, #tpu.memory_space<vmem>>
    %dma_wait3A_113 = arith.constant 0 : i32
    %dma_wait3A_114 = tpu.memref_slice %arg11[%rem3A_108, %dma_wait3A_113] : memref<3x128xi32, #tpu.memory_space<vmem>> -> memref<1x128xi32, #tpu.memory_space<vmem>>
    %dma_wait3A_115 = tpu.memref_squeeze %dma_wait3A_114 : memref<1x128xi32, #tpu.memory_space<vmem>> -> memref<128xi32, #tpu.memory_space<vmem>>
    %dma_wait3A_116 = arith.constant 0 : i32
    %dma_wait3A_117 = arith.constant 0 : i32
    %dma_wait3A_118 = tpu.memref_slice %arg14[%dma_wait3A_116, %dma_wait3A_117] : memref<10240x128xf32, #tpu.memory_space<vmem_shared>> -> memref<10240x128xf32, #tpu.memory_space<vmem_shared>>
    tpu.wait_indirect_dma semaphore(%arg18 : memref<!tpu.dma_semaphore, #tpu.memory_space<semaphore_mem>>) src(%dma_wait3A_112 : memref<128x128xf32, #tpu.memory_space<vmem>>) dst(%dma_wait3A_118 : memref<10240x128xf32, #tpu.memory_space<vmem_shared>>)
    %dma_wait3A_119 = arith.constant 0 : i32
    %dma_wait3A_120 = tpu.memref_slice %arg12[%rem3A_105, %dma_wait3A_119] : memref<2x128xf32, #tpu.memory_space<vmem>> -> memref<1x128xf32, #tpu.memory_space<vmem>>
    %dma_wait3A_121 = tpu.memref_squeeze %dma_wait3A_120 : memref<1x128xf32, #tpu.memory_space<vmem>> -> memref<128xf32, #tpu.memory_space<vmem>>
    %dma_wait3A_122 = arith.constant 0 : i32
    %dma_wait3A_123 = tpu.memref_slice %arg11[%rem3A_108, %dma_wait3A_122] : memref<3x128xi32, #tpu.memory_space<vmem>> -> memref<1x128xi32, #tpu.memory_space<vmem>>
    %dma_wait3A_124 = tpu.memref_squeeze %dma_wait3A_123 : memref<1x128xi32, #tpu.memory_space<vmem>> -> memref<128xi32, #tpu.memory_space<vmem>>
    %dma_wait3A_125 = arith.constant 0 : i32
    %dma_wait3A_126 = tpu.memref_slice %arg15[%dma_wait3A_125] : memref<10240xf32, #tpu.memory_space<vmem_shared>> -> memref<10240xf32, #tpu.memory_space<vmem_shared>>
    tpu.wait_indirect_dma semaphore(%arg19 : memref<!tpu.dma_semaphore, #tpu.memory_space<semaphore_mem>>) src(%dma_wait3A_121 : memref<128xf32, #tpu.memory_space<vmem>>) dst(%dma_wait3A_126 : memref<10240xf32, #tpu.memory_space<vmem_shared>>)
    %barrier3A_127 = arith.constant 0 : index
    tpu.barrier barrier_id(%barrier3A_127)
    %mul3A_128 = arith.constant 640 : i32
    %mul3A_129 = arith.muli %arg1, %mul3A_128 : i32
    %mul3A_130 = arith.constant 640 : i32
    %mul3A_131 = arith.muli %arg1, %mul3A_130 : i32
    "tpu.region"() ({
      %run_scoped3A = tpu.sem_alloc : memref<!tpu.dma_semaphore, #tpu.memory_space<semaphore_mem>>
      %dma_start3A_136 = arith.constant 0 : i32
      %dma_start3A_137 = tpu.memref_slice %arg8[%arg0, %mul3A_131, %dma_start3A_136] : memref<2x10240x128xf32, #tpu.memory_space<hbm>> -> memref<1x640x128xf32, #tpu.memory_space<hbm>>
      %dma_start3A_138 = tpu.memref_squeeze %dma_start3A_137 : memref<1x640x128xf32, #tpu.memory_space<hbm>> -> memref<640x128xf32, #tpu.memory_space<hbm>>
      %dma_start3A_139 = arith.constant 0 : i32
      %dma_start3A_140 = tpu.memref_slice %arg14[%mul3A_129, %dma_start3A_139] : memref<10240x128xf32, #tpu.memory_space<vmem_shared>> -> memref<640x128xf32, #tpu.memory_space<vmem_shared>>
      tpu.enqueue_dma source(%dma_start3A_140 : memref<640x128xf32, #tpu.memory_space<vmem_shared>>) target(%dma_start3A_138 : memref<640x128xf32, #tpu.memory_space<hbm>>) target_semaphore(%run_scoped3A : memref<!tpu.dma_semaphore, #tpu.memory_space<semaphore_mem>>)
      %dma_wait3A_141 = arith.constant 0 : i32
      %dma_wait3A_142 = tpu.memref_slice %arg8[%arg0, %mul3A_131, %dma_wait3A_141] : memref<2x10240x128xf32, #tpu.memory_space<hbm>> -> memref<1x640x128xf32, #tpu.memory_space<hbm>>
      %dma_wait3A_143 = tpu.memref_squeeze %dma_wait3A_142 : memref<1x640x128xf32, #tpu.memory_space<hbm>> -> memref<640x128xf32, #tpu.memory_space<hbm>>
      %dma_wait3A_144 = arith.constant 0 : i32
      %dma_wait3A_145 = tpu.memref_slice %arg14[%mul3A_129, %dma_wait3A_144] : memref<10240x128xf32, #tpu.memory_space<vmem_shared>> -> memref<640x128xf32, #tpu.memory_space<vmem_shared>>
      tpu.wait_dma2 semaphore(%run_scoped3A : memref<!tpu.dma_semaphore, #tpu.memory_space<semaphore_mem>>) src(%dma_wait3A_145 : memref<640x128xf32, #tpu.memory_space<vmem_shared>>) dst(%dma_wait3A_143 : memref<640x128xf32, #tpu.memory_space<hbm>>)
      tpu.yield
    }) : () -> ()
    %mul3A_132 = arith.constant 640 : i32
    %mul3A_133 = arith.muli %arg1, %mul3A_132 : i32
    %mul3A_134 = arith.constant 640 : i32
    %mul3A_135 = arith.muli %arg1, %mul3A_134 : i32
    "tpu.region"() ({
      %run_scoped3A = tpu.sem_alloc : memref<!tpu.dma_semaphore, #tpu.memory_space<semaphore_mem>>
      %dma_start3A_136 = tpu.memref_slice %arg9[%arg0, %mul3A_135] : memref<2x10240xf32, #tpu.memory_space<hbm>> -> memref<1x640xf32, #tpu.memory_space<hbm>>
      %dma_start3A_137 = tpu.memref_squeeze %dma_start3A_136 : memref<1x640xf32, #tpu.memory_space<hbm>> -> memref<640xf32, #tpu.memory_space<hbm>>
      %dma_start3A_138 = tpu.memref_slice %arg15[%mul3A_133] : memref<10240xf32, #tpu.memory_space<vmem_shared>> -> memref<640xf32, #tpu.memory_space<vmem_shared>>
      tpu.enqueue_dma source(%dma_start3A_138 : memref<640xf32, #tpu.memory_space<vmem_shared>>) target(%dma_start3A_137 : memref<640xf32, #tpu.memory_space<hbm>>) target_semaphore(%run_scoped3A : memref<!tpu.dma_semaphore, #tpu.memory_space<semaphore_mem>>)
      %dma_wait3A_139 = tpu.memref_slice %arg9[%arg0, %mul3A_135] : memref<2x10240xf32, #tpu.memory_space<hbm>> -> memref<1x640xf32, #tpu.memory_space<hbm>>
      %dma_wait3A_140 = tpu.memref_squeeze %dma_wait3A_139 : memref<1x640xf32, #tpu.memory_space<hbm>> -> memref<640xf32, #tpu.memory_space<hbm>>
      %dma_wait3A_141 = tpu.memref_slice %arg15[%mul3A_133] : memref<10240xf32, #tpu.memory_space<vmem_shared>> -> memref<640xf32, #tpu.memory_space<vmem_shared>>
      tpu.wait_dma2 semaphore(%run_scoped3A : memref<!tpu.dma_semaphore, #tpu.memory_space<semaphore_mem>>) src(%dma_wait3A_141 : memref<640xf32, #tpu.memory_space<vmem_shared>>) dst(%dma_wait3A_140 : memref<640xf32, #tpu.memory_space<hbm>>)
      tpu.yield
    }) : () -> ()
    return
  }
}

#map = affine_map<(d0, d1) -> (0, 0)>
#map1 = affine_map<(d0, d1) -> (0)>
#map2 = affine_map<(d0, d1) -> (0, 0, 0)>
module attributes {stable_mosaic.version = 14 : i64} {
  func.func @agg(%arg0: i32, %arg1: i32, %arg2: memref<10000x128xf32, #tpu.memory_space<hbm>>, %arg3: memref<2560x128xi32, #tpu.memory_space<hbm>>, %arg4: memref<2560x128xi32, #tpu.memory_space<hbm>>, %arg5: memref<10000xf32, #tpu.memory_space<hbm>>, %arg6: memref<640x128xf32, #tpu.memory_space<hbm>>, %arg7: memref<640xf32, #tpu.memory_space<hbm>>, %arg8: memref<2x10240x128xf32, #tpu.memory_space<hbm>>, %arg9: memref<2x10240xf32, #tpu.memory_space<hbm>>, %arg10: memref<3x128xi32, #tpu.memory_space<vmem>>, %arg11: memref<3x128xi32, #tpu.memory_space<vmem>>, %arg12: memref<2x128xf32, #tpu.memory_space<vmem>>, %arg13: memref<2x128x128xf32, #tpu.memory_space<vmem>>, %arg14: memref<10240x128xf32, #tpu.memory_space<vmem_shared>>, %arg15: memref<10240xf32, #tpu.memory_space<vmem_shared>>, %arg16: memref<!tpu.dma_semaphore, #tpu.memory_space<semaphore_mem>>, %arg17: memref<!tpu.dma_semaphore, #tpu.memory_space<semaphore_mem>>, %arg18: memref<!tpu.dma_semaphore, #tpu.memory_space<semaphore_mem>>, %arg19: memref<!tpu.dma_semaphore, #tpu.memory_space<semaphore_mem>>, %arg20: memref<!tpu.dma_semaphore, #tpu.memory_space<semaphore_mem>>) attributes {dimension_semantics = [#tpu.dimension_semantics<core_parallel>, #tpu.dimension_semantics<subcore_parallel>], iteration_bounds = array<i64: 2, 16>, scalar_prefetch = 0 : i64, scratch_operands = 11 : i64, tpu.core_type = #tpu.core_type<sc_vector_subcore>, window_params = [{transform_indices = #map}, {transform_indices = #map}, {transform_indices = #map}, {transform_indices = #map1}, {transform_indices = #map}, {transform_indices = #map1}, {transform_indices = #map2}, {transform_indices = #map}]} {
    %mul3A = arith.constant 2 : i32
    %mul3A_0 = arith.muli %arg1, %mul3A : i32
    %add3A = arith.addi %mul3A_0, %arg0 : i32
    %mul3A_1 = arith.constant 80 : i32
    %mul3A_2 = arith.muli %add3A, %mul3A_1 : i32
    %add3A_3 = arith.constant 0 : i32
    %add3A_4 = arith.addi %mul3A_2, %add3A_3 : i32
    %dma_start3A = arith.constant 0 : i32
    %dma_start3A_5 = arith.constant 0 : i32
    %dma_start3A_6 = tpu.memref_slice %arg10[%dma_start3A, %dma_start3A_5] : memref<3x128xi32, #tpu.memory_space<vmem>> -> memref<1x128xi32, #tpu.memory_space<vmem>>
    %dma_start3A_7 = arith.constant 0 : i32
    %dma_start3A_8 = tpu.memref_slice %arg3[%add3A_4, %dma_start3A_7] : memref<2560x128xi32, #tpu.memory_space<hbm>> -> memref<1x128xi32, #tpu.memory_space<hbm>>
    %dma_start3A_9 = arith.constant 0 : i32
    %dma_start3A_10 = arith.constant 0 : i32
    %dma_start3A_11 = tpu.memref_slice %arg10[%dma_start3A_9, %dma_start3A_10] : memref<3x128xi32, #tpu.memory_space<vmem>> -> memref<1x128xi32, #tpu.memory_space<vmem>>
    %dma_start3A_12 = arith.constant 0 : i32
    %dma_start3A_13 = tpu.memref_slice %arg3[%add3A_4, %dma_start3A_12] : memref<2560x128xi32, #tpu.memory_space<hbm>> -> memref<1x128xi32, #tpu.memory_space<hbm>>
    tpu.enqueue_dma source(%dma_start3A_13 : memref<1x128xi32, #tpu.memory_space<hbm>>) target(%dma_start3A_11 : memref<1x128xi32, #tpu.memory_space<vmem>>) target_semaphore(%arg20 : memref<!tpu.dma_semaphore, #tpu.memory_space<semaphore_mem>>)
    %add3A_14 = arith.constant 0 : i32
    %add3A_15 = arith.addi %mul3A_2, %add3A_14 : i32
    %dma_start3A_16 = arith.constant 0 : i32
    %dma_start3A_17 = arith.constant 0 : i32
    %dma_start3A_18 = tpu.memref_slice %arg11[%dma_start3A_16, %dma_start3A_17] : memref<3x128xi32, #tpu.memory_space<vmem>> -> memref<1x128xi32, #tpu.memory_space<vmem>>
    %dma_start3A_19 = arith.constant 0 : i32
    %dma_start3A_20 = tpu.memref_slice %arg4[%add3A_15, %dma_start3A_19] : memref<2560x128xi32, #tpu.memory_space<hbm>> -> memref<1x128xi32, #tpu.memory_space<hbm>>
    %dma_start3A_21 = arith.constant 0 : i32
    %dma_start3A_22 = arith.constant 0 : i32
    %dma_start3A_23 = tpu.memref_slice %arg11[%dma_start3A_21, %dma_start3A_22] : memref<3x128xi32, #tpu.memory_space<vmem>> -> memref<1x128xi32, #tpu.memory_space<vmem>>
    %dma_start3A_24 = arith.constant 0 : i32
    %dma_start3A_25 = tpu.memref_slice %arg4[%add3A_15, %dma_start3A_24] : memref<2560x128xi32, #tpu.memory_space<hbm>> -> memref<1x128xi32, #tpu.memory_space<hbm>>
    tpu.enqueue_dma source(%dma_start3A_25 : memref<1x128xi32, #tpu.memory_space<hbm>>) target(%dma_start3A_23 : memref<1x128xi32, #tpu.memory_space<vmem>>) target_semaphore(%arg20 : memref<!tpu.dma_semaphore, #tpu.memory_space<semaphore_mem>>)
    %add3A_26 = arith.constant 1 : i32
    %add3A_27 = arith.addi %mul3A_2, %add3A_26 : i32
    %dma_start3A_28 = arith.constant 1 : i32
    %dma_start3A_29 = arith.constant 0 : i32
    %dma_start3A_30 = tpu.memref_slice %arg10[%dma_start3A_28, %dma_start3A_29] : memref<3x128xi32, #tpu.memory_space<vmem>> -> memref<1x128xi32, #tpu.memory_space<vmem>>
    %dma_start3A_31 = arith.constant 0 : i32
    %dma_start3A_32 = tpu.memref_slice %arg3[%add3A_27, %dma_start3A_31] : memref<2560x128xi32, #tpu.memory_space<hbm>> -> memref<1x128xi32, #tpu.memory_space<hbm>>
    %dma_start3A_33 = arith.constant 1 : i32
    %dma_start3A_34 = arith.constant 0 : i32
    %dma_start3A_35 = tpu.memref_slice %arg10[%dma_start3A_33, %dma_start3A_34] : memref<3x128xi32, #tpu.memory_space<vmem>> -> memref<1x128xi32, #tpu.memory_space<vmem>>
    %dma_start3A_36 = arith.constant 0 : i32
    %dma_start3A_37 = tpu.memref_slice %arg3[%add3A_27, %dma_start3A_36] : memref<2560x128xi32, #tpu.memory_space<hbm>> -> memref<1x128xi32, #tpu.memory_space<hbm>>
    tpu.enqueue_dma source(%dma_start3A_37 : memref<1x128xi32, #tpu.memory_space<hbm>>) target(%dma_start3A_35 : memref<1x128xi32, #tpu.memory_space<vmem>>) target_semaphore(%arg20 : memref<!tpu.dma_semaphore, #tpu.memory_space<semaphore_mem>>)
    %add3A_38 = arith.constant 1 : i32
    %add3A_39 = arith.addi %mul3A_2, %add3A_38 : i32
    %dma_start3A_40 = arith.constant 1 : i32
    %dma_start3A_41 = arith.constant 0 : i32
    %dma_start3A_42 = tpu.memref_slice %arg11[%dma_start3A_40, %dma_start3A_41] : memref<3x128xi32, #tpu.memory_space<vmem>> -> memref<1x128xi32, #tpu.memory_space<vmem>>
    %dma_start3A_43 = arith.constant 0 : i32
    %dma_start3A_44 = tpu.memref_slice %arg4[%add3A_39, %dma_start3A_43] : memref<2560x128xi32, #tpu.memory_space<hbm>> -> memref<1x128xi32, #tpu.memory_space<hbm>>
    %dma_start3A_45 = arith.constant 1 : i32
    %dma_start3A_46 = arith.constant 0 : i32
    %dma_start3A_47 = tpu.memref_slice %arg11[%dma_start3A_45, %dma_start3A_46] : memref<3x128xi32, #tpu.memory_space<vmem>> -> memref<1x128xi32, #tpu.memory_space<vmem>>
    %dma_start3A_48 = arith.constant 0 : i32
    %dma_start3A_49 = tpu.memref_slice %arg4[%add3A_39, %dma_start3A_48] : memref<2560x128xi32, #tpu.memory_space<hbm>> -> memref<1x128xi32, #tpu.memory_space<hbm>>
    tpu.enqueue_dma source(%dma_start3A_49 : memref<1x128xi32, #tpu.memory_space<hbm>>) target(%dma_start3A_47 : memref<1x128xi32, #tpu.memory_space<vmem>>) target_semaphore(%arg20 : memref<!tpu.dma_semaphore, #tpu.memory_space<semaphore_mem>>)
    %mul3A_50 = arith.constant 640 : i32
    %mul3A_51 = arith.muli %arg1, %mul3A_50 : i32
    "tpu.region"() ({
      %run_scoped3A = tpu.sem_alloc : memref<!tpu.dma_semaphore, #tpu.memory_space<semaphore_mem>>
      %dma_start3A_136 = arith.constant 0 : i32
      %dma_start3A_137 = tpu.memref_slice %arg14[%mul3A_51, %dma_start3A_136] : memref<10240x128xf32, #tpu.memory_space<vmem_shared>> -> memref<640x128xf32, #tpu.memory_space<vmem_shared>>
      tpu.enqueue_dma source(%arg6 : memref<640x128xf32, #tpu.memory_space<hbm>>) target(%dma_start3A_137 : memref<640x128xf32, #tpu.memory_space<vmem_shared>>) target_semaphore(%run_scoped3A : memref<!tpu.dma_semaphore, #tpu.memory_space<semaphore_mem>>)
      %dma_wait3A_138 = arith.constant 0 : i32
      %dma_wait3A_139 = tpu.memref_slice %arg14[%mul3A_51, %dma_wait3A_138] : memref<10240x128xf32, #tpu.memory_space<vmem_shared>> -> memref<640x128xf32, #tpu.memory_space<vmem_shared>>
      tpu.wait_dma2 semaphore(%run_scoped3A : memref<!tpu.dma_semaphore, #tpu.memory_space<semaphore_mem>>) src(%arg6 : memref<640x128xf32, #tpu.memory_space<hbm>>) dst(%dma_wait3A_139 : memref<640x128xf32, #tpu.memory_space<vmem_shared>>)
      tpu.yield
    }) : () -> ()
    %mul3A_52 = arith.constant 640 : i32
    %mul3A_53 = arith.muli %arg1, %mul3A_52 : i32
    "tpu.region"() ({
      %run_scoped3A = tpu.sem_alloc : memref<!tpu.dma_semaphore, #tpu.memory_space<semaphore_mem>>
      %dma_start3A_136 = tpu.memref_slice %arg15[%mul3A_53] : memref<10240xf32, #tpu.memory_space<vmem_shared>> -> memref<640xf32, #tpu.memory_space<vmem_shared>>
      tpu.enqueue_dma source(%arg7 : memref<640xf32, #tpu.memory_space<hbm>>) target(%dma_start3A_136 : memref<640xf32, #tpu.memory_space<vmem_shared>>) target_semaphore(%run_scoped3A : memref<!tpu.dma_semaphore, #tpu.memory_space<semaphore_mem>>)
      %dma_wait3A_137 = tpu.memref_slice %arg15[%mul3A_53] : memref<10240xf32, #tpu.memory_space<vmem_shared>> -> memref<640xf32, #tpu.memory_space<vmem_shared>>
      tpu.wait_dma2 semaphore(%run_scoped3A : memref<!tpu.dma_semaphore, #tpu.memory_space<semaphore_mem>>) src(%arg7 : memref<640xf32, #tpu.memory_space<hbm>>) dst(%dma_wait3A_137 : memref<640xf32, #tpu.memory_space<vmem_shared>>)
      tpu.yield
    }) : () -> ()
    %barrier3A = arith.constant 0 : index
    tpu.barrier barrier_id(%barrier3A)
    %add3A_54 = arith.constant 0 : i32
    %add3A_55 = arith.addi %mul3A_2, %add3A_54 : i32
    %dma_wait3A = arith.constant 0 : i32
    %dma_wait3A_56 = arith.constant 0 : i32
    %dma_wait3A_57 = tpu.memref_slice %arg10[%dma_wait3A, %dma_wait3A_56] : memref<3x128xi32, #tpu.memory_space<vmem>> -> memref<1x128xi32, #tpu.memory_space<vmem>>
    %dma_wait3A_58 = arith.constant 0 : i32
    %dma_wait3A_59 = tpu.memref_slice %arg3[%add3A_55, %dma_wait3A_58] : memref<2560x128xi32, #tpu.memory_space<hbm>> -> memref<1x128xi32, #tpu.memory_space<hbm>>
    %dma_wait3A_60 = arith.constant 0 : i32
    %dma_wait3A_61 = arith.constant 0 : i32
    %dma_wait3A_62 = tpu.memref_slice %arg10[%dma_wait3A_60, %dma_wait3A_61] : memref<3x128xi32, #tpu.memory_space<vmem>> -> memref<1x128xi32, #tpu.memory_space<vmem>>
    %dma_wait3A_63 = arith.constant 0 : i32
    %dma_wait3A_64 = tpu.memref_slice %arg3[%add3A_55, %dma_wait3A_63] : memref<2560x128xi32, #tpu.memory_space<hbm>> -> memref<1x128xi32, #tpu.memory_space<hbm>>
    tpu.wait_dma2 semaphore(%arg20 : memref<!tpu.dma_semaphore, #tpu.memory_space<semaphore_mem>>) src(%dma_wait3A_64 : memref<1x128xi32, #tpu.memory_space<hbm>>) dst(%dma_wait3A_62 : memref<1x128xi32, #tpu.memory_space<vmem>>)
    %add3A_65 = arith.constant 0 : i32
    %add3A_66 = arith.addi %mul3A_2, %add3A_65 : i32
    %dma_wait3A_67 = arith.constant 0 : i32
    %dma_wait3A_68 = arith.constant 0 : i32
    %dma_wait3A_69 = tpu.memref_slice %arg11[%dma_wait3A_67, %dma_wait3A_68] : memref<3x128xi32, #tpu.memory_space<vmem>> -> memref<1x128xi32, #tpu.memory_space<vmem>>
    %dma_wait3A_70 = arith.constant 0 : i32
    %dma_wait3A_71 = tpu.memref_slice %arg4[%add3A_66, %dma_wait3A_70] : memref<2560x128xi32, #tpu.memory_space<hbm>> -> memref<1x128xi32, #tpu.memory_space<hbm>>
    %dma_wait3A_72 = arith.constant 0 : i32
    %dma_wait3A_73 = arith.constant 0 : i32
    %dma_wait3A_74 = tpu.memref_slice %arg11[%dma_wait3A_72, %dma_wait3A_73] : memref<3x128xi32, #tpu.memory_space<vmem>> -> memref<1x128xi32, #tpu.memory_space<vmem>>
    %dma_wait3A_75 = arith.constant 0 : i32
    %dma_wait3A_76 = tpu.memref_slice %arg4[%add3A_66, %dma_wait3A_75] : memref<2560x128xi32, #tpu.memory_space<hbm>> -> memref<1x128xi32, #tpu.memory_space<hbm>>
    tpu.wait_dma2 semaphore(%arg20 : memref<!tpu.dma_semaphore, #tpu.memory_space<semaphore_mem>>) src(%dma_wait3A_76 : memref<1x128xi32, #tpu.memory_space<hbm>>) dst(%dma_wait3A_74 : memref<1x128xi32, #tpu.memory_space<vmem>>)
    %dma_start3A_77 = arith.constant 0 : i32
    %dma_start3A_78 = arith.constant 0 : i32
    %dma_start3A_79 = arith.constant 0 : i32
    %dma_start3A_80 = arith.constant 0 : i32
    %dma_start3A_81 = tpu.memref_slice %arg13[%dma_start3A_78, %dma_start3A_79, %dma_start3A_80] : memref<2x128x128xf32, #tpu.memory_space<vmem>> -> memref<1x128x128xf32, #tpu.memory_space<vmem>>
    %dma_start3A_82 = tpu.memref_squeeze %dma_start3A_81 : memref<1x128x128xf32, #tpu.memory_space<vmem>> -> memref<128x128xf32, #tpu.memory_space<vmem>>
    %dma_start3A_83 = arith.constant 0 : i32
    %dma_start3A_84 = tpu.memref_slice %arg10[%dma_start3A_77, %dma_start3A_83] : memref<3x128xi32, #tpu.memory_space<vmem>> -> memref<1x128xi32, #tpu.memory_space<vmem>>
    %dma_start3A_85 = tpu.memref_squeeze %dma_start3A_84 : memref<1x128xi32, #tpu.memory_space<vmem>> -> memref<128xi32, #tpu.memory_space<vmem>>
    %dma_start3A_86 = arith.constant 0 : i32
    %dma_start3A_87 = arith.constant 0 : i32
    %dma_start3A_88 = tpu.memref_slice %arg2[%dma_start3A_86, %dma_start3A_87] : memref<10000x128xf32, #tpu.memory_space<hbm>> -> memref<10000x128xf32, #tpu.memory_space<hbm>>
    tpu.enqueue_indirect_dma source(%dma_start3A_88 : memref<10000x128xf32, #tpu.memory_space<hbm>>) target(%dma_start3A_82 : memref<128x128xf32, #tpu.memory_space<vmem>>) offsets(%dma_start3A_85 : memref<128xi32, #tpu.memory_space<vmem>>) semaphore(%arg16 : memref<!tpu.dma_semaphore, #tpu.memory_space<semaphore_mem>>)
    %dma_start3A_89 = arith.constant 0 : i32
    %dma_start3A_90 = arith.constant 0 : i32
    %dma_start3A_91 = arith.constant 0 : i32
    %dma_start3A_92 = tpu.memref_slice %arg12[%dma_start3A_90, %dma_start3A_91] : memref<2x128xf32, #tpu.memory_space<vmem>> -> memref<1x128xf32, #tpu.memory_space<vmem>>
    %dma_start3A_93 = tpu.memref_squeeze %dma_start3A_92 : memref<1x128xf32, #tpu.memory_space<vmem>> -> memref<128xf32, #tpu.memory_space<vmem>>
    %dma_start3A_94 = arith.constant 0 : i32
    %dma_start3A_95 = tpu.memref_slice %arg10[%dma_start3A_89, %dma_start3A_94] : memref<3x128xi32, #tpu.memory_space<vmem>> -> memref<1x128xi32, #tpu.memory_space<vmem>>
    %dma_start3A_96 = tpu.memref_squeeze %dma_start3A_95 : memref<1x128xi32, #tpu.memory_space<vmem>> -> memref<128xi32, #tpu.memory_space<vmem>>
    %dma_start3A_97 = arith.constant 0 : i32
    %dma_start3A_98 = tpu.memref_slice %arg5[%dma_start3A_97] : memref<10000xf32, #tpu.memory_space<hbm>> -> memref<10000xf32, #tpu.memory_space<hbm>>
    tpu.enqueue_indirect_dma source(%dma_start3A_98 : memref<10000xf32, #tpu.memory_space<hbm>>) target(%dma_start3A_93 : memref<128xf32, #tpu.memory_space<vmem>>) offsets(%dma_start3A_96 : memref<128xi32, #tpu.memory_space<vmem>>) semaphore(%arg17 : memref<!tpu.dma_semaphore, #tpu.memory_space<semaphore_mem>>)
    %scan3A = arith.constant 0 : i32
    %scan3A_99 = arith.constant 0 : i32
    %scan3A_100 = arith.constant 80 : i32
    %scan3A_101 = arith.addi %scan3A_99, %scan3A_100 : i32
    %scan3A_102 = arith.constant 1 : i32
    scf.for %scan3A_136 = %scan3A_99 to %scan3A_101 step %scan3A_102  : i32 {
      %rem3A_137 = arith.constant 2 : i32
      %rem3A_138 = arith.remsi %scan3A_136, %rem3A_137 : i32
      %sub3A = arith.constant 1 : i32
      %sub3A_139 = arith.subi %sub3A, %rem3A_138 : i32
      %rem3A_140 = arith.constant 3 : i32
      %rem3A_141 = arith.remsi %scan3A_136, %rem3A_140 : i32
      %add3A_142 = arith.constant 1 : i32
      %add3A_143 = arith.addi %scan3A_136, %add3A_142 : i32
      %rem3A_144 = arith.constant 3 : i32
      %rem3A_145 = arith.remsi %add3A_143, %rem3A_144 : i32
      %add3A_146 = arith.constant 2 : i32
      %add3A_147 = arith.addi %scan3A_136, %add3A_146 : i32
      %rem3A_148 = arith.constant 3 : i32
      %rem3A_149 = arith.remsi %add3A_147, %rem3A_148 : i32
      %ge3A = arith.constant 1 : i32
      %ge3A_150 = arith.cmpi sge, %scan3A_136, %ge3A : i32
      %convert_element_type3A = arith.extui %ge3A_150 : i1 to i32
      %cond3A = arith.constant 0 : i32
      %cond3A_151 = arith.cmpi ne, %convert_element_type3A, %cond3A : i32
      scf.if %cond3A_151 {
        %sub3A_201 = arith.constant 1 : i32
        %sub3A_202 = arith.subi %scan3A_136, %sub3A_201 : i32
        %rem3A_203 = arith.constant 3 : i32
        %rem3A_204 = arith.remsi %sub3A_202, %rem3A_203 : i32
        %dma_wait3A_205 = arith.constant 0 : i32
        %dma_wait3A_206 = arith.constant 0 : i32
        %dma_wait3A_207 = tpu.memref_slice %arg13[%sub3A_139, %dma_wait3A_205, %dma_wait3A_206] : memref<2x128x128xf32, #tpu.memory_space<vmem>> -> memref<1x128x128xf32, #tpu.memory_space<vmem>>
        %dma_wait3A_208 = tpu.memref_squeeze %dma_wait3A_207 : memref<1x128x128xf32, #tpu.memory_space<vmem>> -> memref<128x128xf32, #tpu.memory_space<vmem>>
        %dma_wait3A_209 = arith.constant 0 : i32
        %dma_wait3A_210 = tpu.memref_slice %arg11[%rem3A_204, %dma_wait3A_209] : memref<3x128xi32, #tpu.memory_space<vmem>> -> memref<1x128xi32, #tpu.memory_space<vmem>>
        %dma_wait3A_211 = tpu.memref_squeeze %dma_wait3A_210 : memref<1x128xi32, #tpu.memory_space<vmem>> -> memref<128xi32, #tpu.memory_space<vmem>>
        %dma_wait3A_212 = arith.constant 0 : i32
        %dma_wait3A_213 = arith.constant 0 : i32
        %dma_wait3A_214 = tpu.memref_slice %arg14[%dma_wait3A_212, %dma_wait3A_213] : memref<10240x128xf32, #tpu.memory_space<vmem_shared>> -> memref<10240x128xf32, #tpu.memory_space<vmem_shared>>
        tpu.wait_indirect_dma semaphore(%arg18 : memref<!tpu.dma_semaphore, #tpu.memory_space<semaphore_mem>>) src(%dma_wait3A_208 : memref<128x128xf32, #tpu.memory_space<vmem>>) dst(%dma_wait3A_214 : memref<10240x128xf32, #tpu.memory_space<vmem_shared>>)
        %dma_wait3A_215 = arith.constant 0 : i32
        %dma_wait3A_216 = tpu.memref_slice %arg12[%sub3A_139, %dma_wait3A_215] : memref<2x128xf32, #tpu.memory_space<vmem>> -> memref<1x128xf32, #tpu.memory_space<vmem>>
        %dma_wait3A_217 = tpu.memref_squeeze %dma_wait3A_216 : memref<1x128xf32, #tpu.memory_space<vmem>> -> memref<128xf32, #tpu.memory_space<vmem>>
        %dma_wait3A_218 = arith.constant 0 : i32
        %dma_wait3A_219 = tpu.memref_slice %arg11[%rem3A_204, %dma_wait3A_218] : memref<3x128xi32, #tpu.memory_space<vmem>> -> memref<1x128xi32, #tpu.memory_space<vmem>>
        %dma_wait3A_220 = tpu.memref_squeeze %dma_wait3A_219 : memref<1x128xi32, #tpu.memory_space<vmem>> -> memref<128xi32, #tpu.memory_space<vmem>>
        %dma_wait3A_221 = arith.constant 0 : i32
        %dma_wait3A_222 = tpu.memref_slice %arg15[%dma_wait3A_221] : memref<10240xf32, #tpu.memory_space<vmem_shared>> -> memref<10240xf32, #tpu.memory_space<vmem_shared>>
        tpu.wait_indirect_dma semaphore(%arg19 : memref<!tpu.dma_semaphore, #tpu.memory_space<semaphore_mem>>) src(%dma_wait3A_217 : memref<128xf32, #tpu.memory_space<vmem>>) dst(%dma_wait3A_222 : memref<10240xf32, #tpu.memory_space<vmem_shared>>)
      } else {
      }
      %add3A_152 = arith.constant 2 : i32
      %add3A_153 = arith.addi %scan3A_136, %add3A_152 : i32
      %lt3A = arith.constant 80 : i32
      %lt3A_154 = arith.cmpi slt, %add3A_153, %lt3A : i32
      %convert_element_type3A_155 = arith.extui %lt3A_154 : i1 to i32
      %cond3A_156 = arith.constant 0 : i32
      %cond3A_157 = arith.cmpi ne, %convert_element_type3A_155, %cond3A_156 : i32
      scf.if %cond3A_157 {
        %add3A_201 = arith.constant 2 : i32
        %add3A_202 = arith.addi %scan3A_136, %add3A_201 : i32
        %add3A_203 = arith.addi %mul3A_2, %add3A_202 : i32
        %dma_start3A_204 = arith.constant 0 : i32
        %dma_start3A_205 = tpu.memref_slice %arg10[%rem3A_149, %dma_start3A_204] : memref<3x128xi32, #tpu.memory_space<vmem>> -> memref<1x128xi32, #tpu.memory_space<vmem>>
        %dma_start3A_206 = arith.constant 0 : i32
        %dma_start3A_207 = tpu.memref_slice %arg3[%add3A_203, %dma_start3A_206] : memref<2560x128xi32, #tpu.memory_space<hbm>> -> memref<1x128xi32, #tpu.memory_space<hbm>>
        %dma_start3A_208 = arith.constant 0 : i32
        %dma_start3A_209 = tpu.memref_slice %arg10[%rem3A_149, %dma_start3A_208] : memref<3x128xi32, #tpu.memory_space<vmem>> -> memref<1x128xi32, #tpu.memory_space<vmem>>
        %dma_start3A_210 = arith.constant 0 : i32
        %dma_start3A_211 = tpu.memref_slice %arg3[%add3A_203, %dma_start3A_210] : memref<2560x128xi32, #tpu.memory_space<hbm>> -> memref<1x128xi32, #tpu.memory_space<hbm>>
        tpu.enqueue_dma source(%dma_start3A_211 : memref<1x128xi32, #tpu.memory_space<hbm>>) target(%dma_start3A_209 : memref<1x128xi32, #tpu.memory_space<vmem>>) target_semaphore(%arg20 : memref<!tpu.dma_semaphore, #tpu.memory_space<semaphore_mem>>)
        %add3A_212 = arith.addi %mul3A_2, %add3A_202 : i32
        %dma_start3A_213 = arith.constant 0 : i32
        %dma_start3A_214 = tpu.memref_slice %arg11[%rem3A_149, %dma_start3A_213] : memref<3x128xi32, #tpu.memory_space<vmem>> -> memref<1x128xi32, #tpu.memory_space<vmem>>
        %dma_start3A_215 = arith.constant 0 : i32
        %dma_start3A_216 = tpu.memref_slice %arg4[%add3A_212, %dma_start3A_215] : memref<2560x128xi32, #tpu.memory_space<hbm>> -> memref<1x128xi32, #tpu.memory_space<hbm>>
        %dma_start3A_217 = arith.constant 0 : i32
        %dma_start3A_218 = tpu.memref_slice %arg11[%rem3A_149, %dma_start3A_217] : memref<3x128xi32, #tpu.memory_space<vmem>> -> memref<1x128xi32, #tpu.memory_space<vmem>>
        %dma_start3A_219 = arith.constant 0 : i32
        %dma_start3A_220 = tpu.memref_slice %arg4[%add3A_212, %dma_start3A_219] : memref<2560x128xi32, #tpu.memory_space<hbm>> -> memref<1x128xi32, #tpu.memory_space<hbm>>
        tpu.enqueue_dma source(%dma_start3A_220 : memref<1x128xi32, #tpu.memory_space<hbm>>) target(%dma_start3A_218 : memref<1x128xi32, #tpu.memory_space<vmem>>) target_semaphore(%arg20 : memref<!tpu.dma_semaphore, #tpu.memory_space<semaphore_mem>>)
      } else {
      }
      %add3A_158 = arith.constant 1 : i32
      %add3A_159 = arith.addi %scan3A_136, %add3A_158 : i32
      %lt3A_160 = arith.constant 80 : i32
      %lt3A_161 = arith.cmpi slt, %add3A_159, %lt3A_160 : i32
      %convert_element_type3A_162 = arith.extui %lt3A_161 : i1 to i32
      %cond3A_163 = arith.constant 0 : i32
      %cond3A_164 = arith.cmpi ne, %convert_element_type3A_162, %cond3A_163 : i32
      scf.if %cond3A_164 {
        %add3A_201 = arith.constant 1 : i32
        %add3A_202 = arith.addi %scan3A_136, %add3A_201 : i32
        %add3A_203 = arith.addi %mul3A_2, %add3A_202 : i32
        %dma_wait3A_204 = arith.constant 0 : i32
        %dma_wait3A_205 = tpu.memref_slice %arg10[%rem3A_145, %dma_wait3A_204] : memref<3x128xi32, #tpu.memory_space<vmem>> -> memref<1x128xi32, #tpu.memory_space<vmem>>
        %dma_wait3A_206 = arith.constant 0 : i32
        %dma_wait3A_207 = tpu.memref_slice %arg3[%add3A_203, %dma_wait3A_206] : memref<2560x128xi32, #tpu.memory_space<hbm>> -> memref<1x128xi32, #tpu.memory_space<hbm>>
        %dma_wait3A_208 = arith.constant 0 : i32
        %dma_wait3A_209 = tpu.memref_slice %arg10[%rem3A_145, %dma_wait3A_208] : memref<3x128xi32, #tpu.memory_space<vmem>> -> memref<1x128xi32, #tpu.memory_space<vmem>>
        %dma_wait3A_210 = arith.constant 0 : i32
        %dma_wait3A_211 = tpu.memref_slice %arg3[%add3A_203, %dma_wait3A_210] : memref<2560x128xi32, #tpu.memory_space<hbm>> -> memref<1x128xi32, #tpu.memory_space<hbm>>
        tpu.wait_dma2 semaphore(%arg20 : memref<!tpu.dma_semaphore, #tpu.memory_space<semaphore_mem>>) src(%dma_wait3A_211 : memref<1x128xi32, #tpu.memory_space<hbm>>) dst(%dma_wait3A_209 : memref<1x128xi32, #tpu.memory_space<vmem>>)
        %add3A_212 = arith.addi %mul3A_2, %add3A_202 : i32
        %dma_wait3A_213 = arith.constant 0 : i32
        %dma_wait3A_214 = tpu.memref_slice %arg11[%rem3A_145, %dma_wait3A_213] : memref<3x128xi32, #tpu.memory_space<vmem>> -> memref<1x128xi32, #tpu.memory_space<vmem>>
        %dma_wait3A_215 = arith.constant 0 : i32
        %dma_wait3A_216 = tpu.memref_slice %arg4[%add3A_212, %dma_wait3A_215] : memref<2560x128xi32, #tpu.memory_space<hbm>> -> memref<1x128xi32, #tpu.memory_space<hbm>>
        %dma_wait3A_217 = arith.constant 0 : i32
        %dma_wait3A_218 = tpu.memref_slice %arg11[%rem3A_145, %dma_wait3A_217] : memref<3x128xi32, #tpu.memory_space<vmem>> -> memref<1x128xi32, #tpu.memory_space<vmem>>
        %dma_wait3A_219 = arith.constant 0 : i32
        %dma_wait3A_220 = tpu.memref_slice %arg4[%add3A_212, %dma_wait3A_219] : memref<2560x128xi32, #tpu.memory_space<hbm>> -> memref<1x128xi32, #tpu.memory_space<hbm>>
        tpu.wait_dma2 semaphore(%arg20 : memref<!tpu.dma_semaphore, #tpu.memory_space<semaphore_mem>>) src(%dma_wait3A_220 : memref<1x128xi32, #tpu.memory_space<hbm>>) dst(%dma_wait3A_218 : memref<1x128xi32, #tpu.memory_space<vmem>>)
        %dma_start3A_221 = arith.constant 0 : i32
        %dma_start3A_222 = arith.constant 0 : i32
        %dma_start3A_223 = tpu.memref_slice %arg13[%sub3A_139, %dma_start3A_221, %dma_start3A_222] : memref<2x128x128xf32, #tpu.memory_space<vmem>> -> memref<1x128x128xf32, #tpu.memory_space<vmem>>
        %dma_start3A_224 = tpu.memref_squeeze %dma_start3A_223 : memref<1x128x128xf32, #tpu.memory_space<vmem>> -> memref<128x128xf32, #tpu.memory_space<vmem>>
        %dma_start3A_225 = arith.constant 0 : i32
        %dma_start3A_226 = tpu.memref_slice %arg10[%rem3A_145, %dma_start3A_225] : memref<3x128xi32, #tpu.memory_space<vmem>> -> memref<1x128xi32, #tpu.memory_space<vmem>>
        %dma_start3A_227 = tpu.memref_squeeze %dma_start3A_226 : memref<1x128xi32, #tpu.memory_space<vmem>> -> memref<128xi32, #tpu.memory_space<vmem>>
        %dma_start3A_228 = arith.constant 0 : i32
        %dma_start3A_229 = arith.constant 0 : i32
        %dma_start3A_230 = tpu.memref_slice %arg2[%dma_start3A_228, %dma_start3A_229] : memref<10000x128xf32, #tpu.memory_space<hbm>> -> memref<10000x128xf32, #tpu.memory_space<hbm>>
        tpu.enqueue_indirect_dma source(%dma_start3A_230 : memref<10000x128xf32, #tpu.memory_space<hbm>>) target(%dma_start3A_224 : memref<128x128xf32, #tpu.memory_space<vmem>>) offsets(%dma_start3A_227 : memref<128xi32, #tpu.memory_space<vmem>>) semaphore(%arg16 : memref<!tpu.dma_semaphore, #tpu.memory_space<semaphore_mem>>)
        %dma_start3A_231 = arith.constant 0 : i32
        %dma_start3A_232 = tpu.memref_slice %arg12[%sub3A_139, %dma_start3A_231] : memref<2x128xf32, #tpu.memory_space<vmem>> -> memref<1x128xf32, #tpu.memory_space<vmem>>
        %dma_start3A_233 = tpu.memref_squeeze %dma_start3A_232 : memref<1x128xf32, #tpu.memory_space<vmem>> -> memref<128xf32, #tpu.memory_space<vmem>>
        %dma_start3A_234 = arith.constant 0 : i32
        %dma_start3A_235 = tpu.memref_slice %arg10[%rem3A_145, %dma_start3A_234] : memref<3x128xi32, #tpu.memory_space<vmem>> -> memref<1x128xi32, #tpu.memory_space<vmem>>
        %dma_start3A_236 = tpu.memref_squeeze %dma_start3A_235 : memref<1x128xi32, #tpu.memory_space<vmem>> -> memref<128xi32, #tpu.memory_space<vmem>>
        %dma_start3A_237 = arith.constant 0 : i32
        %dma_start3A_238 = tpu.memref_slice %arg5[%dma_start3A_237] : memref<10000xf32, #tpu.memory_space<hbm>> -> memref<10000xf32, #tpu.memory_space<hbm>>
        tpu.enqueue_indirect_dma source(%dma_start3A_238 : memref<10000xf32, #tpu.memory_space<hbm>>) target(%dma_start3A_233 : memref<128xf32, #tpu.memory_space<vmem>>) offsets(%dma_start3A_236 : memref<128xi32, #tpu.memory_space<vmem>>) semaphore(%arg17 : memref<!tpu.dma_semaphore, #tpu.memory_space<semaphore_mem>>)
      } else {
      }
      %dma_wait3A_165 = arith.constant 0 : i32
      %dma_wait3A_166 = arith.constant 0 : i32
      %dma_wait3A_167 = tpu.memref_slice %arg13[%rem3A_138, %dma_wait3A_165, %dma_wait3A_166] : memref<2x128x128xf32, #tpu.memory_space<vmem>> -> memref<1x128x128xf32, #tpu.memory_space<vmem>>
      %dma_wait3A_168 = tpu.memref_squeeze %dma_wait3A_167 : memref<1x128x128xf32, #tpu.memory_space<vmem>> -> memref<128x128xf32, #tpu.memory_space<vmem>>
      %dma_wait3A_169 = arith.constant 0 : i32
      %dma_wait3A_170 = tpu.memref_slice %arg10[%rem3A_141, %dma_wait3A_169] : memref<3x128xi32, #tpu.memory_space<vmem>> -> memref<1x128xi32, #tpu.memory_space<vmem>>
      %dma_wait3A_171 = tpu.memref_squeeze %dma_wait3A_170 : memref<1x128xi32, #tpu.memory_space<vmem>> -> memref<128xi32, #tpu.memory_space<vmem>>
      %dma_wait3A_172 = arith.constant 0 : i32
      %dma_wait3A_173 = arith.constant 0 : i32
      %dma_wait3A_174 = tpu.memref_slice %arg2[%dma_wait3A_172, %dma_wait3A_173] : memref<10000x128xf32, #tpu.memory_space<hbm>> -> memref<10000x128xf32, #tpu.memory_space<hbm>>
      tpu.wait_indirect_dma semaphore(%arg16 : memref<!tpu.dma_semaphore, #tpu.memory_space<semaphore_mem>>) src(%dma_wait3A_174 : memref<10000x128xf32, #tpu.memory_space<hbm>>) dst(%dma_wait3A_168 : memref<128x128xf32, #tpu.memory_space<vmem>>)
      %dma_wait3A_175 = arith.constant 0 : i32
      %dma_wait3A_176 = tpu.memref_slice %arg12[%rem3A_138, %dma_wait3A_175] : memref<2x128xf32, #tpu.memory_space<vmem>> -> memref<1x128xf32, #tpu.memory_space<vmem>>
      %dma_wait3A_177 = tpu.memref_squeeze %dma_wait3A_176 : memref<1x128xf32, #tpu.memory_space<vmem>> -> memref<128xf32, #tpu.memory_space<vmem>>
      %dma_wait3A_178 = arith.constant 0 : i32
      %dma_wait3A_179 = tpu.memref_slice %arg10[%rem3A_141, %dma_wait3A_178] : memref<3x128xi32, #tpu.memory_space<vmem>> -> memref<1x128xi32, #tpu.memory_space<vmem>>
      %dma_wait3A_180 = tpu.memref_squeeze %dma_wait3A_179 : memref<1x128xi32, #tpu.memory_space<vmem>> -> memref<128xi32, #tpu.memory_space<vmem>>
      %dma_wait3A_181 = arith.constant 0 : i32
      %dma_wait3A_182 = tpu.memref_slice %arg5[%dma_wait3A_181] : memref<10000xf32, #tpu.memory_space<hbm>> -> memref<10000xf32, #tpu.memory_space<hbm>>
      tpu.wait_indirect_dma semaphore(%arg17 : memref<!tpu.dma_semaphore, #tpu.memory_space<semaphore_mem>>) src(%dma_wait3A_182 : memref<10000xf32, #tpu.memory_space<hbm>>) dst(%dma_wait3A_177 : memref<128xf32, #tpu.memory_space<vmem>>)
      %dma_start3A_183 = arith.constant 0 : i32
      %dma_start3A_184 = arith.constant 0 : i32
      %dma_start3A_185 = tpu.memref_slice %arg13[%rem3A_138, %dma_start3A_183, %dma_start3A_184] : memref<2x128x128xf32, #tpu.memory_space<vmem>> -> memref<1x128x128xf32, #tpu.memory_space<vmem>>
      %dma_start3A_186 = tpu.memref_squeeze %dma_start3A_185 : memref<1x128x128xf32, #tpu.memory_space<vmem>> -> memref<128x128xf32, #tpu.memory_space<vmem>>
      %dma_start3A_187 = arith.constant 0 : i32
      %dma_start3A_188 = tpu.memref_slice %arg11[%rem3A_141, %dma_start3A_187] : memref<3x128xi32, #tpu.memory_space<vmem>> -> memref<1x128xi32, #tpu.memory_space<vmem>>
      %dma_start3A_189 = tpu.memref_squeeze %dma_start3A_188 : memref<1x128xi32, #tpu.memory_space<vmem>> -> memref<128xi32, #tpu.memory_space<vmem>>
      %dma_start3A_190 = arith.constant 0 : i32
      %dma_start3A_191 = arith.constant 0 : i32
      %dma_start3A_192 = tpu.memref_slice %arg14[%dma_start3A_190, %dma_start3A_191] : memref<10240x128xf32, #tpu.memory_space<vmem_shared>> -> memref<10240x128xf32, #tpu.memory_space<vmem_shared>>
      tpu.enqueue_indirect_dma source(%dma_start3A_186 : memref<128x128xf32, #tpu.memory_space<vmem>>) target(%dma_start3A_192 : memref<10240x128xf32, #tpu.memory_space<vmem_shared>>) offsets(%dma_start3A_189 : memref<128xi32, #tpu.memory_space<vmem>>) semaphore(%arg18 : memref<!tpu.dma_semaphore, #tpu.memory_space<semaphore_mem>>) {add = true}
      %dma_start3A_193 = arith.constant 0 : i32
      %dma_start3A_194 = tpu.memref_slice %arg12[%rem3A_138, %dma_start3A_193] : memref<2x128xf32, #tpu.memory_space<vmem>> -> memref<1x128xf32, #tpu.memory_space<vmem>>
      %dma_start3A_195 = tpu.memref_squeeze %dma_start3A_194 : memref<1x128xf32, #tpu.memory_space<vmem>> -> memref<128xf32, #tpu.memory_space<vmem>>
      %dma_start3A_196 = arith.constant 0 : i32
      %dma_start3A_197 = tpu.memref_slice %arg11[%rem3A_141, %dma_start3A_196] : memref<3x128xi32, #tpu.memory_space<vmem>> -> memref<1x128xi32, #tpu.memory_space<vmem>>
      %dma_start3A_198 = tpu.memref_squeeze %dma_start3A_197 : memref<1x128xi32, #tpu.memory_space<vmem>> -> memref<128xi32, #tpu.memory_space<vmem>>
      %dma_start3A_199 = arith.constant 0 : i32
      %dma_start3A_200 = tpu.memref_slice %arg15[%dma_start3A_199] : memref<10240xf32, #tpu.memory_space<vmem_shared>> -> memref<10240xf32, #tpu.memory_space<vmem_shared>>
      tpu.enqueue_indirect_dma source(%dma_start3A_195 : memref<128xf32, #tpu.memory_space<vmem>>) target(%dma_start3A_200 : memref<10240xf32, #tpu.memory_space<vmem_shared>>) offsets(%dma_start3A_198 : memref<128xi32, #tpu.memory_space<vmem>>) semaphore(%arg19 : memref<!tpu.dma_semaphore, #tpu.memory_space<semaphore_mem>>) {add = true}
    }
    %scan3A_103 = arith.constant 80 : i32
    %rem3A = arith.constant 79 : i32
    %rem3A_104 = arith.constant 2 : i32
    %rem3A_105 = arith.remsi %rem3A, %rem3A_104 : i32
    %rem3A_106 = arith.constant 79 : i32
    %rem3A_107 = arith.constant 3 : i32
    %rem3A_108 = arith.remsi %rem3A_106, %rem3A_107 : i32
    %dma_wait3A_109 = arith.constant 0 : i32
    %dma_wait3A_110 = arith.constant 0 : i32
    %dma_wait3A_111 = tpu.memref_slice %arg13[%rem3A_105, %dma_wait3A_109, %dma_wait3A_110] : memref<2x128x128xf32, #tpu.memory_space<vmem>> -> memref<1x128x128xf32, #tpu.memory_space<vmem>>
    %dma_wait3A_112 = tpu.memref_squeeze %dma_wait3A_111 : memref<1x128x128xf32, #tpu.memory_space<vmem>> -> memref<128x128xf32, #tpu.memory_space<vmem>>
    %dma_wait3A_113 = arith.constant 0 : i32
    %dma_wait3A_114 = tpu.memref_slice %arg11[%rem3A_108, %dma_wait3A_113] : memref<3x128xi32, #tpu.memory_space<vmem>> -> memref<1x128xi32, #tpu.memory_space<vmem>>
    %dma_wait3A_115 = tpu.memref_squeeze %dma_wait3A_114 : memref<1x128xi32, #tpu.memory_space<vmem>> -> memref<128xi32, #tpu.memory_space<vmem>>
    %dma_wait3A_116 = arith.constant 0 : i32
    %dma_wait3A_117 = arith.constant 0 : i32
    %dma_wait3A_118 = tpu.memref_slice %arg14[%dma_wait3A_116, %dma_wait3A_117] : memref<10240x128xf32, #tpu.memory_space<vmem_shared>> -> memref<10240x128xf32, #tpu.memory_space<vmem_shared>>
    tpu.wait_indirect_dma semaphore(%arg18 : memref<!tpu.dma_semaphore, #tpu.memory_space<semaphore_mem>>) src(%dma_wait3A_112 : memref<128x128xf32, #tpu.memory_space<vmem>>) dst(%dma_wait3A_118 : memref<10240x128xf32, #tpu.memory_space<vmem_shared>>)
    %dma_wait3A_119 = arith.constant 0 : i32
    %dma_wait3A_120 = tpu.memref_slice %arg12[%rem3A_105, %dma_wait3A_119] : memref<2x128xf32, #tpu.memory_space<vmem>> -> memref<1x128xf32, #tpu.memory_space<vmem>>
    %dma_wait3A_121 = tpu.memref_squeeze %dma_wait3A_120 : memref<1x128xf32, #tpu.memory_space<vmem>> -> memref<128xf32, #tpu.memory_space<vmem>>
    %dma_wait3A_122 = arith.constant 0 : i32
    %dma_wait3A_123 = tpu.memref_slice %arg11[%rem3A_108, %dma_wait3A_122] : memref<3x128xi32, #tpu.memory_space<vmem>> -> memref<1x128xi32, #tpu.memory_space<vmem>>
    %dma_wait3A_124 = tpu.memref_squeeze %dma_wait3A_123 : memref<1x128xi32, #tpu.memory_space<vmem>> -> memref<128xi32, #tpu.memory_space<vmem>>
    %dma_wait3A_125 = arith.constant 0 : i32
    %dma_wait3A_126 = tpu.memref_slice %arg15[%dma_wait3A_125] : memref<10240xf32, #tpu.memory_space<vmem_shared>> -> memref<10240xf32, #tpu.memory_space<vmem_shared>>
    tpu.wait_indirect_dma semaphore(%arg19 : memref<!tpu.dma_semaphore, #tpu.memory_space<semaphore_mem>>) src(%dma_wait3A_121 : memref<128xf32, #tpu.memory_space<vmem>>) dst(%dma_wait3A_126 : memref<10240xf32, #tpu.memory_space<vmem_shared>>)
    %barrier3A_127 = arith.constant 0 : index
    tpu.barrier barrier_id(%barrier3A_127)
    %mul3A_128 = arith.constant 640 : i32
    %mul3A_129 = arith.muli %arg1, %mul3A_128 : i32
    %mul3A_130 = arith.constant 640 : i32
    %mul3A_131 = arith.muli %arg1, %mul3A_130 : i32
    "tpu.region"() ({
      %run_scoped3A = tpu.sem_alloc : memref<!tpu.dma_semaphore, #tpu.memory_space<semaphore_mem>>
      %dma_start3A_136 = arith.constant 0 : i32
      %dma_start3A_137 = tpu.memref_slice %arg8[%arg0, %mul3A_131, %dma_start3A_136] : memref<2x10240x128xf32, #tpu.memory_space<hbm>> -> memref<1x640x128xf32, #tpu.memory_space<hbm>>
      %dma_start3A_138 = tpu.memref_squeeze %dma_start3A_137 : memref<1x640x128xf32, #tpu.memory_space<hbm>> -> memref<640x128xf32, #tpu.memory_space<hbm>>
      %dma_start3A_139 = arith.constant 0 : i32
      %dma_start3A_140 = tpu.memref_slice %arg14[%mul3A_129, %dma_start3A_139] : memref<10240x128xf32, #tpu.memory_space<vmem_shared>> -> memref<640x128xf32, #tpu.memory_space<vmem_shared>>
      tpu.enqueue_dma source(%dma_start3A_140 : memref<640x128xf32, #tpu.memory_space<vmem_shared>>) target(%dma_start3A_138 : memref<640x128xf32, #tpu.memory_space<hbm>>) target_semaphore(%run_scoped3A : memref<!tpu.dma_semaphore, #tpu.memory_space<semaphore_mem>>)
      %dma_wait3A_141 = arith.constant 0 : i32
      %dma_wait3A_142 = tpu.memref_slice %arg8[%arg0, %mul3A_131, %dma_wait3A_141] : memref<2x10240x128xf32, #tpu.memory_space<hbm>> -> memref<1x640x128xf32, #tpu.memory_space<hbm>>
      %dma_wait3A_143 = tpu.memref_squeeze %dma_wait3A_142 : memref<1x640x128xf32, #tpu.memory_space<hbm>> -> memref<640x128xf32, #tpu.memory_space<hbm>>
      %dma_wait3A_144 = arith.constant 0 : i32
      %dma_wait3A_145 = tpu.memref_slice %arg14[%mul3A_129, %dma_wait3A_144] : memref<10240x128xf32, #tpu.memory_space<vmem_shared>> -> memref<640x128xf32, #tpu.memory_space<vmem_shared>>
      tpu.wait_dma2 semaphore(%run_scoped3A : memref<!tpu.dma_semaphore, #tpu.memory_space<semaphore_mem>>) src(%dma_wait3A_145 : memref<640x128xf32, #tpu.memory_space<vmem_shared>>) dst(%dma_wait3A_143 : memref<640x128xf32, #tpu.memory_space<hbm>>)
      tpu.yield
    }) : () -> ()
    %mul3A_132 = arith.constant 640 : i32
    %mul3A_133 = arith.muli %arg1, %mul3A_132 : i32
    %mul3A_134 = arith.constant 640 : i32
    %mul3A_135 = arith.muli %arg1, %mul3A_134 : i32
    "tpu.region"() ({
      %run_scoped3A = tpu.sem_alloc : memref<!tpu.dma_semaphore, #tpu.memory_space<semaphore_mem>>
      %dma_start3A_136 = tpu.memref_slice %arg9[%arg0, %mul3A_135] : memref<2x10240xf32, #tpu.memory_space<hbm>> -> memref<1x640xf32, #tpu.memory_space<hbm>>
      %dma_start3A_137 = tpu.memref_squeeze %dma_start3A_136 : memref<1x640xf32, #tpu.memory_space<hbm>> -> memref<640xf32, #tpu.memory_space<hbm>>
      %dma_start3A_138 = tpu.memref_slice %arg15[%mul3A_133] : memref<10240xf32, #tpu.memory_space<vmem_shared>> -> memref<640xf32, #tpu.memory_space<vmem_shared>>
      tpu.enqueue_dma source(%dma_start3A_138 : memref<640xf32, #tpu.memory_space<vmem_shared>>) target(%dma_start3A_137 : memref<640xf32, #tpu.memory_space<hbm>>) target_semaphore(%run_scoped3A : memref<!tpu.dma_semaphore, #tpu.memory_space<semaphore_mem>>)
      %dma_wait3A_139 = tpu.memref_slice %arg9[%arg0, %mul3A_135] : memref<2x10240xf32, #tpu.memory_space<hbm>> -> memref<1x640xf32, #tpu.memory_space<hbm>>
      %dma_wait3A_140 = tpu.memref_squeeze %dma_wait3A_139 : memref<1x640xf32, #tpu.memory_space<hbm>> -> memref<640xf32, #tpu.memory_space<hbm>>
      %dma_wait3A_141 = tpu.memref_slice %arg15[%mul3A_133] : memref<10240xf32, #tpu.memory_space<vmem_shared>> -> memref<640xf32, #tpu.memory_space<vmem_shared>>
      tpu.wait_dma2 semaphore(%run_scoped3A : memref<!tpu.dma_semaphore, #tpu.memory_space<semaphore_mem>>) src(%dma_wait3A_141 : memref<640xf32, #tpu.memory_space<vmem_shared>>) dst(%dma_wait3A_140 : memref<640xf32, #tpu.memory_space<hbm>>)
      tpu.yield
    }) : () -> ()
    return
  }
}

#map = affine_map<(d0, d1) -> (0, 0)>
#map1 = affine_map<(d0, d1) -> (0)>
#map2 = affine_map<(d0, d1) -> (0, 0, 0)>
module attributes {stable_mosaic.version = 14 : i64} {
  func.func @agg(%arg0: i32, %arg1: i32, %arg2: memref<10000x128xf32, #tpu.memory_space<hbm>>, %arg3: memref<2560x128xi32, #tpu.memory_space<hbm>>, %arg4: memref<2560x128xi32, #tpu.memory_space<hbm>>, %arg5: memref<10000xf32, #tpu.memory_space<hbm>>, %arg6: memref<640x128xf32, #tpu.memory_space<hbm>>, %arg7: memref<640xf32, #tpu.memory_space<hbm>>, %arg8: memref<2x10240x128xf32, #tpu.memory_space<hbm>>, %arg9: memref<2x10240xf32, #tpu.memory_space<hbm>>, %arg10: memref<3x128xi32, #tpu.memory_space<vmem>>, %arg11: memref<3x128xi32, #tpu.memory_space<vmem>>, %arg12: memref<2x128xf32, #tpu.memory_space<vmem>>, %arg13: memref<2x128x128xf32, #tpu.memory_space<vmem>>, %arg14: memref<10240x128xf32, #tpu.memory_space<vmem_shared>>, %arg15: memref<10240xf32, #tpu.memory_space<vmem_shared>>, %arg16: memref<!tpu.dma_semaphore, #tpu.memory_space<semaphore_mem>>, %arg17: memref<!tpu.dma_semaphore, #tpu.memory_space<semaphore_mem>>, %arg18: memref<!tpu.dma_semaphore, #tpu.memory_space<semaphore_mem>>, %arg19: memref<!tpu.dma_semaphore, #tpu.memory_space<semaphore_mem>>, %arg20: memref<!tpu.dma_semaphore, #tpu.memory_space<semaphore_mem>>) attributes {dimension_semantics = [#tpu.dimension_semantics<core_parallel>, #tpu.dimension_semantics<subcore_parallel>], iteration_bounds = array<i64: 2, 16>, scalar_prefetch = 0 : i64, scratch_operands = 11 : i64, tpu.core_type = #tpu.core_type<sc_vector_subcore>, window_params = [{transform_indices = #map}, {transform_indices = #map}, {transform_indices = #map}, {transform_indices = #map1}, {transform_indices = #map}, {transform_indices = #map1}, {transform_indices = #map2}, {transform_indices = #map}]} {
    %mul3A = arith.constant 2 : i32
    %mul3A_0 = arith.muli %arg1, %mul3A : i32
    %add3A = arith.addi %mul3A_0, %arg0 : i32
    %mul3A_1 = arith.constant 80 : i32
    %mul3A_2 = arith.muli %add3A, %mul3A_1 : i32
    %add3A_3 = arith.constant 0 : i32
    %add3A_4 = arith.addi %mul3A_2, %add3A_3 : i32
    %dma_start3A = arith.constant 0 : i32
    %dma_start3A_5 = arith.constant 0 : i32
    %dma_start3A_6 = tpu.memref_slice %arg10[%dma_start3A, %dma_start3A_5] : memref<3x128xi32, #tpu.memory_space<vmem>> -> memref<1x128xi32, #tpu.memory_space<vmem>>
    %dma_start3A_7 = arith.constant 0 : i32
    %dma_start3A_8 = tpu.memref_slice %arg3[%add3A_4, %dma_start3A_7] : memref<2560x128xi32, #tpu.memory_space<hbm>> -> memref<1x128xi32, #tpu.memory_space<hbm>>
    %dma_start3A_9 = arith.constant 0 : i32
    %dma_start3A_10 = arith.constant 0 : i32
    %dma_start3A_11 = tpu.memref_slice %arg10[%dma_start3A_9, %dma_start3A_10] : memref<3x128xi32, #tpu.memory_space<vmem>> -> memref<1x128xi32, #tpu.memory_space<vmem>>
    %dma_start3A_12 = arith.constant 0 : i32
    %dma_start3A_13 = tpu.memref_slice %arg3[%add3A_4, %dma_start3A_12] : memref<2560x128xi32, #tpu.memory_space<hbm>> -> memref<1x128xi32, #tpu.memory_space<hbm>>
    tpu.enqueue_dma source(%dma_start3A_13 : memref<1x128xi32, #tpu.memory_space<hbm>>) target(%dma_start3A_11 : memref<1x128xi32, #tpu.memory_space<vmem>>) target_semaphore(%arg20 : memref<!tpu.dma_semaphore, #tpu.memory_space<semaphore_mem>>)
    %add3A_14 = arith.constant 0 : i32
    %add3A_15 = arith.addi %mul3A_2, %add3A_14 : i32
    %dma_start3A_16 = arith.constant 0 : i32
    %dma_start3A_17 = arith.constant 0 : i32
    %dma_start3A_18 = tpu.memref_slice %arg11[%dma_start3A_16, %dma_start3A_17] : memref<3x128xi32, #tpu.memory_space<vmem>> -> memref<1x128xi32, #tpu.memory_space<vmem>>
    %dma_start3A_19 = arith.constant 0 : i32
    %dma_start3A_20 = tpu.memref_slice %arg4[%add3A_15, %dma_start3A_19] : memref<2560x128xi32, #tpu.memory_space<hbm>> -> memref<1x128xi32, #tpu.memory_space<hbm>>
    %dma_start3A_21 = arith.constant 0 : i32
    %dma_start3A_22 = arith.constant 0 : i32
    %dma_start3A_23 = tpu.memref_slice %arg11[%dma_start3A_21, %dma_start3A_22] : memref<3x128xi32, #tpu.memory_space<vmem>> -> memref<1x128xi32, #tpu.memory_space<vmem>>
    %dma_start3A_24 = arith.constant 0 : i32
    %dma_start3A_25 = tpu.memref_slice %arg4[%add3A_15, %dma_start3A_24] : memref<2560x128xi32, #tpu.memory_space<hbm>> -> memref<1x128xi32, #tpu.memory_space<hbm>>
    tpu.enqueue_dma source(%dma_start3A_25 : memref<1x128xi32, #tpu.memory_space<hbm>>) target(%dma_start3A_23 : memref<1x128xi32, #tpu.memory_space<vmem>>) target_semaphore(%arg20 : memref<!tpu.dma_semaphore, #tpu.memory_space<semaphore_mem>>)
    %add3A_26 = arith.constant 1 : i32
    %add3A_27 = arith.addi %mul3A_2, %add3A_26 : i32
    %dma_start3A_28 = arith.constant 1 : i32
    %dma_start3A_29 = arith.constant 0 : i32
    %dma_start3A_30 = tpu.memref_slice %arg10[%dma_start3A_28, %dma_start3A_29] : memref<3x128xi32, #tpu.memory_space<vmem>> -> memref<1x128xi32, #tpu.memory_space<vmem>>
    %dma_start3A_31 = arith.constant 0 : i32
    %dma_start3A_32 = tpu.memref_slice %arg3[%add3A_27, %dma_start3A_31] : memref<2560x128xi32, #tpu.memory_space<hbm>> -> memref<1x128xi32, #tpu.memory_space<hbm>>
    %dma_start3A_33 = arith.constant 1 : i32
    %dma_start3A_34 = arith.constant 0 : i32
    %dma_start3A_35 = tpu.memref_slice %arg10[%dma_start3A_33, %dma_start3A_34] : memref<3x128xi32, #tpu.memory_space<vmem>> -> memref<1x128xi32, #tpu.memory_space<vmem>>
    %dma_start3A_36 = arith.constant 0 : i32
    %dma_start3A_37 = tpu.memref_slice %arg3[%add3A_27, %dma_start3A_36] : memref<2560x128xi32, #tpu.memory_space<hbm>> -> memref<1x128xi32, #tpu.memory_space<hbm>>
    tpu.enqueue_dma source(%dma_start3A_37 : memref<1x128xi32, #tpu.memory_space<hbm>>) target(%dma_start3A_35 : memref<1x128xi32, #tpu.memory_space<vmem>>) target_semaphore(%arg20 : memref<!tpu.dma_semaphore, #tpu.memory_space<semaphore_mem>>)
    %add3A_38 = arith.constant 1 : i32
    %add3A_39 = arith.addi %mul3A_2, %add3A_38 : i32
    %dma_start3A_40 = arith.constant 1 : i32
    %dma_start3A_41 = arith.constant 0 : i32
    %dma_start3A_42 = tpu.memref_slice %arg11[%dma_start3A_40, %dma_start3A_41] : memref<3x128xi32, #tpu.memory_space<vmem>> -> memref<1x128xi32, #tpu.memory_space<vmem>>
    %dma_start3A_43 = arith.constant 0 : i32
    %dma_start3A_44 = tpu.memref_slice %arg4[%add3A_39, %dma_start3A_43] : memref<2560x128xi32, #tpu.memory_space<hbm>> -> memref<1x128xi32, #tpu.memory_space<hbm>>
    %dma_start3A_45 = arith.constant 1 : i32
    %dma_start3A_46 = arith.constant 0 : i32
    %dma_start3A_47 = tpu.memref_slice %arg11[%dma_start3A_45, %dma_start3A_46] : memref<3x128xi32, #tpu.memory_space<vmem>> -> memref<1x128xi32, #tpu.memory_space<vmem>>
    %dma_start3A_48 = arith.constant 0 : i32
    %dma_start3A_49 = tpu.memref_slice %arg4[%add3A_39, %dma_start3A_48] : memref<2560x128xi32, #tpu.memory_space<hbm>> -> memref<1x128xi32, #tpu.memory_space<hbm>>
    tpu.enqueue_dma source(%dma_start3A_49 : memref<1x128xi32, #tpu.memory_space<hbm>>) target(%dma_start3A_47 : memref<1x128xi32, #tpu.memory_space<vmem>>) target_semaphore(%arg20 : memref<!tpu.dma_semaphore, #tpu.memory_space<semaphore_mem>>)
    %mul3A_50 = arith.constant 640 : i32
    %mul3A_51 = arith.muli %arg1, %mul3A_50 : i32
    "tpu.region"() ({
      %run_scoped3A = tpu.sem_alloc : memref<!tpu.dma_semaphore, #tpu.memory_space<semaphore_mem>>
      %dma_start3A_136 = arith.constant 0 : i32
      %dma_start3A_137 = tpu.memref_slice %arg14[%mul3A_51, %dma_start3A_136] : memref<10240x128xf32, #tpu.memory_space<vmem_shared>> -> memref<640x128xf32, #tpu.memory_space<vmem_shared>>
      tpu.enqueue_dma source(%arg6 : memref<640x128xf32, #tpu.memory_space<hbm>>) target(%dma_start3A_137 : memref<640x128xf32, #tpu.memory_space<vmem_shared>>) target_semaphore(%run_scoped3A : memref<!tpu.dma_semaphore, #tpu.memory_space<semaphore_mem>>)
      %dma_wait3A_138 = arith.constant 0 : i32
      %dma_wait3A_139 = tpu.memref_slice %arg14[%mul3A_51, %dma_wait3A_138] : memref<10240x128xf32, #tpu.memory_space<vmem_shared>> -> memref<640x128xf32, #tpu.memory_space<vmem_shared>>
      tpu.wait_dma2 semaphore(%run_scoped3A : memref<!tpu.dma_semaphore, #tpu.memory_space<semaphore_mem>>) src(%arg6 : memref<640x128xf32, #tpu.memory_space<hbm>>) dst(%dma_wait3A_139 : memref<640x128xf32, #tpu.memory_space<vmem_shared>>)
      tpu.yield
    }) : () -> ()
    %mul3A_52 = arith.constant 640 : i32
    %mul3A_53 = arith.muli %arg1, %mul3A_52 : i32
    "tpu.region"() ({
      %run_scoped3A = tpu.sem_alloc : memref<!tpu.dma_semaphore, #tpu.memory_space<semaphore_mem>>
      %dma_start3A_136 = tpu.memref_slice %arg15[%mul3A_53] : memref<10240xf32, #tpu.memory_space<vmem_shared>> -> memref<640xf32, #tpu.memory_space<vmem_shared>>
      tpu.enqueue_dma source(%arg7 : memref<640xf32, #tpu.memory_space<hbm>>) target(%dma_start3A_136 : memref<640xf32, #tpu.memory_space<vmem_shared>>) target_semaphore(%run_scoped3A : memref<!tpu.dma_semaphore, #tpu.memory_space<semaphore_mem>>)
      %dma_wait3A_137 = tpu.memref_slice %arg15[%mul3A_53] : memref<10240xf32, #tpu.memory_space<vmem_shared>> -> memref<640xf32, #tpu.memory_space<vmem_shared>>
      tpu.wait_dma2 semaphore(%run_scoped3A : memref<!tpu.dma_semaphore, #tpu.memory_space<semaphore_mem>>) src(%arg7 : memref<640xf32, #tpu.memory_space<hbm>>) dst(%dma_wait3A_137 : memref<640xf32, #tpu.memory_space<vmem_shared>>)
      tpu.yield
    }) : () -> ()
    %barrier3A = arith.constant 0 : index
    tpu.barrier barrier_id(%barrier3A)
    %add3A_54 = arith.constant 0 : i32
    %add3A_55 = arith.addi %mul3A_2, %add3A_54 : i32
    %dma_wait3A = arith.constant 0 : i32
    %dma_wait3A_56 = arith.constant 0 : i32
    %dma_wait3A_57 = tpu.memref_slice %arg10[%dma_wait3A, %dma_wait3A_56] : memref<3x128xi32, #tpu.memory_space<vmem>> -> memref<1x128xi32, #tpu.memory_space<vmem>>
    %dma_wait3A_58 = arith.constant 0 : i32
    %dma_wait3A_59 = tpu.memref_slice %arg3[%add3A_55, %dma_wait3A_58] : memref<2560x128xi32, #tpu.memory_space<hbm>> -> memref<1x128xi32, #tpu.memory_space<hbm>>
    %dma_wait3A_60 = arith.constant 0 : i32
    %dma_wait3A_61 = arith.constant 0 : i32
    %dma_wait3A_62 = tpu.memref_slice %arg10[%dma_wait3A_60, %dma_wait3A_61] : memref<3x128xi32, #tpu.memory_space<vmem>> -> memref<1x128xi32, #tpu.memory_space<vmem>>
    %dma_wait3A_63 = arith.constant 0 : i32
    %dma_wait3A_64 = tpu.memref_slice %arg3[%add3A_55, %dma_wait3A_63] : memref<2560x128xi32, #tpu.memory_space<hbm>> -> memref<1x128xi32, #tpu.memory_space<hbm>>
    tpu.wait_dma2 semaphore(%arg20 : memref<!tpu.dma_semaphore, #tpu.memory_space<semaphore_mem>>) src(%dma_wait3A_64 : memref<1x128xi32, #tpu.memory_space<hbm>>) dst(%dma_wait3A_62 : memref<1x128xi32, #tpu.memory_space<vmem>>)
    %add3A_65 = arith.constant 0 : i32
    %add3A_66 = arith.addi %mul3A_2, %add3A_65 : i32
    %dma_wait3A_67 = arith.constant 0 : i32
    %dma_wait3A_68 = arith.constant 0 : i32
    %dma_wait3A_69 = tpu.memref_slice %arg11[%dma_wait3A_67, %dma_wait3A_68] : memref<3x128xi32, #tpu.memory_space<vmem>> -> memref<1x128xi32, #tpu.memory_space<vmem>>
    %dma_wait3A_70 = arith.constant 0 : i32
    %dma_wait3A_71 = tpu.memref_slice %arg4[%add3A_66, %dma_wait3A_70] : memref<2560x128xi32, #tpu.memory_space<hbm>> -> memref<1x128xi32, #tpu.memory_space<hbm>>
    %dma_wait3A_72 = arith.constant 0 : i32
    %dma_wait3A_73 = arith.constant 0 : i32
    %dma_wait3A_74 = tpu.memref_slice %arg11[%dma_wait3A_72, %dma_wait3A_73] : memref<3x128xi32, #tpu.memory_space<vmem>> -> memref<1x128xi32, #tpu.memory_space<vmem>>
    %dma_wait3A_75 = arith.constant 0 : i32
    %dma_wait3A_76 = tpu.memref_slice %arg4[%add3A_66, %dma_wait3A_75] : memref<2560x128xi32, #tpu.memory_space<hbm>> -> memref<1x128xi32, #tpu.memory_space<hbm>>
    tpu.wait_dma2 semaphore(%arg20 : memref<!tpu.dma_semaphore, #tpu.memory_space<semaphore_mem>>) src(%dma_wait3A_76 : memref<1x128xi32, #tpu.memory_space<hbm>>) dst(%dma_wait3A_74 : memref<1x128xi32, #tpu.memory_space<vmem>>)
    %dma_start3A_77 = arith.constant 0 : i32
    %dma_start3A_78 = arith.constant 0 : i32
    %dma_start3A_79 = arith.constant 0 : i32
    %dma_start3A_80 = arith.constant 0 : i32
    %dma_start3A_81 = tpu.memref_slice %arg13[%dma_start3A_78, %dma_start3A_79, %dma_start3A_80] : memref<2x128x128xf32, #tpu.memory_space<vmem>> -> memref<1x128x128xf32, #tpu.memory_space<vmem>>
    %dma_start3A_82 = tpu.memref_squeeze %dma_start3A_81 : memref<1x128x128xf32, #tpu.memory_space<vmem>> -> memref<128x128xf32, #tpu.memory_space<vmem>>
    %dma_start3A_83 = arith.constant 0 : i32
    %dma_start3A_84 = tpu.memref_slice %arg10[%dma_start3A_77, %dma_start3A_83] : memref<3x128xi32, #tpu.memory_space<vmem>> -> memref<1x128xi32, #tpu.memory_space<vmem>>
    %dma_start3A_85 = tpu.memref_squeeze %dma_start3A_84 : memref<1x128xi32, #tpu.memory_space<vmem>> -> memref<128xi32, #tpu.memory_space<vmem>>
    %dma_start3A_86 = arith.constant 0 : i32
    %dma_start3A_87 = arith.constant 0 : i32
    %dma_start3A_88 = tpu.memref_slice %arg2[%dma_start3A_86, %dma_start3A_87] : memref<10000x128xf32, #tpu.memory_space<hbm>> -> memref<10000x128xf32, #tpu.memory_space<hbm>>
    tpu.enqueue_indirect_dma source(%dma_start3A_88 : memref<10000x128xf32, #tpu.memory_space<hbm>>) target(%dma_start3A_82 : memref<128x128xf32, #tpu.memory_space<vmem>>) offsets(%dma_start3A_85 : memref<128xi32, #tpu.memory_space<vmem>>) semaphore(%arg16 : memref<!tpu.dma_semaphore, #tpu.memory_space<semaphore_mem>>)
    %dma_start3A_89 = arith.constant 0 : i32
    %dma_start3A_90 = arith.constant 0 : i32
    %dma_start3A_91 = arith.constant 0 : i32
    %dma_start3A_92 = tpu.memref_slice %arg12[%dma_start3A_90, %dma_start3A_91] : memref<2x128xf32, #tpu.memory_space<vmem>> -> memref<1x128xf32, #tpu.memory_space<vmem>>
    %dma_start3A_93 = tpu.memref_squeeze %dma_start3A_92 : memref<1x128xf32, #tpu.memory_space<vmem>> -> memref<128xf32, #tpu.memory_space<vmem>>
    %dma_start3A_94 = arith.constant 0 : i32
    %dma_start3A_95 = tpu.memref_slice %arg10[%dma_start3A_89, %dma_start3A_94] : memref<3x128xi32, #tpu.memory_space<vmem>> -> memref<1x128xi32, #tpu.memory_space<vmem>>
    %dma_start3A_96 = tpu.memref_squeeze %dma_start3A_95 : memref<1x128xi32, #tpu.memory_space<vmem>> -> memref<128xi32, #tpu.memory_space<vmem>>
    %dma_start3A_97 = arith.constant 0 : i32
    %dma_start3A_98 = tpu.memref_slice %arg5[%dma_start3A_97] : memref<10000xf32, #tpu.memory_space<hbm>> -> memref<10000xf32, #tpu.memory_space<hbm>>
    tpu.enqueue_indirect_dma source(%dma_start3A_98 : memref<10000xf32, #tpu.memory_space<hbm>>) target(%dma_start3A_93 : memref<128xf32, #tpu.memory_space<vmem>>) offsets(%dma_start3A_96 : memref<128xi32, #tpu.memory_space<vmem>>) semaphore(%arg17 : memref<!tpu.dma_semaphore, #tpu.memory_space<semaphore_mem>>)
    %scan3A = arith.constant 0 : i32
    %scan3A_99 = arith.constant 0 : i32
    %scan3A_100 = arith.constant 80 : i32
    %scan3A_101 = arith.addi %scan3A_99, %scan3A_100 : i32
    %scan3A_102 = arith.constant 1 : i32
    scf.for %scan3A_136 = %scan3A_99 to %scan3A_101 step %scan3A_102  : i32 {
      %rem3A_137 = arith.constant 2 : i32
      %rem3A_138 = arith.remsi %scan3A_136, %rem3A_137 : i32
      %sub3A = arith.constant 1 : i32
      %sub3A_139 = arith.subi %sub3A, %rem3A_138 : i32
      %rem3A_140 = arith.constant 3 : i32
      %rem3A_141 = arith.remsi %scan3A_136, %rem3A_140 : i32
      %add3A_142 = arith.constant 1 : i32
      %add3A_143 = arith.addi %scan3A_136, %add3A_142 : i32
      %rem3A_144 = arith.constant 3 : i32
      %rem3A_145 = arith.remsi %add3A_143, %rem3A_144 : i32
      %add3A_146 = arith.constant 2 : i32
      %add3A_147 = arith.addi %scan3A_136, %add3A_146 : i32
      %rem3A_148 = arith.constant 3 : i32
      %rem3A_149 = arith.remsi %add3A_147, %rem3A_148 : i32
      %ge3A = arith.constant 1 : i32
      %ge3A_150 = arith.cmpi sge, %scan3A_136, %ge3A : i32
      %convert_element_type3A = arith.extui %ge3A_150 : i1 to i32
      %cond3A = arith.constant 0 : i32
      %cond3A_151 = arith.cmpi ne, %convert_element_type3A, %cond3A : i32
      scf.if %cond3A_151 {
        %sub3A_201 = arith.constant 1 : i32
        %sub3A_202 = arith.subi %scan3A_136, %sub3A_201 : i32
        %rem3A_203 = arith.constant 3 : i32
        %rem3A_204 = arith.remsi %sub3A_202, %rem3A_203 : i32
        %dma_wait3A_205 = arith.constant 0 : i32
        %dma_wait3A_206 = arith.constant 0 : i32
        %dma_wait3A_207 = tpu.memref_slice %arg13[%sub3A_139, %dma_wait3A_205, %dma_wait3A_206] : memref<2x128x128xf32, #tpu.memory_space<vmem>> -> memref<1x128x128xf32, #tpu.memory_space<vmem>>
        %dma_wait3A_208 = tpu.memref_squeeze %dma_wait3A_207 : memref<1x128x128xf32, #tpu.memory_space<vmem>> -> memref<128x128xf32, #tpu.memory_space<vmem>>
        %dma_wait3A_209 = arith.constant 0 : i32
        %dma_wait3A_210 = tpu.memref_slice %arg11[%rem3A_204, %dma_wait3A_209] : memref<3x128xi32, #tpu.memory_space<vmem>> -> memref<1x128xi32, #tpu.memory_space<vmem>>
        %dma_wait3A_211 = tpu.memref_squeeze %dma_wait3A_210 : memref<1x128xi32, #tpu.memory_space<vmem>> -> memref<128xi32, #tpu.memory_space<vmem>>
        %dma_wait3A_212 = arith.constant 0 : i32
        %dma_wait3A_213 = arith.constant 0 : i32
        %dma_wait3A_214 = tpu.memref_slice %arg14[%dma_wait3A_212, %dma_wait3A_213] : memref<10240x128xf32, #tpu.memory_space<vmem_shared>> -> memref<10240x128xf32, #tpu.memory_space<vmem_shared>>
        tpu.wait_indirect_dma semaphore(%arg18 : memref<!tpu.dma_semaphore, #tpu.memory_space<semaphore_mem>>) src(%dma_wait3A_208 : memref<128x128xf32, #tpu.memory_space<vmem>>) dst(%dma_wait3A_214 : memref<10240x128xf32, #tpu.memory_space<vmem_shared>>)
        %dma_wait3A_215 = arith.constant 0 : i32
        %dma_wait3A_216 = tpu.memref_slice %arg12[%sub3A_139, %dma_wait3A_215] : memref<2x128xf32, #tpu.memory_space<vmem>> -> memref<1x128xf32, #tpu.memory_space<vmem>>
        %dma_wait3A_217 = tpu.memref_squeeze %dma_wait3A_216 : memref<1x128xf32, #tpu.memory_space<vmem>> -> memref<128xf32, #tpu.memory_space<vmem>>
        %dma_wait3A_218 = arith.constant 0 : i32
        %dma_wait3A_219 = tpu.memref_slice %arg11[%rem3A_204, %dma_wait3A_218] : memref<3x128xi32, #tpu.memory_space<vmem>> -> memref<1x128xi32, #tpu.memory_space<vmem>>
        %dma_wait3A_220 = tpu.memref_squeeze %dma_wait3A_219 : memref<1x128xi32, #tpu.memory_space<vmem>> -> memref<128xi32, #tpu.memory_space<vmem>>
        %dma_wait3A_221 = arith.constant 0 : i32
        %dma_wait3A_222 = tpu.memref_slice %arg15[%dma_wait3A_221] : memref<10240xf32, #tpu.memory_space<vmem_shared>> -> memref<10240xf32, #tpu.memory_space<vmem_shared>>
        tpu.wait_indirect_dma semaphore(%arg19 : memref<!tpu.dma_semaphore, #tpu.memory_space<semaphore_mem>>) src(%dma_wait3A_217 : memref<128xf32, #tpu.memory_space<vmem>>) dst(%dma_wait3A_222 : memref<10240xf32, #tpu.memory_space<vmem_shared>>)
      } else {
      }
      %add3A_152 = arith.constant 2 : i32
      %add3A_153 = arith.addi %scan3A_136, %add3A_152 : i32
      %lt3A = arith.constant 80 : i32
      %lt3A_154 = arith.cmpi slt, %add3A_153, %lt3A : i32
      %convert_element_type3A_155 = arith.extui %lt3A_154 : i1 to i32
      %cond3A_156 = arith.constant 0 : i32
      %cond3A_157 = arith.cmpi ne, %convert_element_type3A_155, %cond3A_156 : i32
      scf.if %cond3A_157 {
        %add3A_201 = arith.constant 2 : i32
        %add3A_202 = arith.addi %scan3A_136, %add3A_201 : i32
        %add3A_203 = arith.addi %mul3A_2, %add3A_202 : i32
        %dma_start3A_204 = arith.constant 0 : i32
        %dma_start3A_205 = tpu.memref_slice %arg10[%rem3A_149, %dma_start3A_204] : memref<3x128xi32, #tpu.memory_space<vmem>> -> memref<1x128xi32, #tpu.memory_space<vmem>>
        %dma_start3A_206 = arith.constant 0 : i32
        %dma_start3A_207 = tpu.memref_slice %arg3[%add3A_203, %dma_start3A_206] : memref<2560x128xi32, #tpu.memory_space<hbm>> -> memref<1x128xi32, #tpu.memory_space<hbm>>
        %dma_start3A_208 = arith.constant 0 : i32
        %dma_start3A_209 = tpu.memref_slice %arg10[%rem3A_149, %dma_start3A_208] : memref<3x128xi32, #tpu.memory_space<vmem>> -> memref<1x128xi32, #tpu.memory_space<vmem>>
        %dma_start3A_210 = arith.constant 0 : i32
        %dma_start3A_211 = tpu.memref_slice %arg3[%add3A_203, %dma_start3A_210] : memref<2560x128xi32, #tpu.memory_space<hbm>> -> memref<1x128xi32, #tpu.memory_space<hbm>>
        tpu.enqueue_dma source(%dma_start3A_211 : memref<1x128xi32, #tpu.memory_space<hbm>>) target(%dma_start3A_209 : memref<1x128xi32, #tpu.memory_space<vmem>>) target_semaphore(%arg20 : memref<!tpu.dma_semaphore, #tpu.memory_space<semaphore_mem>>)
        %add3A_212 = arith.addi %mul3A_2, %add3A_202 : i32
        %dma_start3A_213 = arith.constant 0 : i32
        %dma_start3A_214 = tpu.memref_slice %arg11[%rem3A_149, %dma_start3A_213] : memref<3x128xi32, #tpu.memory_space<vmem>> -> memref<1x128xi32, #tpu.memory_space<vmem>>
        %dma_start3A_215 = arith.constant 0 : i32
        %dma_start3A_216 = tpu.memref_slice %arg4[%add3A_212, %dma_start3A_215] : memref<2560x128xi32, #tpu.memory_space<hbm>> -> memref<1x128xi32, #tpu.memory_space<hbm>>
        %dma_start3A_217 = arith.constant 0 : i32
        %dma_start3A_218 = tpu.memref_slice %arg11[%rem3A_149, %dma_start3A_217] : memref<3x128xi32, #tpu.memory_space<vmem>> -> memref<1x128xi32, #tpu.memory_space<vmem>>
        %dma_start3A_219 = arith.constant 0 : i32
        %dma_start3A_220 = tpu.memref_slice %arg4[%add3A_212, %dma_start3A_219] : memref<2560x128xi32, #tpu.memory_space<hbm>> -> memref<1x128xi32, #tpu.memory_space<hbm>>
        tpu.enqueue_dma source(%dma_start3A_220 : memref<1x128xi32, #tpu.memory_space<hbm>>) target(%dma_start3A_218 : memref<1x128xi32, #tpu.memory_space<vmem>>) target_semaphore(%arg20 : memref<!tpu.dma_semaphore, #tpu.memory_space<semaphore_mem>>)
      } else {
      }
      %add3A_158 = arith.constant 1 : i32
      %add3A_159 = arith.addi %scan3A_136, %add3A_158 : i32
      %lt3A_160 = arith.constant 80 : i32
      %lt3A_161 = arith.cmpi slt, %add3A_159, %lt3A_160 : i32
      %convert_element_type3A_162 = arith.extui %lt3A_161 : i1 to i32
      %cond3A_163 = arith.constant 0 : i32
      %cond3A_164 = arith.cmpi ne, %convert_element_type3A_162, %cond3A_163 : i32
      scf.if %cond3A_164 {
        %add3A_201 = arith.constant 1 : i32
        %add3A_202 = arith.addi %scan3A_136, %add3A_201 : i32
        %add3A_203 = arith.addi %mul3A_2, %add3A_202 : i32
        %dma_wait3A_204 = arith.constant 0 : i32
        %dma_wait3A_205 = tpu.memref_slice %arg10[%rem3A_145, %dma_wait3A_204] : memref<3x128xi32, #tpu.memory_space<vmem>> -> memref<1x128xi32, #tpu.memory_space<vmem>>
        %dma_wait3A_206 = arith.constant 0 : i32
        %dma_wait3A_207 = tpu.memref_slice %arg3[%add3A_203, %dma_wait3A_206] : memref<2560x128xi32, #tpu.memory_space<hbm>> -> memref<1x128xi32, #tpu.memory_space<hbm>>
        %dma_wait3A_208 = arith.constant 0 : i32
        %dma_wait3A_209 = tpu.memref_slice %arg10[%rem3A_145, %dma_wait3A_208] : memref<3x128xi32, #tpu.memory_space<vmem>> -> memref<1x128xi32, #tpu.memory_space<vmem>>
        %dma_wait3A_210 = arith.constant 0 : i32
        %dma_wait3A_211 = tpu.memref_slice %arg3[%add3A_203, %dma_wait3A_210] : memref<2560x128xi32, #tpu.memory_space<hbm>> -> memref<1x128xi32, #tpu.memory_space<hbm>>
        tpu.wait_dma2 semaphore(%arg20 : memref<!tpu.dma_semaphore, #tpu.memory_space<semaphore_mem>>) src(%dma_wait3A_211 : memref<1x128xi32, #tpu.memory_space<hbm>>) dst(%dma_wait3A_209 : memref<1x128xi32, #tpu.memory_space<vmem>>)
        %add3A_212 = arith.addi %mul3A_2, %add3A_202 : i32
        %dma_wait3A_213 = arith.constant 0 : i32
        %dma_wait3A_214 = tpu.memref_slice %arg11[%rem3A_145, %dma_wait3A_213] : memref<3x128xi32, #tpu.memory_space<vmem>> -> memref<1x128xi32, #tpu.memory_space<vmem>>
        %dma_wait3A_215 = arith.constant 0 : i32
        %dma_wait3A_216 = tpu.memref_slice %arg4[%add3A_212, %dma_wait3A_215] : memref<2560x128xi32, #tpu.memory_space<hbm>> -> memref<1x128xi32, #tpu.memory_space<hbm>>
        %dma_wait3A_217 = arith.constant 0 : i32
        %dma_wait3A_218 = tpu.memref_slice %arg11[%rem3A_145, %dma_wait3A_217] : memref<3x128xi32, #tpu.memory_space<vmem>> -> memref<1x128xi32, #tpu.memory_space<vmem>>
        %dma_wait3A_219 = arith.constant 0 : i32
        %dma_wait3A_220 = tpu.memref_slice %arg4[%add3A_212, %dma_wait3A_219] : memref<2560x128xi32, #tpu.memory_space<hbm>> -> memref<1x128xi32, #tpu.memory_space<hbm>>
        tpu.wait_dma2 semaphore(%arg20 : memref<!tpu.dma_semaphore, #tpu.memory_space<semaphore_mem>>) src(%dma_wait3A_220 : memref<1x128xi32, #tpu.memory_space<hbm>>) dst(%dma_wait3A_218 : memref<1x128xi32, #tpu.memory_space<vmem>>)
        %dma_start3A_221 = arith.constant 0 : i32
        %dma_start3A_222 = arith.constant 0 : i32
        %dma_start3A_223 = tpu.memref_slice %arg13[%sub3A_139, %dma_start3A_221, %dma_start3A_222] : memref<2x128x128xf32, #tpu.memory_space<vmem>> -> memref<1x128x128xf32, #tpu.memory_space<vmem>>
        %dma_start3A_224 = tpu.memref_squeeze %dma_start3A_223 : memref<1x128x128xf32, #tpu.memory_space<vmem>> -> memref<128x128xf32, #tpu.memory_space<vmem>>
        %dma_start3A_225 = arith.constant 0 : i32
        %dma_start3A_226 = tpu.memref_slice %arg10[%rem3A_145, %dma_start3A_225] : memref<3x128xi32, #tpu.memory_space<vmem>> -> memref<1x128xi32, #tpu.memory_space<vmem>>
        %dma_start3A_227 = tpu.memref_squeeze %dma_start3A_226 : memref<1x128xi32, #tpu.memory_space<vmem>> -> memref<128xi32, #tpu.memory_space<vmem>>
        %dma_start3A_228 = arith.constant 0 : i32
        %dma_start3A_229 = arith.constant 0 : i32
        %dma_start3A_230 = tpu.memref_slice %arg2[%dma_start3A_228, %dma_start3A_229] : memref<10000x128xf32, #tpu.memory_space<hbm>> -> memref<10000x128xf32, #tpu.memory_space<hbm>>
        tpu.enqueue_indirect_dma source(%dma_start3A_230 : memref<10000x128xf32, #tpu.memory_space<hbm>>) target(%dma_start3A_224 : memref<128x128xf32, #tpu.memory_space<vmem>>) offsets(%dma_start3A_227 : memref<128xi32, #tpu.memory_space<vmem>>) semaphore(%arg16 : memref<!tpu.dma_semaphore, #tpu.memory_space<semaphore_mem>>)
        %dma_start3A_231 = arith.constant 0 : i32
        %dma_start3A_232 = tpu.memref_slice %arg12[%sub3A_139, %dma_start3A_231] : memref<2x128xf32, #tpu.memory_space<vmem>> -> memref<1x128xf32, #tpu.memory_space<vmem>>
        %dma_start3A_233 = tpu.memref_squeeze %dma_start3A_232 : memref<1x128xf32, #tpu.memory_space<vmem>> -> memref<128xf32, #tpu.memory_space<vmem>>
        %dma_start3A_234 = arith.constant 0 : i32
        %dma_start3A_235 = tpu.memref_slice %arg10[%rem3A_145, %dma_start3A_234] : memref<3x128xi32, #tpu.memory_space<vmem>> -> memref<1x128xi32, #tpu.memory_space<vmem>>
        %dma_start3A_236 = tpu.memref_squeeze %dma_start3A_235 : memref<1x128xi32, #tpu.memory_space<vmem>> -> memref<128xi32, #tpu.memory_space<vmem>>
        %dma_start3A_237 = arith.constant 0 : i32
        %dma_start3A_238 = tpu.memref_slice %arg5[%dma_start3A_237] : memref<10000xf32, #tpu.memory_space<hbm>> -> memref<10000xf32, #tpu.memory_space<hbm>>
        tpu.enqueue_indirect_dma source(%dma_start3A_238 : memref<10000xf32, #tpu.memory_space<hbm>>) target(%dma_start3A_233 : memref<128xf32, #tpu.memory_space<vmem>>) offsets(%dma_start3A_236 : memref<128xi32, #tpu.memory_space<vmem>>) semaphore(%arg17 : memref<!tpu.dma_semaphore, #tpu.memory_space<semaphore_mem>>)
      } else {
      }
      %dma_wait3A_165 = arith.constant 0 : i32
      %dma_wait3A_166 = arith.constant 0 : i32
      %dma_wait3A_167 = tpu.memref_slice %arg13[%rem3A_138, %dma_wait3A_165, %dma_wait3A_166] : memref<2x128x128xf32, #tpu.memory_space<vmem>> -> memref<1x128x128xf32, #tpu.memory_space<vmem>>
      %dma_wait3A_168 = tpu.memref_squeeze %dma_wait3A_167 : memref<1x128x128xf32, #tpu.memory_space<vmem>> -> memref<128x128xf32, #tpu.memory_space<vmem>>
      %dma_wait3A_169 = arith.constant 0 : i32
      %dma_wait3A_170 = tpu.memref_slice %arg10[%rem3A_141, %dma_wait3A_169] : memref<3x128xi32, #tpu.memory_space<vmem>> -> memref<1x128xi32, #tpu.memory_space<vmem>>
      %dma_wait3A_171 = tpu.memref_squeeze %dma_wait3A_170 : memref<1x128xi32, #tpu.memory_space<vmem>> -> memref<128xi32, #tpu.memory_space<vmem>>
      %dma_wait3A_172 = arith.constant 0 : i32
      %dma_wait3A_173 = arith.constant 0 : i32
      %dma_wait3A_174 = tpu.memref_slice %arg2[%dma_wait3A_172, %dma_wait3A_173] : memref<10000x128xf32, #tpu.memory_space<hbm>> -> memref<10000x128xf32, #tpu.memory_space<hbm>>
      tpu.wait_indirect_dma semaphore(%arg16 : memref<!tpu.dma_semaphore, #tpu.memory_space<semaphore_mem>>) src(%dma_wait3A_174 : memref<10000x128xf32, #tpu.memory_space<hbm>>) dst(%dma_wait3A_168 : memref<128x128xf32, #tpu.memory_space<vmem>>)
      %dma_wait3A_175 = arith.constant 0 : i32
      %dma_wait3A_176 = tpu.memref_slice %arg12[%rem3A_138, %dma_wait3A_175] : memref<2x128xf32, #tpu.memory_space<vmem>> -> memref<1x128xf32, #tpu.memory_space<vmem>>
      %dma_wait3A_177 = tpu.memref_squeeze %dma_wait3A_176 : memref<1x128xf32, #tpu.memory_space<vmem>> -> memref<128xf32, #tpu.memory_space<vmem>>
      %dma_wait3A_178 = arith.constant 0 : i32
      %dma_wait3A_179 = tpu.memref_slice %arg10[%rem3A_141, %dma_wait3A_178] : memref<3x128xi32, #tpu.memory_space<vmem>> -> memref<1x128xi32, #tpu.memory_space<vmem>>
      %dma_wait3A_180 = tpu.memref_squeeze %dma_wait3A_179 : memref<1x128xi32, #tpu.memory_space<vmem>> -> memref<128xi32, #tpu.memory_space<vmem>>
      %dma_wait3A_181 = arith.constant 0 : i32
      %dma_wait3A_182 = tpu.memref_slice %arg5[%dma_wait3A_181] : memref<10000xf32, #tpu.memory_space<hbm>> -> memref<10000xf32, #tpu.memory_space<hbm>>
      tpu.wait_indirect_dma semaphore(%arg17 : memref<!tpu.dma_semaphore, #tpu.memory_space<semaphore_mem>>) src(%dma_wait3A_182 : memref<10000xf32, #tpu.memory_space<hbm>>) dst(%dma_wait3A_177 : memref<128xf32, #tpu.memory_space<vmem>>)
      %dma_start3A_183 = arith.constant 0 : i32
      %dma_start3A_184 = arith.constant 0 : i32
      %dma_start3A_185 = tpu.memref_slice %arg13[%rem3A_138, %dma_start3A_183, %dma_start3A_184] : memref<2x128x128xf32, #tpu.memory_space<vmem>> -> memref<1x128x128xf32, #tpu.memory_space<vmem>>
      %dma_start3A_186 = tpu.memref_squeeze %dma_start3A_185 : memref<1x128x128xf32, #tpu.memory_space<vmem>> -> memref<128x128xf32, #tpu.memory_space<vmem>>
      %dma_start3A_187 = arith.constant 0 : i32
      %dma_start3A_188 = tpu.memref_slice %arg11[%rem3A_141, %dma_start3A_187] : memref<3x128xi32, #tpu.memory_space<vmem>> -> memref<1x128xi32, #tpu.memory_space<vmem>>
      %dma_start3A_189 = tpu.memref_squeeze %dma_start3A_188 : memref<1x128xi32, #tpu.memory_space<vmem>> -> memref<128xi32, #tpu.memory_space<vmem>>
      %dma_start3A_190 = arith.constant 0 : i32
      %dma_start3A_191 = arith.constant 0 : i32
      %dma_start3A_192 = tpu.memref_slice %arg14[%dma_start3A_190, %dma_start3A_191] : memref<10240x128xf32, #tpu.memory_space<vmem_shared>> -> memref<10240x128xf32, #tpu.memory_space<vmem_shared>>
      tpu.enqueue_indirect_dma source(%dma_start3A_186 : memref<128x128xf32, #tpu.memory_space<vmem>>) target(%dma_start3A_192 : memref<10240x128xf32, #tpu.memory_space<vmem_shared>>) offsets(%dma_start3A_189 : memref<128xi32, #tpu.memory_space<vmem>>) semaphore(%arg18 : memref<!tpu.dma_semaphore, #tpu.memory_space<semaphore_mem>>) {add = true}
      %dma_start3A_193 = arith.constant 0 : i32
      %dma_start3A_194 = tpu.memref_slice %arg12[%rem3A_138, %dma_start3A_193] : memref<2x128xf32, #tpu.memory_space<vmem>> -> memref<1x128xf32, #tpu.memory_space<vmem>>
      %dma_start3A_195 = tpu.memref_squeeze %dma_start3A_194 : memref<1x128xf32, #tpu.memory_space<vmem>> -> memref<128xf32, #tpu.memory_space<vmem>>
      %dma_start3A_196 = arith.constant 0 : i32
      %dma_start3A_197 = tpu.memref_slice %arg11[%rem3A_141, %dma_start3A_196] : memref<3x128xi32, #tpu.memory_space<vmem>> -> memref<1x128xi32, #tpu.memory_space<vmem>>
      %dma_start3A_198 = tpu.memref_squeeze %dma_start3A_197 : memref<1x128xi32, #tpu.memory_space<vmem>> -> memref<128xi32, #tpu.memory_space<vmem>>
      %dma_start3A_199 = arith.constant 0 : i32
      %dma_start3A_200 = tpu.memref_slice %arg15[%dma_start3A_199] : memref<10240xf32, #tpu.memory_space<vmem_shared>> -> memref<10240xf32, #tpu.memory_space<vmem_shared>>
      tpu.enqueue_indirect_dma source(%dma_start3A_195 : memref<128xf32, #tpu.memory_space<vmem>>) target(%dma_start3A_200 : memref<10240xf32, #tpu.memory_space<vmem_shared>>) offsets(%dma_start3A_198 : memref<128xi32, #tpu.memory_space<vmem>>) semaphore(%arg19 : memref<!tpu.dma_semaphore, #tpu.memory_space<semaphore_mem>>) {add = true}
    }
    %scan3A_103 = arith.constant 80 : i32
    %rem3A = arith.constant 79 : i32
    %rem3A_104 = arith.constant 2 : i32
    %rem3A_105 = arith.remsi %rem3A, %rem3A_104 : i32
    %rem3A_106 = arith.constant 79 : i32
    %rem3A_107 = arith.constant 3 : i32
    %rem3A_108 = arith.remsi %rem3A_106, %rem3A_107 : i32
    %dma_wait3A_109 = arith.constant 0 : i32
    %dma_wait3A_110 = arith.constant 0 : i32
    %dma_wait3A_111 = tpu.memref_slice %arg13[%rem3A_105, %dma_wait3A_109, %dma_wait3A_110] : memref<2x128x128xf32, #tpu.memory_space<vmem>> -> memref<1x128x128xf32, #tpu.memory_space<vmem>>
    %dma_wait3A_112 = tpu.memref_squeeze %dma_wait3A_111 : memref<1x128x128xf32, #tpu.memory_space<vmem>> -> memref<128x128xf32, #tpu.memory_space<vmem>>
    %dma_wait3A_113 = arith.constant 0 : i32
    %dma_wait3A_114 = tpu.memref_slice %arg11[%rem3A_108, %dma_wait3A_113] : memref<3x128xi32, #tpu.memory_space<vmem>> -> memref<1x128xi32, #tpu.memory_space<vmem>>
    %dma_wait3A_115 = tpu.memref_squeeze %dma_wait3A_114 : memref<1x128xi32, #tpu.memory_space<vmem>> -> memref<128xi32, #tpu.memory_space<vmem>>
    %dma_wait3A_116 = arith.constant 0 : i32
    %dma_wait3A_117 = arith.constant 0 : i32
    %dma_wait3A_118 = tpu.memref_slice %arg14[%dma_wait3A_116, %dma_wait3A_117] : memref<10240x128xf32, #tpu.memory_space<vmem_shared>> -> memref<10240x128xf32, #tpu.memory_space<vmem_shared>>
    tpu.wait_indirect_dma semaphore(%arg18 : memref<!tpu.dma_semaphore, #tpu.memory_space<semaphore_mem>>) src(%dma_wait3A_112 : memref<128x128xf32, #tpu.memory_space<vmem>>) dst(%dma_wait3A_118 : memref<10240x128xf32, #tpu.memory_space<vmem_shared>>)
    %dma_wait3A_119 = arith.constant 0 : i32
    %dma_wait3A_120 = tpu.memref_slice %arg12[%rem3A_105, %dma_wait3A_119] : memref<2x128xf32, #tpu.memory_space<vmem>> -> memref<1x128xf32, #tpu.memory_space<vmem>>
    %dma_wait3A_121 = tpu.memref_squeeze %dma_wait3A_120 : memref<1x128xf32, #tpu.memory_space<vmem>> -> memref<128xf32, #tpu.memory_space<vmem>>
    %dma_wait3A_122 = arith.constant 0 : i32
    %dma_wait3A_123 = tpu.memref_slice %arg11[%rem3A_108, %dma_wait3A_122] : memref<3x128xi32, #tpu.memory_space<vmem>> -> memref<1x128xi32, #tpu.memory_space<vmem>>
    %dma_wait3A_124 = tpu.memref_squeeze %dma_wait3A_123 : memref<1x128xi32, #tpu.memory_space<vmem>> -> memref<128xi32, #tpu.memory_space<vmem>>
    %dma_wait3A_125 = arith.constant 0 : i32
    %dma_wait3A_126 = tpu.memref_slice %arg15[%dma_wait3A_125] : memref<10240xf32, #tpu.memory_space<vmem_shared>> -> memref<10240xf32, #tpu.memory_space<vmem_shared>>
    tpu.wait_indirect_dma semaphore(%arg19 : memref<!tpu.dma_semaphore, #tpu.memory_space<semaphore_mem>>) src(%dma_wait3A_121 : memref<128xf32, #tpu.memory_space<vmem>>) dst(%dma_wait3A_126 : memref<10240xf32, #tpu.memory_space<vmem_shared>>)
    %barrier3A_127 = arith.constant 0 : index
    tpu.barrier barrier_id(%barrier3A_127)
    %mul3A_128 = arith.constant 640 : i32
    %mul3A_129 = arith.muli %arg1, %mul3A_128 : i32
    %mul3A_130 = arith.constant 640 : i32
    %mul3A_131 = arith.muli %arg1, %mul3A_130 : i32
    "tpu.region"() ({
      %run_scoped3A = tpu.sem_alloc : memref<!tpu.dma_semaphore, #tpu.memory_space<semaphore_mem>>
      %dma_start3A_136 = arith.constant 0 : i32
      %dma_start3A_137 = tpu.memref_slice %arg8[%arg0, %mul3A_131, %dma_start3A_136] : memref<2x10240x128xf32, #tpu.memory_space<hbm>> -> memref<1x640x128xf32, #tpu.memory_space<hbm>>
      %dma_start3A_138 = tpu.memref_squeeze %dma_start3A_137 : memref<1x640x128xf32, #tpu.memory_space<hbm>> -> memref<640x128xf32, #tpu.memory_space<hbm>>
      %dma_start3A_139 = arith.constant 0 : i32
      %dma_start3A_140 = tpu.memref_slice %arg14[%mul3A_129, %dma_start3A_139] : memref<10240x128xf32, #tpu.memory_space<vmem_shared>> -> memref<640x128xf32, #tpu.memory_space<vmem_shared>>
      tpu.enqueue_dma source(%dma_start3A_140 : memref<640x128xf32, #tpu.memory_space<vmem_shared>>) target(%dma_start3A_138 : memref<640x128xf32, #tpu.memory_space<hbm>>) target_semaphore(%run_scoped3A : memref<!tpu.dma_semaphore, #tpu.memory_space<semaphore_mem>>)
      %dma_wait3A_141 = arith.constant 0 : i32
      %dma_wait3A_142 = tpu.memref_slice %arg8[%arg0, %mul3A_131, %dma_wait3A_141] : memref<2x10240x128xf32, #tpu.memory_space<hbm>> -> memref<1x640x128xf32, #tpu.memory_space<hbm>>
      %dma_wait3A_143 = tpu.memref_squeeze %dma_wait3A_142 : memref<1x640x128xf32, #tpu.memory_space<hbm>> -> memref<640x128xf32, #tpu.memory_space<hbm>>
      %dma_wait3A_144 = arith.constant 0 : i32
      %dma_wait3A_145 = tpu.memref_slice %arg14[%mul3A_129, %dma_wait3A_144] : memref<10240x128xf32, #tpu.memory_space<vmem_shared>> -> memref<640x128xf32, #tpu.memory_space<vmem_shared>>
      tpu.wait_dma2 semaphore(%run_scoped3A : memref<!tpu.dma_semaphore, #tpu.memory_space<semaphore_mem>>) src(%dma_wait3A_145 : memref<640x128xf32, #tpu.memory_space<vmem_shared>>) dst(%dma_wait3A_143 : memref<640x128xf32, #tpu.memory_space<hbm>>)
      tpu.yield
    }) : () -> ()
    %mul3A_132 = arith.constant 640 : i32
    %mul3A_133 = arith.muli %arg1, %mul3A_132 : i32
    %mul3A_134 = arith.constant 640 : i32
    %mul3A_135 = arith.muli %arg1, %mul3A_134 : i32
    "tpu.region"() ({
      %run_scoped3A = tpu.sem_alloc : memref<!tpu.dma_semaphore, #tpu.memory_space<semaphore_mem>>
      %dma_start3A_136 = tpu.memref_slice %arg9[%arg0, %mul3A_135] : memref<2x10240xf32, #tpu.memory_space<hbm>> -> memref<1x640xf32, #tpu.memory_space<hbm>>
      %dma_start3A_137 = tpu.memref_squeeze %dma_start3A_136 : memref<1x640xf32, #tpu.memory_space<hbm>> -> memref<640xf32, #tpu.memory_space<hbm>>
      %dma_start3A_138 = tpu.memref_slice %arg15[%mul3A_133] : memref<10240xf32, #tpu.memory_space<vmem_shared>> -> memref<640xf32, #tpu.memory_space<vmem_shared>>
      tpu.enqueue_dma source(%dma_start3A_138 : memref<640xf32, #tpu.memory_space<vmem_shared>>) target(%dma_start3A_137 : memref<640xf32, #tpu.memory_space<hbm>>) target_semaphore(%run_scoped3A : memref<!tpu.dma_semaphore, #tpu.memory_space<semaphore_mem>>)
      %dma_wait3A_139 = tpu.memref_slice %arg9[%arg0, %mul3A_135] : memref<2x10240xf32, #tpu.memory_space<hbm>> -> memref<1x640xf32, #tpu.memory_space<hbm>>
      %dma_wait3A_140 = tpu.memref_squeeze %dma_wait3A_139 : memref<1x640xf32, #tpu.memory_space<hbm>> -> memref<640xf32, #tpu.memory_space<hbm>>
      %dma_wait3A_141 = tpu.memref_slice %arg15[%mul3A_133] : memref<10240xf32, #tpu.memory_space<vmem_shared>> -> memref<640xf32, #tpu.memory_space<vmem_shared>>
      tpu.wait_dma2 semaphore(%run_scoped3A : memref<!tpu.dma_semaphore, #tpu.memory_space<semaphore_mem>>) src(%dma_wait3A_141 : memref<640xf32, #tpu.memory_space<vmem_shared>>) dst(%dma_wait3A_140 : memref<640xf32, #tpu.memory_space<hbm>>)
      tpu.yield
    }) : () -> ()
    return
  }
}

#map = affine_map<(d0, d1) -> (0, 0)>
#map1 = affine_map<(d0, d1) -> (0)>
#map2 = affine_map<(d0, d1) -> (0, 0, 0)>
module attributes {stable_mosaic.version = 14 : i64} {
  func.func @agg(%arg0: i32, %arg1: i32, %arg2: memref<10000x128xf32, #tpu.memory_space<hbm>>, %arg3: memref<2560x128xi32, #tpu.memory_space<hbm>>, %arg4: memref<2560x128xi32, #tpu.memory_space<hbm>>, %arg5: memref<10000xf32, #tpu.memory_space<hbm>>, %arg6: memref<640x128xf32, #tpu.memory_space<hbm>>, %arg7: memref<640xf32, #tpu.memory_space<hbm>>, %arg8: memref<2x10240x128xf32, #tpu.memory_space<hbm>>, %arg9: memref<2x10240xf32, #tpu.memory_space<hbm>>, %arg10: memref<3x128xi32, #tpu.memory_space<vmem>>, %arg11: memref<3x128xi32, #tpu.memory_space<vmem>>, %arg12: memref<2x128xf32, #tpu.memory_space<vmem>>, %arg13: memref<2x128x128xf32, #tpu.memory_space<vmem>>, %arg14: memref<10240x128xf32, #tpu.memory_space<vmem_shared>>, %arg15: memref<10240xf32, #tpu.memory_space<vmem_shared>>, %arg16: memref<!tpu.dma_semaphore, #tpu.memory_space<semaphore_mem>>, %arg17: memref<!tpu.dma_semaphore, #tpu.memory_space<semaphore_mem>>, %arg18: memref<!tpu.dma_semaphore, #tpu.memory_space<semaphore_mem>>, %arg19: memref<!tpu.dma_semaphore, #tpu.memory_space<semaphore_mem>>, %arg20: memref<!tpu.dma_semaphore, #tpu.memory_space<semaphore_mem>>) attributes {dimension_semantics = [#tpu.dimension_semantics<core_parallel>, #tpu.dimension_semantics<subcore_parallel>], iteration_bounds = array<i64: 2, 16>, scalar_prefetch = 0 : i64, scratch_operands = 11 : i64, tpu.core_type = #tpu.core_type<sc_vector_subcore>, window_params = [{transform_indices = #map}, {transform_indices = #map}, {transform_indices = #map}, {transform_indices = #map1}, {transform_indices = #map}, {transform_indices = #map1}, {transform_indices = #map2}, {transform_indices = #map}]} {
    %mul3A = arith.constant 2 : i32
    %mul3A_0 = arith.muli %arg1, %mul3A : i32
    %add3A = arith.addi %mul3A_0, %arg0 : i32
    %mul3A_1 = arith.constant 80 : i32
    %mul3A_2 = arith.muli %add3A, %mul3A_1 : i32
    %add3A_3 = arith.constant 0 : i32
    %add3A_4 = arith.addi %mul3A_2, %add3A_3 : i32
    %dma_start3A = arith.constant 0 : i32
    %dma_start3A_5 = arith.constant 0 : i32
    %dma_start3A_6 = tpu.memref_slice %arg10[%dma_start3A, %dma_start3A_5] : memref<3x128xi32, #tpu.memory_space<vmem>> -> memref<1x128xi32, #tpu.memory_space<vmem>>
    %dma_start3A_7 = arith.constant 0 : i32
    %dma_start3A_8 = tpu.memref_slice %arg3[%add3A_4, %dma_start3A_7] : memref<2560x128xi32, #tpu.memory_space<hbm>> -> memref<1x128xi32, #tpu.memory_space<hbm>>
    %dma_start3A_9 = arith.constant 0 : i32
    %dma_start3A_10 = arith.constant 0 : i32
    %dma_start3A_11 = tpu.memref_slice %arg10[%dma_start3A_9, %dma_start3A_10] : memref<3x128xi32, #tpu.memory_space<vmem>> -> memref<1x128xi32, #tpu.memory_space<vmem>>
    %dma_start3A_12 = arith.constant 0 : i32
    %dma_start3A_13 = tpu.memref_slice %arg3[%add3A_4, %dma_start3A_12] : memref<2560x128xi32, #tpu.memory_space<hbm>> -> memref<1x128xi32, #tpu.memory_space<hbm>>
    tpu.enqueue_dma source(%dma_start3A_13 : memref<1x128xi32, #tpu.memory_space<hbm>>) target(%dma_start3A_11 : memref<1x128xi32, #tpu.memory_space<vmem>>) target_semaphore(%arg20 : memref<!tpu.dma_semaphore, #tpu.memory_space<semaphore_mem>>)
    %add3A_14 = arith.constant 0 : i32
    %add3A_15 = arith.addi %mul3A_2, %add3A_14 : i32
    %dma_start3A_16 = arith.constant 0 : i32
    %dma_start3A_17 = arith.constant 0 : i32
    %dma_start3A_18 = tpu.memref_slice %arg11[%dma_start3A_16, %dma_start3A_17] : memref<3x128xi32, #tpu.memory_space<vmem>> -> memref<1x128xi32, #tpu.memory_space<vmem>>
    %dma_start3A_19 = arith.constant 0 : i32
    %dma_start3A_20 = tpu.memref_slice %arg4[%add3A_15, %dma_start3A_19] : memref<2560x128xi32, #tpu.memory_space<hbm>> -> memref<1x128xi32, #tpu.memory_space<hbm>>
    %dma_start3A_21 = arith.constant 0 : i32
    %dma_start3A_22 = arith.constant 0 : i32
    %dma_start3A_23 = tpu.memref_slice %arg11[%dma_start3A_21, %dma_start3A_22] : memref<3x128xi32, #tpu.memory_space<vmem>> -> memref<1x128xi32, #tpu.memory_space<vmem>>
    %dma_start3A_24 = arith.constant 0 : i32
    %dma_start3A_25 = tpu.memref_slice %arg4[%add3A_15, %dma_start3A_24] : memref<2560x128xi32, #tpu.memory_space<hbm>> -> memref<1x128xi32, #tpu.memory_space<hbm>>
    tpu.enqueue_dma source(%dma_start3A_25 : memref<1x128xi32, #tpu.memory_space<hbm>>) target(%dma_start3A_23 : memref<1x128xi32, #tpu.memory_space<vmem>>) target_semaphore(%arg20 : memref<!tpu.dma_semaphore, #tpu.memory_space<semaphore_mem>>)
    %add3A_26 = arith.constant 1 : i32
    %add3A_27 = arith.addi %mul3A_2, %add3A_26 : i32
    %dma_start3A_28 = arith.constant 1 : i32
    %dma_start3A_29 = arith.constant 0 : i32
    %dma_start3A_30 = tpu.memref_slice %arg10[%dma_start3A_28, %dma_start3A_29] : memref<3x128xi32, #tpu.memory_space<vmem>> -> memref<1x128xi32, #tpu.memory_space<vmem>>
    %dma_start3A_31 = arith.constant 0 : i32
    %dma_start3A_32 = tpu.memref_slice %arg3[%add3A_27, %dma_start3A_31] : memref<2560x128xi32, #tpu.memory_space<hbm>> -> memref<1x128xi32, #tpu.memory_space<hbm>>
    %dma_start3A_33 = arith.constant 1 : i32
    %dma_start3A_34 = arith.constant 0 : i32
    %dma_start3A_35 = tpu.memref_slice %arg10[%dma_start3A_33, %dma_start3A_34] : memref<3x128xi32, #tpu.memory_space<vmem>> -> memref<1x128xi32, #tpu.memory_space<vmem>>
    %dma_start3A_36 = arith.constant 0 : i32
    %dma_start3A_37 = tpu.memref_slice %arg3[%add3A_27, %dma_start3A_36] : memref<2560x128xi32, #tpu.memory_space<hbm>> -> memref<1x128xi32, #tpu.memory_space<hbm>>
    tpu.enqueue_dma source(%dma_start3A_37 : memref<1x128xi32, #tpu.memory_space<hbm>>) target(%dma_start3A_35 : memref<1x128xi32, #tpu.memory_space<vmem>>) target_semaphore(%arg20 : memref<!tpu.dma_semaphore, #tpu.memory_space<semaphore_mem>>)
    %add3A_38 = arith.constant 1 : i32
    %add3A_39 = arith.addi %mul3A_2, %add3A_38 : i32
    %dma_start3A_40 = arith.constant 1 : i32
    %dma_start3A_41 = arith.constant 0 : i32
    %dma_start3A_42 = tpu.memref_slice %arg11[%dma_start3A_40, %dma_start3A_41] : memref<3x128xi32, #tpu.memory_space<vmem>> -> memref<1x128xi32, #tpu.memory_space<vmem>>
    %dma_start3A_43 = arith.constant 0 : i32
    %dma_start3A_44 = tpu.memref_slice %arg4[%add3A_39, %dma_start3A_43] : memref<2560x128xi32, #tpu.memory_space<hbm>> -> memref<1x128xi32, #tpu.memory_space<hbm>>
    %dma_start3A_45 = arith.constant 1 : i32
    %dma_start3A_46 = arith.constant 0 : i32
    %dma_start3A_47 = tpu.memref_slice %arg11[%dma_start3A_45, %dma_start3A_46] : memref<3x128xi32, #tpu.memory_space<vmem>> -> memref<1x128xi32, #tpu.memory_space<vmem>>
    %dma_start3A_48 = arith.constant 0 : i32
    %dma_start3A_49 = tpu.memref_slice %arg4[%add3A_39, %dma_start3A_48] : memref<2560x128xi32, #tpu.memory_space<hbm>> -> memref<1x128xi32, #tpu.memory_space<hbm>>
    tpu.enqueue_dma source(%dma_start3A_49 : memref<1x128xi32, #tpu.memory_space<hbm>>) target(%dma_start3A_47 : memref<1x128xi32, #tpu.memory_space<vmem>>) target_semaphore(%arg20 : memref<!tpu.dma_semaphore, #tpu.memory_space<semaphore_mem>>)
    %mul3A_50 = arith.constant 640 : i32
    %mul3A_51 = arith.muli %arg1, %mul3A_50 : i32
    "tpu.region"() ({
      %run_scoped3A = tpu.sem_alloc : memref<!tpu.dma_semaphore, #tpu.memory_space<semaphore_mem>>
      %dma_start3A_136 = arith.constant 0 : i32
      %dma_start3A_137 = tpu.memref_slice %arg14[%mul3A_51, %dma_start3A_136] : memref<10240x128xf32, #tpu.memory_space<vmem_shared>> -> memref<640x128xf32, #tpu.memory_space<vmem_shared>>
      tpu.enqueue_dma source(%arg6 : memref<640x128xf32, #tpu.memory_space<hbm>>) target(%dma_start3A_137 : memref<640x128xf32, #tpu.memory_space<vmem_shared>>) target_semaphore(%run_scoped3A : memref<!tpu.dma_semaphore, #tpu.memory_space<semaphore_mem>>)
      %dma_wait3A_138 = arith.constant 0 : i32
      %dma_wait3A_139 = tpu.memref_slice %arg14[%mul3A_51, %dma_wait3A_138] : memref<10240x128xf32, #tpu.memory_space<vmem_shared>> -> memref<640x128xf32, #tpu.memory_space<vmem_shared>>
      tpu.wait_dma2 semaphore(%run_scoped3A : memref<!tpu.dma_semaphore, #tpu.memory_space<semaphore_mem>>) src(%arg6 : memref<640x128xf32, #tpu.memory_space<hbm>>) dst(%dma_wait3A_139 : memref<640x128xf32, #tpu.memory_space<vmem_shared>>)
      tpu.yield
    }) : () -> ()
    %mul3A_52 = arith.constant 640 : i32
    %mul3A_53 = arith.muli %arg1, %mul3A_52 : i32
    "tpu.region"() ({
      %run_scoped3A = tpu.sem_alloc : memref<!tpu.dma_semaphore, #tpu.memory_space<semaphore_mem>>
      %dma_start3A_136 = tpu.memref_slice %arg15[%mul3A_53] : memref<10240xf32, #tpu.memory_space<vmem_shared>> -> memref<640xf32, #tpu.memory_space<vmem_shared>>
      tpu.enqueue_dma source(%arg7 : memref<640xf32, #tpu.memory_space<hbm>>) target(%dma_start3A_136 : memref<640xf32, #tpu.memory_space<vmem_shared>>) target_semaphore(%run_scoped3A : memref<!tpu.dma_semaphore, #tpu.memory_space<semaphore_mem>>)
      %dma_wait3A_137 = tpu.memref_slice %arg15[%mul3A_53] : memref<10240xf32, #tpu.memory_space<vmem_shared>> -> memref<640xf32, #tpu.memory_space<vmem_shared>>
      tpu.wait_dma2 semaphore(%run_scoped3A : memref<!tpu.dma_semaphore, #tpu.memory_space<semaphore_mem>>) src(%arg7 : memref<640xf32, #tpu.memory_space<hbm>>) dst(%dma_wait3A_137 : memref<640xf32, #tpu.memory_space<vmem_shared>>)
      tpu.yield
    }) : () -> ()
    %barrier3A = arith.constant 0 : index
    tpu.barrier barrier_id(%barrier3A)
    %add3A_54 = arith.constant 0 : i32
    %add3A_55 = arith.addi %mul3A_2, %add3A_54 : i32
    %dma_wait3A = arith.constant 0 : i32
    %dma_wait3A_56 = arith.constant 0 : i32
    %dma_wait3A_57 = tpu.memref_slice %arg10[%dma_wait3A, %dma_wait3A_56] : memref<3x128xi32, #tpu.memory_space<vmem>> -> memref<1x128xi32, #tpu.memory_space<vmem>>
    %dma_wait3A_58 = arith.constant 0 : i32
    %dma_wait3A_59 = tpu.memref_slice %arg3[%add3A_55, %dma_wait3A_58] : memref<2560x128xi32, #tpu.memory_space<hbm>> -> memref<1x128xi32, #tpu.memory_space<hbm>>
    %dma_wait3A_60 = arith.constant 0 : i32
    %dma_wait3A_61 = arith.constant 0 : i32
    %dma_wait3A_62 = tpu.memref_slice %arg10[%dma_wait3A_60, %dma_wait3A_61] : memref<3x128xi32, #tpu.memory_space<vmem>> -> memref<1x128xi32, #tpu.memory_space<vmem>>
    %dma_wait3A_63 = arith.constant 0 : i32
    %dma_wait3A_64 = tpu.memref_slice %arg3[%add3A_55, %dma_wait3A_63] : memref<2560x128xi32, #tpu.memory_space<hbm>> -> memref<1x128xi32, #tpu.memory_space<hbm>>
    tpu.wait_dma2 semaphore(%arg20 : memref<!tpu.dma_semaphore, #tpu.memory_space<semaphore_mem>>) src(%dma_wait3A_64 : memref<1x128xi32, #tpu.memory_space<hbm>>) dst(%dma_wait3A_62 : memref<1x128xi32, #tpu.memory_space<vmem>>)
    %add3A_65 = arith.constant 0 : i32
    %add3A_66 = arith.addi %mul3A_2, %add3A_65 : i32
    %dma_wait3A_67 = arith.constant 0 : i32
    %dma_wait3A_68 = arith.constant 0 : i32
    %dma_wait3A_69 = tpu.memref_slice %arg11[%dma_wait3A_67, %dma_wait3A_68] : memref<3x128xi32, #tpu.memory_space<vmem>> -> memref<1x128xi32, #tpu.memory_space<vmem>>
    %dma_wait3A_70 = arith.constant 0 : i32
    %dma_wait3A_71 = tpu.memref_slice %arg4[%add3A_66, %dma_wait3A_70] : memref<2560x128xi32, #tpu.memory_space<hbm>> -> memref<1x128xi32, #tpu.memory_space<hbm>>
    %dma_wait3A_72 = arith.constant 0 : i32
    %dma_wait3A_73 = arith.constant 0 : i32
    %dma_wait3A_74 = tpu.memref_slice %arg11[%dma_wait3A_72, %dma_wait3A_73] : memref<3x128xi32, #tpu.memory_space<vmem>> -> memref<1x128xi32, #tpu.memory_space<vmem>>
    %dma_wait3A_75 = arith.constant 0 : i32
    %dma_wait3A_76 = tpu.memref_slice %arg4[%add3A_66, %dma_wait3A_75] : memref<2560x128xi32, #tpu.memory_space<hbm>> -> memref<1x128xi32, #tpu.memory_space<hbm>>
    tpu.wait_dma2 semaphore(%arg20 : memref<!tpu.dma_semaphore, #tpu.memory_space<semaphore_mem>>) src(%dma_wait3A_76 : memref<1x128xi32, #tpu.memory_space<hbm>>) dst(%dma_wait3A_74 : memref<1x128xi32, #tpu.memory_space<vmem>>)
    %dma_start3A_77 = arith.constant 0 : i32
    %dma_start3A_78 = arith.constant 0 : i32
    %dma_start3A_79 = arith.constant 0 : i32
    %dma_start3A_80 = arith.constant 0 : i32
    %dma_start3A_81 = tpu.memref_slice %arg13[%dma_start3A_78, %dma_start3A_79, %dma_start3A_80] : memref<2x128x128xf32, #tpu.memory_space<vmem>> -> memref<1x128x128xf32, #tpu.memory_space<vmem>>
    %dma_start3A_82 = tpu.memref_squeeze %dma_start3A_81 : memref<1x128x128xf32, #tpu.memory_space<vmem>> -> memref<128x128xf32, #tpu.memory_space<vmem>>
    %dma_start3A_83 = arith.constant 0 : i32
    %dma_start3A_84 = tpu.memref_slice %arg10[%dma_start3A_77, %dma_start3A_83] : memref<3x128xi32, #tpu.memory_space<vmem>> -> memref<1x128xi32, #tpu.memory_space<vmem>>
    %dma_start3A_85 = tpu.memref_squeeze %dma_start3A_84 : memref<1x128xi32, #tpu.memory_space<vmem>> -> memref<128xi32, #tpu.memory_space<vmem>>
    %dma_start3A_86 = arith.constant 0 : i32
    %dma_start3A_87 = arith.constant 0 : i32
    %dma_start3A_88 = tpu.memref_slice %arg2[%dma_start3A_86, %dma_start3A_87] : memref<10000x128xf32, #tpu.memory_space<hbm>> -> memref<10000x128xf32, #tpu.memory_space<hbm>>
    tpu.enqueue_indirect_dma source(%dma_start3A_88 : memref<10000x128xf32, #tpu.memory_space<hbm>>) target(%dma_start3A_82 : memref<128x128xf32, #tpu.memory_space<vmem>>) offsets(%dma_start3A_85 : memref<128xi32, #tpu.memory_space<vmem>>) semaphore(%arg16 : memref<!tpu.dma_semaphore, #tpu.memory_space<semaphore_mem>>)
    %dma_start3A_89 = arith.constant 0 : i32
    %dma_start3A_90 = arith.constant 0 : i32
    %dma_start3A_91 = arith.constant 0 : i32
    %dma_start3A_92 = tpu.memref_slice %arg12[%dma_start3A_90, %dma_start3A_91] : memref<2x128xf32, #tpu.memory_space<vmem>> -> memref<1x128xf32, #tpu.memory_space<vmem>>
    %dma_start3A_93 = tpu.memref_squeeze %dma_start3A_92 : memref<1x128xf32, #tpu.memory_space<vmem>> -> memref<128xf32, #tpu.memory_space<vmem>>
    %dma_start3A_94 = arith.constant 0 : i32
    %dma_start3A_95 = tpu.memref_slice %arg10[%dma_start3A_89, %dma_start3A_94] : memref<3x128xi32, #tpu.memory_space<vmem>> -> memref<1x128xi32, #tpu.memory_space<vmem>>
    %dma_start3A_96 = tpu.memref_squeeze %dma_start3A_95 : memref<1x128xi32, #tpu.memory_space<vmem>> -> memref<128xi32, #tpu.memory_space<vmem>>
    %dma_start3A_97 = arith.constant 0 : i32
    %dma_start3A_98 = tpu.memref_slice %arg5[%dma_start3A_97] : memref<10000xf32, #tpu.memory_space<hbm>> -> memref<10000xf32, #tpu.memory_space<hbm>>
    tpu.enqueue_indirect_dma source(%dma_start3A_98 : memref<10000xf32, #tpu.memory_space<hbm>>) target(%dma_start3A_93 : memref<128xf32, #tpu.memory_space<vmem>>) offsets(%dma_start3A_96 : memref<128xi32, #tpu.memory_space<vmem>>) semaphore(%arg17 : memref<!tpu.dma_semaphore, #tpu.memory_space<semaphore_mem>>)
    %scan3A = arith.constant 0 : i32
    %scan3A_99 = arith.constant 0 : i32
    %scan3A_100 = arith.constant 80 : i32
    %scan3A_101 = arith.addi %scan3A_99, %scan3A_100 : i32
    %scan3A_102 = arith.constant 1 : i32
    scf.for %scan3A_136 = %scan3A_99 to %scan3A_101 step %scan3A_102  : i32 {
      %rem3A_137 = arith.constant 2 : i32
      %rem3A_138 = arith.remsi %scan3A_136, %rem3A_137 : i32
      %sub3A = arith.constant 1 : i32
      %sub3A_139 = arith.subi %sub3A, %rem3A_138 : i32
      %rem3A_140 = arith.constant 3 : i32
      %rem3A_141 = arith.remsi %scan3A_136, %rem3A_140 : i32
      %add3A_142 = arith.constant 1 : i32
      %add3A_143 = arith.addi %scan3A_136, %add3A_142 : i32
      %rem3A_144 = arith.constant 3 : i32
      %rem3A_145 = arith.remsi %add3A_143, %rem3A_144 : i32
      %add3A_146 = arith.constant 2 : i32
      %add3A_147 = arith.addi %scan3A_136, %add3A_146 : i32
      %rem3A_148 = arith.constant 3 : i32
      %rem3A_149 = arith.remsi %add3A_147, %rem3A_148 : i32
      %ge3A = arith.constant 1 : i32
      %ge3A_150 = arith.cmpi sge, %scan3A_136, %ge3A : i32
      %convert_element_type3A = arith.extui %ge3A_150 : i1 to i32
      %cond3A = arith.constant 0 : i32
      %cond3A_151 = arith.cmpi ne, %convert_element_type3A, %cond3A : i32
      scf.if %cond3A_151 {
        %sub3A_201 = arith.constant 1 : i32
        %sub3A_202 = arith.subi %scan3A_136, %sub3A_201 : i32
        %rem3A_203 = arith.constant 3 : i32
        %rem3A_204 = arith.remsi %sub3A_202, %rem3A_203 : i32
        %dma_wait3A_205 = arith.constant 0 : i32
        %dma_wait3A_206 = arith.constant 0 : i32
        %dma_wait3A_207 = tpu.memref_slice %arg13[%sub3A_139, %dma_wait3A_205, %dma_wait3A_206] : memref<2x128x128xf32, #tpu.memory_space<vmem>> -> memref<1x128x128xf32, #tpu.memory_space<vmem>>
        %dma_wait3A_208 = tpu.memref_squeeze %dma_wait3A_207 : memref<1x128x128xf32, #tpu.memory_space<vmem>> -> memref<128x128xf32, #tpu.memory_space<vmem>>
        %dma_wait3A_209 = arith.constant 0 : i32
        %dma_wait3A_210 = tpu.memref_slice %arg11[%rem3A_204, %dma_wait3A_209] : memref<3x128xi32, #tpu.memory_space<vmem>> -> memref<1x128xi32, #tpu.memory_space<vmem>>
        %dma_wait3A_211 = tpu.memref_squeeze %dma_wait3A_210 : memref<1x128xi32, #tpu.memory_space<vmem>> -> memref<128xi32, #tpu.memory_space<vmem>>
        %dma_wait3A_212 = arith.constant 0 : i32
        %dma_wait3A_213 = arith.constant 0 : i32
        %dma_wait3A_214 = tpu.memref_slice %arg14[%dma_wait3A_212, %dma_wait3A_213] : memref<10240x128xf32, #tpu.memory_space<vmem_shared>> -> memref<10240x128xf32, #tpu.memory_space<vmem_shared>>
        tpu.wait_indirect_dma semaphore(%arg18 : memref<!tpu.dma_semaphore, #tpu.memory_space<semaphore_mem>>) src(%dma_wait3A_208 : memref<128x128xf32, #tpu.memory_space<vmem>>) dst(%dma_wait3A_214 : memref<10240x128xf32, #tpu.memory_space<vmem_shared>>)
        %dma_wait3A_215 = arith.constant 0 : i32
        %dma_wait3A_216 = tpu.memref_slice %arg12[%sub3A_139, %dma_wait3A_215] : memref<2x128xf32, #tpu.memory_space<vmem>> -> memref<1x128xf32, #tpu.memory_space<vmem>>
        %dma_wait3A_217 = tpu.memref_squeeze %dma_wait3A_216 : memref<1x128xf32, #tpu.memory_space<vmem>> -> memref<128xf32, #tpu.memory_space<vmem>>
        %dma_wait3A_218 = arith.constant 0 : i32
        %dma_wait3A_219 = tpu.memref_slice %arg11[%rem3A_204, %dma_wait3A_218] : memref<3x128xi32, #tpu.memory_space<vmem>> -> memref<1x128xi32, #tpu.memory_space<vmem>>
        %dma_wait3A_220 = tpu.memref_squeeze %dma_wait3A_219 : memref<1x128xi32, #tpu.memory_space<vmem>> -> memref<128xi32, #tpu.memory_space<vmem>>
        %dma_wait3A_221 = arith.constant 0 : i32
        %dma_wait3A_222 = tpu.memref_slice %arg15[%dma_wait3A_221] : memref<10240xf32, #tpu.memory_space<vmem_shared>> -> memref<10240xf32, #tpu.memory_space<vmem_shared>>
        tpu.wait_indirect_dma semaphore(%arg19 : memref<!tpu.dma_semaphore, #tpu.memory_space<semaphore_mem>>) src(%dma_wait3A_217 : memref<128xf32, #tpu.memory_space<vmem>>) dst(%dma_wait3A_222 : memref<10240xf32, #tpu.memory_space<vmem_shared>>)
      } else {
      }
      %add3A_152 = arith.constant 2 : i32
      %add3A_153 = arith.addi %scan3A_136, %add3A_152 : i32
      %lt3A = arith.constant 80 : i32
      %lt3A_154 = arith.cmpi slt, %add3A_153, %lt3A : i32
      %convert_element_type3A_155 = arith.extui %lt3A_154 : i1 to i32
      %cond3A_156 = arith.constant 0 : i32
      %cond3A_157 = arith.cmpi ne, %convert_element_type3A_155, %cond3A_156 : i32
      scf.if %cond3A_157 {
        %add3A_201 = arith.constant 2 : i32
        %add3A_202 = arith.addi %scan3A_136, %add3A_201 : i32
        %add3A_203 = arith.addi %mul3A_2, %add3A_202 : i32
        %dma_start3A_204 = arith.constant 0 : i32
        %dma_start3A_205 = tpu.memref_slice %arg10[%rem3A_149, %dma_start3A_204] : memref<3x128xi32, #tpu.memory_space<vmem>> -> memref<1x128xi32, #tpu.memory_space<vmem>>
        %dma_start3A_206 = arith.constant 0 : i32
        %dma_start3A_207 = tpu.memref_slice %arg3[%add3A_203, %dma_start3A_206] : memref<2560x128xi32, #tpu.memory_space<hbm>> -> memref<1x128xi32, #tpu.memory_space<hbm>>
        %dma_start3A_208 = arith.constant 0 : i32
        %dma_start3A_209 = tpu.memref_slice %arg10[%rem3A_149, %dma_start3A_208] : memref<3x128xi32, #tpu.memory_space<vmem>> -> memref<1x128xi32, #tpu.memory_space<vmem>>
        %dma_start3A_210 = arith.constant 0 : i32
        %dma_start3A_211 = tpu.memref_slice %arg3[%add3A_203, %dma_start3A_210] : memref<2560x128xi32, #tpu.memory_space<hbm>> -> memref<1x128xi32, #tpu.memory_space<hbm>>
        tpu.enqueue_dma source(%dma_start3A_211 : memref<1x128xi32, #tpu.memory_space<hbm>>) target(%dma_start3A_209 : memref<1x128xi32, #tpu.memory_space<vmem>>) target_semaphore(%arg20 : memref<!tpu.dma_semaphore, #tpu.memory_space<semaphore_mem>>)
        %add3A_212 = arith.addi %mul3A_2, %add3A_202 : i32
        %dma_start3A_213 = arith.constant 0 : i32
        %dma_start3A_214 = tpu.memref_slice %arg11[%rem3A_149, %dma_start3A_213] : memref<3x128xi32, #tpu.memory_space<vmem>> -> memref<1x128xi32, #tpu.memory_space<vmem>>
        %dma_start3A_215 = arith.constant 0 : i32
        %dma_start3A_216 = tpu.memref_slice %arg4[%add3A_212, %dma_start3A_215] : memref<2560x128xi32, #tpu.memory_space<hbm>> -> memref<1x128xi32, #tpu.memory_space<hbm>>
        %dma_start3A_217 = arith.constant 0 : i32
        %dma_start3A_218 = tpu.memref_slice %arg11[%rem3A_149, %dma_start3A_217] : memref<3x128xi32, #tpu.memory_space<vmem>> -> memref<1x128xi32, #tpu.memory_space<vmem>>
        %dma_start3A_219 = arith.constant 0 : i32
        %dma_start3A_220 = tpu.memref_slice %arg4[%add3A_212, %dma_start3A_219] : memref<2560x128xi32, #tpu.memory_space<hbm>> -> memref<1x128xi32, #tpu.memory_space<hbm>>
        tpu.enqueue_dma source(%dma_start3A_220 : memref<1x128xi32, #tpu.memory_space<hbm>>) target(%dma_start3A_218 : memref<1x128xi32, #tpu.memory_space<vmem>>) target_semaphore(%arg20 : memref<!tpu.dma_semaphore, #tpu.memory_space<semaphore_mem>>)
      } else {
      }
      %add3A_158 = arith.constant 1 : i32
      %add3A_159 = arith.addi %scan3A_136, %add3A_158 : i32
      %lt3A_160 = arith.constant 80 : i32
      %lt3A_161 = arith.cmpi slt, %add3A_159, %lt3A_160 : i32
      %convert_element_type3A_162 = arith.extui %lt3A_161 : i1 to i32
      %cond3A_163 = arith.constant 0 : i32
      %cond3A_164 = arith.cmpi ne, %convert_element_type3A_162, %cond3A_163 : i32
      scf.if %cond3A_164 {
        %add3A_201 = arith.constant 1 : i32
        %add3A_202 = arith.addi %scan3A_136, %add3A_201 : i32
        %add3A_203 = arith.addi %mul3A_2, %add3A_202 : i32
        %dma_wait3A_204 = arith.constant 0 : i32
        %dma_wait3A_205 = tpu.memref_slice %arg10[%rem3A_145, %dma_wait3A_204] : memref<3x128xi32, #tpu.memory_space<vmem>> -> memref<1x128xi32, #tpu.memory_space<vmem>>
        %dma_wait3A_206 = arith.constant 0 : i32
        %dma_wait3A_207 = tpu.memref_slice %arg3[%add3A_203, %dma_wait3A_206] : memref<2560x128xi32, #tpu.memory_space<hbm>> -> memref<1x128xi32, #tpu.memory_space<hbm>>
        %dma_wait3A_208 = arith.constant 0 : i32
        %dma_wait3A_209 = tpu.memref_slice %arg10[%rem3A_145, %dma_wait3A_208] : memref<3x128xi32, #tpu.memory_space<vmem>> -> memref<1x128xi32, #tpu.memory_space<vmem>>
        %dma_wait3A_210 = arith.constant 0 : i32
        %dma_wait3A_211 = tpu.memref_slice %arg3[%add3A_203, %dma_wait3A_210] : memref<2560x128xi32, #tpu.memory_space<hbm>> -> memref<1x128xi32, #tpu.memory_space<hbm>>
        tpu.wait_dma2 semaphore(%arg20 : memref<!tpu.dma_semaphore, #tpu.memory_space<semaphore_mem>>) src(%dma_wait3A_211 : memref<1x128xi32, #tpu.memory_space<hbm>>) dst(%dma_wait3A_209 : memref<1x128xi32, #tpu.memory_space<vmem>>)
        %add3A_212 = arith.addi %mul3A_2, %add3A_202 : i32
        %dma_wait3A_213 = arith.constant 0 : i32
        %dma_wait3A_214 = tpu.memref_slice %arg11[%rem3A_145, %dma_wait3A_213] : memref<3x128xi32, #tpu.memory_space<vmem>> -> memref<1x128xi32, #tpu.memory_space<vmem>>
        %dma_wait3A_215 = arith.constant 0 : i32
        %dma_wait3A_216 = tpu.memref_slice %arg4[%add3A_212, %dma_wait3A_215] : memref<2560x128xi32, #tpu.memory_space<hbm>> -> memref<1x128xi32, #tpu.memory_space<hbm>>
        %dma_wait3A_217 = arith.constant 0 : i32
        %dma_wait3A_218 = tpu.memref_slice %arg11[%rem3A_145, %dma_wait3A_217] : memref<3x128xi32, #tpu.memory_space<vmem>> -> memref<1x128xi32, #tpu.memory_space<vmem>>
        %dma_wait3A_219 = arith.constant 0 : i32
        %dma_wait3A_220 = tpu.memref_slice %arg4[%add3A_212, %dma_wait3A_219] : memref<2560x128xi32, #tpu.memory_space<hbm>> -> memref<1x128xi32, #tpu.memory_space<hbm>>
        tpu.wait_dma2 semaphore(%arg20 : memref<!tpu.dma_semaphore, #tpu.memory_space<semaphore_mem>>) src(%dma_wait3A_220 : memref<1x128xi32, #tpu.memory_space<hbm>>) dst(%dma_wait3A_218 : memref<1x128xi32, #tpu.memory_space<vmem>>)
        %dma_start3A_221 = arith.constant 0 : i32
        %dma_start3A_222 = arith.constant 0 : i32
        %dma_start3A_223 = tpu.memref_slice %arg13[%sub3A_139, %dma_start3A_221, %dma_start3A_222] : memref<2x128x128xf32, #tpu.memory_space<vmem>> -> memref<1x128x128xf32, #tpu.memory_space<vmem>>
        %dma_start3A_224 = tpu.memref_squeeze %dma_start3A_223 : memref<1x128x128xf32, #tpu.memory_space<vmem>> -> memref<128x128xf32, #tpu.memory_space<vmem>>
        %dma_start3A_225 = arith.constant 0 : i32
        %dma_start3A_226 = tpu.memref_slice %arg10[%rem3A_145, %dma_start3A_225] : memref<3x128xi32, #tpu.memory_space<vmem>> -> memref<1x128xi32, #tpu.memory_space<vmem>>
        %dma_start3A_227 = tpu.memref_squeeze %dma_start3A_226 : memref<1x128xi32, #tpu.memory_space<vmem>> -> memref<128xi32, #tpu.memory_space<vmem>>
        %dma_start3A_228 = arith.constant 0 : i32
        %dma_start3A_229 = arith.constant 0 : i32
        %dma_start3A_230 = tpu.memref_slice %arg2[%dma_start3A_228, %dma_start3A_229] : memref<10000x128xf32, #tpu.memory_space<hbm>> -> memref<10000x128xf32, #tpu.memory_space<hbm>>
        tpu.enqueue_indirect_dma source(%dma_start3A_230 : memref<10000x128xf32, #tpu.memory_space<hbm>>) target(%dma_start3A_224 : memref<128x128xf32, #tpu.memory_space<vmem>>) offsets(%dma_start3A_227 : memref<128xi32, #tpu.memory_space<vmem>>) semaphore(%arg16 : memref<!tpu.dma_semaphore, #tpu.memory_space<semaphore_mem>>)
        %dma_start3A_231 = arith.constant 0 : i32
        %dma_start3A_232 = tpu.memref_slice %arg12[%sub3A_139, %dma_start3A_231] : memref<2x128xf32, #tpu.memory_space<vmem>> -> memref<1x128xf32, #tpu.memory_space<vmem>>
        %dma_start3A_233 = tpu.memref_squeeze %dma_start3A_232 : memref<1x128xf32, #tpu.memory_space<vmem>> -> memref<128xf32, #tpu.memory_space<vmem>>
        %dma_start3A_234 = arith.constant 0 : i32
        %dma_start3A_235 = tpu.memref_slice %arg10[%rem3A_145, %dma_start3A_234] : memref<3x128xi32, #tpu.memory_space<vmem>> -> memref<1x128xi32, #tpu.memory_space<vmem>>
        %dma_start3A_236 = tpu.memref_squeeze %dma_start3A_235 : memref<1x128xi32, #tpu.memory_space<vmem>> -> memref<128xi32, #tpu.memory_space<vmem>>
        %dma_start3A_237 = arith.constant 0 : i32
        %dma_start3A_238 = tpu.memref_slice %arg5[%dma_start3A_237] : memref<10000xf32, #tpu.memory_space<hbm>> -> memref<10000xf32, #tpu.memory_space<hbm>>
        tpu.enqueue_indirect_dma source(%dma_start3A_238 : memref<10000xf32, #tpu.memory_space<hbm>>) target(%dma_start3A_233 : memref<128xf32, #tpu.memory_space<vmem>>) offsets(%dma_start3A_236 : memref<128xi32, #tpu.memory_space<vmem>>) semaphore(%arg17 : memref<!tpu.dma_semaphore, #tpu.memory_space<semaphore_mem>>)
      } else {
      }
      %dma_wait3A_165 = arith.constant 0 : i32
      %dma_wait3A_166 = arith.constant 0 : i32
      %dma_wait3A_167 = tpu.memref_slice %arg13[%rem3A_138, %dma_wait3A_165, %dma_wait3A_166] : memref<2x128x128xf32, #tpu.memory_space<vmem>> -> memref<1x128x128xf32, #tpu.memory_space<vmem>>
      %dma_wait3A_168 = tpu.memref_squeeze %dma_wait3A_167 : memref<1x128x128xf32, #tpu.memory_space<vmem>> -> memref<128x128xf32, #tpu.memory_space<vmem>>
      %dma_wait3A_169 = arith.constant 0 : i32
      %dma_wait3A_170 = tpu.memref_slice %arg10[%rem3A_141, %dma_wait3A_169] : memref<3x128xi32, #tpu.memory_space<vmem>> -> memref<1x128xi32, #tpu.memory_space<vmem>>
      %dma_wait3A_171 = tpu.memref_squeeze %dma_wait3A_170 : memref<1x128xi32, #tpu.memory_space<vmem>> -> memref<128xi32, #tpu.memory_space<vmem>>
      %dma_wait3A_172 = arith.constant 0 : i32
      %dma_wait3A_173 = arith.constant 0 : i32
      %dma_wait3A_174 = tpu.memref_slice %arg2[%dma_wait3A_172, %dma_wait3A_173] : memref<10000x128xf32, #tpu.memory_space<hbm>> -> memref<10000x128xf32, #tpu.memory_space<hbm>>
      tpu.wait_indirect_dma semaphore(%arg16 : memref<!tpu.dma_semaphore, #tpu.memory_space<semaphore_mem>>) src(%dma_wait3A_174 : memref<10000x128xf32, #tpu.memory_space<hbm>>) dst(%dma_wait3A_168 : memref<128x128xf32, #tpu.memory_space<vmem>>)
      %dma_wait3A_175 = arith.constant 0 : i32
      %dma_wait3A_176 = tpu.memref_slice %arg12[%rem3A_138, %dma_wait3A_175] : memref<2x128xf32, #tpu.memory_space<vmem>> -> memref<1x128xf32, #tpu.memory_space<vmem>>
      %dma_wait3A_177 = tpu.memref_squeeze %dma_wait3A_176 : memref<1x128xf32, #tpu.memory_space<vmem>> -> memref<128xf32, #tpu.memory_space<vmem>>
      %dma_wait3A_178 = arith.constant 0 : i32
      %dma_wait3A_179 = tpu.memref_slice %arg10[%rem3A_141, %dma_wait3A_178] : memref<3x128xi32, #tpu.memory_space<vmem>> -> memref<1x128xi32, #tpu.memory_space<vmem>>
      %dma_wait3A_180 = tpu.memref_squeeze %dma_wait3A_179 : memref<1x128xi32, #tpu.memory_space<vmem>> -> memref<128xi32, #tpu.memory_space<vmem>>
      %dma_wait3A_181 = arith.constant 0 : i32
      %dma_wait3A_182 = tpu.memref_slice %arg5[%dma_wait3A_181] : memref<10000xf32, #tpu.memory_space<hbm>> -> memref<10000xf32, #tpu.memory_space<hbm>>
      tpu.wait_indirect_dma semaphore(%arg17 : memref<!tpu.dma_semaphore, #tpu.memory_space<semaphore_mem>>) src(%dma_wait3A_182 : memref<10000xf32, #tpu.memory_space<hbm>>) dst(%dma_wait3A_177 : memref<128xf32, #tpu.memory_space<vmem>>)
      %dma_start3A_183 = arith.constant 0 : i32
      %dma_start3A_184 = arith.constant 0 : i32
      %dma_start3A_185 = tpu.memref_slice %arg13[%rem3A_138, %dma_start3A_183, %dma_start3A_184] : memref<2x128x128xf32, #tpu.memory_space<vmem>> -> memref<1x128x128xf32, #tpu.memory_space<vmem>>
      %dma_start3A_186 = tpu.memref_squeeze %dma_start3A_185 : memref<1x128x128xf32, #tpu.memory_space<vmem>> -> memref<128x128xf32, #tpu.memory_space<vmem>>
      %dma_start3A_187 = arith.constant 0 : i32
      %dma_start3A_188 = tpu.memref_slice %arg11[%rem3A_141, %dma_start3A_187] : memref<3x128xi32, #tpu.memory_space<vmem>> -> memref<1x128xi32, #tpu.memory_space<vmem>>
      %dma_start3A_189 = tpu.memref_squeeze %dma_start3A_188 : memref<1x128xi32, #tpu.memory_space<vmem>> -> memref<128xi32, #tpu.memory_space<vmem>>
      %dma_start3A_190 = arith.constant 0 : i32
      %dma_start3A_191 = arith.constant 0 : i32
      %dma_start3A_192 = tpu.memref_slice %arg14[%dma_start3A_190, %dma_start3A_191] : memref<10240x128xf32, #tpu.memory_space<vmem_shared>> -> memref<10240x128xf32, #tpu.memory_space<vmem_shared>>
      tpu.enqueue_indirect_dma source(%dma_start3A_186 : memref<128x128xf32, #tpu.memory_space<vmem>>) target(%dma_start3A_192 : memref<10240x128xf32, #tpu.memory_space<vmem_shared>>) offsets(%dma_start3A_189 : memref<128xi32, #tpu.memory_space<vmem>>) semaphore(%arg18 : memref<!tpu.dma_semaphore, #tpu.memory_space<semaphore_mem>>) {add = true}
      %dma_start3A_193 = arith.constant 0 : i32
      %dma_start3A_194 = tpu.memref_slice %arg12[%rem3A_138, %dma_start3A_193] : memref<2x128xf32, #tpu.memory_space<vmem>> -> memref<1x128xf32, #tpu.memory_space<vmem>>
      %dma_start3A_195 = tpu.memref_squeeze %dma_start3A_194 : memref<1x128xf32, #tpu.memory_space<vmem>> -> memref<128xf32, #tpu.memory_space<vmem>>
      %dma_start3A_196 = arith.constant 0 : i32
      %dma_start3A_197 = tpu.memref_slice %arg11[%rem3A_141, %dma_start3A_196] : memref<3x128xi32, #tpu.memory_space<vmem>> -> memref<1x128xi32, #tpu.memory_space<vmem>>
      %dma_start3A_198 = tpu.memref_squeeze %dma_start3A_197 : memref<1x128xi32, #tpu.memory_space<vmem>> -> memref<128xi32, #tpu.memory_space<vmem>>
      %dma_start3A_199 = arith.constant 0 : i32
      %dma_start3A_200 = tpu.memref_slice %arg15[%dma_start3A_199] : memref<10240xf32, #tpu.memory_space<vmem_shared>> -> memref<10240xf32, #tpu.memory_space<vmem_shared>>
      tpu.enqueue_indirect_dma source(%dma_start3A_195 : memref<128xf32, #tpu.memory_space<vmem>>) target(%dma_start3A_200 : memref<10240xf32, #tpu.memory_space<vmem_shared>>) offsets(%dma_start3A_198 : memref<128xi32, #tpu.memory_space<vmem>>) semaphore(%arg19 : memref<!tpu.dma_semaphore, #tpu.memory_space<semaphore_mem>>) {add = true}
    }
    %scan3A_103 = arith.constant 80 : i32
    %rem3A = arith.constant 79 : i32
    %rem3A_104 = arith.constant 2 : i32
    %rem3A_105 = arith.remsi %rem3A, %rem3A_104 : i32
    %rem3A_106 = arith.constant 79 : i32
    %rem3A_107 = arith.constant 3 : i32
    %rem3A_108 = arith.remsi %rem3A_106, %rem3A_107 : i32
    %dma_wait3A_109 = arith.constant 0 : i32
    %dma_wait3A_110 = arith.constant 0 : i32
    %dma_wait3A_111 = tpu.memref_slice %arg13[%rem3A_105, %dma_wait3A_109, %dma_wait3A_110] : memref<2x128x128xf32, #tpu.memory_space<vmem>> -> memref<1x128x128xf32, #tpu.memory_space<vmem>>
    %dma_wait3A_112 = tpu.memref_squeeze %dma_wait3A_111 : memref<1x128x128xf32, #tpu.memory_space<vmem>> -> memref<128x128xf32, #tpu.memory_space<vmem>>
    %dma_wait3A_113 = arith.constant 0 : i32
    %dma_wait3A_114 = tpu.memref_slice %arg11[%rem3A_108, %dma_wait3A_113] : memref<3x128xi32, #tpu.memory_space<vmem>> -> memref<1x128xi32, #tpu.memory_space<vmem>>
    %dma_wait3A_115 = tpu.memref_squeeze %dma_wait3A_114 : memref<1x128xi32, #tpu.memory_space<vmem>> -> memref<128xi32, #tpu.memory_space<vmem>>
    %dma_wait3A_116 = arith.constant 0 : i32
    %dma_wait3A_117 = arith.constant 0 : i32
    %dma_wait3A_118 = tpu.memref_slice %arg14[%dma_wait3A_116, %dma_wait3A_117] : memref<10240x128xf32, #tpu.memory_space<vmem_shared>> -> memref<10240x128xf32, #tpu.memory_space<vmem_shared>>
    tpu.wait_indirect_dma semaphore(%arg18 : memref<!tpu.dma_semaphore, #tpu.memory_space<semaphore_mem>>) src(%dma_wait3A_112 : memref<128x128xf32, #tpu.memory_space<vmem>>) dst(%dma_wait3A_118 : memref<10240x128xf32, #tpu.memory_space<vmem_shared>>)
    %dma_wait3A_119 = arith.constant 0 : i32
    %dma_wait3A_120 = tpu.memref_slice %arg12[%rem3A_105, %dma_wait3A_119] : memref<2x128xf32, #tpu.memory_space<vmem>> -> memref<1x128xf32, #tpu.memory_space<vmem>>
    %dma_wait3A_121 = tpu.memref_squeeze %dma_wait3A_120 : memref<1x128xf32, #tpu.memory_space<vmem>> -> memref<128xf32, #tpu.memory_space<vmem>>
    %dma_wait3A_122 = arith.constant 0 : i32
    %dma_wait3A_123 = tpu.memref_slice %arg11[%rem3A_108, %dma_wait3A_122] : memref<3x128xi32, #tpu.memory_space<vmem>> -> memref<1x128xi32, #tpu.memory_space<vmem>>
    %dma_wait3A_124 = tpu.memref_squeeze %dma_wait3A_123 : memref<1x128xi32, #tpu.memory_space<vmem>> -> memref<128xi32, #tpu.memory_space<vmem>>
    %dma_wait3A_125 = arith.constant 0 : i32
    %dma_wait3A_126 = tpu.memref_slice %arg15[%dma_wait3A_125] : memref<10240xf32, #tpu.memory_space<vmem_shared>> -> memref<10240xf32, #tpu.memory_space<vmem_shared>>
    tpu.wait_indirect_dma semaphore(%arg19 : memref<!tpu.dma_semaphore, #tpu.memory_space<semaphore_mem>>) src(%dma_wait3A_121 : memref<128xf32, #tpu.memory_space<vmem>>) dst(%dma_wait3A_126 : memref<10240xf32, #tpu.memory_space<vmem_shared>>)
    %barrier3A_127 = arith.constant 0 : index
    tpu.barrier barrier_id(%barrier3A_127)
    %mul3A_128 = arith.constant 640 : i32
    %mul3A_129 = arith.muli %arg1, %mul3A_128 : i32
    %mul3A_130 = arith.constant 640 : i32
    %mul3A_131 = arith.muli %arg1, %mul3A_130 : i32
    "tpu.region"() ({
      %run_scoped3A = tpu.sem_alloc : memref<!tpu.dma_semaphore, #tpu.memory_space<semaphore_mem>>
      %dma_start3A_136 = arith.constant 0 : i32
      %dma_start3A_137 = tpu.memref_slice %arg8[%arg0, %mul3A_131, %dma_start3A_136] : memref<2x10240x128xf32, #tpu.memory_space<hbm>> -> memref<1x640x128xf32, #tpu.memory_space<hbm>>
      %dma_start3A_138 = tpu.memref_squeeze %dma_start3A_137 : memref<1x640x128xf32, #tpu.memory_space<hbm>> -> memref<640x128xf32, #tpu.memory_space<hbm>>
      %dma_start3A_139 = arith.constant 0 : i32
      %dma_start3A_140 = tpu.memref_slice %arg14[%mul3A_129, %dma_start3A_139] : memref<10240x128xf32, #tpu.memory_space<vmem_shared>> -> memref<640x128xf32, #tpu.memory_space<vmem_shared>>
      tpu.enqueue_dma source(%dma_start3A_140 : memref<640x128xf32, #tpu.memory_space<vmem_shared>>) target(%dma_start3A_138 : memref<640x128xf32, #tpu.memory_space<hbm>>) target_semaphore(%run_scoped3A : memref<!tpu.dma_semaphore, #tpu.memory_space<semaphore_mem>>)
      %dma_wait3A_141 = arith.constant 0 : i32
      %dma_wait3A_142 = tpu.memref_slice %arg8[%arg0, %mul3A_131, %dma_wait3A_141] : memref<2x10240x128xf32, #tpu.memory_space<hbm>> -> memref<1x640x128xf32, #tpu.memory_space<hbm>>
      %dma_wait3A_143 = tpu.memref_squeeze %dma_wait3A_142 : memref<1x640x128xf32, #tpu.memory_space<hbm>> -> memref<640x128xf32, #tpu.memory_space<hbm>>
      %dma_wait3A_144 = arith.constant 0 : i32
      %dma_wait3A_145 = tpu.memref_slice %arg14[%mul3A_129, %dma_wait3A_144] : memref<10240x128xf32, #tpu.memory_space<vmem_shared>> -> memref<640x128xf32, #tpu.memory_space<vmem_shared>>
      tpu.wait_dma2 semaphore(%run_scoped3A : memref<!tpu.dma_semaphore, #tpu.memory_space<semaphore_mem>>) src(%dma_wait3A_145 : memref<640x128xf32, #tpu.memory_space<vmem_shared>>) dst(%dma_wait3A_143 : memref<640x128xf32, #tpu.memory_space<hbm>>)
      tpu.yield
    }) : () -> ()
    %mul3A_132 = arith.constant 640 : i32
    %mul3A_133 = arith.muli %arg1, %mul3A_132 : i32
    %mul3A_134 = arith.constant 640 : i32
    %mul3A_135 = arith.muli %arg1, %mul3A_134 : i32
    "tpu.region"() ({
      %run_scoped3A = tpu.sem_alloc : memref<!tpu.dma_semaphore, #tpu.memory_space<semaphore_mem>>
      %dma_start3A_136 = tpu.memref_slice %arg9[%arg0, %mul3A_135] : memref<2x10240xf32, #tpu.memory_space<hbm>> -> memref<1x640xf32, #tpu.memory_space<hbm>>
      %dma_start3A_137 = tpu.memref_squeeze %dma_start3A_136 : memref<1x640xf32, #tpu.memory_space<hbm>> -> memref<640xf32, #tpu.memory_space<hbm>>
      %dma_start3A_138 = tpu.memref_slice %arg15[%mul3A_133] : memref<10240xf32, #tpu.memory_space<vmem_shared>> -> memref<640xf32, #tpu.memory_space<vmem_shared>>
      tpu.enqueue_dma source(%dma_start3A_138 : memref<640xf32, #tpu.memory_space<vmem_shared>>) target(%dma_start3A_137 : memref<640xf32, #tpu.memory_space<hbm>>) target_semaphore(%run_scoped3A : memref<!tpu.dma_semaphore, #tpu.memory_space<semaphore_mem>>)
      %dma_wait3A_139 = tpu.memref_slice %arg9[%arg0, %mul3A_135] : memref<2x10240xf32, #tpu.memory_space<hbm>> -> memref<1x640xf32, #tpu.memory_space<hbm>>
      %dma_wait3A_140 = tpu.memref_squeeze %dma_wait3A_139 : memref<1x640xf32, #tpu.memory_space<hbm>> -> memref<640xf32, #tpu.memory_space<hbm>>
      %dma_wait3A_141 = tpu.memref_slice %arg15[%mul3A_133] : memref<10240xf32, #tpu.memory_space<vmem_shared>> -> memref<640xf32, #tpu.memory_space<vmem_shared>>
      tpu.wait_dma2 semaphore(%run_scoped3A : memref<!tpu.dma_semaphore, #tpu.memory_space<semaphore_mem>>) src(%dma_wait3A_141 : memref<640xf32, #tpu.memory_space<vmem_shared>>) dst(%dma_wait3A_140 : memref<640xf32, #tpu.memory_space<hbm>>)
      tpu.yield
    }) : () -> ()
    return
  }
}

#map = affine_map<(d0, d1) -> (0, 0)>
#map1 = affine_map<(d0, d1) -> (0)>
#map2 = affine_map<(d0, d1) -> (0, 0, 0)>
module attributes {stable_mosaic.version = 14 : i64} {
  func.func @agg(%arg0: i32, %arg1: i32, %arg2: memref<10000x128xf32, #tpu.memory_space<hbm>>, %arg3: memref<2560x128xi32, #tpu.memory_space<hbm>>, %arg4: memref<2560x128xi32, #tpu.memory_space<hbm>>, %arg5: memref<10000xf32, #tpu.memory_space<hbm>>, %arg6: memref<640x128xf32, #tpu.memory_space<hbm>>, %arg7: memref<640xf32, #tpu.memory_space<hbm>>, %arg8: memref<2x10240x128xf32, #tpu.memory_space<hbm>>, %arg9: memref<2x10240xf32, #tpu.memory_space<hbm>>, %arg10: memref<3x128xi32, #tpu.memory_space<vmem>>, %arg11: memref<3x128xi32, #tpu.memory_space<vmem>>, %arg12: memref<2x128xf32, #tpu.memory_space<vmem>>, %arg13: memref<2x128x128xf32, #tpu.memory_space<vmem>>, %arg14: memref<10240x128xf32, #tpu.memory_space<vmem_shared>>, %arg15: memref<10240xf32, #tpu.memory_space<vmem_shared>>, %arg16: memref<!tpu.dma_semaphore, #tpu.memory_space<semaphore_mem>>, %arg17: memref<!tpu.dma_semaphore, #tpu.memory_space<semaphore_mem>>, %arg18: memref<!tpu.dma_semaphore, #tpu.memory_space<semaphore_mem>>, %arg19: memref<!tpu.dma_semaphore, #tpu.memory_space<semaphore_mem>>, %arg20: memref<!tpu.dma_semaphore, #tpu.memory_space<semaphore_mem>>) attributes {dimension_semantics = [#tpu.dimension_semantics<core_parallel>, #tpu.dimension_semantics<subcore_parallel>], iteration_bounds = array<i64: 2, 16>, scalar_prefetch = 0 : i64, scratch_operands = 11 : i64, tpu.core_type = #tpu.core_type<sc_vector_subcore>, window_params = [{transform_indices = #map}, {transform_indices = #map}, {transform_indices = #map}, {transform_indices = #map1}, {transform_indices = #map}, {transform_indices = #map1}, {transform_indices = #map2}, {transform_indices = #map}]} {
    %mul3A = arith.constant 2 : i32
    %mul3A_0 = arith.muli %arg1, %mul3A : i32
    %add3A = arith.addi %mul3A_0, %arg0 : i32
    %mul3A_1 = arith.constant 80 : i32
    %mul3A_2 = arith.muli %add3A, %mul3A_1 : i32
    %add3A_3 = arith.constant 0 : i32
    %add3A_4 = arith.addi %mul3A_2, %add3A_3 : i32
    %dma_start3A = arith.constant 0 : i32
    %dma_start3A_5 = arith.constant 0 : i32
    %dma_start3A_6 = tpu.memref_slice %arg10[%dma_start3A, %dma_start3A_5] : memref<3x128xi32, #tpu.memory_space<vmem>> -> memref<1x128xi32, #tpu.memory_space<vmem>>
    %dma_start3A_7 = arith.constant 0 : i32
    %dma_start3A_8 = tpu.memref_slice %arg3[%add3A_4, %dma_start3A_7] : memref<2560x128xi32, #tpu.memory_space<hbm>> -> memref<1x128xi32, #tpu.memory_space<hbm>>
    %dma_start3A_9 = arith.constant 0 : i32
    %dma_start3A_10 = arith.constant 0 : i32
    %dma_start3A_11 = tpu.memref_slice %arg10[%dma_start3A_9, %dma_start3A_10] : memref<3x128xi32, #tpu.memory_space<vmem>> -> memref<1x128xi32, #tpu.memory_space<vmem>>
    %dma_start3A_12 = arith.constant 0 : i32
    %dma_start3A_13 = tpu.memref_slice %arg3[%add3A_4, %dma_start3A_12] : memref<2560x128xi32, #tpu.memory_space<hbm>> -> memref<1x128xi32, #tpu.memory_space<hbm>>
    tpu.enqueue_dma source(%dma_start3A_13 : memref<1x128xi32, #tpu.memory_space<hbm>>) target(%dma_start3A_11 : memref<1x128xi32, #tpu.memory_space<vmem>>) target_semaphore(%arg20 : memref<!tpu.dma_semaphore, #tpu.memory_space<semaphore_mem>>)
    %add3A_14 = arith.constant 0 : i32
    %add3A_15 = arith.addi %mul3A_2, %add3A_14 : i32
    %dma_start3A_16 = arith.constant 0 : i32
    %dma_start3A_17 = arith.constant 0 : i32
    %dma_start3A_18 = tpu.memref_slice %arg11[%dma_start3A_16, %dma_start3A_17] : memref<3x128xi32, #tpu.memory_space<vmem>> -> memref<1x128xi32, #tpu.memory_space<vmem>>
    %dma_start3A_19 = arith.constant 0 : i32
    %dma_start3A_20 = tpu.memref_slice %arg4[%add3A_15, %dma_start3A_19] : memref<2560x128xi32, #tpu.memory_space<hbm>> -> memref<1x128xi32, #tpu.memory_space<hbm>>
    %dma_start3A_21 = arith.constant 0 : i32
    %dma_start3A_22 = arith.constant 0 : i32
    %dma_start3A_23 = tpu.memref_slice %arg11[%dma_start3A_21, %dma_start3A_22] : memref<3x128xi32, #tpu.memory_space<vmem>> -> memref<1x128xi32, #tpu.memory_space<vmem>>
    %dma_start3A_24 = arith.constant 0 : i32
    %dma_start3A_25 = tpu.memref_slice %arg4[%add3A_15, %dma_start3A_24] : memref<2560x128xi32, #tpu.memory_space<hbm>> -> memref<1x128xi32, #tpu.memory_space<hbm>>
    tpu.enqueue_dma source(%dma_start3A_25 : memref<1x128xi32, #tpu.memory_space<hbm>>) target(%dma_start3A_23 : memref<1x128xi32, #tpu.memory_space<vmem>>) target_semaphore(%arg20 : memref<!tpu.dma_semaphore, #tpu.memory_space<semaphore_mem>>)
    %add3A_26 = arith.constant 1 : i32
    %add3A_27 = arith.addi %mul3A_2, %add3A_26 : i32
    %dma_start3A_28 = arith.constant 1 : i32
    %dma_start3A_29 = arith.constant 0 : i32
    %dma_start3A_30 = tpu.memref_slice %arg10[%dma_start3A_28, %dma_start3A_29] : memref<3x128xi32, #tpu.memory_space<vmem>> -> memref<1x128xi32, #tpu.memory_space<vmem>>
    %dma_start3A_31 = arith.constant 0 : i32
    %dma_start3A_32 = tpu.memref_slice %arg3[%add3A_27, %dma_start3A_31] : memref<2560x128xi32, #tpu.memory_space<hbm>> -> memref<1x128xi32, #tpu.memory_space<hbm>>
    %dma_start3A_33 = arith.constant 1 : i32
    %dma_start3A_34 = arith.constant 0 : i32
    %dma_start3A_35 = tpu.memref_slice %arg10[%dma_start3A_33, %dma_start3A_34] : memref<3x128xi32, #tpu.memory_space<vmem>> -> memref<1x128xi32, #tpu.memory_space<vmem>>
    %dma_start3A_36 = arith.constant 0 : i32
    %dma_start3A_37 = tpu.memref_slice %arg3[%add3A_27, %dma_start3A_36] : memref<2560x128xi32, #tpu.memory_space<hbm>> -> memref<1x128xi32, #tpu.memory_space<hbm>>
    tpu.enqueue_dma source(%dma_start3A_37 : memref<1x128xi32, #tpu.memory_space<hbm>>) target(%dma_start3A_35 : memref<1x128xi32, #tpu.memory_space<vmem>>) target_semaphore(%arg20 : memref<!tpu.dma_semaphore, #tpu.memory_space<semaphore_mem>>)
    %add3A_38 = arith.constant 1 : i32
    %add3A_39 = arith.addi %mul3A_2, %add3A_38 : i32
    %dma_start3A_40 = arith.constant 1 : i32
    %dma_start3A_41 = arith.constant 0 : i32
    %dma_start3A_42 = tpu.memref_slice %arg11[%dma_start3A_40, %dma_start3A_41] : memref<3x128xi32, #tpu.memory_space<vmem>> -> memref<1x128xi32, #tpu.memory_space<vmem>>
    %dma_start3A_43 = arith.constant 0 : i32
    %dma_start3A_44 = tpu.memref_slice %arg4[%add3A_39, %dma_start3A_43] : memref<2560x128xi32, #tpu.memory_space<hbm>> -> memref<1x128xi32, #tpu.memory_space<hbm>>
    %dma_start3A_45 = arith.constant 1 : i32
    %dma_start3A_46 = arith.constant 0 : i32
    %dma_start3A_47 = tpu.memref_slice %arg11[%dma_start3A_45, %dma_start3A_46] : memref<3x128xi32, #tpu.memory_space<vmem>> -> memref<1x128xi32, #tpu.memory_space<vmem>>
    %dma_start3A_48 = arith.constant 0 : i32
    %dma_start3A_49 = tpu.memref_slice %arg4[%add3A_39, %dma_start3A_48] : memref<2560x128xi32, #tpu.memory_space<hbm>> -> memref<1x128xi32, #tpu.memory_space<hbm>>
    tpu.enqueue_dma source(%dma_start3A_49 : memref<1x128xi32, #tpu.memory_space<hbm>>) target(%dma_start3A_47 : memref<1x128xi32, #tpu.memory_space<vmem>>) target_semaphore(%arg20 : memref<!tpu.dma_semaphore, #tpu.memory_space<semaphore_mem>>)
    %mul3A_50 = arith.constant 640 : i32
    %mul3A_51 = arith.muli %arg1, %mul3A_50 : i32
    "tpu.region"() ({
      %run_scoped3A = tpu.sem_alloc : memref<!tpu.dma_semaphore, #tpu.memory_space<semaphore_mem>>
      %dma_start3A_136 = arith.constant 0 : i32
      %dma_start3A_137 = tpu.memref_slice %arg14[%mul3A_51, %dma_start3A_136] : memref<10240x128xf32, #tpu.memory_space<vmem_shared>> -> memref<640x128xf32, #tpu.memory_space<vmem_shared>>
      tpu.enqueue_dma source(%arg6 : memref<640x128xf32, #tpu.memory_space<hbm>>) target(%dma_start3A_137 : memref<640x128xf32, #tpu.memory_space<vmem_shared>>) target_semaphore(%run_scoped3A : memref<!tpu.dma_semaphore, #tpu.memory_space<semaphore_mem>>)
      %dma_wait3A_138 = arith.constant 0 : i32
      %dma_wait3A_139 = tpu.memref_slice %arg14[%mul3A_51, %dma_wait3A_138] : memref<10240x128xf32, #tpu.memory_space<vmem_shared>> -> memref<640x128xf32, #tpu.memory_space<vmem_shared>>
      tpu.wait_dma2 semaphore(%run_scoped3A : memref<!tpu.dma_semaphore, #tpu.memory_space<semaphore_mem>>) src(%arg6 : memref<640x128xf32, #tpu.memory_space<hbm>>) dst(%dma_wait3A_139 : memref<640x128xf32, #tpu.memory_space<vmem_shared>>)
      tpu.yield
    }) : () -> ()
    %mul3A_52 = arith.constant 640 : i32
    %mul3A_53 = arith.muli %arg1, %mul3A_52 : i32
    "tpu.region"() ({
      %run_scoped3A = tpu.sem_alloc : memref<!tpu.dma_semaphore, #tpu.memory_space<semaphore_mem>>
      %dma_start3A_136 = tpu.memref_slice %arg15[%mul3A_53] : memref<10240xf32, #tpu.memory_space<vmem_shared>> -> memref<640xf32, #tpu.memory_space<vmem_shared>>
      tpu.enqueue_dma source(%arg7 : memref<640xf32, #tpu.memory_space<hbm>>) target(%dma_start3A_136 : memref<640xf32, #tpu.memory_space<vmem_shared>>) target_semaphore(%run_scoped3A : memref<!tpu.dma_semaphore, #tpu.memory_space<semaphore_mem>>)
      %dma_wait3A_137 = tpu.memref_slice %arg15[%mul3A_53] : memref<10240xf32, #tpu.memory_space<vmem_shared>> -> memref<640xf32, #tpu.memory_space<vmem_shared>>
      tpu.wait_dma2 semaphore(%run_scoped3A : memref<!tpu.dma_semaphore, #tpu.memory_space<semaphore_mem>>) src(%arg7 : memref<640xf32, #tpu.memory_space<hbm>>) dst(%dma_wait3A_137 : memref<640xf32, #tpu.memory_space<vmem_shared>>)
      tpu.yield
    }) : () -> ()
    %barrier3A = arith.constant 0 : index
    tpu.barrier barrier_id(%barrier3A)
    %add3A_54 = arith.constant 0 : i32
    %add3A_55 = arith.addi %mul3A_2, %add3A_54 : i32
    %dma_wait3A = arith.constant 0 : i32
    %dma_wait3A_56 = arith.constant 0 : i32
    %dma_wait3A_57 = tpu.memref_slice %arg10[%dma_wait3A, %dma_wait3A_56] : memref<3x128xi32, #tpu.memory_space<vmem>> -> memref<1x128xi32, #tpu.memory_space<vmem>>
    %dma_wait3A_58 = arith.constant 0 : i32
    %dma_wait3A_59 = tpu.memref_slice %arg3[%add3A_55, %dma_wait3A_58] : memref<2560x128xi32, #tpu.memory_space<hbm>> -> memref<1x128xi32, #tpu.memory_space<hbm>>
    %dma_wait3A_60 = arith.constant 0 : i32
    %dma_wait3A_61 = arith.constant 0 : i32
    %dma_wait3A_62 = tpu.memref_slice %arg10[%dma_wait3A_60, %dma_wait3A_61] : memref<3x128xi32, #tpu.memory_space<vmem>> -> memref<1x128xi32, #tpu.memory_space<vmem>>
    %dma_wait3A_63 = arith.constant 0 : i32
    %dma_wait3A_64 = tpu.memref_slice %arg3[%add3A_55, %dma_wait3A_63] : memref<2560x128xi32, #tpu.memory_space<hbm>> -> memref<1x128xi32, #tpu.memory_space<hbm>>
    tpu.wait_dma2 semaphore(%arg20 : memref<!tpu.dma_semaphore, #tpu.memory_space<semaphore_mem>>) src(%dma_wait3A_64 : memref<1x128xi32, #tpu.memory_space<hbm>>) dst(%dma_wait3A_62 : memref<1x128xi32, #tpu.memory_space<vmem>>)
    %add3A_65 = arith.constant 0 : i32
    %add3A_66 = arith.addi %mul3A_2, %add3A_65 : i32
    %dma_wait3A_67 = arith.constant 0 : i32
    %dma_wait3A_68 = arith.constant 0 : i32
    %dma_wait3A_69 = tpu.memref_slice %arg11[%dma_wait3A_67, %dma_wait3A_68] : memref<3x128xi32, #tpu.memory_space<vmem>> -> memref<1x128xi32, #tpu.memory_space<vmem>>
    %dma_wait3A_70 = arith.constant 0 : i32
    %dma_wait3A_71 = tpu.memref_slice %arg4[%add3A_66, %dma_wait3A_70] : memref<2560x128xi32, #tpu.memory_space<hbm>> -> memref<1x128xi32, #tpu.memory_space<hbm>>
    %dma_wait3A_72 = arith.constant 0 : i32
    %dma_wait3A_73 = arith.constant 0 : i32
    %dma_wait3A_74 = tpu.memref_slice %arg11[%dma_wait3A_72, %dma_wait3A_73] : memref<3x128xi32, #tpu.memory_space<vmem>> -> memref<1x128xi32, #tpu.memory_space<vmem>>
    %dma_wait3A_75 = arith.constant 0 : i32
    %dma_wait3A_76 = tpu.memref_slice %arg4[%add3A_66, %dma_wait3A_75] : memref<2560x128xi32, #tpu.memory_space<hbm>> -> memref<1x128xi32, #tpu.memory_space<hbm>>
    tpu.wait_dma2 semaphore(%arg20 : memref<!tpu.dma_semaphore, #tpu.memory_space<semaphore_mem>>) src(%dma_wait3A_76 : memref<1x128xi32, #tpu.memory_space<hbm>>) dst(%dma_wait3A_74 : memref<1x128xi32, #tpu.memory_space<vmem>>)
    %dma_start3A_77 = arith.constant 0 : i32
    %dma_start3A_78 = arith.constant 0 : i32
    %dma_start3A_79 = arith.constant 0 : i32
    %dma_start3A_80 = arith.constant 0 : i32
    %dma_start3A_81 = tpu.memref_slice %arg13[%dma_start3A_78, %dma_start3A_79, %dma_start3A_80] : memref<2x128x128xf32, #tpu.memory_space<vmem>> -> memref<1x128x128xf32, #tpu.memory_space<vmem>>
    %dma_start3A_82 = tpu.memref_squeeze %dma_start3A_81 : memref<1x128x128xf32, #tpu.memory_space<vmem>> -> memref<128x128xf32, #tpu.memory_space<vmem>>
    %dma_start3A_83 = arith.constant 0 : i32
    %dma_start3A_84 = tpu.memref_slice %arg10[%dma_start3A_77, %dma_start3A_83] : memref<3x128xi32, #tpu.memory_space<vmem>> -> memref<1x128xi32, #tpu.memory_space<vmem>>
    %dma_start3A_85 = tpu.memref_squeeze %dma_start3A_84 : memref<1x128xi32, #tpu.memory_space<vmem>> -> memref<128xi32, #tpu.memory_space<vmem>>
    %dma_start3A_86 = arith.constant 0 : i32
    %dma_start3A_87 = arith.constant 0 : i32
    %dma_start3A_88 = tpu.memref_slice %arg2[%dma_start3A_86, %dma_start3A_87] : memref<10000x128xf32, #tpu.memory_space<hbm>> -> memref<10000x128xf32, #tpu.memory_space<hbm>>
    tpu.enqueue_indirect_dma source(%dma_start3A_88 : memref<10000x128xf32, #tpu.memory_space<hbm>>) target(%dma_start3A_82 : memref<128x128xf32, #tpu.memory_space<vmem>>) offsets(%dma_start3A_85 : memref<128xi32, #tpu.memory_space<vmem>>) semaphore(%arg16 : memref<!tpu.dma_semaphore, #tpu.memory_space<semaphore_mem>>)
    %dma_start3A_89 = arith.constant 0 : i32
    %dma_start3A_90 = arith.constant 0 : i32
    %dma_start3A_91 = arith.constant 0 : i32
    %dma_start3A_92 = tpu.memref_slice %arg12[%dma_start3A_90, %dma_start3A_91] : memref<2x128xf32, #tpu.memory_space<vmem>> -> memref<1x128xf32, #tpu.memory_space<vmem>>
    %dma_start3A_93 = tpu.memref_squeeze %dma_start3A_92 : memref<1x128xf32, #tpu.memory_space<vmem>> -> memref<128xf32, #tpu.memory_space<vmem>>
    %dma_start3A_94 = arith.constant 0 : i32
    %dma_start3A_95 = tpu.memref_slice %arg10[%dma_start3A_89, %dma_start3A_94] : memref<3x128xi32, #tpu.memory_space<vmem>> -> memref<1x128xi32, #tpu.memory_space<vmem>>
    %dma_start3A_96 = tpu.memref_squeeze %dma_start3A_95 : memref<1x128xi32, #tpu.memory_space<vmem>> -> memref<128xi32, #tpu.memory_space<vmem>>
    %dma_start3A_97 = arith.constant 0 : i32
    %dma_start3A_98 = tpu.memref_slice %arg5[%dma_start3A_97] : memref<10000xf32, #tpu.memory_space<hbm>> -> memref<10000xf32, #tpu.memory_space<hbm>>
    tpu.enqueue_indirect_dma source(%dma_start3A_98 : memref<10000xf32, #tpu.memory_space<hbm>>) target(%dma_start3A_93 : memref<128xf32, #tpu.memory_space<vmem>>) offsets(%dma_start3A_96 : memref<128xi32, #tpu.memory_space<vmem>>) semaphore(%arg17 : memref<!tpu.dma_semaphore, #tpu.memory_space<semaphore_mem>>)
    %scan3A = arith.constant 0 : i32
    %scan3A_99 = arith.constant 0 : i32
    %scan3A_100 = arith.constant 80 : i32
    %scan3A_101 = arith.addi %scan3A_99, %scan3A_100 : i32
    %scan3A_102 = arith.constant 1 : i32
    scf.for %scan3A_136 = %scan3A_99 to %scan3A_101 step %scan3A_102  : i32 {
      %rem3A_137 = arith.constant 2 : i32
      %rem3A_138 = arith.remsi %scan3A_136, %rem3A_137 : i32
      %sub3A = arith.constant 1 : i32
      %sub3A_139 = arith.subi %sub3A, %rem3A_138 : i32
      %rem3A_140 = arith.constant 3 : i32
      %rem3A_141 = arith.remsi %scan3A_136, %rem3A_140 : i32
      %add3A_142 = arith.constant 1 : i32
      %add3A_143 = arith.addi %scan3A_136, %add3A_142 : i32
      %rem3A_144 = arith.constant 3 : i32
      %rem3A_145 = arith.remsi %add3A_143, %rem3A_144 : i32
      %add3A_146 = arith.constant 2 : i32
      %add3A_147 = arith.addi %scan3A_136, %add3A_146 : i32
      %rem3A_148 = arith.constant 3 : i32
      %rem3A_149 = arith.remsi %add3A_147, %rem3A_148 : i32
      %ge3A = arith.constant 1 : i32
      %ge3A_150 = arith.cmpi sge, %scan3A_136, %ge3A : i32
      %convert_element_type3A = arith.extui %ge3A_150 : i1 to i32
      %cond3A = arith.constant 0 : i32
      %cond3A_151 = arith.cmpi ne, %convert_element_type3A, %cond3A : i32
      scf.if %cond3A_151 {
        %sub3A_201 = arith.constant 1 : i32
        %sub3A_202 = arith.subi %scan3A_136, %sub3A_201 : i32
        %rem3A_203 = arith.constant 3 : i32
        %rem3A_204 = arith.remsi %sub3A_202, %rem3A_203 : i32
        %dma_wait3A_205 = arith.constant 0 : i32
        %dma_wait3A_206 = arith.constant 0 : i32
        %dma_wait3A_207 = tpu.memref_slice %arg13[%sub3A_139, %dma_wait3A_205, %dma_wait3A_206] : memref<2x128x128xf32, #tpu.memory_space<vmem>> -> memref<1x128x128xf32, #tpu.memory_space<vmem>>
        %dma_wait3A_208 = tpu.memref_squeeze %dma_wait3A_207 : memref<1x128x128xf32, #tpu.memory_space<vmem>> -> memref<128x128xf32, #tpu.memory_space<vmem>>
        %dma_wait3A_209 = arith.constant 0 : i32
        %dma_wait3A_210 = tpu.memref_slice %arg11[%rem3A_204, %dma_wait3A_209] : memref<3x128xi32, #tpu.memory_space<vmem>> -> memref<1x128xi32, #tpu.memory_space<vmem>>
        %dma_wait3A_211 = tpu.memref_squeeze %dma_wait3A_210 : memref<1x128xi32, #tpu.memory_space<vmem>> -> memref<128xi32, #tpu.memory_space<vmem>>
        %dma_wait3A_212 = arith.constant 0 : i32
        %dma_wait3A_213 = arith.constant 0 : i32
        %dma_wait3A_214 = tpu.memref_slice %arg14[%dma_wait3A_212, %dma_wait3A_213] : memref<10240x128xf32, #tpu.memory_space<vmem_shared>> -> memref<10240x128xf32, #tpu.memory_space<vmem_shared>>
        tpu.wait_indirect_dma semaphore(%arg18 : memref<!tpu.dma_semaphore, #tpu.memory_space<semaphore_mem>>) src(%dma_wait3A_208 : memref<128x128xf32, #tpu.memory_space<vmem>>) dst(%dma_wait3A_214 : memref<10240x128xf32, #tpu.memory_space<vmem_shared>>)
        %dma_wait3A_215 = arith.constant 0 : i32
        %dma_wait3A_216 = tpu.memref_slice %arg12[%sub3A_139, %dma_wait3A_215] : memref<2x128xf32, #tpu.memory_space<vmem>> -> memref<1x128xf32, #tpu.memory_space<vmem>>
        %dma_wait3A_217 = tpu.memref_squeeze %dma_wait3A_216 : memref<1x128xf32, #tpu.memory_space<vmem>> -> memref<128xf32, #tpu.memory_space<vmem>>
        %dma_wait3A_218 = arith.constant 0 : i32
        %dma_wait3A_219 = tpu.memref_slice %arg11[%rem3A_204, %dma_wait3A_218] : memref<3x128xi32, #tpu.memory_space<vmem>> -> memref<1x128xi32, #tpu.memory_space<vmem>>
        %dma_wait3A_220 = tpu.memref_squeeze %dma_wait3A_219 : memref<1x128xi32, #tpu.memory_space<vmem>> -> memref<128xi32, #tpu.memory_space<vmem>>
        %dma_wait3A_221 = arith.constant 0 : i32
        %dma_wait3A_222 = tpu.memref_slice %arg15[%dma_wait3A_221] : memref<10240xf32, #tpu.memory_space<vmem_shared>> -> memref<10240xf32, #tpu.memory_space<vmem_shared>>
        tpu.wait_indirect_dma semaphore(%arg19 : memref<!tpu.dma_semaphore, #tpu.memory_space<semaphore_mem>>) src(%dma_wait3A_217 : memref<128xf32, #tpu.memory_space<vmem>>) dst(%dma_wait3A_222 : memref<10240xf32, #tpu.memory_space<vmem_shared>>)
      } else {
      }
      %add3A_152 = arith.constant 2 : i32
      %add3A_153 = arith.addi %scan3A_136, %add3A_152 : i32
      %lt3A = arith.constant 80 : i32
      %lt3A_154 = arith.cmpi slt, %add3A_153, %lt3A : i32
      %convert_element_type3A_155 = arith.extui %lt3A_154 : i1 to i32
      %cond3A_156 = arith.constant 0 : i32
      %cond3A_157 = arith.cmpi ne, %convert_element_type3A_155, %cond3A_156 : i32
      scf.if %cond3A_157 {
        %add3A_201 = arith.constant 2 : i32
        %add3A_202 = arith.addi %scan3A_136, %add3A_201 : i32
        %add3A_203 = arith.addi %mul3A_2, %add3A_202 : i32
        %dma_start3A_204 = arith.constant 0 : i32
        %dma_start3A_205 = tpu.memref_slice %arg10[%rem3A_149, %dma_start3A_204] : memref<3x128xi32, #tpu.memory_space<vmem>> -> memref<1x128xi32, #tpu.memory_space<vmem>>
        %dma_start3A_206 = arith.constant 0 : i32
        %dma_start3A_207 = tpu.memref_slice %arg3[%add3A_203, %dma_start3A_206] : memref<2560x128xi32, #tpu.memory_space<hbm>> -> memref<1x128xi32, #tpu.memory_space<hbm>>
        %dma_start3A_208 = arith.constant 0 : i32
        %dma_start3A_209 = tpu.memref_slice %arg10[%rem3A_149, %dma_start3A_208] : memref<3x128xi32, #tpu.memory_space<vmem>> -> memref<1x128xi32, #tpu.memory_space<vmem>>
        %dma_start3A_210 = arith.constant 0 : i32
        %dma_start3A_211 = tpu.memref_slice %arg3[%add3A_203, %dma_start3A_210] : memref<2560x128xi32, #tpu.memory_space<hbm>> -> memref<1x128xi32, #tpu.memory_space<hbm>>
        tpu.enqueue_dma source(%dma_start3A_211 : memref<1x128xi32, #tpu.memory_space<hbm>>) target(%dma_start3A_209 : memref<1x128xi32, #tpu.memory_space<vmem>>) target_semaphore(%arg20 : memref<!tpu.dma_semaphore, #tpu.memory_space<semaphore_mem>>)
        %add3A_212 = arith.addi %mul3A_2, %add3A_202 : i32
        %dma_start3A_213 = arith.constant 0 : i32
        %dma_start3A_214 = tpu.memref_slice %arg11[%rem3A_149, %dma_start3A_213] : memref<3x128xi32, #tpu.memory_space<vmem>> -> memref<1x128xi32, #tpu.memory_space<vmem>>
        %dma_start3A_215 = arith.constant 0 : i32
        %dma_start3A_216 = tpu.memref_slice %arg4[%add3A_212, %dma_start3A_215] : memref<2560x128xi32, #tpu.memory_space<hbm>> -> memref<1x128xi32, #tpu.memory_space<hbm>>
        %dma_start3A_217 = arith.constant 0 : i32
        %dma_start3A_218 = tpu.memref_slice %arg11[%rem3A_149, %dma_start3A_217] : memref<3x128xi32, #tpu.memory_space<vmem>> -> memref<1x128xi32, #tpu.memory_space<vmem>>
        %dma_start3A_219 = arith.constant 0 : i32
        %dma_start3A_220 = tpu.memref_slice %arg4[%add3A_212, %dma_start3A_219] : memref<2560x128xi32, #tpu.memory_space<hbm>> -> memref<1x128xi32, #tpu.memory_space<hbm>>
        tpu.enqueue_dma source(%dma_start3A_220 : memref<1x128xi32, #tpu.memory_space<hbm>>) target(%dma_start3A_218 : memref<1x128xi32, #tpu.memory_space<vmem>>) target_semaphore(%arg20 : memref<!tpu.dma_semaphore, #tpu.memory_space<semaphore_mem>>)
      } else {
      }
      %add3A_158 = arith.constant 1 : i32
      %add3A_159 = arith.addi %scan3A_136, %add3A_158 : i32
      %lt3A_160 = arith.constant 80 : i32
      %lt3A_161 = arith.cmpi slt, %add3A_159, %lt3A_160 : i32
      %convert_element_type3A_162 = arith.extui %lt3A_161 : i1 to i32
      %cond3A_163 = arith.constant 0 : i32
      %cond3A_164 = arith.cmpi ne, %convert_element_type3A_162, %cond3A_163 : i32
      scf.if %cond3A_164 {
        %add3A_201 = arith.constant 1 : i32
        %add3A_202 = arith.addi %scan3A_136, %add3A_201 : i32
        %add3A_203 = arith.addi %mul3A_2, %add3A_202 : i32
        %dma_wait3A_204 = arith.constant 0 : i32
        %dma_wait3A_205 = tpu.memref_slice %arg10[%rem3A_145, %dma_wait3A_204] : memref<3x128xi32, #tpu.memory_space<vmem>> -> memref<1x128xi32, #tpu.memory_space<vmem>>
        %dma_wait3A_206 = arith.constant 0 : i32
        %dma_wait3A_207 = tpu.memref_slice %arg3[%add3A_203, %dma_wait3A_206] : memref<2560x128xi32, #tpu.memory_space<hbm>> -> memref<1x128xi32, #tpu.memory_space<hbm>>
        %dma_wait3A_208 = arith.constant 0 : i32
        %dma_wait3A_209 = tpu.memref_slice %arg10[%rem3A_145, %dma_wait3A_208] : memref<3x128xi32, #tpu.memory_space<vmem>> -> memref<1x128xi32, #tpu.memory_space<vmem>>
        %dma_wait3A_210 = arith.constant 0 : i32
        %dma_wait3A_211 = tpu.memref_slice %arg3[%add3A_203, %dma_wait3A_210] : memref<2560x128xi32, #tpu.memory_space<hbm>> -> memref<1x128xi32, #tpu.memory_space<hbm>>
        tpu.wait_dma2 semaphore(%arg20 : memref<!tpu.dma_semaphore, #tpu.memory_space<semaphore_mem>>) src(%dma_wait3A_211 : memref<1x128xi32, #tpu.memory_space<hbm>>) dst(%dma_wait3A_209 : memref<1x128xi32, #tpu.memory_space<vmem>>)
        %add3A_212 = arith.addi %mul3A_2, %add3A_202 : i32
        %dma_wait3A_213 = arith.constant 0 : i32
        %dma_wait3A_214 = tpu.memref_slice %arg11[%rem3A_145, %dma_wait3A_213] : memref<3x128xi32, #tpu.memory_space<vmem>> -> memref<1x128xi32, #tpu.memory_space<vmem>>
        %dma_wait3A_215 = arith.constant 0 : i32
        %dma_wait3A_216 = tpu.memref_slice %arg4[%add3A_212, %dma_wait3A_215] : memref<2560x128xi32, #tpu.memory_space<hbm>> -> memref<1x128xi32, #tpu.memory_space<hbm>>
        %dma_wait3A_217 = arith.constant 0 : i32
        %dma_wait3A_218 = tpu.memref_slice %arg11[%rem3A_145, %dma_wait3A_217] : memref<3x128xi32, #tpu.memory_space<vmem>> -> memref<1x128xi32, #tpu.memory_space<vmem>>
        %dma_wait3A_219 = arith.constant 0 : i32
        %dma_wait3A_220 = tpu.memref_slice %arg4[%add3A_212, %dma_wait3A_219] : memref<2560x128xi32, #tpu.memory_space<hbm>> -> memref<1x128xi32, #tpu.memory_space<hbm>>
        tpu.wait_dma2 semaphore(%arg20 : memref<!tpu.dma_semaphore, #tpu.memory_space<semaphore_mem>>) src(%dma_wait3A_220 : memref<1x128xi32, #tpu.memory_space<hbm>>) dst(%dma_wait3A_218 : memref<1x128xi32, #tpu.memory_space<vmem>>)
        %dma_start3A_221 = arith.constant 0 : i32
        %dma_start3A_222 = arith.constant 0 : i32
        %dma_start3A_223 = tpu.memref_slice %arg13[%sub3A_139, %dma_start3A_221, %dma_start3A_222] : memref<2x128x128xf32, #tpu.memory_space<vmem>> -> memref<1x128x128xf32, #tpu.memory_space<vmem>>
        %dma_start3A_224 = tpu.memref_squeeze %dma_start3A_223 : memref<1x128x128xf32, #tpu.memory_space<vmem>> -> memref<128x128xf32, #tpu.memory_space<vmem>>
        %dma_start3A_225 = arith.constant 0 : i32
        %dma_start3A_226 = tpu.memref_slice %arg10[%rem3A_145, %dma_start3A_225] : memref<3x128xi32, #tpu.memory_space<vmem>> -> memref<1x128xi32, #tpu.memory_space<vmem>>
        %dma_start3A_227 = tpu.memref_squeeze %dma_start3A_226 : memref<1x128xi32, #tpu.memory_space<vmem>> -> memref<128xi32, #tpu.memory_space<vmem>>
        %dma_start3A_228 = arith.constant 0 : i32
        %dma_start3A_229 = arith.constant 0 : i32
        %dma_start3A_230 = tpu.memref_slice %arg2[%dma_start3A_228, %dma_start3A_229] : memref<10000x128xf32, #tpu.memory_space<hbm>> -> memref<10000x128xf32, #tpu.memory_space<hbm>>
        tpu.enqueue_indirect_dma source(%dma_start3A_230 : memref<10000x128xf32, #tpu.memory_space<hbm>>) target(%dma_start3A_224 : memref<128x128xf32, #tpu.memory_space<vmem>>) offsets(%dma_start3A_227 : memref<128xi32, #tpu.memory_space<vmem>>) semaphore(%arg16 : memref<!tpu.dma_semaphore, #tpu.memory_space<semaphore_mem>>)
        %dma_start3A_231 = arith.constant 0 : i32
        %dma_start3A_232 = tpu.memref_slice %arg12[%sub3A_139, %dma_start3A_231] : memref<2x128xf32, #tpu.memory_space<vmem>> -> memref<1x128xf32, #tpu.memory_space<vmem>>
        %dma_start3A_233 = tpu.memref_squeeze %dma_start3A_232 : memref<1x128xf32, #tpu.memory_space<vmem>> -> memref<128xf32, #tpu.memory_space<vmem>>
        %dma_start3A_234 = arith.constant 0 : i32
        %dma_start3A_235 = tpu.memref_slice %arg10[%rem3A_145, %dma_start3A_234] : memref<3x128xi32, #tpu.memory_space<vmem>> -> memref<1x128xi32, #tpu.memory_space<vmem>>
        %dma_start3A_236 = tpu.memref_squeeze %dma_start3A_235 : memref<1x128xi32, #tpu.memory_space<vmem>> -> memref<128xi32, #tpu.memory_space<vmem>>
        %dma_start3A_237 = arith.constant 0 : i32
        %dma_start3A_238 = tpu.memref_slice %arg5[%dma_start3A_237] : memref<10000xf32, #tpu.memory_space<hbm>> -> memref<10000xf32, #tpu.memory_space<hbm>>
        tpu.enqueue_indirect_dma source(%dma_start3A_238 : memref<10000xf32, #tpu.memory_space<hbm>>) target(%dma_start3A_233 : memref<128xf32, #tpu.memory_space<vmem>>) offsets(%dma_start3A_236 : memref<128xi32, #tpu.memory_space<vmem>>) semaphore(%arg17 : memref<!tpu.dma_semaphore, #tpu.memory_space<semaphore_mem>>)
      } else {
      }
      %dma_wait3A_165 = arith.constant 0 : i32
      %dma_wait3A_166 = arith.constant 0 : i32
      %dma_wait3A_167 = tpu.memref_slice %arg13[%rem3A_138, %dma_wait3A_165, %dma_wait3A_166] : memref<2x128x128xf32, #tpu.memory_space<vmem>> -> memref<1x128x128xf32, #tpu.memory_space<vmem>>
      %dma_wait3A_168 = tpu.memref_squeeze %dma_wait3A_167 : memref<1x128x128xf32, #tpu.memory_space<vmem>> -> memref<128x128xf32, #tpu.memory_space<vmem>>
      %dma_wait3A_169 = arith.constant 0 : i32
      %dma_wait3A_170 = tpu.memref_slice %arg10[%rem3A_141, %dma_wait3A_169] : memref<3x128xi32, #tpu.memory_space<vmem>> -> memref<1x128xi32, #tpu.memory_space<vmem>>
      %dma_wait3A_171 = tpu.memref_squeeze %dma_wait3A_170 : memref<1x128xi32, #tpu.memory_space<vmem>> -> memref<128xi32, #tpu.memory_space<vmem>>
      %dma_wait3A_172 = arith.constant 0 : i32
      %dma_wait3A_173 = arith.constant 0 : i32
      %dma_wait3A_174 = tpu.memref_slice %arg2[%dma_wait3A_172, %dma_wait3A_173] : memref<10000x128xf32, #tpu.memory_space<hbm>> -> memref<10000x128xf32, #tpu.memory_space<hbm>>
      tpu.wait_indirect_dma semaphore(%arg16 : memref<!tpu.dma_semaphore, #tpu.memory_space<semaphore_mem>>) src(%dma_wait3A_174 : memref<10000x128xf32, #tpu.memory_space<hbm>>) dst(%dma_wait3A_168 : memref<128x128xf32, #tpu.memory_space<vmem>>)
      %dma_wait3A_175 = arith.constant 0 : i32
      %dma_wait3A_176 = tpu.memref_slice %arg12[%rem3A_138, %dma_wait3A_175] : memref<2x128xf32, #tpu.memory_space<vmem>> -> memref<1x128xf32, #tpu.memory_space<vmem>>
      %dma_wait3A_177 = tpu.memref_squeeze %dma_wait3A_176 : memref<1x128xf32, #tpu.memory_space<vmem>> -> memref<128xf32, #tpu.memory_space<vmem>>
      %dma_wait3A_178 = arith.constant 0 : i32
      %dma_wait3A_179 = tpu.memref_slice %arg10[%rem3A_141, %dma_wait3A_178] : memref<3x128xi32, #tpu.memory_space<vmem>> -> memref<1x128xi32, #tpu.memory_space<vmem>>
      %dma_wait3A_180 = tpu.memref_squeeze %dma_wait3A_179 : memref<1x128xi32, #tpu.memory_space<vmem>> -> memref<128xi32, #tpu.memory_space<vmem>>
      %dma_wait3A_181 = arith.constant 0 : i32
      %dma_wait3A_182 = tpu.memref_slice %arg5[%dma_wait3A_181] : memref<10000xf32, #tpu.memory_space<hbm>> -> memref<10000xf32, #tpu.memory_space<hbm>>
      tpu.wait_indirect_dma semaphore(%arg17 : memref<!tpu.dma_semaphore, #tpu.memory_space<semaphore_mem>>) src(%dma_wait3A_182 : memref<10000xf32, #tpu.memory_space<hbm>>) dst(%dma_wait3A_177 : memref<128xf32, #tpu.memory_space<vmem>>)
      %dma_start3A_183 = arith.constant 0 : i32
      %dma_start3A_184 = arith.constant 0 : i32
      %dma_start3A_185 = tpu.memref_slice %arg13[%rem3A_138, %dma_start3A_183, %dma_start3A_184] : memref<2x128x128xf32, #tpu.memory_space<vmem>> -> memref<1x128x128xf32, #tpu.memory_space<vmem>>
      %dma_start3A_186 = tpu.memref_squeeze %dma_start3A_185 : memref<1x128x128xf32, #tpu.memory_space<vmem>> -> memref<128x128xf32, #tpu.memory_space<vmem>>
      %dma_start3A_187 = arith.constant 0 : i32
      %dma_start3A_188 = tpu.memref_slice %arg11[%rem3A_141, %dma_start3A_187] : memref<3x128xi32, #tpu.memory_space<vmem>> -> memref<1x128xi32, #tpu.memory_space<vmem>>
      %dma_start3A_189 = tpu.memref_squeeze %dma_start3A_188 : memref<1x128xi32, #tpu.memory_space<vmem>> -> memref<128xi32, #tpu.memory_space<vmem>>
      %dma_start3A_190 = arith.constant 0 : i32
      %dma_start3A_191 = arith.constant 0 : i32
      %dma_start3A_192 = tpu.memref_slice %arg14[%dma_start3A_190, %dma_start3A_191] : memref<10240x128xf32, #tpu.memory_space<vmem_shared>> -> memref<10240x128xf32, #tpu.memory_space<vmem_shared>>
      tpu.enqueue_indirect_dma source(%dma_start3A_186 : memref<128x128xf32, #tpu.memory_space<vmem>>) target(%dma_start3A_192 : memref<10240x128xf32, #tpu.memory_space<vmem_shared>>) offsets(%dma_start3A_189 : memref<128xi32, #tpu.memory_space<vmem>>) semaphore(%arg18 : memref<!tpu.dma_semaphore, #tpu.memory_space<semaphore_mem>>) {add = true}
      %dma_start3A_193 = arith.constant 0 : i32
      %dma_start3A_194 = tpu.memref_slice %arg12[%rem3A_138, %dma_start3A_193] : memref<2x128xf32, #tpu.memory_space<vmem>> -> memref<1x128xf32, #tpu.memory_space<vmem>>
      %dma_start3A_195 = tpu.memref_squeeze %dma_start3A_194 : memref<1x128xf32, #tpu.memory_space<vmem>> -> memref<128xf32, #tpu.memory_space<vmem>>
      %dma_start3A_196 = arith.constant 0 : i32
      %dma_start3A_197 = tpu.memref_slice %arg11[%rem3A_141, %dma_start3A_196] : memref<3x128xi32, #tpu.memory_space<vmem>> -> memref<1x128xi32, #tpu.memory_space<vmem>>
      %dma_start3A_198 = tpu.memref_squeeze %dma_start3A_197 : memref<1x128xi32, #tpu.memory_space<vmem>> -> memref<128xi32, #tpu.memory_space<vmem>>
      %dma_start3A_199 = arith.constant 0 : i32
      %dma_start3A_200 = tpu.memref_slice %arg15[%dma_start3A_199] : memref<10240xf32, #tpu.memory_space<vmem_shared>> -> memref<10240xf32, #tpu.memory_space<vmem_shared>>
      tpu.enqueue_indirect_dma source(%dma_start3A_195 : memref<128xf32, #tpu.memory_space<vmem>>) target(%dma_start3A_200 : memref<10240xf32, #tpu.memory_space<vmem_shared>>) offsets(%dma_start3A_198 : memref<128xi32, #tpu.memory_space<vmem>>) semaphore(%arg19 : memref<!tpu.dma_semaphore, #tpu.memory_space<semaphore_mem>>) {add = true}
    }
    %scan3A_103 = arith.constant 80 : i32
    %rem3A = arith.constant 79 : i32
    %rem3A_104 = arith.constant 2 : i32
    %rem3A_105 = arith.remsi %rem3A, %rem3A_104 : i32
    %rem3A_106 = arith.constant 79 : i32
    %rem3A_107 = arith.constant 3 : i32
    %rem3A_108 = arith.remsi %rem3A_106, %rem3A_107 : i32
    %dma_wait3A_109 = arith.constant 0 : i32
    %dma_wait3A_110 = arith.constant 0 : i32
    %dma_wait3A_111 = tpu.memref_slice %arg13[%rem3A_105, %dma_wait3A_109, %dma_wait3A_110] : memref<2x128x128xf32, #tpu.memory_space<vmem>> -> memref<1x128x128xf32, #tpu.memory_space<vmem>>
    %dma_wait3A_112 = tpu.memref_squeeze %dma_wait3A_111 : memref<1x128x128xf32, #tpu.memory_space<vmem>> -> memref<128x128xf32, #tpu.memory_space<vmem>>
    %dma_wait3A_113 = arith.constant 0 : i32
    %dma_wait3A_114 = tpu.memref_slice %arg11[%rem3A_108, %dma_wait3A_113] : memref<3x128xi32, #tpu.memory_space<vmem>> -> memref<1x128xi32, #tpu.memory_space<vmem>>
    %dma_wait3A_115 = tpu.memref_squeeze %dma_wait3A_114 : memref<1x128xi32, #tpu.memory_space<vmem>> -> memref<128xi32, #tpu.memory_space<vmem>>
    %dma_wait3A_116 = arith.constant 0 : i32
    %dma_wait3A_117 = arith.constant 0 : i32
    %dma_wait3A_118 = tpu.memref_slice %arg14[%dma_wait3A_116, %dma_wait3A_117] : memref<10240x128xf32, #tpu.memory_space<vmem_shared>> -> memref<10240x128xf32, #tpu.memory_space<vmem_shared>>
    tpu.wait_indirect_dma semaphore(%arg18 : memref<!tpu.dma_semaphore, #tpu.memory_space<semaphore_mem>>) src(%dma_wait3A_112 : memref<128x128xf32, #tpu.memory_space<vmem>>) dst(%dma_wait3A_118 : memref<10240x128xf32, #tpu.memory_space<vmem_shared>>)
    %dma_wait3A_119 = arith.constant 0 : i32
    %dma_wait3A_120 = tpu.memref_slice %arg12[%rem3A_105, %dma_wait3A_119] : memref<2x128xf32, #tpu.memory_space<vmem>> -> memref<1x128xf32, #tpu.memory_space<vmem>>
    %dma_wait3A_121 = tpu.memref_squeeze %dma_wait3A_120 : memref<1x128xf32, #tpu.memory_space<vmem>> -> memref<128xf32, #tpu.memory_space<vmem>>
    %dma_wait3A_122 = arith.constant 0 : i32
    %dma_wait3A_123 = tpu.memref_slice %arg11[%rem3A_108, %dma_wait3A_122] : memref<3x128xi32, #tpu.memory_space<vmem>> -> memref<1x128xi32, #tpu.memory_space<vmem>>
    %dma_wait3A_124 = tpu.memref_squeeze %dma_wait3A_123 : memref<1x128xi32, #tpu.memory_space<vmem>> -> memref<128xi32, #tpu.memory_space<vmem>>
    %dma_wait3A_125 = arith.constant 0 : i32
    %dma_wait3A_126 = tpu.memref_slice %arg15[%dma_wait3A_125] : memref<10240xf32, #tpu.memory_space<vmem_shared>> -> memref<10240xf32, #tpu.memory_space<vmem_shared>>
    tpu.wait_indirect_dma semaphore(%arg19 : memref<!tpu.dma_semaphore, #tpu.memory_space<semaphore_mem>>) src(%dma_wait3A_121 : memref<128xf32, #tpu.memory_space<vmem>>) dst(%dma_wait3A_126 : memref<10240xf32, #tpu.memory_space<vmem_shared>>)
    %barrier3A_127 = arith.constant 0 : index
    tpu.barrier barrier_id(%barrier3A_127)
    %mul3A_128 = arith.constant 640 : i32
    %mul3A_129 = arith.muli %arg1, %mul3A_128 : i32
    %mul3A_130 = arith.constant 640 : i32
    %mul3A_131 = arith.muli %arg1, %mul3A_130 : i32
    "tpu.region"() ({
      %run_scoped3A = tpu.sem_alloc : memref<!tpu.dma_semaphore, #tpu.memory_space<semaphore_mem>>
      %dma_start3A_136 = arith.constant 0 : i32
      %dma_start3A_137 = tpu.memref_slice %arg8[%arg0, %mul3A_131, %dma_start3A_136] : memref<2x10240x128xf32, #tpu.memory_space<hbm>> -> memref<1x640x128xf32, #tpu.memory_space<hbm>>
      %dma_start3A_138 = tpu.memref_squeeze %dma_start3A_137 : memref<1x640x128xf32, #tpu.memory_space<hbm>> -> memref<640x128xf32, #tpu.memory_space<hbm>>
      %dma_start3A_139 = arith.constant 0 : i32
      %dma_start3A_140 = tpu.memref_slice %arg14[%mul3A_129, %dma_start3A_139] : memref<10240x128xf32, #tpu.memory_space<vmem_shared>> -> memref<640x128xf32, #tpu.memory_space<vmem_shared>>
      tpu.enqueue_dma source(%dma_start3A_140 : memref<640x128xf32, #tpu.memory_space<vmem_shared>>) target(%dma_start3A_138 : memref<640x128xf32, #tpu.memory_space<hbm>>) target_semaphore(%run_scoped3A : memref<!tpu.dma_semaphore, #tpu.memory_space<semaphore_mem>>)
      %dma_wait3A_141 = arith.constant 0 : i32
      %dma_wait3A_142 = tpu.memref_slice %arg8[%arg0, %mul3A_131, %dma_wait3A_141] : memref<2x10240x128xf32, #tpu.memory_space<hbm>> -> memref<1x640x128xf32, #tpu.memory_space<hbm>>
      %dma_wait3A_143 = tpu.memref_squeeze %dma_wait3A_142 : memref<1x640x128xf32, #tpu.memory_space<hbm>> -> memref<640x128xf32, #tpu.memory_space<hbm>>
      %dma_wait3A_144 = arith.constant 0 : i32
      %dma_wait3A_145 = tpu.memref_slice %arg14[%mul3A_129, %dma_wait3A_144] : memref<10240x128xf32, #tpu.memory_space<vmem_shared>> -> memref<640x128xf32, #tpu.memory_space<vmem_shared>>
      tpu.wait_dma2 semaphore(%run_scoped3A : memref<!tpu.dma_semaphore, #tpu.memory_space<semaphore_mem>>) src(%dma_wait3A_145 : memref<640x128xf32, #tpu.memory_space<vmem_shared>>) dst(%dma_wait3A_143 : memref<640x128xf32, #tpu.memory_space<hbm>>)
      tpu.yield
    }) : () -> ()
    %mul3A_132 = arith.constant 640 : i32
    %mul3A_133 = arith.muli %arg1, %mul3A_132 : i32
    %mul3A_134 = arith.constant 640 : i32
    %mul3A_135 = arith.muli %arg1, %mul3A_134 : i32
    "tpu.region"() ({
      %run_scoped3A = tpu.sem_alloc : memref<!tpu.dma_semaphore, #tpu.memory_space<semaphore_mem>>
      %dma_start3A_136 = tpu.memref_slice %arg9[%arg0, %mul3A_135] : memref<2x10240xf32, #tpu.memory_space<hbm>> -> memref<1x640xf32, #tpu.memory_space<hbm>>
      %dma_start3A_137 = tpu.memref_squeeze %dma_start3A_136 : memref<1x640xf32, #tpu.memory_space<hbm>> -> memref<640xf32, #tpu.memory_space<hbm>>
      %dma_start3A_138 = tpu.memref_slice %arg15[%mul3A_133] : memref<10240xf32, #tpu.memory_space<vmem_shared>> -> memref<640xf32, #tpu.memory_space<vmem_shared>>
      tpu.enqueue_dma source(%dma_start3A_138 : memref<640xf32, #tpu.memory_space<vmem_shared>>) target(%dma_start3A_137 : memref<640xf32, #tpu.memory_space<hbm>>) target_semaphore(%run_scoped3A : memref<!tpu.dma_semaphore, #tpu.memory_space<semaphore_mem>>)
      %dma_wait3A_139 = tpu.memref_slice %arg9[%arg0, %mul3A_135] : memref<2x10240xf32, #tpu.memory_space<hbm>> -> memref<1x640xf32, #tpu.memory_space<hbm>>
      %dma_wait3A_140 = tpu.memref_squeeze %dma_wait3A_139 : memref<1x640xf32, #tpu.memory_space<hbm>> -> memref<640xf32, #tpu.memory_space<hbm>>
      %dma_wait3A_141 = tpu.memref_slice %arg15[%mul3A_133] : memref<10240xf32, #tpu.memory_space<vmem_shared>> -> memref<640xf32, #tpu.memory_space<vmem_shared>>
      tpu.wait_dma2 semaphore(%run_scoped3A : memref<!tpu.dma_semaphore, #tpu.memory_space<semaphore_mem>>) src(%dma_wait3A_141 : memref<640xf32, #tpu.memory_space<vmem_shared>>) dst(%dma_wait3A_140 : memref<640xf32, #tpu.memory_space<hbm>>)
      tpu.yield
    }) : () -> ()
    return
  }
}

#map = affine_map<(d0, d1) -> (0, 0)>
#map1 = affine_map<(d0, d1) -> (0)>
#map2 = affine_map<(d0, d1) -> (0, 0, 0)>
module attributes {stable_mosaic.version = 14 : i64} {
  func.func @agg(%arg0: i32, %arg1: i32, %arg2: memref<10000x128xf32, #tpu.memory_space<hbm>>, %arg3: memref<2560x128xi32, #tpu.memory_space<hbm>>, %arg4: memref<2560x128xi32, #tpu.memory_space<hbm>>, %arg5: memref<10000xf32, #tpu.memory_space<hbm>>, %arg6: memref<640x128xf32, #tpu.memory_space<hbm>>, %arg7: memref<640xf32, #tpu.memory_space<hbm>>, %arg8: memref<2x10240x128xf32, #tpu.memory_space<hbm>>, %arg9: memref<2x10240xf32, #tpu.memory_space<hbm>>, %arg10: memref<3x128xi32, #tpu.memory_space<vmem>>, %arg11: memref<3x128xi32, #tpu.memory_space<vmem>>, %arg12: memref<2x128xf32, #tpu.memory_space<vmem>>, %arg13: memref<2x128x128xf32, #tpu.memory_space<vmem>>, %arg14: memref<10240x128xf32, #tpu.memory_space<vmem_shared>>, %arg15: memref<10240xf32, #tpu.memory_space<vmem_shared>>, %arg16: memref<!tpu.dma_semaphore, #tpu.memory_space<semaphore_mem>>, %arg17: memref<!tpu.dma_semaphore, #tpu.memory_space<semaphore_mem>>, %arg18: memref<!tpu.dma_semaphore, #tpu.memory_space<semaphore_mem>>, %arg19: memref<!tpu.dma_semaphore, #tpu.memory_space<semaphore_mem>>, %arg20: memref<!tpu.dma_semaphore, #tpu.memory_space<semaphore_mem>>) attributes {dimension_semantics = [#tpu.dimension_semantics<core_parallel>, #tpu.dimension_semantics<subcore_parallel>], iteration_bounds = array<i64: 2, 16>, scalar_prefetch = 0 : i64, scratch_operands = 11 : i64, tpu.core_type = #tpu.core_type<sc_vector_subcore>, window_params = [{transform_indices = #map}, {transform_indices = #map}, {transform_indices = #map}, {transform_indices = #map1}, {transform_indices = #map}, {transform_indices = #map1}, {transform_indices = #map2}, {transform_indices = #map}]} {
    %mul3A = arith.constant 2 : i32
    %mul3A_0 = arith.muli %arg1, %mul3A : i32
    %add3A = arith.addi %mul3A_0, %arg0 : i32
    %mul3A_1 = arith.constant 80 : i32
    %mul3A_2 = arith.muli %add3A, %mul3A_1 : i32
    %add3A_3 = arith.constant 0 : i32
    %add3A_4 = arith.addi %mul3A_2, %add3A_3 : i32
    %dma_start3A = arith.constant 0 : i32
    %dma_start3A_5 = arith.constant 0 : i32
    %dma_start3A_6 = tpu.memref_slice %arg10[%dma_start3A, %dma_start3A_5] : memref<3x128xi32, #tpu.memory_space<vmem>> -> memref<1x128xi32, #tpu.memory_space<vmem>>
    %dma_start3A_7 = arith.constant 0 : i32
    %dma_start3A_8 = tpu.memref_slice %arg3[%add3A_4, %dma_start3A_7] : memref<2560x128xi32, #tpu.memory_space<hbm>> -> memref<1x128xi32, #tpu.memory_space<hbm>>
    %dma_start3A_9 = arith.constant 0 : i32
    %dma_start3A_10 = arith.constant 0 : i32
    %dma_start3A_11 = tpu.memref_slice %arg10[%dma_start3A_9, %dma_start3A_10] : memref<3x128xi32, #tpu.memory_space<vmem>> -> memref<1x128xi32, #tpu.memory_space<vmem>>
    %dma_start3A_12 = arith.constant 0 : i32
    %dma_start3A_13 = tpu.memref_slice %arg3[%add3A_4, %dma_start3A_12] : memref<2560x128xi32, #tpu.memory_space<hbm>> -> memref<1x128xi32, #tpu.memory_space<hbm>>
    tpu.enqueue_dma source(%dma_start3A_13 : memref<1x128xi32, #tpu.memory_space<hbm>>) target(%dma_start3A_11 : memref<1x128xi32, #tpu.memory_space<vmem>>) target_semaphore(%arg20 : memref<!tpu.dma_semaphore, #tpu.memory_space<semaphore_mem>>)
    %add3A_14 = arith.constant 0 : i32
    %add3A_15 = arith.addi %mul3A_2, %add3A_14 : i32
    %dma_start3A_16 = arith.constant 0 : i32
    %dma_start3A_17 = arith.constant 0 : i32
    %dma_start3A_18 = tpu.memref_slice %arg11[%dma_start3A_16, %dma_start3A_17] : memref<3x128xi32, #tpu.memory_space<vmem>> -> memref<1x128xi32, #tpu.memory_space<vmem>>
    %dma_start3A_19 = arith.constant 0 : i32
    %dma_start3A_20 = tpu.memref_slice %arg4[%add3A_15, %dma_start3A_19] : memref<2560x128xi32, #tpu.memory_space<hbm>> -> memref<1x128xi32, #tpu.memory_space<hbm>>
    %dma_start3A_21 = arith.constant 0 : i32
    %dma_start3A_22 = arith.constant 0 : i32
    %dma_start3A_23 = tpu.memref_slice %arg11[%dma_start3A_21, %dma_start3A_22] : memref<3x128xi32, #tpu.memory_space<vmem>> -> memref<1x128xi32, #tpu.memory_space<vmem>>
    %dma_start3A_24 = arith.constant 0 : i32
    %dma_start3A_25 = tpu.memref_slice %arg4[%add3A_15, %dma_start3A_24] : memref<2560x128xi32, #tpu.memory_space<hbm>> -> memref<1x128xi32, #tpu.memory_space<hbm>>
    tpu.enqueue_dma source(%dma_start3A_25 : memref<1x128xi32, #tpu.memory_space<hbm>>) target(%dma_start3A_23 : memref<1x128xi32, #tpu.memory_space<vmem>>) target_semaphore(%arg20 : memref<!tpu.dma_semaphore, #tpu.memory_space<semaphore_mem>>)
    %add3A_26 = arith.constant 1 : i32
    %add3A_27 = arith.addi %mul3A_2, %add3A_26 : i32
    %dma_start3A_28 = arith.constant 1 : i32
    %dma_start3A_29 = arith.constant 0 : i32
    %dma_start3A_30 = tpu.memref_slice %arg10[%dma_start3A_28, %dma_start3A_29] : memref<3x128xi32, #tpu.memory_space<vmem>> -> memref<1x128xi32, #tpu.memory_space<vmem>>
    %dma_start3A_31 = arith.constant 0 : i32
    %dma_start3A_32 = tpu.memref_slice %arg3[%add3A_27, %dma_start3A_31] : memref<2560x128xi32, #tpu.memory_space<hbm>> -> memref<1x128xi32, #tpu.memory_space<hbm>>
    %dma_start3A_33 = arith.constant 1 : i32
    %dma_start3A_34 = arith.constant 0 : i32
    %dma_start3A_35 = tpu.memref_slice %arg10[%dma_start3A_33, %dma_start3A_34] : memref<3x128xi32, #tpu.memory_space<vmem>> -> memref<1x128xi32, #tpu.memory_space<vmem>>
    %dma_start3A_36 = arith.constant 0 : i32
    %dma_start3A_37 = tpu.memref_slice %arg3[%add3A_27, %dma_start3A_36] : memref<2560x128xi32, #tpu.memory_space<hbm>> -> memref<1x128xi32, #tpu.memory_space<hbm>>
    tpu.enqueue_dma source(%dma_start3A_37 : memref<1x128xi32, #tpu.memory_space<hbm>>) target(%dma_start3A_35 : memref<1x128xi32, #tpu.memory_space<vmem>>) target_semaphore(%arg20 : memref<!tpu.dma_semaphore, #tpu.memory_space<semaphore_mem>>)
    %add3A_38 = arith.constant 1 : i32
    %add3A_39 = arith.addi %mul3A_2, %add3A_38 : i32
    %dma_start3A_40 = arith.constant 1 : i32
    %dma_start3A_41 = arith.constant 0 : i32
    %dma_start3A_42 = tpu.memref_slice %arg11[%dma_start3A_40, %dma_start3A_41] : memref<3x128xi32, #tpu.memory_space<vmem>> -> memref<1x128xi32, #tpu.memory_space<vmem>>
    %dma_start3A_43 = arith.constant 0 : i32
    %dma_start3A_44 = tpu.memref_slice %arg4[%add3A_39, %dma_start3A_43] : memref<2560x128xi32, #tpu.memory_space<hbm>> -> memref<1x128xi32, #tpu.memory_space<hbm>>
    %dma_start3A_45 = arith.constant 1 : i32
    %dma_start3A_46 = arith.constant 0 : i32
    %dma_start3A_47 = tpu.memref_slice %arg11[%dma_start3A_45, %dma_start3A_46] : memref<3x128xi32, #tpu.memory_space<vmem>> -> memref<1x128xi32, #tpu.memory_space<vmem>>
    %dma_start3A_48 = arith.constant 0 : i32
    %dma_start3A_49 = tpu.memref_slice %arg4[%add3A_39, %dma_start3A_48] : memref<2560x128xi32, #tpu.memory_space<hbm>> -> memref<1x128xi32, #tpu.memory_space<hbm>>
    tpu.enqueue_dma source(%dma_start3A_49 : memref<1x128xi32, #tpu.memory_space<hbm>>) target(%dma_start3A_47 : memref<1x128xi32, #tpu.memory_space<vmem>>) target_semaphore(%arg20 : memref<!tpu.dma_semaphore, #tpu.memory_space<semaphore_mem>>)
    %mul3A_50 = arith.constant 640 : i32
    %mul3A_51 = arith.muli %arg1, %mul3A_50 : i32
    "tpu.region"() ({
      %run_scoped3A = tpu.sem_alloc : memref<!tpu.dma_semaphore, #tpu.memory_space<semaphore_mem>>
      %dma_start3A_136 = arith.constant 0 : i32
      %dma_start3A_137 = tpu.memref_slice %arg14[%mul3A_51, %dma_start3A_136] : memref<10240x128xf32, #tpu.memory_space<vmem_shared>> -> memref<640x128xf32, #tpu.memory_space<vmem_shared>>
      tpu.enqueue_dma source(%arg6 : memref<640x128xf32, #tpu.memory_space<hbm>>) target(%dma_start3A_137 : memref<640x128xf32, #tpu.memory_space<vmem_shared>>) target_semaphore(%run_scoped3A : memref<!tpu.dma_semaphore, #tpu.memory_space<semaphore_mem>>)
      %dma_wait3A_138 = arith.constant 0 : i32
      %dma_wait3A_139 = tpu.memref_slice %arg14[%mul3A_51, %dma_wait3A_138] : memref<10240x128xf32, #tpu.memory_space<vmem_shared>> -> memref<640x128xf32, #tpu.memory_space<vmem_shared>>
      tpu.wait_dma2 semaphore(%run_scoped3A : memref<!tpu.dma_semaphore, #tpu.memory_space<semaphore_mem>>) src(%arg6 : memref<640x128xf32, #tpu.memory_space<hbm>>) dst(%dma_wait3A_139 : memref<640x128xf32, #tpu.memory_space<vmem_shared>>)
      tpu.yield
    }) : () -> ()
    %mul3A_52 = arith.constant 640 : i32
    %mul3A_53 = arith.muli %arg1, %mul3A_52 : i32
    "tpu.region"() ({
      %run_scoped3A = tpu.sem_alloc : memref<!tpu.dma_semaphore, #tpu.memory_space<semaphore_mem>>
      %dma_start3A_136 = tpu.memref_slice %arg15[%mul3A_53] : memref<10240xf32, #tpu.memory_space<vmem_shared>> -> memref<640xf32, #tpu.memory_space<vmem_shared>>
      tpu.enqueue_dma source(%arg7 : memref<640xf32, #tpu.memory_space<hbm>>) target(%dma_start3A_136 : memref<640xf32, #tpu.memory_space<vmem_shared>>) target_semaphore(%run_scoped3A : memref<!tpu.dma_semaphore, #tpu.memory_space<semaphore_mem>>)
      %dma_wait3A_137 = tpu.memref_slice %arg15[%mul3A_53] : memref<10240xf32, #tpu.memory_space<vmem_shared>> -> memref<640xf32, #tpu.memory_space<vmem_shared>>
      tpu.wait_dma2 semaphore(%run_scoped3A : memref<!tpu.dma_semaphore, #tpu.memory_space<semaphore_mem>>) src(%arg7 : memref<640xf32, #tpu.memory_space<hbm>>) dst(%dma_wait3A_137 : memref<640xf32, #tpu.memory_space<vmem_shared>>)
      tpu.yield
    }) : () -> ()
    %barrier3A = arith.constant 0 : index
    tpu.barrier barrier_id(%barrier3A)
    %add3A_54 = arith.constant 0 : i32
    %add3A_55 = arith.addi %mul3A_2, %add3A_54 : i32
    %dma_wait3A = arith.constant 0 : i32
    %dma_wait3A_56 = arith.constant 0 : i32
    %dma_wait3A_57 = tpu.memref_slice %arg10[%dma_wait3A, %dma_wait3A_56] : memref<3x128xi32, #tpu.memory_space<vmem>> -> memref<1x128xi32, #tpu.memory_space<vmem>>
    %dma_wait3A_58 = arith.constant 0 : i32
    %dma_wait3A_59 = tpu.memref_slice %arg3[%add3A_55, %dma_wait3A_58] : memref<2560x128xi32, #tpu.memory_space<hbm>> -> memref<1x128xi32, #tpu.memory_space<hbm>>
    %dma_wait3A_60 = arith.constant 0 : i32
    %dma_wait3A_61 = arith.constant 0 : i32
    %dma_wait3A_62 = tpu.memref_slice %arg10[%dma_wait3A_60, %dma_wait3A_61] : memref<3x128xi32, #tpu.memory_space<vmem>> -> memref<1x128xi32, #tpu.memory_space<vmem>>
    %dma_wait3A_63 = arith.constant 0 : i32
    %dma_wait3A_64 = tpu.memref_slice %arg3[%add3A_55, %dma_wait3A_63] : memref<2560x128xi32, #tpu.memory_space<hbm>> -> memref<1x128xi32, #tpu.memory_space<hbm>>
    tpu.wait_dma2 semaphore(%arg20 : memref<!tpu.dma_semaphore, #tpu.memory_space<semaphore_mem>>) src(%dma_wait3A_64 : memref<1x128xi32, #tpu.memory_space<hbm>>) dst(%dma_wait3A_62 : memref<1x128xi32, #tpu.memory_space<vmem>>)
    %add3A_65 = arith.constant 0 : i32
    %add3A_66 = arith.addi %mul3A_2, %add3A_65 : i32
    %dma_wait3A_67 = arith.constant 0 : i32
    %dma_wait3A_68 = arith.constant 0 : i32
    %dma_wait3A_69 = tpu.memref_slice %arg11[%dma_wait3A_67, %dma_wait3A_68] : memref<3x128xi32, #tpu.memory_space<vmem>> -> memref<1x128xi32, #tpu.memory_space<vmem>>
    %dma_wait3A_70 = arith.constant 0 : i32
    %dma_wait3A_71 = tpu.memref_slice %arg4[%add3A_66, %dma_wait3A_70] : memref<2560x128xi32, #tpu.memory_space<hbm>> -> memref<1x128xi32, #tpu.memory_space<hbm>>
    %dma_wait3A_72 = arith.constant 0 : i32
    %dma_wait3A_73 = arith.constant 0 : i32
    %dma_wait3A_74 = tpu.memref_slice %arg11[%dma_wait3A_72, %dma_wait3A_73] : memref<3x128xi32, #tpu.memory_space<vmem>> -> memref<1x128xi32, #tpu.memory_space<vmem>>
    %dma_wait3A_75 = arith.constant 0 : i32
    %dma_wait3A_76 = tpu.memref_slice %arg4[%add3A_66, %dma_wait3A_75] : memref<2560x128xi32, #tpu.memory_space<hbm>> -> memref<1x128xi32, #tpu.memory_space<hbm>>
    tpu.wait_dma2 semaphore(%arg20 : memref<!tpu.dma_semaphore, #tpu.memory_space<semaphore_mem>>) src(%dma_wait3A_76 : memref<1x128xi32, #tpu.memory_space<hbm>>) dst(%dma_wait3A_74 : memref<1x128xi32, #tpu.memory_space<vmem>>)
    %dma_start3A_77 = arith.constant 0 : i32
    %dma_start3A_78 = arith.constant 0 : i32
    %dma_start3A_79 = arith.constant 0 : i32
    %dma_start3A_80 = arith.constant 0 : i32
    %dma_start3A_81 = tpu.memref_slice %arg13[%dma_start3A_78, %dma_start3A_79, %dma_start3A_80] : memref<2x128x128xf32, #tpu.memory_space<vmem>> -> memref<1x128x128xf32, #tpu.memory_space<vmem>>
    %dma_start3A_82 = tpu.memref_squeeze %dma_start3A_81 : memref<1x128x128xf32, #tpu.memory_space<vmem>> -> memref<128x128xf32, #tpu.memory_space<vmem>>
    %dma_start3A_83 = arith.constant 0 : i32
    %dma_start3A_84 = tpu.memref_slice %arg10[%dma_start3A_77, %dma_start3A_83] : memref<3x128xi32, #tpu.memory_space<vmem>> -> memref<1x128xi32, #tpu.memory_space<vmem>>
    %dma_start3A_85 = tpu.memref_squeeze %dma_start3A_84 : memref<1x128xi32, #tpu.memory_space<vmem>> -> memref<128xi32, #tpu.memory_space<vmem>>
    %dma_start3A_86 = arith.constant 0 : i32
    %dma_start3A_87 = arith.constant 0 : i32
    %dma_start3A_88 = tpu.memref_slice %arg2[%dma_start3A_86, %dma_start3A_87] : memref<10000x128xf32, #tpu.memory_space<hbm>> -> memref<10000x128xf32, #tpu.memory_space<hbm>>
    tpu.enqueue_indirect_dma source(%dma_start3A_88 : memref<10000x128xf32, #tpu.memory_space<hbm>>) target(%dma_start3A_82 : memref<128x128xf32, #tpu.memory_space<vmem>>) offsets(%dma_start3A_85 : memref<128xi32, #tpu.memory_space<vmem>>) semaphore(%arg16 : memref<!tpu.dma_semaphore, #tpu.memory_space<semaphore_mem>>)
    %dma_start3A_89 = arith.constant 0 : i32
    %dma_start3A_90 = arith.constant 0 : i32
    %dma_start3A_91 = arith.constant 0 : i32
    %dma_start3A_92 = tpu.memref_slice %arg12[%dma_start3A_90, %dma_start3A_91] : memref<2x128xf32, #tpu.memory_space<vmem>> -> memref<1x128xf32, #tpu.memory_space<vmem>>
    %dma_start3A_93 = tpu.memref_squeeze %dma_start3A_92 : memref<1x128xf32, #tpu.memory_space<vmem>> -> memref<128xf32, #tpu.memory_space<vmem>>
    %dma_start3A_94 = arith.constant 0 : i32
    %dma_start3A_95 = tpu.memref_slice %arg10[%dma_start3A_89, %dma_start3A_94] : memref<3x128xi32, #tpu.memory_space<vmem>> -> memref<1x128xi32, #tpu.memory_space<vmem>>
    %dma_start3A_96 = tpu.memref_squeeze %dma_start3A_95 : memref<1x128xi32, #tpu.memory_space<vmem>> -> memref<128xi32, #tpu.memory_space<vmem>>
    %dma_start3A_97 = arith.constant 0 : i32
    %dma_start3A_98 = tpu.memref_slice %arg5[%dma_start3A_97] : memref<10000xf32, #tpu.memory_space<hbm>> -> memref<10000xf32, #tpu.memory_space<hbm>>
    tpu.enqueue_indirect_dma source(%dma_start3A_98 : memref<10000xf32, #tpu.memory_space<hbm>>) target(%dma_start3A_93 : memref<128xf32, #tpu.memory_space<vmem>>) offsets(%dma_start3A_96 : memref<128xi32, #tpu.memory_space<vmem>>) semaphore(%arg17 : memref<!tpu.dma_semaphore, #tpu.memory_space<semaphore_mem>>)
    %scan3A = arith.constant 0 : i32
    %scan3A_99 = arith.constant 0 : i32
    %scan3A_100 = arith.constant 80 : i32
    %scan3A_101 = arith.addi %scan3A_99, %scan3A_100 : i32
    %scan3A_102 = arith.constant 1 : i32
    scf.for %scan3A_136 = %scan3A_99 to %scan3A_101 step %scan3A_102  : i32 {
      %rem3A_137 = arith.constant 2 : i32
      %rem3A_138 = arith.remsi %scan3A_136, %rem3A_137 : i32
      %sub3A = arith.constant 1 : i32
      %sub3A_139 = arith.subi %sub3A, %rem3A_138 : i32
      %rem3A_140 = arith.constant 3 : i32
      %rem3A_141 = arith.remsi %scan3A_136, %rem3A_140 : i32
      %add3A_142 = arith.constant 1 : i32
      %add3A_143 = arith.addi %scan3A_136, %add3A_142 : i32
      %rem3A_144 = arith.constant 3 : i32
      %rem3A_145 = arith.remsi %add3A_143, %rem3A_144 : i32
      %add3A_146 = arith.constant 2 : i32
      %add3A_147 = arith.addi %scan3A_136, %add3A_146 : i32
      %rem3A_148 = arith.constant 3 : i32
      %rem3A_149 = arith.remsi %add3A_147, %rem3A_148 : i32
      %ge3A = arith.constant 1 : i32
      %ge3A_150 = arith.cmpi sge, %scan3A_136, %ge3A : i32
      %convert_element_type3A = arith.extui %ge3A_150 : i1 to i32
      %cond3A = arith.constant 0 : i32
      %cond3A_151 = arith.cmpi ne, %convert_element_type3A, %cond3A : i32
      scf.if %cond3A_151 {
        %sub3A_201 = arith.constant 1 : i32
        %sub3A_202 = arith.subi %scan3A_136, %sub3A_201 : i32
        %rem3A_203 = arith.constant 3 : i32
        %rem3A_204 = arith.remsi %sub3A_202, %rem3A_203 : i32
        %dma_wait3A_205 = arith.constant 0 : i32
        %dma_wait3A_206 = arith.constant 0 : i32
        %dma_wait3A_207 = tpu.memref_slice %arg13[%sub3A_139, %dma_wait3A_205, %dma_wait3A_206] : memref<2x128x128xf32, #tpu.memory_space<vmem>> -> memref<1x128x128xf32, #tpu.memory_space<vmem>>
        %dma_wait3A_208 = tpu.memref_squeeze %dma_wait3A_207 : memref<1x128x128xf32, #tpu.memory_space<vmem>> -> memref<128x128xf32, #tpu.memory_space<vmem>>
        %dma_wait3A_209 = arith.constant 0 : i32
        %dma_wait3A_210 = tpu.memref_slice %arg11[%rem3A_204, %dma_wait3A_209] : memref<3x128xi32, #tpu.memory_space<vmem>> -> memref<1x128xi32, #tpu.memory_space<vmem>>
        %dma_wait3A_211 = tpu.memref_squeeze %dma_wait3A_210 : memref<1x128xi32, #tpu.memory_space<vmem>> -> memref<128xi32, #tpu.memory_space<vmem>>
        %dma_wait3A_212 = arith.constant 0 : i32
        %dma_wait3A_213 = arith.constant 0 : i32
        %dma_wait3A_214 = tpu.memref_slice %arg14[%dma_wait3A_212, %dma_wait3A_213] : memref<10240x128xf32, #tpu.memory_space<vmem_shared>> -> memref<10240x128xf32, #tpu.memory_space<vmem_shared>>
        tpu.wait_indirect_dma semaphore(%arg18 : memref<!tpu.dma_semaphore, #tpu.memory_space<semaphore_mem>>) src(%dma_wait3A_208 : memref<128x128xf32, #tpu.memory_space<vmem>>) dst(%dma_wait3A_214 : memref<10240x128xf32, #tpu.memory_space<vmem_shared>>)
        %dma_wait3A_215 = arith.constant 0 : i32
        %dma_wait3A_216 = tpu.memref_slice %arg12[%sub3A_139, %dma_wait3A_215] : memref<2x128xf32, #tpu.memory_space<vmem>> -> memref<1x128xf32, #tpu.memory_space<vmem>>
        %dma_wait3A_217 = tpu.memref_squeeze %dma_wait3A_216 : memref<1x128xf32, #tpu.memory_space<vmem>> -> memref<128xf32, #tpu.memory_space<vmem>>
        %dma_wait3A_218 = arith.constant 0 : i32
        %dma_wait3A_219 = tpu.memref_slice %arg11[%rem3A_204, %dma_wait3A_218] : memref<3x128xi32, #tpu.memory_space<vmem>> -> memref<1x128xi32, #tpu.memory_space<vmem>>
        %dma_wait3A_220 = tpu.memref_squeeze %dma_wait3A_219 : memref<1x128xi32, #tpu.memory_space<vmem>> -> memref<128xi32, #tpu.memory_space<vmem>>
        %dma_wait3A_221 = arith.constant 0 : i32
        %dma_wait3A_222 = tpu.memref_slice %arg15[%dma_wait3A_221] : memref<10240xf32, #tpu.memory_space<vmem_shared>> -> memref<10240xf32, #tpu.memory_space<vmem_shared>>
        tpu.wait_indirect_dma semaphore(%arg19 : memref<!tpu.dma_semaphore, #tpu.memory_space<semaphore_mem>>) src(%dma_wait3A_217 : memref<128xf32, #tpu.memory_space<vmem>>) dst(%dma_wait3A_222 : memref<10240xf32, #tpu.memory_space<vmem_shared>>)
      } else {
      }
      %add3A_152 = arith.constant 2 : i32
      %add3A_153 = arith.addi %scan3A_136, %add3A_152 : i32
      %lt3A = arith.constant 80 : i32
      %lt3A_154 = arith.cmpi slt, %add3A_153, %lt3A : i32
      %convert_element_type3A_155 = arith.extui %lt3A_154 : i1 to i32
      %cond3A_156 = arith.constant 0 : i32
      %cond3A_157 = arith.cmpi ne, %convert_element_type3A_155, %cond3A_156 : i32
      scf.if %cond3A_157 {
        %add3A_201 = arith.constant 2 : i32
        %add3A_202 = arith.addi %scan3A_136, %add3A_201 : i32
        %add3A_203 = arith.addi %mul3A_2, %add3A_202 : i32
        %dma_start3A_204 = arith.constant 0 : i32
        %dma_start3A_205 = tpu.memref_slice %arg10[%rem3A_149, %dma_start3A_204] : memref<3x128xi32, #tpu.memory_space<vmem>> -> memref<1x128xi32, #tpu.memory_space<vmem>>
        %dma_start3A_206 = arith.constant 0 : i32
        %dma_start3A_207 = tpu.memref_slice %arg3[%add3A_203, %dma_start3A_206] : memref<2560x128xi32, #tpu.memory_space<hbm>> -> memref<1x128xi32, #tpu.memory_space<hbm>>
        %dma_start3A_208 = arith.constant 0 : i32
        %dma_start3A_209 = tpu.memref_slice %arg10[%rem3A_149, %dma_start3A_208] : memref<3x128xi32, #tpu.memory_space<vmem>> -> memref<1x128xi32, #tpu.memory_space<vmem>>
        %dma_start3A_210 = arith.constant 0 : i32
        %dma_start3A_211 = tpu.memref_slice %arg3[%add3A_203, %dma_start3A_210] : memref<2560x128xi32, #tpu.memory_space<hbm>> -> memref<1x128xi32, #tpu.memory_space<hbm>>
        tpu.enqueue_dma source(%dma_start3A_211 : memref<1x128xi32, #tpu.memory_space<hbm>>) target(%dma_start3A_209 : memref<1x128xi32, #tpu.memory_space<vmem>>) target_semaphore(%arg20 : memref<!tpu.dma_semaphore, #tpu.memory_space<semaphore_mem>>)
        %add3A_212 = arith.addi %mul3A_2, %add3A_202 : i32
        %dma_start3A_213 = arith.constant 0 : i32
        %dma_start3A_214 = tpu.memref_slice %arg11[%rem3A_149, %dma_start3A_213] : memref<3x128xi32, #tpu.memory_space<vmem>> -> memref<1x128xi32, #tpu.memory_space<vmem>>
        %dma_start3A_215 = arith.constant 0 : i32
        %dma_start3A_216 = tpu.memref_slice %arg4[%add3A_212, %dma_start3A_215] : memref<2560x128xi32, #tpu.memory_space<hbm>> -> memref<1x128xi32, #tpu.memory_space<hbm>>
        %dma_start3A_217 = arith.constant 0 : i32
        %dma_start3A_218 = tpu.memref_slice %arg11[%rem3A_149, %dma_start3A_217] : memref<3x128xi32, #tpu.memory_space<vmem>> -> memref<1x128xi32, #tpu.memory_space<vmem>>
        %dma_start3A_219 = arith.constant 0 : i32
        %dma_start3A_220 = tpu.memref_slice %arg4[%add3A_212, %dma_start3A_219] : memref<2560x128xi32, #tpu.memory_space<hbm>> -> memref<1x128xi32, #tpu.memory_space<hbm>>
        tpu.enqueue_dma source(%dma_start3A_220 : memref<1x128xi32, #tpu.memory_space<hbm>>) target(%dma_start3A_218 : memref<1x128xi32, #tpu.memory_space<vmem>>) target_semaphore(%arg20 : memref<!tpu.dma_semaphore, #tpu.memory_space<semaphore_mem>>)
      } else {
      }
      %add3A_158 = arith.constant 1 : i32
      %add3A_159 = arith.addi %scan3A_136, %add3A_158 : i32
      %lt3A_160 = arith.constant 80 : i32
      %lt3A_161 = arith.cmpi slt, %add3A_159, %lt3A_160 : i32
      %convert_element_type3A_162 = arith.extui %lt3A_161 : i1 to i32
      %cond3A_163 = arith.constant 0 : i32
      %cond3A_164 = arith.cmpi ne, %convert_element_type3A_162, %cond3A_163 : i32
      scf.if %cond3A_164 {
        %add3A_201 = arith.constant 1 : i32
        %add3A_202 = arith.addi %scan3A_136, %add3A_201 : i32
        %add3A_203 = arith.addi %mul3A_2, %add3A_202 : i32
        %dma_wait3A_204 = arith.constant 0 : i32
        %dma_wait3A_205 = tpu.memref_slice %arg10[%rem3A_145, %dma_wait3A_204] : memref<3x128xi32, #tpu.memory_space<vmem>> -> memref<1x128xi32, #tpu.memory_space<vmem>>
        %dma_wait3A_206 = arith.constant 0 : i32
        %dma_wait3A_207 = tpu.memref_slice %arg3[%add3A_203, %dma_wait3A_206] : memref<2560x128xi32, #tpu.memory_space<hbm>> -> memref<1x128xi32, #tpu.memory_space<hbm>>
        %dma_wait3A_208 = arith.constant 0 : i32
        %dma_wait3A_209 = tpu.memref_slice %arg10[%rem3A_145, %dma_wait3A_208] : memref<3x128xi32, #tpu.memory_space<vmem>> -> memref<1x128xi32, #tpu.memory_space<vmem>>
        %dma_wait3A_210 = arith.constant 0 : i32
        %dma_wait3A_211 = tpu.memref_slice %arg3[%add3A_203, %dma_wait3A_210] : memref<2560x128xi32, #tpu.memory_space<hbm>> -> memref<1x128xi32, #tpu.memory_space<hbm>>
        tpu.wait_dma2 semaphore(%arg20 : memref<!tpu.dma_semaphore, #tpu.memory_space<semaphore_mem>>) src(%dma_wait3A_211 : memref<1x128xi32, #tpu.memory_space<hbm>>) dst(%dma_wait3A_209 : memref<1x128xi32, #tpu.memory_space<vmem>>)
        %add3A_212 = arith.addi %mul3A_2, %add3A_202 : i32
        %dma_wait3A_213 = arith.constant 0 : i32
        %dma_wait3A_214 = tpu.memref_slice %arg11[%rem3A_145, %dma_wait3A_213] : memref<3x128xi32, #tpu.memory_space<vmem>> -> memref<1x128xi32, #tpu.memory_space<vmem>>
        %dma_wait3A_215 = arith.constant 0 : i32
        %dma_wait3A_216 = tpu.memref_slice %arg4[%add3A_212, %dma_wait3A_215] : memref<2560x128xi32, #tpu.memory_space<hbm>> -> memref<1x128xi32, #tpu.memory_space<hbm>>
        %dma_wait3A_217 = arith.constant 0 : i32
        %dma_wait3A_218 = tpu.memref_slice %arg11[%rem3A_145, %dma_wait3A_217] : memref<3x128xi32, #tpu.memory_space<vmem>> -> memref<1x128xi32, #tpu.memory_space<vmem>>
        %dma_wait3A_219 = arith.constant 0 : i32
        %dma_wait3A_220 = tpu.memref_slice %arg4[%add3A_212, %dma_wait3A_219] : memref<2560x128xi32, #tpu.memory_space<hbm>> -> memref<1x128xi32, #tpu.memory_space<hbm>>
        tpu.wait_dma2 semaphore(%arg20 : memref<!tpu.dma_semaphore, #tpu.memory_space<semaphore_mem>>) src(%dma_wait3A_220 : memref<1x128xi32, #tpu.memory_space<hbm>>) dst(%dma_wait3A_218 : memref<1x128xi32, #tpu.memory_space<vmem>>)
        %dma_start3A_221 = arith.constant 0 : i32
        %dma_start3A_222 = arith.constant 0 : i32
        %dma_start3A_223 = tpu.memref_slice %arg13[%sub3A_139, %dma_start3A_221, %dma_start3A_222] : memref<2x128x128xf32, #tpu.memory_space<vmem>> -> memref<1x128x128xf32, #tpu.memory_space<vmem>>
        %dma_start3A_224 = tpu.memref_squeeze %dma_start3A_223 : memref<1x128x128xf32, #tpu.memory_space<vmem>> -> memref<128x128xf32, #tpu.memory_space<vmem>>
        %dma_start3A_225 = arith.constant 0 : i32
        %dma_start3A_226 = tpu.memref_slice %arg10[%rem3A_145, %dma_start3A_225] : memref<3x128xi32, #tpu.memory_space<vmem>> -> memref<1x128xi32, #tpu.memory_space<vmem>>
        %dma_start3A_227 = tpu.memref_squeeze %dma_start3A_226 : memref<1x128xi32, #tpu.memory_space<vmem>> -> memref<128xi32, #tpu.memory_space<vmem>>
        %dma_start3A_228 = arith.constant 0 : i32
        %dma_start3A_229 = arith.constant 0 : i32
        %dma_start3A_230 = tpu.memref_slice %arg2[%dma_start3A_228, %dma_start3A_229] : memref<10000x128xf32, #tpu.memory_space<hbm>> -> memref<10000x128xf32, #tpu.memory_space<hbm>>
        tpu.enqueue_indirect_dma source(%dma_start3A_230 : memref<10000x128xf32, #tpu.memory_space<hbm>>) target(%dma_start3A_224 : memref<128x128xf32, #tpu.memory_space<vmem>>) offsets(%dma_start3A_227 : memref<128xi32, #tpu.memory_space<vmem>>) semaphore(%arg16 : memref<!tpu.dma_semaphore, #tpu.memory_space<semaphore_mem>>)
        %dma_start3A_231 = arith.constant 0 : i32
        %dma_start3A_232 = tpu.memref_slice %arg12[%sub3A_139, %dma_start3A_231] : memref<2x128xf32, #tpu.memory_space<vmem>> -> memref<1x128xf32, #tpu.memory_space<vmem>>
        %dma_start3A_233 = tpu.memref_squeeze %dma_start3A_232 : memref<1x128xf32, #tpu.memory_space<vmem>> -> memref<128xf32, #tpu.memory_space<vmem>>
        %dma_start3A_234 = arith.constant 0 : i32
        %dma_start3A_235 = tpu.memref_slice %arg10[%rem3A_145, %dma_start3A_234] : memref<3x128xi32, #tpu.memory_space<vmem>> -> memref<1x128xi32, #tpu.memory_space<vmem>>
        %dma_start3A_236 = tpu.memref_squeeze %dma_start3A_235 : memref<1x128xi32, #tpu.memory_space<vmem>> -> memref<128xi32, #tpu.memory_space<vmem>>
        %dma_start3A_237 = arith.constant 0 : i32
        %dma_start3A_238 = tpu.memref_slice %arg5[%dma_start3A_237] : memref<10000xf32, #tpu.memory_space<hbm>> -> memref<10000xf32, #tpu.memory_space<hbm>>
        tpu.enqueue_indirect_dma source(%dma_start3A_238 : memref<10000xf32, #tpu.memory_space<hbm>>) target(%dma_start3A_233 : memref<128xf32, #tpu.memory_space<vmem>>) offsets(%dma_start3A_236 : memref<128xi32, #tpu.memory_space<vmem>>) semaphore(%arg17 : memref<!tpu.dma_semaphore, #tpu.memory_space<semaphore_mem>>)
      } else {
      }
      %dma_wait3A_165 = arith.constant 0 : i32
      %dma_wait3A_166 = arith.constant 0 : i32
      %dma_wait3A_167 = tpu.memref_slice %arg13[%rem3A_138, %dma_wait3A_165, %dma_wait3A_166] : memref<2x128x128xf32, #tpu.memory_space<vmem>> -> memref<1x128x128xf32, #tpu.memory_space<vmem>>
      %dma_wait3A_168 = tpu.memref_squeeze %dma_wait3A_167 : memref<1x128x128xf32, #tpu.memory_space<vmem>> -> memref<128x128xf32, #tpu.memory_space<vmem>>
      %dma_wait3A_169 = arith.constant 0 : i32
      %dma_wait3A_170 = tpu.memref_slice %arg10[%rem3A_141, %dma_wait3A_169] : memref<3x128xi32, #tpu.memory_space<vmem>> -> memref<1x128xi32, #tpu.memory_space<vmem>>
      %dma_wait3A_171 = tpu.memref_squeeze %dma_wait3A_170 : memref<1x128xi32, #tpu.memory_space<vmem>> -> memref<128xi32, #tpu.memory_space<vmem>>
      %dma_wait3A_172 = arith.constant 0 : i32
      %dma_wait3A_173 = arith.constant 0 : i32
      %dma_wait3A_174 = tpu.memref_slice %arg2[%dma_wait3A_172, %dma_wait3A_173] : memref<10000x128xf32, #tpu.memory_space<hbm>> -> memref<10000x128xf32, #tpu.memory_space<hbm>>
      tpu.wait_indirect_dma semaphore(%arg16 : memref<!tpu.dma_semaphore, #tpu.memory_space<semaphore_mem>>) src(%dma_wait3A_174 : memref<10000x128xf32, #tpu.memory_space<hbm>>) dst(%dma_wait3A_168 : memref<128x128xf32, #tpu.memory_space<vmem>>)
      %dma_wait3A_175 = arith.constant 0 : i32
      %dma_wait3A_176 = tpu.memref_slice %arg12[%rem3A_138, %dma_wait3A_175] : memref<2x128xf32, #tpu.memory_space<vmem>> -> memref<1x128xf32, #tpu.memory_space<vmem>>
      %dma_wait3A_177 = tpu.memref_squeeze %dma_wait3A_176 : memref<1x128xf32, #tpu.memory_space<vmem>> -> memref<128xf32, #tpu.memory_space<vmem>>
      %dma_wait3A_178 = arith.constant 0 : i32
      %dma_wait3A_179 = tpu.memref_slice %arg10[%rem3A_141, %dma_wait3A_178] : memref<3x128xi32, #tpu.memory_space<vmem>> -> memref<1x128xi32, #tpu.memory_space<vmem>>
      %dma_wait3A_180 = tpu.memref_squeeze %dma_wait3A_179 : memref<1x128xi32, #tpu.memory_space<vmem>> -> memref<128xi32, #tpu.memory_space<vmem>>
      %dma_wait3A_181 = arith.constant 0 : i32
      %dma_wait3A_182 = tpu.memref_slice %arg5[%dma_wait3A_181] : memref<10000xf32, #tpu.memory_space<hbm>> -> memref<10000xf32, #tpu.memory_space<hbm>>
      tpu.wait_indirect_dma semaphore(%arg17 : memref<!tpu.dma_semaphore, #tpu.memory_space<semaphore_mem>>) src(%dma_wait3A_182 : memref<10000xf32, #tpu.memory_space<hbm>>) dst(%dma_wait3A_177 : memref<128xf32, #tpu.memory_space<vmem>>)
      %dma_start3A_183 = arith.constant 0 : i32
      %dma_start3A_184 = arith.constant 0 : i32
      %dma_start3A_185 = tpu.memref_slice %arg13[%rem3A_138, %dma_start3A_183, %dma_start3A_184] : memref<2x128x128xf32, #tpu.memory_space<vmem>> -> memref<1x128x128xf32, #tpu.memory_space<vmem>>
      %dma_start3A_186 = tpu.memref_squeeze %dma_start3A_185 : memref<1x128x128xf32, #tpu.memory_space<vmem>> -> memref<128x128xf32, #tpu.memory_space<vmem>>
      %dma_start3A_187 = arith.constant 0 : i32
      %dma_start3A_188 = tpu.memref_slice %arg11[%rem3A_141, %dma_start3A_187] : memref<3x128xi32, #tpu.memory_space<vmem>> -> memref<1x128xi32, #tpu.memory_space<vmem>>
      %dma_start3A_189 = tpu.memref_squeeze %dma_start3A_188 : memref<1x128xi32, #tpu.memory_space<vmem>> -> memref<128xi32, #tpu.memory_space<vmem>>
      %dma_start3A_190 = arith.constant 0 : i32
      %dma_start3A_191 = arith.constant 0 : i32
      %dma_start3A_192 = tpu.memref_slice %arg14[%dma_start3A_190, %dma_start3A_191] : memref<10240x128xf32, #tpu.memory_space<vmem_shared>> -> memref<10240x128xf32, #tpu.memory_space<vmem_shared>>
      tpu.enqueue_indirect_dma source(%dma_start3A_186 : memref<128x128xf32, #tpu.memory_space<vmem>>) target(%dma_start3A_192 : memref<10240x128xf32, #tpu.memory_space<vmem_shared>>) offsets(%dma_start3A_189 : memref<128xi32, #tpu.memory_space<vmem>>) semaphore(%arg18 : memref<!tpu.dma_semaphore, #tpu.memory_space<semaphore_mem>>) {add = true}
      %dma_start3A_193 = arith.constant 0 : i32
      %dma_start3A_194 = tpu.memref_slice %arg12[%rem3A_138, %dma_start3A_193] : memref<2x128xf32, #tpu.memory_space<vmem>> -> memref<1x128xf32, #tpu.memory_space<vmem>>
      %dma_start3A_195 = tpu.memref_squeeze %dma_start3A_194 : memref<1x128xf32, #tpu.memory_space<vmem>> -> memref<128xf32, #tpu.memory_space<vmem>>
      %dma_start3A_196 = arith.constant 0 : i32
      %dma_start3A_197 = tpu.memref_slice %arg11[%rem3A_141, %dma_start3A_196] : memref<3x128xi32, #tpu.memory_space<vmem>> -> memref<1x128xi32, #tpu.memory_space<vmem>>
      %dma_start3A_198 = tpu.memref_squeeze %dma_start3A_197 : memref<1x128xi32, #tpu.memory_space<vmem>> -> memref<128xi32, #tpu.memory_space<vmem>>
      %dma_start3A_199 = arith.constant 0 : i32
      %dma_start3A_200 = tpu.memref_slice %arg15[%dma_start3A_199] : memref<10240xf32, #tpu.memory_space<vmem_shared>> -> memref<10240xf32, #tpu.memory_space<vmem_shared>>
      tpu.enqueue_indirect_dma source(%dma_start3A_195 : memref<128xf32, #tpu.memory_space<vmem>>) target(%dma_start3A_200 : memref<10240xf32, #tpu.memory_space<vmem_shared>>) offsets(%dma_start3A_198 : memref<128xi32, #tpu.memory_space<vmem>>) semaphore(%arg19 : memref<!tpu.dma_semaphore, #tpu.memory_space<semaphore_mem>>) {add = true}
    }
    %scan3A_103 = arith.constant 80 : i32
    %rem3A = arith.constant 79 : i32
    %rem3A_104 = arith.constant 2 : i32
    %rem3A_105 = arith.remsi %rem3A, %rem3A_104 : i32
    %rem3A_106 = arith.constant 79 : i32
    %rem3A_107 = arith.constant 3 : i32
    %rem3A_108 = arith.remsi %rem3A_106, %rem3A_107 : i32
    %dma_wait3A_109 = arith.constant 0 : i32
    %dma_wait3A_110 = arith.constant 0 : i32
    %dma_wait3A_111 = tpu.memref_slice %arg13[%rem3A_105, %dma_wait3A_109, %dma_wait3A_110] : memref<2x128x128xf32, #tpu.memory_space<vmem>> -> memref<1x128x128xf32, #tpu.memory_space<vmem>>
    %dma_wait3A_112 = tpu.memref_squeeze %dma_wait3A_111 : memref<1x128x128xf32, #tpu.memory_space<vmem>> -> memref<128x128xf32, #tpu.memory_space<vmem>>
    %dma_wait3A_113 = arith.constant 0 : i32
    %dma_wait3A_114 = tpu.memref_slice %arg11[%rem3A_108, %dma_wait3A_113] : memref<3x128xi32, #tpu.memory_space<vmem>> -> memref<1x128xi32, #tpu.memory_space<vmem>>
    %dma_wait3A_115 = tpu.memref_squeeze %dma_wait3A_114 : memref<1x128xi32, #tpu.memory_space<vmem>> -> memref<128xi32, #tpu.memory_space<vmem>>
    %dma_wait3A_116 = arith.constant 0 : i32
    %dma_wait3A_117 = arith.constant 0 : i32
    %dma_wait3A_118 = tpu.memref_slice %arg14[%dma_wait3A_116, %dma_wait3A_117] : memref<10240x128xf32, #tpu.memory_space<vmem_shared>> -> memref<10240x128xf32, #tpu.memory_space<vmem_shared>>
    tpu.wait_indirect_dma semaphore(%arg18 : memref<!tpu.dma_semaphore, #tpu.memory_space<semaphore_mem>>) src(%dma_wait3A_112 : memref<128x128xf32, #tpu.memory_space<vmem>>) dst(%dma_wait3A_118 : memref<10240x128xf32, #tpu.memory_space<vmem_shared>>)
    %dma_wait3A_119 = arith.constant 0 : i32
    %dma_wait3A_120 = tpu.memref_slice %arg12[%rem3A_105, %dma_wait3A_119] : memref<2x128xf32, #tpu.memory_space<vmem>> -> memref<1x128xf32, #tpu.memory_space<vmem>>
    %dma_wait3A_121 = tpu.memref_squeeze %dma_wait3A_120 : memref<1x128xf32, #tpu.memory_space<vmem>> -> memref<128xf32, #tpu.memory_space<vmem>>
    %dma_wait3A_122 = arith.constant 0 : i32
    %dma_wait3A_123 = tpu.memref_slice %arg11[%rem3A_108, %dma_wait3A_122] : memref<3x128xi32, #tpu.memory_space<vmem>> -> memref<1x128xi32, #tpu.memory_space<vmem>>
    %dma_wait3A_124 = tpu.memref_squeeze %dma_wait3A_123 : memref<1x128xi32, #tpu.memory_space<vmem>> -> memref<128xi32, #tpu.memory_space<vmem>>
    %dma_wait3A_125 = arith.constant 0 : i32
    %dma_wait3A_126 = tpu.memref_slice %arg15[%dma_wait3A_125] : memref<10240xf32, #tpu.memory_space<vmem_shared>> -> memref<10240xf32, #tpu.memory_space<vmem_shared>>
    tpu.wait_indirect_dma semaphore(%arg19 : memref<!tpu.dma_semaphore, #tpu.memory_space<semaphore_mem>>) src(%dma_wait3A_121 : memref<128xf32, #tpu.memory_space<vmem>>) dst(%dma_wait3A_126 : memref<10240xf32, #tpu.memory_space<vmem_shared>>)
    %barrier3A_127 = arith.constant 0 : index
    tpu.barrier barrier_id(%barrier3A_127)
    %mul3A_128 = arith.constant 640 : i32
    %mul3A_129 = arith.muli %arg1, %mul3A_128 : i32
    %mul3A_130 = arith.constant 640 : i32
    %mul3A_131 = arith.muli %arg1, %mul3A_130 : i32
    "tpu.region"() ({
      %run_scoped3A = tpu.sem_alloc : memref<!tpu.dma_semaphore, #tpu.memory_space<semaphore_mem>>
      %dma_start3A_136 = arith.constant 0 : i32
      %dma_start3A_137 = tpu.memref_slice %arg8[%arg0, %mul3A_131, %dma_start3A_136] : memref<2x10240x128xf32, #tpu.memory_space<hbm>> -> memref<1x640x128xf32, #tpu.memory_space<hbm>>
      %dma_start3A_138 = tpu.memref_squeeze %dma_start3A_137 : memref<1x640x128xf32, #tpu.memory_space<hbm>> -> memref<640x128xf32, #tpu.memory_space<hbm>>
      %dma_start3A_139 = arith.constant 0 : i32
      %dma_start3A_140 = tpu.memref_slice %arg14[%mul3A_129, %dma_start3A_139] : memref<10240x128xf32, #tpu.memory_space<vmem_shared>> -> memref<640x128xf32, #tpu.memory_space<vmem_shared>>
      tpu.enqueue_dma source(%dma_start3A_140 : memref<640x128xf32, #tpu.memory_space<vmem_shared>>) target(%dma_start3A_138 : memref<640x128xf32, #tpu.memory_space<hbm>>) target_semaphore(%run_scoped3A : memref<!tpu.dma_semaphore, #tpu.memory_space<semaphore_mem>>)
      %dma_wait3A_141 = arith.constant 0 : i32
      %dma_wait3A_142 = tpu.memref_slice %arg8[%arg0, %mul3A_131, %dma_wait3A_141] : memref<2x10240x128xf32, #tpu.memory_space<hbm>> -> memref<1x640x128xf32, #tpu.memory_space<hbm>>
      %dma_wait3A_143 = tpu.memref_squeeze %dma_wait3A_142 : memref<1x640x128xf32, #tpu.memory_space<hbm>> -> memref<640x128xf32, #tpu.memory_space<hbm>>
      %dma_wait3A_144 = arith.constant 0 : i32
      %dma_wait3A_145 = tpu.memref_slice %arg14[%mul3A_129, %dma_wait3A_144] : memref<10240x128xf32, #tpu.memory_space<vmem_shared>> -> memref<640x128xf32, #tpu.memory_space<vmem_shared>>
      tpu.wait_dma2 semaphore(%run_scoped3A : memref<!tpu.dma_semaphore, #tpu.memory_space<semaphore_mem>>) src(%dma_wait3A_145 : memref<640x128xf32, #tpu.memory_space<vmem_shared>>) dst(%dma_wait3A_143 : memref<640x128xf32, #tpu.memory_space<hbm>>)
      tpu.yield
    }) : () -> ()
    %mul3A_132 = arith.constant 640 : i32
    %mul3A_133 = arith.muli %arg1, %mul3A_132 : i32
    %mul3A_134 = arith.constant 640 : i32
    %mul3A_135 = arith.muli %arg1, %mul3A_134 : i32
    "tpu.region"() ({
      %run_scoped3A = tpu.sem_alloc : memref<!tpu.dma_semaphore, #tpu.memory_space<semaphore_mem>>
      %dma_start3A_136 = tpu.memref_slice %arg9[%arg0, %mul3A_135] : memref<2x10240xf32, #tpu.memory_space<hbm>> -> memref<1x640xf32, #tpu.memory_space<hbm>>
      %dma_start3A_137 = tpu.memref_squeeze %dma_start3A_136 : memref<1x640xf32, #tpu.memory_space<hbm>> -> memref<640xf32, #tpu.memory_space<hbm>>
      %dma_start3A_138 = tpu.memref_slice %arg15[%mul3A_133] : memref<10240xf32, #tpu.memory_space<vmem_shared>> -> memref<640xf32, #tpu.memory_space<vmem_shared>>
      tpu.enqueue_dma source(%dma_start3A_138 : memref<640xf32, #tpu.memory_space<vmem_shared>>) target(%dma_start3A_137 : memref<640xf32, #tpu.memory_space<hbm>>) target_semaphore(%run_scoped3A : memref<!tpu.dma_semaphore, #tpu.memory_space<semaphore_mem>>)
      %dma_wait3A_139 = tpu.memref_slice %arg9[%arg0, %mul3A_135] : memref<2x10240xf32, #tpu.memory_space<hbm>> -> memref<1x640xf32, #tpu.memory_space<hbm>>
      %dma_wait3A_140 = tpu.memref_squeeze %dma_wait3A_139 : memref<1x640xf32, #tpu.memory_space<hbm>> -> memref<640xf32, #tpu.memory_space<hbm>>
      %dma_wait3A_141 = tpu.memref_slice %arg15[%mul3A_133] : memref<10240xf32, #tpu.memory_space<vmem_shared>> -> memref<640xf32, #tpu.memory_space<vmem_shared>>
      tpu.wait_dma2 semaphore(%run_scoped3A : memref<!tpu.dma_semaphore, #tpu.memory_space<semaphore_mem>>) src(%dma_wait3A_141 : memref<640xf32, #tpu.memory_space<vmem_shared>>) dst(%dma_wait3A_140 : memref<640xf32, #tpu.memory_space<hbm>>)
      tpu.yield
    }) : () -> ()
    return
  }
}

#map = affine_map<(d0, d1) -> (0, 0)>
#map1 = affine_map<(d0, d1) -> (0)>
#map2 = affine_map<(d0, d1) -> (0, 0, 0)>
module attributes {stable_mosaic.version = 14 : i64} {
  func.func @agg(%arg0: i32, %arg1: i32, %arg2: memref<10000x128xf32, #tpu.memory_space<hbm>>, %arg3: memref<2560x128xi32, #tpu.memory_space<hbm>>, %arg4: memref<2560x128xi32, #tpu.memory_space<hbm>>, %arg5: memref<10000xf32, #tpu.memory_space<hbm>>, %arg6: memref<640x128xf32, #tpu.memory_space<hbm>>, %arg7: memref<640xf32, #tpu.memory_space<hbm>>, %arg8: memref<2x10240x128xf32, #tpu.memory_space<hbm>>, %arg9: memref<2x10240xf32, #tpu.memory_space<hbm>>, %arg10: memref<3x128xi32, #tpu.memory_space<vmem>>, %arg11: memref<3x128xi32, #tpu.memory_space<vmem>>, %arg12: memref<2x128xf32, #tpu.memory_space<vmem>>, %arg13: memref<2x128x128xf32, #tpu.memory_space<vmem>>, %arg14: memref<10240x128xf32, #tpu.memory_space<vmem_shared>>, %arg15: memref<10240xf32, #tpu.memory_space<vmem_shared>>, %arg16: memref<!tpu.dma_semaphore, #tpu.memory_space<semaphore_mem>>, %arg17: memref<!tpu.dma_semaphore, #tpu.memory_space<semaphore_mem>>, %arg18: memref<!tpu.dma_semaphore, #tpu.memory_space<semaphore_mem>>, %arg19: memref<!tpu.dma_semaphore, #tpu.memory_space<semaphore_mem>>, %arg20: memref<!tpu.dma_semaphore, #tpu.memory_space<semaphore_mem>>) attributes {dimension_semantics = [#tpu.dimension_semantics<core_parallel>, #tpu.dimension_semantics<subcore_parallel>], iteration_bounds = array<i64: 2, 16>, scalar_prefetch = 0 : i64, scratch_operands = 11 : i64, tpu.core_type = #tpu.core_type<sc_vector_subcore>, window_params = [{transform_indices = #map}, {transform_indices = #map}, {transform_indices = #map}, {transform_indices = #map1}, {transform_indices = #map}, {transform_indices = #map1}, {transform_indices = #map2}, {transform_indices = #map}]} {
    %mul3A = arith.constant 2 : i32
    %mul3A_0 = arith.muli %arg1, %mul3A : i32
    %add3A = arith.addi %mul3A_0, %arg0 : i32
    %mul3A_1 = arith.constant 80 : i32
    %mul3A_2 = arith.muli %add3A, %mul3A_1 : i32
    %add3A_3 = arith.constant 0 : i32
    %add3A_4 = arith.addi %mul3A_2, %add3A_3 : i32
    %dma_start3A = arith.constant 0 : i32
    %dma_start3A_5 = arith.constant 0 : i32
    %dma_start3A_6 = tpu.memref_slice %arg10[%dma_start3A, %dma_start3A_5] : memref<3x128xi32, #tpu.memory_space<vmem>> -> memref<1x128xi32, #tpu.memory_space<vmem>>
    %dma_start3A_7 = arith.constant 0 : i32
    %dma_start3A_8 = tpu.memref_slice %arg3[%add3A_4, %dma_start3A_7] : memref<2560x128xi32, #tpu.memory_space<hbm>> -> memref<1x128xi32, #tpu.memory_space<hbm>>
    %dma_start3A_9 = arith.constant 0 : i32
    %dma_start3A_10 = arith.constant 0 : i32
    %dma_start3A_11 = tpu.memref_slice %arg10[%dma_start3A_9, %dma_start3A_10] : memref<3x128xi32, #tpu.memory_space<vmem>> -> memref<1x128xi32, #tpu.memory_space<vmem>>
    %dma_start3A_12 = arith.constant 0 : i32
    %dma_start3A_13 = tpu.memref_slice %arg3[%add3A_4, %dma_start3A_12] : memref<2560x128xi32, #tpu.memory_space<hbm>> -> memref<1x128xi32, #tpu.memory_space<hbm>>
    tpu.enqueue_dma source(%dma_start3A_13 : memref<1x128xi32, #tpu.memory_space<hbm>>) target(%dma_start3A_11 : memref<1x128xi32, #tpu.memory_space<vmem>>) target_semaphore(%arg20 : memref<!tpu.dma_semaphore, #tpu.memory_space<semaphore_mem>>)
    %add3A_14 = arith.constant 0 : i32
    %add3A_15 = arith.addi %mul3A_2, %add3A_14 : i32
    %dma_start3A_16 = arith.constant 0 : i32
    %dma_start3A_17 = arith.constant 0 : i32
    %dma_start3A_18 = tpu.memref_slice %arg11[%dma_start3A_16, %dma_start3A_17] : memref<3x128xi32, #tpu.memory_space<vmem>> -> memref<1x128xi32, #tpu.memory_space<vmem>>
    %dma_start3A_19 = arith.constant 0 : i32
    %dma_start3A_20 = tpu.memref_slice %arg4[%add3A_15, %dma_start3A_19] : memref<2560x128xi32, #tpu.memory_space<hbm>> -> memref<1x128xi32, #tpu.memory_space<hbm>>
    %dma_start3A_21 = arith.constant 0 : i32
    %dma_start3A_22 = arith.constant 0 : i32
    %dma_start3A_23 = tpu.memref_slice %arg11[%dma_start3A_21, %dma_start3A_22] : memref<3x128xi32, #tpu.memory_space<vmem>> -> memref<1x128xi32, #tpu.memory_space<vmem>>
    %dma_start3A_24 = arith.constant 0 : i32
    %dma_start3A_25 = tpu.memref_slice %arg4[%add3A_15, %dma_start3A_24] : memref<2560x128xi32, #tpu.memory_space<hbm>> -> memref<1x128xi32, #tpu.memory_space<hbm>>
    tpu.enqueue_dma source(%dma_start3A_25 : memref<1x128xi32, #tpu.memory_space<hbm>>) target(%dma_start3A_23 : memref<1x128xi32, #tpu.memory_space<vmem>>) target_semaphore(%arg20 : memref<!tpu.dma_semaphore, #tpu.memory_space<semaphore_mem>>)
    %add3A_26 = arith.constant 1 : i32
    %add3A_27 = arith.addi %mul3A_2, %add3A_26 : i32
    %dma_start3A_28 = arith.constant 1 : i32
    %dma_start3A_29 = arith.constant 0 : i32
    %dma_start3A_30 = tpu.memref_slice %arg10[%dma_start3A_28, %dma_start3A_29] : memref<3x128xi32, #tpu.memory_space<vmem>> -> memref<1x128xi32, #tpu.memory_space<vmem>>
    %dma_start3A_31 = arith.constant 0 : i32
    %dma_start3A_32 = tpu.memref_slice %arg3[%add3A_27, %dma_start3A_31] : memref<2560x128xi32, #tpu.memory_space<hbm>> -> memref<1x128xi32, #tpu.memory_space<hbm>>
    %dma_start3A_33 = arith.constant 1 : i32
    %dma_start3A_34 = arith.constant 0 : i32
    %dma_start3A_35 = tpu.memref_slice %arg10[%dma_start3A_33, %dma_start3A_34] : memref<3x128xi32, #tpu.memory_space<vmem>> -> memref<1x128xi32, #tpu.memory_space<vmem>>
    %dma_start3A_36 = arith.constant 0 : i32
    %dma_start3A_37 = tpu.memref_slice %arg3[%add3A_27, %dma_start3A_36] : memref<2560x128xi32, #tpu.memory_space<hbm>> -> memref<1x128xi32, #tpu.memory_space<hbm>>
    tpu.enqueue_dma source(%dma_start3A_37 : memref<1x128xi32, #tpu.memory_space<hbm>>) target(%dma_start3A_35 : memref<1x128xi32, #tpu.memory_space<vmem>>) target_semaphore(%arg20 : memref<!tpu.dma_semaphore, #tpu.memory_space<semaphore_mem>>)
    %add3A_38 = arith.constant 1 : i32
    %add3A_39 = arith.addi %mul3A_2, %add3A_38 : i32
    %dma_start3A_40 = arith.constant 1 : i32
    %dma_start3A_41 = arith.constant 0 : i32
    %dma_start3A_42 = tpu.memref_slice %arg11[%dma_start3A_40, %dma_start3A_41] : memref<3x128xi32, #tpu.memory_space<vmem>> -> memref<1x128xi32, #tpu.memory_space<vmem>>
    %dma_start3A_43 = arith.constant 0 : i32
    %dma_start3A_44 = tpu.memref_slice %arg4[%add3A_39, %dma_start3A_43] : memref<2560x128xi32, #tpu.memory_space<hbm>> -> memref<1x128xi32, #tpu.memory_space<hbm>>
    %dma_start3A_45 = arith.constant 1 : i32
    %dma_start3A_46 = arith.constant 0 : i32
    %dma_start3A_47 = tpu.memref_slice %arg11[%dma_start3A_45, %dma_start3A_46] : memref<3x128xi32, #tpu.memory_space<vmem>> -> memref<1x128xi32, #tpu.memory_space<vmem>>
    %dma_start3A_48 = arith.constant 0 : i32
    %dma_start3A_49 = tpu.memref_slice %arg4[%add3A_39, %dma_start3A_48] : memref<2560x128xi32, #tpu.memory_space<hbm>> -> memref<1x128xi32, #tpu.memory_space<hbm>>
    tpu.enqueue_dma source(%dma_start3A_49 : memref<1x128xi32, #tpu.memory_space<hbm>>) target(%dma_start3A_47 : memref<1x128xi32, #tpu.memory_space<vmem>>) target_semaphore(%arg20 : memref<!tpu.dma_semaphore, #tpu.memory_space<semaphore_mem>>)
    %mul3A_50 = arith.constant 640 : i32
    %mul3A_51 = arith.muli %arg1, %mul3A_50 : i32
    "tpu.region"() ({
      %run_scoped3A = tpu.sem_alloc : memref<!tpu.dma_semaphore, #tpu.memory_space<semaphore_mem>>
      %dma_start3A_136 = arith.constant 0 : i32
      %dma_start3A_137 = tpu.memref_slice %arg14[%mul3A_51, %dma_start3A_136] : memref<10240x128xf32, #tpu.memory_space<vmem_shared>> -> memref<640x128xf32, #tpu.memory_space<vmem_shared>>
      tpu.enqueue_dma source(%arg6 : memref<640x128xf32, #tpu.memory_space<hbm>>) target(%dma_start3A_137 : memref<640x128xf32, #tpu.memory_space<vmem_shared>>) target_semaphore(%run_scoped3A : memref<!tpu.dma_semaphore, #tpu.memory_space<semaphore_mem>>)
      %dma_wait3A_138 = arith.constant 0 : i32
      %dma_wait3A_139 = tpu.memref_slice %arg14[%mul3A_51, %dma_wait3A_138] : memref<10240x128xf32, #tpu.memory_space<vmem_shared>> -> memref<640x128xf32, #tpu.memory_space<vmem_shared>>
      tpu.wait_dma2 semaphore(%run_scoped3A : memref<!tpu.dma_semaphore, #tpu.memory_space<semaphore_mem>>) src(%arg6 : memref<640x128xf32, #tpu.memory_space<hbm>>) dst(%dma_wait3A_139 : memref<640x128xf32, #tpu.memory_space<vmem_shared>>)
      tpu.yield
    }) : () -> ()
    %mul3A_52 = arith.constant 640 : i32
    %mul3A_53 = arith.muli %arg1, %mul3A_52 : i32
    "tpu.region"() ({
      %run_scoped3A = tpu.sem_alloc : memref<!tpu.dma_semaphore, #tpu.memory_space<semaphore_mem>>
      %dma_start3A_136 = tpu.memref_slice %arg15[%mul3A_53] : memref<10240xf32, #tpu.memory_space<vmem_shared>> -> memref<640xf32, #tpu.memory_space<vmem_shared>>
      tpu.enqueue_dma source(%arg7 : memref<640xf32, #tpu.memory_space<hbm>>) target(%dma_start3A_136 : memref<640xf32, #tpu.memory_space<vmem_shared>>) target_semaphore(%run_scoped3A : memref<!tpu.dma_semaphore, #tpu.memory_space<semaphore_mem>>)
      %dma_wait3A_137 = tpu.memref_slice %arg15[%mul3A_53] : memref<10240xf32, #tpu.memory_space<vmem_shared>> -> memref<640xf32, #tpu.memory_space<vmem_shared>>
      tpu.wait_dma2 semaphore(%run_scoped3A : memref<!tpu.dma_semaphore, #tpu.memory_space<semaphore_mem>>) src(%arg7 : memref<640xf32, #tpu.memory_space<hbm>>) dst(%dma_wait3A_137 : memref<640xf32, #tpu.memory_space<vmem_shared>>)
      tpu.yield
    }) : () -> ()
    %barrier3A = arith.constant 0 : index
    tpu.barrier barrier_id(%barrier3A)
    %add3A_54 = arith.constant 0 : i32
    %add3A_55 = arith.addi %mul3A_2, %add3A_54 : i32
    %dma_wait3A = arith.constant 0 : i32
    %dma_wait3A_56 = arith.constant 0 : i32
    %dma_wait3A_57 = tpu.memref_slice %arg10[%dma_wait3A, %dma_wait3A_56] : memref<3x128xi32, #tpu.memory_space<vmem>> -> memref<1x128xi32, #tpu.memory_space<vmem>>
    %dma_wait3A_58 = arith.constant 0 : i32
    %dma_wait3A_59 = tpu.memref_slice %arg3[%add3A_55, %dma_wait3A_58] : memref<2560x128xi32, #tpu.memory_space<hbm>> -> memref<1x128xi32, #tpu.memory_space<hbm>>
    %dma_wait3A_60 = arith.constant 0 : i32
    %dma_wait3A_61 = arith.constant 0 : i32
    %dma_wait3A_62 = tpu.memref_slice %arg10[%dma_wait3A_60, %dma_wait3A_61] : memref<3x128xi32, #tpu.memory_space<vmem>> -> memref<1x128xi32, #tpu.memory_space<vmem>>
    %dma_wait3A_63 = arith.constant 0 : i32
    %dma_wait3A_64 = tpu.memref_slice %arg3[%add3A_55, %dma_wait3A_63] : memref<2560x128xi32, #tpu.memory_space<hbm>> -> memref<1x128xi32, #tpu.memory_space<hbm>>
    tpu.wait_dma2 semaphore(%arg20 : memref<!tpu.dma_semaphore, #tpu.memory_space<semaphore_mem>>) src(%dma_wait3A_64 : memref<1x128xi32, #tpu.memory_space<hbm>>) dst(%dma_wait3A_62 : memref<1x128xi32, #tpu.memory_space<vmem>>)
    %add3A_65 = arith.constant 0 : i32
    %add3A_66 = arith.addi %mul3A_2, %add3A_65 : i32
    %dma_wait3A_67 = arith.constant 0 : i32
    %dma_wait3A_68 = arith.constant 0 : i32
    %dma_wait3A_69 = tpu.memref_slice %arg11[%dma_wait3A_67, %dma_wait3A_68] : memref<3x128xi32, #tpu.memory_space<vmem>> -> memref<1x128xi32, #tpu.memory_space<vmem>>
    %dma_wait3A_70 = arith.constant 0 : i32
    %dma_wait3A_71 = tpu.memref_slice %arg4[%add3A_66, %dma_wait3A_70] : memref<2560x128xi32, #tpu.memory_space<hbm>> -> memref<1x128xi32, #tpu.memory_space<hbm>>
    %dma_wait3A_72 = arith.constant 0 : i32
    %dma_wait3A_73 = arith.constant 0 : i32
    %dma_wait3A_74 = tpu.memref_slice %arg11[%dma_wait3A_72, %dma_wait3A_73] : memref<3x128xi32, #tpu.memory_space<vmem>> -> memref<1x128xi32, #tpu.memory_space<vmem>>
    %dma_wait3A_75 = arith.constant 0 : i32
    %dma_wait3A_76 = tpu.memref_slice %arg4[%add3A_66, %dma_wait3A_75] : memref<2560x128xi32, #tpu.memory_space<hbm>> -> memref<1x128xi32, #tpu.memory_space<hbm>>
    tpu.wait_dma2 semaphore(%arg20 : memref<!tpu.dma_semaphore, #tpu.memory_space<semaphore_mem>>) src(%dma_wait3A_76 : memref<1x128xi32, #tpu.memory_space<hbm>>) dst(%dma_wait3A_74 : memref<1x128xi32, #tpu.memory_space<vmem>>)
    %dma_start3A_77 = arith.constant 0 : i32
    %dma_start3A_78 = arith.constant 0 : i32
    %dma_start3A_79 = arith.constant 0 : i32
    %dma_start3A_80 = arith.constant 0 : i32
    %dma_start3A_81 = tpu.memref_slice %arg13[%dma_start3A_78, %dma_start3A_79, %dma_start3A_80] : memref<2x128x128xf32, #tpu.memory_space<vmem>> -> memref<1x128x128xf32, #tpu.memory_space<vmem>>
    %dma_start3A_82 = tpu.memref_squeeze %dma_start3A_81 : memref<1x128x128xf32, #tpu.memory_space<vmem>> -> memref<128x128xf32, #tpu.memory_space<vmem>>
    %dma_start3A_83 = arith.constant 0 : i32
    %dma_start3A_84 = tpu.memref_slice %arg10[%dma_start3A_77, %dma_start3A_83] : memref<3x128xi32, #tpu.memory_space<vmem>> -> memref<1x128xi32, #tpu.memory_space<vmem>>
    %dma_start3A_85 = tpu.memref_squeeze %dma_start3A_84 : memref<1x128xi32, #tpu.memory_space<vmem>> -> memref<128xi32, #tpu.memory_space<vmem>>
    %dma_start3A_86 = arith.constant 0 : i32
    %dma_start3A_87 = arith.constant 0 : i32
    %dma_start3A_88 = tpu.memref_slice %arg2[%dma_start3A_86, %dma_start3A_87] : memref<10000x128xf32, #tpu.memory_space<hbm>> -> memref<10000x128xf32, #tpu.memory_space<hbm>>
    tpu.enqueue_indirect_dma source(%dma_start3A_88 : memref<10000x128xf32, #tpu.memory_space<hbm>>) target(%dma_start3A_82 : memref<128x128xf32, #tpu.memory_space<vmem>>) offsets(%dma_start3A_85 : memref<128xi32, #tpu.memory_space<vmem>>) semaphore(%arg16 : memref<!tpu.dma_semaphore, #tpu.memory_space<semaphore_mem>>)
    %dma_start3A_89 = arith.constant 0 : i32
    %dma_start3A_90 = arith.constant 0 : i32
    %dma_start3A_91 = arith.constant 0 : i32
    %dma_start3A_92 = tpu.memref_slice %arg12[%dma_start3A_90, %dma_start3A_91] : memref<2x128xf32, #tpu.memory_space<vmem>> -> memref<1x128xf32, #tpu.memory_space<vmem>>
    %dma_start3A_93 = tpu.memref_squeeze %dma_start3A_92 : memref<1x128xf32, #tpu.memory_space<vmem>> -> memref<128xf32, #tpu.memory_space<vmem>>
    %dma_start3A_94 = arith.constant 0 : i32
    %dma_start3A_95 = tpu.memref_slice %arg10[%dma_start3A_89, %dma_start3A_94] : memref<3x128xi32, #tpu.memory_space<vmem>> -> memref<1x128xi32, #tpu.memory_space<vmem>>
    %dma_start3A_96 = tpu.memref_squeeze %dma_start3A_95 : memref<1x128xi32, #tpu.memory_space<vmem>> -> memref<128xi32, #tpu.memory_space<vmem>>
    %dma_start3A_97 = arith.constant 0 : i32
    %dma_start3A_98 = tpu.memref_slice %arg5[%dma_start3A_97] : memref<10000xf32, #tpu.memory_space<hbm>> -> memref<10000xf32, #tpu.memory_space<hbm>>
    tpu.enqueue_indirect_dma source(%dma_start3A_98 : memref<10000xf32, #tpu.memory_space<hbm>>) target(%dma_start3A_93 : memref<128xf32, #tpu.memory_space<vmem>>) offsets(%dma_start3A_96 : memref<128xi32, #tpu.memory_space<vmem>>) semaphore(%arg17 : memref<!tpu.dma_semaphore, #tpu.memory_space<semaphore_mem>>)
    %scan3A = arith.constant 0 : i32
    %scan3A_99 = arith.constant 0 : i32
    %scan3A_100 = arith.constant 80 : i32
    %scan3A_101 = arith.addi %scan3A_99, %scan3A_100 : i32
    %scan3A_102 = arith.constant 1 : i32
    scf.for %scan3A_136 = %scan3A_99 to %scan3A_101 step %scan3A_102  : i32 {
      %rem3A_137 = arith.constant 2 : i32
      %rem3A_138 = arith.remsi %scan3A_136, %rem3A_137 : i32
      %sub3A = arith.constant 1 : i32
      %sub3A_139 = arith.subi %sub3A, %rem3A_138 : i32
      %rem3A_140 = arith.constant 3 : i32
      %rem3A_141 = arith.remsi %scan3A_136, %rem3A_140 : i32
      %add3A_142 = arith.constant 1 : i32
      %add3A_143 = arith.addi %scan3A_136, %add3A_142 : i32
      %rem3A_144 = arith.constant 3 : i32
      %rem3A_145 = arith.remsi %add3A_143, %rem3A_144 : i32
      %add3A_146 = arith.constant 2 : i32
      %add3A_147 = arith.addi %scan3A_136, %add3A_146 : i32
      %rem3A_148 = arith.constant 3 : i32
      %rem3A_149 = arith.remsi %add3A_147, %rem3A_148 : i32
      %ge3A = arith.constant 1 : i32
      %ge3A_150 = arith.cmpi sge, %scan3A_136, %ge3A : i32
      %convert_element_type3A = arith.extui %ge3A_150 : i1 to i32
      %cond3A = arith.constant 0 : i32
      %cond3A_151 = arith.cmpi ne, %convert_element_type3A, %cond3A : i32
      scf.if %cond3A_151 {
        %sub3A_201 = arith.constant 1 : i32
        %sub3A_202 = arith.subi %scan3A_136, %sub3A_201 : i32
        %rem3A_203 = arith.constant 3 : i32
        %rem3A_204 = arith.remsi %sub3A_202, %rem3A_203 : i32
        %dma_wait3A_205 = arith.constant 0 : i32
        %dma_wait3A_206 = arith.constant 0 : i32
        %dma_wait3A_207 = tpu.memref_slice %arg13[%sub3A_139, %dma_wait3A_205, %dma_wait3A_206] : memref<2x128x128xf32, #tpu.memory_space<vmem>> -> memref<1x128x128xf32, #tpu.memory_space<vmem>>
        %dma_wait3A_208 = tpu.memref_squeeze %dma_wait3A_207 : memref<1x128x128xf32, #tpu.memory_space<vmem>> -> memref<128x128xf32, #tpu.memory_space<vmem>>
        %dma_wait3A_209 = arith.constant 0 : i32
        %dma_wait3A_210 = tpu.memref_slice %arg11[%rem3A_204, %dma_wait3A_209] : memref<3x128xi32, #tpu.memory_space<vmem>> -> memref<1x128xi32, #tpu.memory_space<vmem>>
        %dma_wait3A_211 = tpu.memref_squeeze %dma_wait3A_210 : memref<1x128xi32, #tpu.memory_space<vmem>> -> memref<128xi32, #tpu.memory_space<vmem>>
        %dma_wait3A_212 = arith.constant 0 : i32
        %dma_wait3A_213 = arith.constant 0 : i32
        %dma_wait3A_214 = tpu.memref_slice %arg14[%dma_wait3A_212, %dma_wait3A_213] : memref<10240x128xf32, #tpu.memory_space<vmem_shared>> -> memref<10240x128xf32, #tpu.memory_space<vmem_shared>>
        tpu.wait_indirect_dma semaphore(%arg18 : memref<!tpu.dma_semaphore, #tpu.memory_space<semaphore_mem>>) src(%dma_wait3A_208 : memref<128x128xf32, #tpu.memory_space<vmem>>) dst(%dma_wait3A_214 : memref<10240x128xf32, #tpu.memory_space<vmem_shared>>)
        %dma_wait3A_215 = arith.constant 0 : i32
        %dma_wait3A_216 = tpu.memref_slice %arg12[%sub3A_139, %dma_wait3A_215] : memref<2x128xf32, #tpu.memory_space<vmem>> -> memref<1x128xf32, #tpu.memory_space<vmem>>
        %dma_wait3A_217 = tpu.memref_squeeze %dma_wait3A_216 : memref<1x128xf32, #tpu.memory_space<vmem>> -> memref<128xf32, #tpu.memory_space<vmem>>
        %dma_wait3A_218 = arith.constant 0 : i32
        %dma_wait3A_219 = tpu.memref_slice %arg11[%rem3A_204, %dma_wait3A_218] : memref<3x128xi32, #tpu.memory_space<vmem>> -> memref<1x128xi32, #tpu.memory_space<vmem>>
        %dma_wait3A_220 = tpu.memref_squeeze %dma_wait3A_219 : memref<1x128xi32, #tpu.memory_space<vmem>> -> memref<128xi32, #tpu.memory_space<vmem>>
        %dma_wait3A_221 = arith.constant 0 : i32
        %dma_wait3A_222 = tpu.memref_slice %arg15[%dma_wait3A_221] : memref<10240xf32, #tpu.memory_space<vmem_shared>> -> memref<10240xf32, #tpu.memory_space<vmem_shared>>
        tpu.wait_indirect_dma semaphore(%arg19 : memref<!tpu.dma_semaphore, #tpu.memory_space<semaphore_mem>>) src(%dma_wait3A_217 : memref<128xf32, #tpu.memory_space<vmem>>) dst(%dma_wait3A_222 : memref<10240xf32, #tpu.memory_space<vmem_shared>>)
      } else {
      }
      %add3A_152 = arith.constant 2 : i32
      %add3A_153 = arith.addi %scan3A_136, %add3A_152 : i32
      %lt3A = arith.constant 80 : i32
      %lt3A_154 = arith.cmpi slt, %add3A_153, %lt3A : i32
      %convert_element_type3A_155 = arith.extui %lt3A_154 : i1 to i32
      %cond3A_156 = arith.constant 0 : i32
      %cond3A_157 = arith.cmpi ne, %convert_element_type3A_155, %cond3A_156 : i32
      scf.if %cond3A_157 {
        %add3A_201 = arith.constant 2 : i32
        %add3A_202 = arith.addi %scan3A_136, %add3A_201 : i32
        %add3A_203 = arith.addi %mul3A_2, %add3A_202 : i32
        %dma_start3A_204 = arith.constant 0 : i32
        %dma_start3A_205 = tpu.memref_slice %arg10[%rem3A_149, %dma_start3A_204] : memref<3x128xi32, #tpu.memory_space<vmem>> -> memref<1x128xi32, #tpu.memory_space<vmem>>
        %dma_start3A_206 = arith.constant 0 : i32
        %dma_start3A_207 = tpu.memref_slice %arg3[%add3A_203, %dma_start3A_206] : memref<2560x128xi32, #tpu.memory_space<hbm>> -> memref<1x128xi32, #tpu.memory_space<hbm>>
        %dma_start3A_208 = arith.constant 0 : i32
        %dma_start3A_209 = tpu.memref_slice %arg10[%rem3A_149, %dma_start3A_208] : memref<3x128xi32, #tpu.memory_space<vmem>> -> memref<1x128xi32, #tpu.memory_space<vmem>>
        %dma_start3A_210 = arith.constant 0 : i32
        %dma_start3A_211 = tpu.memref_slice %arg3[%add3A_203, %dma_start3A_210] : memref<2560x128xi32, #tpu.memory_space<hbm>> -> memref<1x128xi32, #tpu.memory_space<hbm>>
        tpu.enqueue_dma source(%dma_start3A_211 : memref<1x128xi32, #tpu.memory_space<hbm>>) target(%dma_start3A_209 : memref<1x128xi32, #tpu.memory_space<vmem>>) target_semaphore(%arg20 : memref<!tpu.dma_semaphore, #tpu.memory_space<semaphore_mem>>)
        %add3A_212 = arith.addi %mul3A_2, %add3A_202 : i32
        %dma_start3A_213 = arith.constant 0 : i32
        %dma_start3A_214 = tpu.memref_slice %arg11[%rem3A_149, %dma_start3A_213] : memref<3x128xi32, #tpu.memory_space<vmem>> -> memref<1x128xi32, #tpu.memory_space<vmem>>
        %dma_start3A_215 = arith.constant 0 : i32
        %dma_start3A_216 = tpu.memref_slice %arg4[%add3A_212, %dma_start3A_215] : memref<2560x128xi32, #tpu.memory_space<hbm>> -> memref<1x128xi32, #tpu.memory_space<hbm>>
        %dma_start3A_217 = arith.constant 0 : i32
        %dma_start3A_218 = tpu.memref_slice %arg11[%rem3A_149, %dma_start3A_217] : memref<3x128xi32, #tpu.memory_space<vmem>> -> memref<1x128xi32, #tpu.memory_space<vmem>>
        %dma_start3A_219 = arith.constant 0 : i32
        %dma_start3A_220 = tpu.memref_slice %arg4[%add3A_212, %dma_start3A_219] : memref<2560x128xi32, #tpu.memory_space<hbm>> -> memref<1x128xi32, #tpu.memory_space<hbm>>
        tpu.enqueue_dma source(%dma_start3A_220 : memref<1x128xi32, #tpu.memory_space<hbm>>) target(%dma_start3A_218 : memref<1x128xi32, #tpu.memory_space<vmem>>) target_semaphore(%arg20 : memref<!tpu.dma_semaphore, #tpu.memory_space<semaphore_mem>>)
      } else {
      }
      %add3A_158 = arith.constant 1 : i32
      %add3A_159 = arith.addi %scan3A_136, %add3A_158 : i32
      %lt3A_160 = arith.constant 80 : i32
      %lt3A_161 = arith.cmpi slt, %add3A_159, %lt3A_160 : i32
      %convert_element_type3A_162 = arith.extui %lt3A_161 : i1 to i32
      %cond3A_163 = arith.constant 0 : i32
      %cond3A_164 = arith.cmpi ne, %convert_element_type3A_162, %cond3A_163 : i32
      scf.if %cond3A_164 {
        %add3A_201 = arith.constant 1 : i32
        %add3A_202 = arith.addi %scan3A_136, %add3A_201 : i32
        %add3A_203 = arith.addi %mul3A_2, %add3A_202 : i32
        %dma_wait3A_204 = arith.constant 0 : i32
        %dma_wait3A_205 = tpu.memref_slice %arg10[%rem3A_145, %dma_wait3A_204] : memref<3x128xi32, #tpu.memory_space<vmem>> -> memref<1x128xi32, #tpu.memory_space<vmem>>
        %dma_wait3A_206 = arith.constant 0 : i32
        %dma_wait3A_207 = tpu.memref_slice %arg3[%add3A_203, %dma_wait3A_206] : memref<2560x128xi32, #tpu.memory_space<hbm>> -> memref<1x128xi32, #tpu.memory_space<hbm>>
        %dma_wait3A_208 = arith.constant 0 : i32
        %dma_wait3A_209 = tpu.memref_slice %arg10[%rem3A_145, %dma_wait3A_208] : memref<3x128xi32, #tpu.memory_space<vmem>> -> memref<1x128xi32, #tpu.memory_space<vmem>>
        %dma_wait3A_210 = arith.constant 0 : i32
        %dma_wait3A_211 = tpu.memref_slice %arg3[%add3A_203, %dma_wait3A_210] : memref<2560x128xi32, #tpu.memory_space<hbm>> -> memref<1x128xi32, #tpu.memory_space<hbm>>
        tpu.wait_dma2 semaphore(%arg20 : memref<!tpu.dma_semaphore, #tpu.memory_space<semaphore_mem>>) src(%dma_wait3A_211 : memref<1x128xi32, #tpu.memory_space<hbm>>) dst(%dma_wait3A_209 : memref<1x128xi32, #tpu.memory_space<vmem>>)
        %add3A_212 = arith.addi %mul3A_2, %add3A_202 : i32
        %dma_wait3A_213 = arith.constant 0 : i32
        %dma_wait3A_214 = tpu.memref_slice %arg11[%rem3A_145, %dma_wait3A_213] : memref<3x128xi32, #tpu.memory_space<vmem>> -> memref<1x128xi32, #tpu.memory_space<vmem>>
        %dma_wait3A_215 = arith.constant 0 : i32
        %dma_wait3A_216 = tpu.memref_slice %arg4[%add3A_212, %dma_wait3A_215] : memref<2560x128xi32, #tpu.memory_space<hbm>> -> memref<1x128xi32, #tpu.memory_space<hbm>>
        %dma_wait3A_217 = arith.constant 0 : i32
        %dma_wait3A_218 = tpu.memref_slice %arg11[%rem3A_145, %dma_wait3A_217] : memref<3x128xi32, #tpu.memory_space<vmem>> -> memref<1x128xi32, #tpu.memory_space<vmem>>
        %dma_wait3A_219 = arith.constant 0 : i32
        %dma_wait3A_220 = tpu.memref_slice %arg4[%add3A_212, %dma_wait3A_219] : memref<2560x128xi32, #tpu.memory_space<hbm>> -> memref<1x128xi32, #tpu.memory_space<hbm>>
        tpu.wait_dma2 semaphore(%arg20 : memref<!tpu.dma_semaphore, #tpu.memory_space<semaphore_mem>>) src(%dma_wait3A_220 : memref<1x128xi32, #tpu.memory_space<hbm>>) dst(%dma_wait3A_218 : memref<1x128xi32, #tpu.memory_space<vmem>>)
        %dma_start3A_221 = arith.constant 0 : i32
        %dma_start3A_222 = arith.constant 0 : i32
        %dma_start3A_223 = tpu.memref_slice %arg13[%sub3A_139, %dma_start3A_221, %dma_start3A_222] : memref<2x128x128xf32, #tpu.memory_space<vmem>> -> memref<1x128x128xf32, #tpu.memory_space<vmem>>
        %dma_start3A_224 = tpu.memref_squeeze %dma_start3A_223 : memref<1x128x128xf32, #tpu.memory_space<vmem>> -> memref<128x128xf32, #tpu.memory_space<vmem>>
        %dma_start3A_225 = arith.constant 0 : i32
        %dma_start3A_226 = tpu.memref_slice %arg10[%rem3A_145, %dma_start3A_225] : memref<3x128xi32, #tpu.memory_space<vmem>> -> memref<1x128xi32, #tpu.memory_space<vmem>>
        %dma_start3A_227 = tpu.memref_squeeze %dma_start3A_226 : memref<1x128xi32, #tpu.memory_space<vmem>> -> memref<128xi32, #tpu.memory_space<vmem>>
        %dma_start3A_228 = arith.constant 0 : i32
        %dma_start3A_229 = arith.constant 0 : i32
        %dma_start3A_230 = tpu.memref_slice %arg2[%dma_start3A_228, %dma_start3A_229] : memref<10000x128xf32, #tpu.memory_space<hbm>> -> memref<10000x128xf32, #tpu.memory_space<hbm>>
        tpu.enqueue_indirect_dma source(%dma_start3A_230 : memref<10000x128xf32, #tpu.memory_space<hbm>>) target(%dma_start3A_224 : memref<128x128xf32, #tpu.memory_space<vmem>>) offsets(%dma_start3A_227 : memref<128xi32, #tpu.memory_space<vmem>>) semaphore(%arg16 : memref<!tpu.dma_semaphore, #tpu.memory_space<semaphore_mem>>)
        %dma_start3A_231 = arith.constant 0 : i32
        %dma_start3A_232 = tpu.memref_slice %arg12[%sub3A_139, %dma_start3A_231] : memref<2x128xf32, #tpu.memory_space<vmem>> -> memref<1x128xf32, #tpu.memory_space<vmem>>
        %dma_start3A_233 = tpu.memref_squeeze %dma_start3A_232 : memref<1x128xf32, #tpu.memory_space<vmem>> -> memref<128xf32, #tpu.memory_space<vmem>>
        %dma_start3A_234 = arith.constant 0 : i32
        %dma_start3A_235 = tpu.memref_slice %arg10[%rem3A_145, %dma_start3A_234] : memref<3x128xi32, #tpu.memory_space<vmem>> -> memref<1x128xi32, #tpu.memory_space<vmem>>
        %dma_start3A_236 = tpu.memref_squeeze %dma_start3A_235 : memref<1x128xi32, #tpu.memory_space<vmem>> -> memref<128xi32, #tpu.memory_space<vmem>>
        %dma_start3A_237 = arith.constant 0 : i32
        %dma_start3A_238 = tpu.memref_slice %arg5[%dma_start3A_237] : memref<10000xf32, #tpu.memory_space<hbm>> -> memref<10000xf32, #tpu.memory_space<hbm>>
        tpu.enqueue_indirect_dma source(%dma_start3A_238 : memref<10000xf32, #tpu.memory_space<hbm>>) target(%dma_start3A_233 : memref<128xf32, #tpu.memory_space<vmem>>) offsets(%dma_start3A_236 : memref<128xi32, #tpu.memory_space<vmem>>) semaphore(%arg17 : memref<!tpu.dma_semaphore, #tpu.memory_space<semaphore_mem>>)
      } else {
      }
      %dma_wait3A_165 = arith.constant 0 : i32
      %dma_wait3A_166 = arith.constant 0 : i32
      %dma_wait3A_167 = tpu.memref_slice %arg13[%rem3A_138, %dma_wait3A_165, %dma_wait3A_166] : memref<2x128x128xf32, #tpu.memory_space<vmem>> -> memref<1x128x128xf32, #tpu.memory_space<vmem>>
      %dma_wait3A_168 = tpu.memref_squeeze %dma_wait3A_167 : memref<1x128x128xf32, #tpu.memory_space<vmem>> -> memref<128x128xf32, #tpu.memory_space<vmem>>
      %dma_wait3A_169 = arith.constant 0 : i32
      %dma_wait3A_170 = tpu.memref_slice %arg10[%rem3A_141, %dma_wait3A_169] : memref<3x128xi32, #tpu.memory_space<vmem>> -> memref<1x128xi32, #tpu.memory_space<vmem>>
      %dma_wait3A_171 = tpu.memref_squeeze %dma_wait3A_170 : memref<1x128xi32, #tpu.memory_space<vmem>> -> memref<128xi32, #tpu.memory_space<vmem>>
      %dma_wait3A_172 = arith.constant 0 : i32
      %dma_wait3A_173 = arith.constant 0 : i32
      %dma_wait3A_174 = tpu.memref_slice %arg2[%dma_wait3A_172, %dma_wait3A_173] : memref<10000x128xf32, #tpu.memory_space<hbm>> -> memref<10000x128xf32, #tpu.memory_space<hbm>>
      tpu.wait_indirect_dma semaphore(%arg16 : memref<!tpu.dma_semaphore, #tpu.memory_space<semaphore_mem>>) src(%dma_wait3A_174 : memref<10000x128xf32, #tpu.memory_space<hbm>>) dst(%dma_wait3A_168 : memref<128x128xf32, #tpu.memory_space<vmem>>)
      %dma_wait3A_175 = arith.constant 0 : i32
      %dma_wait3A_176 = tpu.memref_slice %arg12[%rem3A_138, %dma_wait3A_175] : memref<2x128xf32, #tpu.memory_space<vmem>> -> memref<1x128xf32, #tpu.memory_space<vmem>>
      %dma_wait3A_177 = tpu.memref_squeeze %dma_wait3A_176 : memref<1x128xf32, #tpu.memory_space<vmem>> -> memref<128xf32, #tpu.memory_space<vmem>>
      %dma_wait3A_178 = arith.constant 0 : i32
      %dma_wait3A_179 = tpu.memref_slice %arg10[%rem3A_141, %dma_wait3A_178] : memref<3x128xi32, #tpu.memory_space<vmem>> -> memref<1x128xi32, #tpu.memory_space<vmem>>
      %dma_wait3A_180 = tpu.memref_squeeze %dma_wait3A_179 : memref<1x128xi32, #tpu.memory_space<vmem>> -> memref<128xi32, #tpu.memory_space<vmem>>
      %dma_wait3A_181 = arith.constant 0 : i32
      %dma_wait3A_182 = tpu.memref_slice %arg5[%dma_wait3A_181] : memref<10000xf32, #tpu.memory_space<hbm>> -> memref<10000xf32, #tpu.memory_space<hbm>>
      tpu.wait_indirect_dma semaphore(%arg17 : memref<!tpu.dma_semaphore, #tpu.memory_space<semaphore_mem>>) src(%dma_wait3A_182 : memref<10000xf32, #tpu.memory_space<hbm>>) dst(%dma_wait3A_177 : memref<128xf32, #tpu.memory_space<vmem>>)
      %dma_start3A_183 = arith.constant 0 : i32
      %dma_start3A_184 = arith.constant 0 : i32
      %dma_start3A_185 = tpu.memref_slice %arg13[%rem3A_138, %dma_start3A_183, %dma_start3A_184] : memref<2x128x128xf32, #tpu.memory_space<vmem>> -> memref<1x128x128xf32, #tpu.memory_space<vmem>>
      %dma_start3A_186 = tpu.memref_squeeze %dma_start3A_185 : memref<1x128x128xf32, #tpu.memory_space<vmem>> -> memref<128x128xf32, #tpu.memory_space<vmem>>
      %dma_start3A_187 = arith.constant 0 : i32
      %dma_start3A_188 = tpu.memref_slice %arg11[%rem3A_141, %dma_start3A_187] : memref<3x128xi32, #tpu.memory_space<vmem>> -> memref<1x128xi32, #tpu.memory_space<vmem>>
      %dma_start3A_189 = tpu.memref_squeeze %dma_start3A_188 : memref<1x128xi32, #tpu.memory_space<vmem>> -> memref<128xi32, #tpu.memory_space<vmem>>
      %dma_start3A_190 = arith.constant 0 : i32
      %dma_start3A_191 = arith.constant 0 : i32
      %dma_start3A_192 = tpu.memref_slice %arg14[%dma_start3A_190, %dma_start3A_191] : memref<10240x128xf32, #tpu.memory_space<vmem_shared>> -> memref<10240x128xf32, #tpu.memory_space<vmem_shared>>
      tpu.enqueue_indirect_dma source(%dma_start3A_186 : memref<128x128xf32, #tpu.memory_space<vmem>>) target(%dma_start3A_192 : memref<10240x128xf32, #tpu.memory_space<vmem_shared>>) offsets(%dma_start3A_189 : memref<128xi32, #tpu.memory_space<vmem>>) semaphore(%arg18 : memref<!tpu.dma_semaphore, #tpu.memory_space<semaphore_mem>>) {add = true}
      %dma_start3A_193 = arith.constant 0 : i32
      %dma_start3A_194 = tpu.memref_slice %arg12[%rem3A_138, %dma_start3A_193] : memref<2x128xf32, #tpu.memory_space<vmem>> -> memref<1x128xf32, #tpu.memory_space<vmem>>
      %dma_start3A_195 = tpu.memref_squeeze %dma_start3A_194 : memref<1x128xf32, #tpu.memory_space<vmem>> -> memref<128xf32, #tpu.memory_space<vmem>>
      %dma_start3A_196 = arith.constant 0 : i32
      %dma_start3A_197 = tpu.memref_slice %arg11[%rem3A_141, %dma_start3A_196] : memref<3x128xi32, #tpu.memory_space<vmem>> -> memref<1x128xi32, #tpu.memory_space<vmem>>
      %dma_start3A_198 = tpu.memref_squeeze %dma_start3A_197 : memref<1x128xi32, #tpu.memory_space<vmem>> -> memref<128xi32, #tpu.memory_space<vmem>>
      %dma_start3A_199 = arith.constant 0 : i32
      %dma_start3A_200 = tpu.memref_slice %arg15[%dma_start3A_199] : memref<10240xf32, #tpu.memory_space<vmem_shared>> -> memref<10240xf32, #tpu.memory_space<vmem_shared>>
      tpu.enqueue_indirect_dma source(%dma_start3A_195 : memref<128xf32, #tpu.memory_space<vmem>>) target(%dma_start3A_200 : memref<10240xf32, #tpu.memory_space<vmem_shared>>) offsets(%dma_start3A_198 : memref<128xi32, #tpu.memory_space<vmem>>) semaphore(%arg19 : memref<!tpu.dma_semaphore, #tpu.memory_space<semaphore_mem>>) {add = true}
    }
    %scan3A_103 = arith.constant 80 : i32
    %rem3A = arith.constant 79 : i32
    %rem3A_104 = arith.constant 2 : i32
    %rem3A_105 = arith.remsi %rem3A, %rem3A_104 : i32
    %rem3A_106 = arith.constant 79 : i32
    %rem3A_107 = arith.constant 3 : i32
    %rem3A_108 = arith.remsi %rem3A_106, %rem3A_107 : i32
    %dma_wait3A_109 = arith.constant 0 : i32
    %dma_wait3A_110 = arith.constant 0 : i32
    %dma_wait3A_111 = tpu.memref_slice %arg13[%rem3A_105, %dma_wait3A_109, %dma_wait3A_110] : memref<2x128x128xf32, #tpu.memory_space<vmem>> -> memref<1x128x128xf32, #tpu.memory_space<vmem>>
    %dma_wait3A_112 = tpu.memref_squeeze %dma_wait3A_111 : memref<1x128x128xf32, #tpu.memory_space<vmem>> -> memref<128x128xf32, #tpu.memory_space<vmem>>
    %dma_wait3A_113 = arith.constant 0 : i32
    %dma_wait3A_114 = tpu.memref_slice %arg11[%rem3A_108, %dma_wait3A_113] : memref<3x128xi32, #tpu.memory_space<vmem>> -> memref<1x128xi32, #tpu.memory_space<vmem>>
    %dma_wait3A_115 = tpu.memref_squeeze %dma_wait3A_114 : memref<1x128xi32, #tpu.memory_space<vmem>> -> memref<128xi32, #tpu.memory_space<vmem>>
    %dma_wait3A_116 = arith.constant 0 : i32
    %dma_wait3A_117 = arith.constant 0 : i32
    %dma_wait3A_118 = tpu.memref_slice %arg14[%dma_wait3A_116, %dma_wait3A_117] : memref<10240x128xf32, #tpu.memory_space<vmem_shared>> -> memref<10240x128xf32, #tpu.memory_space<vmem_shared>>
    tpu.wait_indirect_dma semaphore(%arg18 : memref<!tpu.dma_semaphore, #tpu.memory_space<semaphore_mem>>) src(%dma_wait3A_112 : memref<128x128xf32, #tpu.memory_space<vmem>>) dst(%dma_wait3A_118 : memref<10240x128xf32, #tpu.memory_space<vmem_shared>>)
    %dma_wait3A_119 = arith.constant 0 : i32
    %dma_wait3A_120 = tpu.memref_slice %arg12[%rem3A_105, %dma_wait3A_119] : memref<2x128xf32, #tpu.memory_space<vmem>> -> memref<1x128xf32, #tpu.memory_space<vmem>>
    %dma_wait3A_121 = tpu.memref_squeeze %dma_wait3A_120 : memref<1x128xf32, #tpu.memory_space<vmem>> -> memref<128xf32, #tpu.memory_space<vmem>>
    %dma_wait3A_122 = arith.constant 0 : i32
    %dma_wait3A_123 = tpu.memref_slice %arg11[%rem3A_108, %dma_wait3A_122] : memref<3x128xi32, #tpu.memory_space<vmem>> -> memref<1x128xi32, #tpu.memory_space<vmem>>
    %dma_wait3A_124 = tpu.memref_squeeze %dma_wait3A_123 : memref<1x128xi32, #tpu.memory_space<vmem>> -> memref<128xi32, #tpu.memory_space<vmem>>
    %dma_wait3A_125 = arith.constant 0 : i32
    %dma_wait3A_126 = tpu.memref_slice %arg15[%dma_wait3A_125] : memref<10240xf32, #tpu.memory_space<vmem_shared>> -> memref<10240xf32, #tpu.memory_space<vmem_shared>>
    tpu.wait_indirect_dma semaphore(%arg19 : memref<!tpu.dma_semaphore, #tpu.memory_space<semaphore_mem>>) src(%dma_wait3A_121 : memref<128xf32, #tpu.memory_space<vmem>>) dst(%dma_wait3A_126 : memref<10240xf32, #tpu.memory_space<vmem_shared>>)
    %barrier3A_127 = arith.constant 0 : index
    tpu.barrier barrier_id(%barrier3A_127)
    %mul3A_128 = arith.constant 640 : i32
    %mul3A_129 = arith.muli %arg1, %mul3A_128 : i32
    %mul3A_130 = arith.constant 640 : i32
    %mul3A_131 = arith.muli %arg1, %mul3A_130 : i32
    "tpu.region"() ({
      %run_scoped3A = tpu.sem_alloc : memref<!tpu.dma_semaphore, #tpu.memory_space<semaphore_mem>>
      %dma_start3A_136 = arith.constant 0 : i32
      %dma_start3A_137 = tpu.memref_slice %arg8[%arg0, %mul3A_131, %dma_start3A_136] : memref<2x10240x128xf32, #tpu.memory_space<hbm>> -> memref<1x640x128xf32, #tpu.memory_space<hbm>>
      %dma_start3A_138 = tpu.memref_squeeze %dma_start3A_137 : memref<1x640x128xf32, #tpu.memory_space<hbm>> -> memref<640x128xf32, #tpu.memory_space<hbm>>
      %dma_start3A_139 = arith.constant 0 : i32
      %dma_start3A_140 = tpu.memref_slice %arg14[%mul3A_129, %dma_start3A_139] : memref<10240x128xf32, #tpu.memory_space<vmem_shared>> -> memref<640x128xf32, #tpu.memory_space<vmem_shared>>
      tpu.enqueue_dma source(%dma_start3A_140 : memref<640x128xf32, #tpu.memory_space<vmem_shared>>) target(%dma_start3A_138 : memref<640x128xf32, #tpu.memory_space<hbm>>) target_semaphore(%run_scoped3A : memref<!tpu.dma_semaphore, #tpu.memory_space<semaphore_mem>>)
      %dma_wait3A_141 = arith.constant 0 : i32
      %dma_wait3A_142 = tpu.memref_slice %arg8[%arg0, %mul3A_131, %dma_wait3A_141] : memref<2x10240x128xf32, #tpu.memory_space<hbm>> -> memref<1x640x128xf32, #tpu.memory_space<hbm>>
      %dma_wait3A_143 = tpu.memref_squeeze %dma_wait3A_142 : memref<1x640x128xf32, #tpu.memory_space<hbm>> -> memref<640x128xf32, #tpu.memory_space<hbm>>
      %dma_wait3A_144 = arith.constant 0 : i32
      %dma_wait3A_145 = tpu.memref_slice %arg14[%mul3A_129, %dma_wait3A_144] : memref<10240x128xf32, #tpu.memory_space<vmem_shared>> -> memref<640x128xf32, #tpu.memory_space<vmem_shared>>
      tpu.wait_dma2 semaphore(%run_scoped3A : memref<!tpu.dma_semaphore, #tpu.memory_space<semaphore_mem>>) src(%dma_wait3A_145 : memref<640x128xf32, #tpu.memory_space<vmem_shared>>) dst(%dma_wait3A_143 : memref<640x128xf32, #tpu.memory_space<hbm>>)
      tpu.yield
    }) : () -> ()
    %mul3A_132 = arith.constant 640 : i32
    %mul3A_133 = arith.muli %arg1, %mul3A_132 : i32
    %mul3A_134 = arith.constant 640 : i32
    %mul3A_135 = arith.muli %arg1, %mul3A_134 : i32
    "tpu.region"() ({
      %run_scoped3A = tpu.sem_alloc : memref<!tpu.dma_semaphore, #tpu.memory_space<semaphore_mem>>
      %dma_start3A_136 = tpu.memref_slice %arg9[%arg0, %mul3A_135] : memref<2x10240xf32, #tpu.memory_space<hbm>> -> memref<1x640xf32, #tpu.memory_space<hbm>>
      %dma_start3A_137 = tpu.memref_squeeze %dma_start3A_136 : memref<1x640xf32, #tpu.memory_space<hbm>> -> memref<640xf32, #tpu.memory_space<hbm>>
      %dma_start3A_138 = tpu.memref_slice %arg15[%mul3A_133] : memref<10240xf32, #tpu.memory_space<vmem_shared>> -> memref<640xf32, #tpu.memory_space<vmem_shared>>
      tpu.enqueue_dma source(%dma_start3A_138 : memref<640xf32, #tpu.memory_space<vmem_shared>>) target(%dma_start3A_137 : memref<640xf32, #tpu.memory_space<hbm>>) target_semaphore(%run_scoped3A : memref<!tpu.dma_semaphore, #tpu.memory_space<semaphore_mem>>)
      %dma_wait3A_139 = tpu.memref_slice %arg9[%arg0, %mul3A_135] : memref<2x10240xf32, #tpu.memory_space<hbm>> -> memref<1x640xf32, #tpu.memory_space<hbm>>
      %dma_wait3A_140 = tpu.memref_squeeze %dma_wait3A_139 : memref<1x640xf32, #tpu.memory_space<hbm>> -> memref<640xf32, #tpu.memory_space<hbm>>
      %dma_wait3A_141 = tpu.memref_slice %arg15[%mul3A_133] : memref<10240xf32, #tpu.memory_space<vmem_shared>> -> memref<640xf32, #tpu.memory_space<vmem_shared>>
      tpu.wait_dma2 semaphore(%run_scoped3A : memref<!tpu.dma_semaphore, #tpu.memory_space<semaphore_mem>>) src(%dma_wait3A_141 : memref<640xf32, #tpu.memory_space<vmem_shared>>) dst(%dma_wait3A_140 : memref<640xf32, #tpu.memory_space<hbm>>)
      tpu.yield
    }) : () -> ()
    return
  }
}

module attributes {stable_mosaic.version = 14 : i64} {
  func.func @_bn0_body(%arg0: memref<10000x128xf32, #tpu.memory_space<vmem>>, %arg1: memref<1x128xf32, #tpu.memory_space<vmem>>, %arg2: memref<1x128xf32, #tpu.memory_space<vmem>>, %arg3: memref<10000x128xf32, #tpu.memory_space<vmem>>) attributes {dimension_semantics = [], scalar_prefetch = 0 : i64, scratch_operands = 0 : i64, tpu.core_type = #tpu.core_type<tc>} {
    %get3A = arith.constant 0 : index
    %get3A_0 = arith.constant 0 : index
    %get3A_1 = vector.load %arg0[%get3A, %get3A_0] : memref<10000x128xf32, #tpu.memory_space<vmem>>, vector<10000x128xf32>
    %reduce_sum3A = arith.constant dense<0.000000e+00> : vector<128xf32>
    %reduce_sum3A_2 = vector.multi_reduction <add>, %get3A_1, %reduce_sum3A [0] : vector<10000x128xf32> to vector<128xf32>
    %broadcast_in_dim3A = vector.shape_cast %reduce_sum3A_2 : vector<128xf32> to vector<1x128xf32>
    %div3A = arith.constant 1.000000e+04 : f32
    %div3A_3 = vector.broadcast %div3A : f32 to vector<1x128xf32>
    %div3A_4 = arith.divf %broadcast_in_dim3A, %div3A_3 : vector<1x128xf32>
    %sub3A = vector.broadcast %div3A_4 : vector<1x128xf32> to vector<10000x128xf32>
    %sub3A_5 = arith.subf %get3A_1, %sub3A : vector<10000x128xf32>
    %mul3A = arith.mulf %sub3A_5, %sub3A_5 : vector<10000x128xf32>
    %reduce_sum3A_6 = arith.constant dense<0.000000e+00> : vector<128xf32>
    %reduce_sum3A_7 = vector.multi_reduction <add>, %mul3A, %reduce_sum3A_6 [0] : vector<10000x128xf32> to vector<128xf32>
    %broadcast_in_dim3A_8 = vector.shape_cast %reduce_sum3A_7 : vector<128xf32> to vector<1x128xf32>
    %div3A_9 = arith.constant 1.000000e+04 : f32
    %div3A_10 = vector.broadcast %div3A_9 : f32 to vector<1x128xf32>
    %div3A_11 = arith.divf %broadcast_in_dim3A_8, %div3A_10 : vector<1x128xf32>
    %add3A = arith.constant 9.99999974E-6 : f32
    %add3A_12 = vector.broadcast %add3A : f32 to vector<1x128xf32>
    %add3A_13 = arith.addf %div3A_11, %add3A_12 : vector<1x128xf32>
    %sqrt3A = math.sqrt %add3A_13 : vector<1x128xf32>
    %div3A_14 = vector.broadcast %sqrt3A : vector<1x128xf32> to vector<10000x128xf32>
    %div3A_15 = arith.divf %sub3A_5, %div3A_14 : vector<10000x128xf32>
    %get3A_16 = arith.constant 0 : index
    %get3A_17 = arith.constant 0 : index
    %get3A_18 = vector.load %arg1[%get3A_16, %get3A_17] : memref<1x128xf32, #tpu.memory_space<vmem>>, vector<1x128xf32>
    %mul3A_19 = vector.broadcast %get3A_18 : vector<1x128xf32> to vector<10000x128xf32>
    %mul3A_20 = arith.mulf %div3A_15, %mul3A_19 : vector<10000x128xf32>
    %get3A_21 = arith.constant 0 : index
    %get3A_22 = arith.constant 0 : index
    %get3A_23 = vector.load %arg2[%get3A_21, %get3A_22] : memref<1x128xf32, #tpu.memory_space<vmem>>, vector<1x128xf32>
    %add3A_24 = vector.broadcast %get3A_23 : vector<1x128xf32> to vector<10000x128xf32>
    %add3A_25 = arith.addf %mul3A_20, %add3A_24 : vector<10000x128xf32>
    %swap3A = arith.constant 0 : index
    %swap3A_26 = arith.constant 0 : index
    %swap3A_27 = vector.load %arg3[%swap3A, %swap3A_26] : memref<10000x128xf32, #tpu.memory_space<vmem>>, vector<10000x128xf32>
    tpu.vector_store %arg3[%swap3A, %swap3A_26], %add3A_25 {strides = array<i32>} : memref<10000x128xf32, #tpu.memory_space<vmem>>, vector<10000x128xf32>,
    return
  }
}

module attributes {stable_mosaic.version = 14 : i64} {
  func.func @_aggdiv_body(%arg0: memref<2x10240x128xf32, #tpu.memory_space<vmem>>, %arg1: memref<10000x1xf32, #tpu.memory_space<vmem>>, %arg2: memref<10000x128xf32, #tpu.memory_space<vmem>>) attributes {dimension_semantics = [], scalar_prefetch = 0 : i64, scratch_operands = 0 : i64, tpu.core_type = #tpu.core_type<tc>} {
    %get3A = arith.constant 0 : index
    %get3A_0 = arith.constant 0 : index
    %get3A_1 = arith.constant 0 : index
    %get3A_2 = vector.load %arg0[%get3A, %get3A_0, %get3A_1] : memref<2x10240x128xf32, #tpu.memory_space<vmem>>, vector<1x10000x128xf32>
    %get3A_3 = vector.shape_cast %get3A_2 : vector<1x10000x128xf32> to vector<10000x128xf32>
    %get3A_4 = arith.constant 1 : index
    %get3A_5 = arith.constant 0 : index
    %get3A_6 = arith.constant 0 : index
    %get3A_7 = vector.load %arg0[%get3A_4, %get3A_5, %get3A_6] : memref<2x10240x128xf32, #tpu.memory_space<vmem>>, vector<1x10000x128xf32>
    %get3A_8 = vector.shape_cast %get3A_7 : vector<1x10000x128xf32> to vector<10000x128xf32>
    %add3A = arith.addf %get3A_3, %get3A_8 : vector<10000x128xf32>
    %get3A_9 = arith.constant 0 : index
    %get3A_10 = arith.constant 0 : index
    %get3A_11 = vector.load %arg1[%get3A_9, %get3A_10] : memref<10000x1xf32, #tpu.memory_space<vmem>>, vector<10000x1xf32>
    %max3A = arith.constant 1.000000e+00 : f32
    %max3A_12 = vector.broadcast %max3A : f32 to vector<10000x1xf32>
    %max3A_13 = arith.maximumf %get3A_11, %max3A_12 : vector<10000x1xf32>
    %div3A = vector.broadcast %max3A_13 : vector<10000x1xf32> to vector<10000x128xf32>
    %div3A_14 = arith.divf %add3A, %div3A : vector<10000x128xf32>
    %swap3A = arith.constant 0 : index
    %swap3A_15 = arith.constant 0 : index
    %swap3A_16 = vector.load %arg2[%swap3A, %swap3A_15] : memref<10000x128xf32, #tpu.memory_space<vmem>>, vector<10000x128xf32>
    tpu.vector_store %arg2[%swap3A, %swap3A_15], %div3A_14 {strides = array<i32>} : memref<10000x128xf32, #tpu.memory_space<vmem>>, vector<10000x128xf32>,
    return
  }
}

module attributes {stable_mosaic.version = 14 : i64} {
  func.func @_comb_bn_body(%arg0: memref<10000x128xf32, #tpu.memory_space<vmem>>, %arg1: memref<10000x128xf32, #tpu.memory_space<vmem>>, %arg2: memref<10000x1xf32, #tpu.memory_space<vmem>>, %arg3: memref<128x128xf32, #tpu.memory_space<vmem>>, %arg4: memref<1x128xf32, #tpu.memory_space<vmem>>, %arg5: memref<128x128xf32, #tpu.memory_space<vmem>>, %arg6: memref<1x128xf32, #tpu.memory_space<vmem>>, %arg7: memref<1x128xf32, #tpu.memory_space<vmem>>, %arg8: memref<10000x128xf32, #tpu.memory_space<vmem>>) attributes {dimension_semantics = [], scalar_prefetch = 0 : i64, scratch_operands = 0 : i64, tpu.core_type = #tpu.core_type<tc>} {
    %get3A = arith.constant 0 : index
    %get3A_0 = arith.constant 0 : index
    %get3A_1 = vector.load %arg0[%get3A, %get3A_0] : memref<10000x128xf32, #tpu.memory_space<vmem>>, vector<10000x128xf32>
    %get3A_2 = arith.constant 0 : index
    %get3A_3 = arith.constant 0 : index
    %get3A_4 = vector.load %arg3[%get3A_2, %get3A_3] : memref<128x128xf32, #tpu.memory_space<vmem>>, vector<128x128xf32>
    %dot_general3A = arith.constant dense<0.000000e+00> : vector<10000x128xf32>
    %dot_general3A_5 = tpu.matmul %get3A_1, %get3A_4, %dot_general3A {dimension_numbers = #tpu.dot_dimension_numbers<[1], [0], [0], [1], [0, 0, 1, 1], [], []>, precision = #tpu.contract_precision<fp32>, transpose_lhs_hint = false} : vector<10000x128xf32>, vector<128x128xf32>, vector<10000x128xf32> -> vector<10000x128xf32>
    %get3A_6 = arith.constant 0 : index
    %get3A_7 = arith.constant 0 : index
    %get3A_8 = vector.load %arg4[%get3A_6, %get3A_7] : memref<1x128xf32, #tpu.memory_space<vmem>>, vector<1x128xf32>
    %add3A = vector.broadcast %get3A_8 : vector<1x128xf32> to vector<10000x128xf32>
    %add3A_9 = arith.addf %dot_general3A_5, %add3A : vector<10000x128xf32>
    %get3A_10 = arith.constant 0 : index
    %get3A_11 = arith.constant 0 : index
    %get3A_12 = vector.load %arg1[%get3A_10, %get3A_11] : memref<10000x128xf32, #tpu.memory_space<vmem>>, vector<10000x128xf32>
    %get3A_13 = arith.constant 0 : index
    %get3A_14 = arith.constant 0 : index
    %get3A_15 = vector.load %arg5[%get3A_13, %get3A_14] : memref<128x128xf32, #tpu.memory_space<vmem>>, vector<128x128xf32>
    %dot_general3A_16 = arith.constant dense<0.000000e+00> : vector<10000x128xf32>
    %dot_general3A_17 = tpu.matmul %get3A_12, %get3A_15, %dot_general3A_16 {dimension_numbers = #tpu.dot_dimension_numbers<[1], [0], [0], [1], [0, 0, 1, 1], [], []>, precision = #tpu.contract_precision<fp32>, transpose_lhs_hint = false} : vector<10000x128xf32>, vector<128x128xf32>, vector<10000x128xf32> -> vector<10000x128xf32>
    %add3A_18 = arith.addf %add3A_9, %dot_general3A_17 : vector<10000x128xf32>
    %max3A = arith.constant 0.000000e+00 : f32
    %max3A_19 = vector.broadcast %max3A : f32 to vector<10000x128xf32>
    %max3A_20 = arith.maximumf %add3A_18, %max3A_19 : vector<10000x128xf32>
    %get3A_21 = arith.constant 0 : index
    %get3A_22 = arith.constant 0 : index
    %get3A_23 = vector.load %arg2[%get3A_21, %get3A_22] : memref<10000x1xf32, #tpu.memory_space<vmem>>, vector<10000x1xf32>
    %mul3A = vector.broadcast %get3A_23 : vector<10000x1xf32> to vector<10000x128xf32>
    %mul3A_24 = arith.mulf %max3A_20, %mul3A : vector<10000x128xf32>
    %reduce_sum3A = arith.constant dense<0.000000e+00> : vector<128xf32>
    %reduce_sum3A_25 = vector.multi_reduction <add>, %mul3A_24, %reduce_sum3A [0] : vector<10000x128xf32> to vector<128xf32>
    %broadcast_in_dim3A = vector.shape_cast %reduce_sum3A_25 : vector<128xf32> to vector<1x128xf32>
    %mul3A_26 = arith.constant 9.99999974E-5 : f32
    %mul3A_27 = vector.broadcast %mul3A_26 : f32 to vector<1x128xf32>
    %mul3A_28 = arith.mulf %broadcast_in_dim3A, %mul3A_27 : vector<1x128xf32>
    %sub3A = vector.broadcast %mul3A_28 : vector<1x128xf32> to vector<10000x128xf32>
    %sub3A_29 = arith.subf %max3A_20, %sub3A : vector<10000x128xf32>
    %mul3A_30 = arith.mulf %sub3A_29, %sub3A_29 : vector<10000x128xf32>
    %mul3A_31 = vector.broadcast %get3A_23 : vector<10000x1xf32> to vector<10000x128xf32>
    %mul3A_32 = arith.mulf %mul3A_30, %mul3A_31 : vector<10000x128xf32>
    %reduce_sum3A_33 = arith.constant dense<0.000000e+00> : vector<128xf32>
    %reduce_sum3A_34 = vector.multi_reduction <add>, %mul3A_32, %reduce_sum3A_33 [0] : vector<10000x128xf32> to vector<128xf32>
    %broadcast_in_dim3A_35 = vector.shape_cast %reduce_sum3A_34 : vector<128xf32> to vector<1x128xf32>
    %mul3A_36 = arith.constant 9.99999974E-5 : f32
    %mul3A_37 = vector.broadcast %mul3A_36 : f32 to vector<1x128xf32>
    %mul3A_38 = arith.mulf %broadcast_in_dim3A_35, %mul3A_37 : vector<1x128xf32>
    %add3A_39 = arith.constant 9.99999974E-6 : f32
    %add3A_40 = vector.broadcast %add3A_39 : f32 to vector<1x128xf32>
    %add3A_41 = arith.addf %mul3A_38, %add3A_40 : vector<1x128xf32>
    %sqrt3A = math.sqrt %add3A_41 : vector<1x128xf32>
    %div3A = vector.broadcast %sqrt3A : vector<1x128xf32> to vector<10000x128xf32>
    %div3A_42 = arith.divf %sub3A_29, %div3A : vector<10000x128xf32>
    %get3A_43 = arith.constant 0 : index
    %get3A_44 = arith.constant 0 : index
    %get3A_45 = vector.load %arg6[%get3A_43, %get3A_44] : memref<1x128xf32, #tpu.memory_space<vmem>>, vector<1x128xf32>
    %mul3A_46 = vector.broadcast %get3A_45 : vector<1x128xf32> to vector<10000x128xf32>
    %mul3A_47 = arith.mulf %div3A_42, %mul3A_46 : vector<10000x128xf32>
    %get3A_48 = arith.constant 0 : index
    %get3A_49 = arith.constant 0 : index
    %get3A_50 = vector.load %arg7[%get3A_48, %get3A_49] : memref<1x128xf32, #tpu.memory_space<vmem>>, vector<1x128xf32>
    %add3A_51 = vector.broadcast %get3A_50 : vector<1x128xf32> to vector<10000x128xf32>
    %add3A_52 = arith.addf %mul3A_47, %add3A_51 : vector<10000x128xf32>
    %mul3A_53 = vector.broadcast %get3A_23 : vector<10000x1xf32> to vector<10000x128xf32>
    %mul3A_54 = arith.mulf %add3A_52, %mul3A_53 : vector<10000x128xf32>
    %swap3A = arith.constant 0 : index
    %swap3A_55 = arith.constant 0 : index
    %swap3A_56 = vector.load %arg8[%swap3A, %swap3A_55] : memref<10000x128xf32, #tpu.memory_space<vmem>>, vector<10000x128xf32>
    tpu.vector_store %arg8[%swap3A, %swap3A_55], %mul3A_54 {strides = array<i32>} : memref<10000x128xf32, #tpu.memory_space<vmem>>, vector<10000x128xf32>,
    return
  }
}

module attributes {stable_mosaic.version = 14 : i64} {
  func.func @_zscore_body(%arg0: memref<10000x128xf32, #tpu.memory_space<vmem>>, %arg1: memref<10000x128xf32, #tpu.memory_space<vmem>>, %arg2: memref<128x128xf32, #tpu.memory_space<vmem>>, %arg3: memref<1x128xf32, #tpu.memory_space<vmem>>, %arg4: memref<128x128xf32, #tpu.memory_space<vmem>>, %arg5: memref<128x1xf32, #tpu.memory_space<vmem>>, %arg6: memref<10000x128xf32, #tpu.memory_space<vmem>>, %arg7: memref<10000x1xf32, #tpu.memory_space<vmem>>) attributes {dimension_semantics = [], scalar_prefetch = 0 : i64, scratch_operands = 0 : i64, tpu.core_type = #tpu.core_type<tc>} {
    %get3A = arith.constant 0 : index
    %get3A_0 = arith.constant 0 : index
    %get3A_1 = vector.load %arg0[%get3A, %get3A_0] : memref<10000x128xf32, #tpu.memory_space<vmem>>, vector<10000x128xf32>
    %get3A_2 = arith.constant 0 : index
    %get3A_3 = arith.constant 0 : index
    %get3A_4 = vector.load %arg2[%get3A_2, %get3A_3] : memref<128x128xf32, #tpu.memory_space<vmem>>, vector<128x128xf32>
    %dot_general3A = arith.constant dense<0.000000e+00> : vector<10000x128xf32>
    %dot_general3A_5 = tpu.matmul %get3A_1, %get3A_4, %dot_general3A {dimension_numbers = #tpu.dot_dimension_numbers<[1], [0], [0], [1], [0, 0, 1, 1], [], []>, precision = #tpu.contract_precision<fp32>, transpose_lhs_hint = false} : vector<10000x128xf32>, vector<128x128xf32>, vector<10000x128xf32> -> vector<10000x128xf32>
    %get3A_6 = arith.constant 0 : index
    %get3A_7 = arith.constant 0 : index
    %get3A_8 = vector.load %arg3[%get3A_6, %get3A_7] : memref<1x128xf32, #tpu.memory_space<vmem>>, vector<1x128xf32>
    %add3A = vector.broadcast %get3A_8 : vector<1x128xf32> to vector<10000x128xf32>
    %add3A_9 = arith.addf %dot_general3A_5, %add3A : vector<10000x128xf32>
    %get3A_10 = arith.constant 0 : index
    %get3A_11 = arith.constant 0 : index
    %get3A_12 = vector.load %arg1[%get3A_10, %get3A_11] : memref<10000x128xf32, #tpu.memory_space<vmem>>, vector<10000x128xf32>
    %get3A_13 = arith.constant 0 : index
    %get3A_14 = arith.constant 0 : index
    %get3A_15 = vector.load %arg4[%get3A_13, %get3A_14] : memref<128x128xf32, #tpu.memory_space<vmem>>, vector<128x128xf32>
    %dot_general3A_16 = arith.constant dense<0.000000e+00> : vector<10000x128xf32>
    %dot_general3A_17 = tpu.matmul %get3A_12, %get3A_15, %dot_general3A_16 {dimension_numbers = #tpu.dot_dimension_numbers<[1], [0], [0], [1], [0, 0, 1, 1], [], []>, precision = #tpu.contract_precision<fp32>, transpose_lhs_hint = false} : vector<10000x128xf32>, vector<128x128xf32>, vector<10000x128xf32> -> vector<10000x128xf32>
    %add3A_18 = arith.addf %add3A_9, %dot_general3A_17 : vector<10000x128xf32>
    %max3A = arith.constant 0.000000e+00 : f32
    %max3A_19 = vector.broadcast %max3A : f32 to vector<10000x128xf32>
    %max3A_20 = arith.maximumf %add3A_18, %max3A_19 : vector<10000x128xf32>
    %swap3A = arith.constant 0 : index
    %swap3A_21 = arith.constant 0 : index
    %swap3A_22 = vector.load %arg6[%swap3A, %swap3A_21] : memref<10000x128xf32, #tpu.memory_space<vmem>>, vector<10000x128xf32>
    tpu.vector_store %arg6[%swap3A, %swap3A_21], %max3A_20 {strides = array<i32>} : memref<10000x128xf32, #tpu.memory_space<vmem>>, vector<10000x128xf32>,
    %get3A_23 = arith.constant 0 : index
    %get3A_24 = arith.constant 0 : index
    %get3A_25 = vector.load %arg5[%get3A_23, %get3A_24] : memref<128x1xf32, #tpu.memory_space<vmem>>, vector<128x1xf32>
    %dot_general3A_26 = arith.constant dense<0.000000e+00> : vector<10000x1xf32>
    %dot_general3A_27 = tpu.matmul %max3A_20, %get3A_25, %dot_general3A_26 {dimension_numbers = #tpu.dot_dimension_numbers<[1], [0], [0], [1], [0, 0, 1, 1], [], []>, precision = #tpu.contract_precision<fp32>, transpose_lhs_hint = false} : vector<10000x128xf32>, vector<128x1xf32>, vector<10000x1xf32> -> vector<10000x1xf32>
    %mul3A = arith.mulf %get3A_25, %get3A_25 : vector<128x1xf32>
    %reduce_sum3A = vector.shape_cast %mul3A : vector<128x1xf32> to vector<1x128x1xf32>
    %reduce_sum3A_28 = arith.constant dense<0.000000e+00> : vector<1xf32>
    %reduce_sum3A_29 = vector.multi_reduction <add>, %reduce_sum3A, %reduce_sum3A_28 [1, 2] : vector<1x128x1xf32> to vector<1xf32>
    %reduce_sum3A_30 = vector.shape_cast %reduce_sum3A_29 : vector<1xf32> to vector<1x1x1xf32>
    %reduce_sum3A_31 = vector.extract %reduce_sum3A_30[0, 0, 0] : f32 from vector<1x1x1xf32>
    %sqrt3A = math.sqrt %reduce_sum3A_31 : f32
    %div3A = vector.broadcast %sqrt3A : f32 to vector<10000x1xf32>
    %div3A_32 = arith.divf %dot_general3A_27, %div3A : vector<10000x1xf32>
    %swap3A_33 = arith.constant 0 : index
    %swap3A_34 = arith.constant 0 : index
    %swap3A_35 = vector.load %arg7[%swap3A_33, %swap3A_34] : memref<10000x1xf32, #tpu.memory_space<vmem>>, vector<10000x1xf32>
    tpu.vector_store %arg7[%swap3A_33, %swap3A_34], %div3A_32 {strides = array<i32>} : memref<10000x1xf32, #tpu.memory_space<vmem>>, vector<10000x1xf32>,
    return
  }
}

module attributes {stable_mosaic.version = 14 : i64} {
  func.func @_topk_body(%arg0: memref<80x128xf32, #tpu.memory_space<vmem>>, %arg1: memref<80x128xf32, #tpu.memory_space<vmem>>, %arg2: memref<80x128xf32, #tpu.memory_space<vmem>>) attributes {dimension_semantics = [], scalar_prefetch = 0 : i64, scratch_operands = 0 : i64, tpu.core_type = #tpu.core_type<tc>} {
    %get3A = arith.constant 0 : index
    %get3A_0 = arith.constant 0 : index
    %get3A_1 = vector.load %arg1[%get3A, %get3A_0] : memref<80x128xf32, #tpu.memory_space<vmem>>, vector<80x128xf32>
    %gt3A = arith.constant 0.000000e+00 : f32
    %gt3A_2 = vector.broadcast %gt3A : f32 to vector<80x128xf32>
    %gt3A_3 = arith.cmpf ogt, %get3A_1, %gt3A_2 : vector<80x128xf32>
    %get3A_4 = arith.constant 0 : index
    %get3A_5 = arith.constant 0 : index
    %get3A_6 = vector.load %arg0[%get3A_4, %get3A_5] : memref<80x128xf32, #tpu.memory_space<vmem>>, vector<80x128xf32>
    %jit3A = arith.constant -3.000000e+38 : f32
    %broadcast_in_dim3A = vector.broadcast %jit3A : f32 to vector<80x128xf32>
    %select_n3A = arith.select %gt3A_3, %get3A_6, %broadcast_in_dim3A : vector<80x128xi1>, vector<80x128xf32>
    %bitcast_convert_type3A = tpu.bitcast %select_n3A : vector<80x128xf32> -> vector<80x128xi32>
    %ge3A = arith.constant 0 : i32
    %ge3A_7 = vector.broadcast %ge3A : i32 to vector<80x128xi32>
    %ge3A_8 = arith.cmpi sge, %bitcast_convert_type3A, %ge3A_7 : vector<80x128xi32>
    %xor3A = arith.constant 2147483647 : i32
    %xor3A_9 = vector.broadcast %xor3A : i32 to vector<80x128xi32>
    %xor3A_10 = arith.xori %bitcast_convert_type3A, %xor3A_9 : vector<80x128xi32>
    %select_n3A_11 = arith.select %ge3A_8, %bitcast_convert_type3A, %xor3A_10 : vector<80x128xi1>, vector<80x128xi32>
    %scan3A = arith.constant -2147483648 : i32
    %scan3A_12 = arith.constant 2147483647 : i32
    %scan3A_13 = arith.constant 0 : i32
    %scan3A_14 = arith.constant 34 : i32
    %scan3A_15 = arith.addi %scan3A_13, %scan3A_14 : i32
    %scan3A_16 = arith.constant 1 : i32
    %scan3A_17:2 = scf.for %scan3A_51 = %scan3A_13 to %scan3A_15 step %scan3A_16 iter_args(%scan3A_52 = %scan3A, %scan3A_53 = %scan3A_12) -> (i32, i32)  : i32 {
      %shift_right_arithmetic3A = arith.constant 1 : i32
      %shift_right_arithmetic3A_54 = arith.shrsi %scan3A_52, %shift_right_arithmetic3A : i32
      %shift_right_arithmetic3A_55 = arith.constant 1 : i32
      %shift_right_arithmetic3A_56 = arith.shrsi %scan3A_53, %shift_right_arithmetic3A_55 : i32
      %add3A_57 = arith.addi %shift_right_arithmetic3A_54, %shift_right_arithmetic3A_56 : i32
      %and3A_58 = arith.andi %scan3A_52, %scan3A_53 : i32
      %and3A_59 = arith.constant 1 : i32
      %and3A_60 = arith.andi %and3A_58, %and3A_59 : i32
      %add3A_61 = arith.addi %add3A_57, %and3A_60 : i32
      %ge3A_62 = vector.broadcast %add3A_61 : i32 to vector<80x128xi32>
      %ge3A_63 = arith.cmpi sge, %select_n3A_11, %ge3A_62 : vector<80x128xi32>
      %jit3A_64 = arith.constant 1 : i32
      %jit3A_65 = arith.constant 0 : i32
      %broadcast_in_dim3A_66 = vector.broadcast %jit3A_64 : i32 to vector<80x128xi32>
      %broadcast_in_dim3A_67 = vector.broadcast %jit3A_65 : i32 to vector<80x128xi32>
      %select_n3A_68 = arith.select %ge3A_63, %broadcast_in_dim3A_66, %broadcast_in_dim3A_67 : vector<80x128xi1>, vector<80x128xi32>
      %reduce_sum3A_69 = vector.shape_cast %select_n3A_68 : vector<80x128xi32> to vector<1x80x128xi32>
      %reduce_sum3A_70 = arith.constant dense<0> : vector<1xi32>
      %reduce_sum3A_71 = vector.multi_reduction <add>, %reduce_sum3A_69, %reduce_sum3A_70 [1, 2] : vector<1x80x128xi32> to vector<1xi32>
      %reduce_sum3A_72 = vector.shape_cast %reduce_sum3A_71 : vector<1xi32> to vector<1x1x1xi32>
      %reduce_sum3A_73 = vector.extract %reduce_sum3A_72[0, 0, 0] : i32 from vector<1x1x1xi32>
      %ge3A_74 = arith.constant 8000 : i32
      %ge3A_75 = arith.cmpi sge, %reduce_sum3A_73, %ge3A_74 : i32
      %select_n3A_76 = arith.select %ge3A_75, %add3A_61, %scan3A_52 : i32
      %select_n3A_77 = arith.select %ge3A_75, %scan3A_53, %add3A_61 : i32
      scf.yield %select_n3A_76, %select_n3A_77 : i32, i32
    }
    %gt3A_18 = vector.broadcast %scan3A_17#0 : i32 to vector<80x128xi32>
    %gt3A_19 = arith.cmpi sgt, %select_n3A_11, %gt3A_18 : vector<80x128xi32>
    %jit3A_20 = arith.constant 1 : i32
    %jit3A_21 = arith.constant 0 : i32
    %broadcast_in_dim3A_22 = vector.broadcast %jit3A_20 : i32 to vector<80x128xi32>
    %broadcast_in_dim3A_23 = vector.broadcast %jit3A_21 : i32 to vector<80x128xi32>
    %select_n3A_24 = arith.select %gt3A_19, %broadcast_in_dim3A_22, %broadcast_in_dim3A_23 : vector<80x128xi1>, vector<80x128xi32>
    %reduce_sum3A = vector.shape_cast %select_n3A_24 : vector<80x128xi32> to vector<1x80x128xi32>
    %reduce_sum3A_25 = arith.constant dense<0> : vector<1xi32>
    %reduce_sum3A_26 = vector.multi_reduction <add>, %reduce_sum3A, %reduce_sum3A_25 [1, 2] : vector<1x80x128xi32> to vector<1xi32>
    %reduce_sum3A_27 = vector.shape_cast %reduce_sum3A_26 : vector<1xi32> to vector<1x1x1xi32>
    %reduce_sum3A_28 = vector.extract %reduce_sum3A_27[0, 0, 0] : i32 from vector<1x1x1xi32>
    %sub3A = arith.constant 8000 : i32
    %sub3A_29 = arith.subi %sub3A, %reduce_sum3A_28 : i32
    %eq3A = vector.broadcast %scan3A_17#0 : i32 to vector<80x128xi32>
    %eq3A_30 = arith.cmpi eq, %select_n3A_11, %eq3A : vector<80x128xi32>
    %iota3A = tpu.iota {dimensions = array<i32: 0>} : vector<80x128xi32>
    %mul3A = arith.constant 128 : i32
    %mul3A_31 = vector.broadcast %mul3A : i32 to vector<80x128xi32>
    %mul3A_32 = arith.muli %iota3A, %mul3A_31 : vector<80x128xi32>
    %iota3A_33 = tpu.iota {dimensions = array<i32: 1>} : vector<80x128xi32>
    %add3A = arith.addi %mul3A_32, %iota3A_33 : vector<80x128xi32>
    %scan3A_34 = arith.constant 0 : i32
    %scan3A_35 = arith.constant 10239 : i32
    %scan3A_36 = arith.constant 0 : i32
    %scan3A_37 = arith.constant 15 : i32
    %scan3A_38 = arith.addi %scan3A_36, %scan3A_37 : i32
    %scan3A_39 = arith.constant 1 : i32
    %scan3A_40:2 = scf.for %scan3A_51 = %scan3A_36 to %scan3A_38 step %scan3A_39 iter_args(%scan3A_52 = %scan3A_34, %scan3A_53 = %scan3A_35) -> (i32, i32)  : i32 {
      %add3A_54 = arith.addi %scan3A_52, %scan3A_53 : i32
      %shift_right_arithmetic3A = arith.constant 1 : i32
      %shift_right_arithmetic3A_55 = arith.shrsi %add3A_54, %shift_right_arithmetic3A : i32
      %le3A_56 = vector.broadcast %shift_right_arithmetic3A_55 : i32 to vector<80x128xi32>
      %le3A_57 = arith.cmpi sle, %add3A, %le3A_56 : vector<80x128xi32>
      %and3A_58 = arith.andi %eq3A_30, %le3A_57 : vector<80x128xi1>
      %jit3A_59 = arith.constant 1 : i32
      %jit3A_60 = arith.constant 0 : i32
      %broadcast_in_dim3A_61 = vector.broadcast %jit3A_59 : i32 to vector<80x128xi32>
      %broadcast_in_dim3A_62 = vector.broadcast %jit3A_60 : i32 to vector<80x128xi32>
      %select_n3A_63 = arith.select %and3A_58, %broadcast_in_dim3A_61, %broadcast_in_dim3A_62 : vector<80x128xi1>, vector<80x128xi32>
      %reduce_sum3A_64 = vector.shape_cast %select_n3A_63 : vector<80x128xi32> to vector<1x80x128xi32>
      %reduce_sum3A_65 = arith.constant dense<0> : vector<1xi32>
      %reduce_sum3A_66 = vector.multi_reduction <add>, %reduce_sum3A_64, %reduce_sum3A_65 [1, 2] : vector<1x80x128xi32> to vector<1xi32>
      %reduce_sum3A_67 = vector.shape_cast %reduce_sum3A_66 : vector<1xi32> to vector<1x1x1xi32>
      %reduce_sum3A_68 = vector.extract %reduce_sum3A_67[0, 0, 0] : i32 from vector<1x1x1xi32>
      %ge3A_69 = arith.cmpi sge, %reduce_sum3A_68, %sub3A_29 : i32
      %add3A_70 = arith.constant 1 : i32
      %add3A_71 = arith.addi %shift_right_arithmetic3A_55, %add3A_70 : i32
      %select_n3A_72 = arith.select %ge3A_69, %scan3A_52, %add3A_71 : i32
      %select_n3A_73 = arith.select %ge3A_69, %shift_right_arithmetic3A_55, %scan3A_53 : i32
      scf.yield %select_n3A_72, %select_n3A_73 : i32, i32
    }
    %gt3A_41 = vector.broadcast %scan3A_17#0 : i32 to vector<80x128xi32>
    %gt3A_42 = arith.cmpi sgt, %select_n3A_11, %gt3A_41 : vector<80x128xi32>
    %le3A = vector.broadcast %scan3A_40#1 : i32 to vector<80x128xi32>
    %le3A_43 = arith.cmpi sle, %add3A, %le3A : vector<80x128xi32>
    %and3A = arith.andi %eq3A_30, %le3A_43 : vector<80x128xi1>
    %or3A = arith.ori %gt3A_42, %and3A : vector<80x128xi1>
    %jit3A_44 = arith.constant 1.000000e+00 : f32
    %jit3A_45 = arith.constant 0.000000e+00 : f32
    %broadcast_in_dim3A_46 = vector.broadcast %jit3A_44 : f32 to vector<80x128xf32>
    %broadcast_in_dim3A_47 = vector.broadcast %jit3A_45 : f32 to vector<80x128xf32>
    %select_n3A_48 = arith.select %or3A, %broadcast_in_dim3A_46, %broadcast_in_dim3A_47 : vector<80x128xi1>, vector<80x128xf32>
    %swap3A = arith.constant 0 : index
    %swap3A_49 = arith.constant 0 : index
    %swap3A_50 = vector.load %arg2[%swap3A, %swap3A_49] : memref<80x128xf32, #tpu.memory_space<vmem>>, vector<80x128xf32>
    tpu.vector_store %arg2[%swap3A, %swap3A_49], %select_n3A_48 {strides = array<i32>} : memref<80x128xf32, #tpu.memory_space<vmem>>, vector<80x128xf32>,
    return
  }
}

module attributes {stable_mosaic.version = 14 : i64} {
  func.func @_scale_bn_body(%arg0: memref<10000x128xf32, #tpu.memory_space<vmem>>, %arg1: memref<10000x1xf32, #tpu.memory_space<vmem>>, %arg2: memref<10000x1xf32, #tpu.memory_space<vmem>>, %arg3: memref<1x128xf32, #tpu.memory_space<vmem>>, %arg4: memref<1x128xf32, #tpu.memory_space<vmem>>, %arg5: memref<10000x128xf32, #tpu.memory_space<vmem>>) attributes {dimension_semantics = [], scalar_prefetch = 0 : i64, scratch_operands = 0 : i64, tpu.core_type = #tpu.core_type<tc>} {
    %get3A = arith.constant 0 : index
    %get3A_0 = arith.constant 0 : index
    %get3A_1 = vector.load %arg0[%get3A, %get3A_0] : memref<10000x128xf32, #tpu.memory_space<vmem>>, vector<10000x128xf32>
    %get3A_2 = arith.constant 0 : index
    %get3A_3 = arith.constant 0 : index
    %get3A_4 = vector.load %arg1[%get3A_2, %get3A_3] : memref<10000x1xf32, #tpu.memory_space<vmem>>, vector<10000x1xf32>
    %tanh3A = math.tanh %get3A_4 : vector<10000x1xf32>
    %mul3A = vector.broadcast %tanh3A : vector<10000x1xf32> to vector<10000x128xf32>
    %mul3A_5 = arith.mulf %get3A_1, %mul3A : vector<10000x128xf32>
    %get3A_6 = arith.constant 0 : index
    %get3A_7 = arith.constant 0 : index
    %get3A_8 = vector.load %arg2[%get3A_6, %get3A_7] : memref<10000x1xf32, #tpu.memory_space<vmem>>, vector<10000x1xf32>
    %mul3A_9 = vector.broadcast %get3A_8 : vector<10000x1xf32> to vector<10000x128xf32>
    %mul3A_10 = arith.mulf %mul3A_5, %mul3A_9 : vector<10000x128xf32>
    %reduce_sum3A = arith.constant dense<0.000000e+00> : vector<128xf32>
    %reduce_sum3A_11 = vector.multi_reduction <add>, %mul3A_10, %reduce_sum3A [0] : vector<10000x128xf32> to vector<128xf32>
    %broadcast_in_dim3A = vector.shape_cast %reduce_sum3A_11 : vector<128xf32> to vector<1x128xf32>
    %mul3A_12 = arith.constant 1.250000e-04 : f32
    %mul3A_13 = vector.broadcast %mul3A_12 : f32 to vector<1x128xf32>
    %mul3A_14 = arith.mulf %broadcast_in_dim3A, %mul3A_13 : vector<1x128xf32>
    %sub3A = vector.broadcast %mul3A_14 : vector<1x128xf32> to vector<10000x128xf32>
    %sub3A_15 = arith.subf %mul3A_5, %sub3A : vector<10000x128xf32>
    %mul3A_16 = arith.mulf %sub3A_15, %sub3A_15 : vector<10000x128xf32>
    %mul3A_17 = vector.broadcast %get3A_8 : vector<10000x1xf32> to vector<10000x128xf32>
    %mul3A_18 = arith.mulf %mul3A_16, %mul3A_17 : vector<10000x128xf32>
    %reduce_sum3A_19 = arith.constant dense<0.000000e+00> : vector<128xf32>
    %reduce_sum3A_20 = vector.multi_reduction <add>, %mul3A_18, %reduce_sum3A_19 [0] : vector<10000x128xf32> to vector<128xf32>
    %broadcast_in_dim3A_21 = vector.shape_cast %reduce_sum3A_20 : vector<128xf32> to vector<1x128xf32>
    %mul3A_22 = arith.constant 1.250000e-04 : f32
    %mul3A_23 = vector.broadcast %mul3A_22 : f32 to vector<1x128xf32>
    %mul3A_24 = arith.mulf %broadcast_in_dim3A_21, %mul3A_23 : vector<1x128xf32>
    %add3A = arith.constant 9.99999974E-6 : f32
    %add3A_25 = vector.broadcast %add3A : f32 to vector<1x128xf32>
    %add3A_26 = arith.addf %mul3A_24, %add3A_25 : vector<1x128xf32>
    %sqrt3A = math.sqrt %add3A_26 : vector<1x128xf32>
    %div3A = vector.broadcast %sqrt3A : vector<1x128xf32> to vector<10000x128xf32>
    %div3A_27 = arith.divf %sub3A_15, %div3A : vector<10000x128xf32>
    %get3A_28 = arith.constant 0 : index
    %get3A_29 = arith.constant 0 : index
    %get3A_30 = vector.load %arg3[%get3A_28, %get3A_29] : memref<1x128xf32, #tpu.memory_space<vmem>>, vector<1x128xf32>
    %mul3A_31 = vector.broadcast %get3A_30 : vector<1x128xf32> to vector<10000x128xf32>
    %mul3A_32 = arith.mulf %div3A_27, %mul3A_31 : vector<10000x128xf32>
    %get3A_33 = arith.constant 0 : index
    %get3A_34 = arith.constant 0 : index
    %get3A_35 = vector.load %arg4[%get3A_33, %get3A_34] : memref<1x128xf32, #tpu.memory_space<vmem>>, vector<1x128xf32>
    %add3A_36 = vector.broadcast %get3A_35 : vector<1x128xf32> to vector<10000x128xf32>
    %add3A_37 = arith.addf %mul3A_32, %add3A_36 : vector<10000x128xf32>
    %mul3A_38 = vector.broadcast %get3A_8 : vector<10000x1xf32> to vector<10000x128xf32>
    %mul3A_39 = arith.mulf %add3A_37, %mul3A_38 : vector<10000x128xf32>
    %swap3A = arith.constant 0 : index
    %swap3A_40 = arith.constant 0 : index
    %swap3A_41 = vector.load %arg5[%swap3A, %swap3A_40] : memref<10000x128xf32, #tpu.memory_space<vmem>>, vector<10000x128xf32>
    tpu.vector_store %arg5[%swap3A, %swap3A_40], %mul3A_39 {strides = array<i32>} : memref<10000x128xf32, #tpu.memory_space<vmem>>, vector<10000x128xf32>,
    return
  }
}

module attributes {stable_mosaic.version = 14 : i64} {
  func.func @_comb_bn_body(%arg0: memref<10000x128xf32, #tpu.memory_space<vmem>>, %arg1: memref<10000x128xf32, #tpu.memory_space<vmem>>, %arg2: memref<10000x1xf32, #tpu.memory_space<vmem>>, %arg3: memref<128x128xf32, #tpu.memory_space<vmem>>, %arg4: memref<1x128xf32, #tpu.memory_space<vmem>>, %arg5: memref<128x128xf32, #tpu.memory_space<vmem>>, %arg6: memref<1x128xf32, #tpu.memory_space<vmem>>, %arg7: memref<1x128xf32, #tpu.memory_space<vmem>>, %arg8: memref<10000x128xf32, #tpu.memory_space<vmem>>) attributes {dimension_semantics = [], scalar_prefetch = 0 : i64, scratch_operands = 0 : i64, tpu.core_type = #tpu.core_type<tc>} {
    %get3A = arith.constant 0 : index
    %get3A_0 = arith.constant 0 : index
    %get3A_1 = vector.load %arg0[%get3A, %get3A_0] : memref<10000x128xf32, #tpu.memory_space<vmem>>, vector<10000x128xf32>
    %get3A_2 = arith.constant 0 : index
    %get3A_3 = arith.constant 0 : index
    %get3A_4 = vector.load %arg3[%get3A_2, %get3A_3] : memref<128x128xf32, #tpu.memory_space<vmem>>, vector<128x128xf32>
    %dot_general3A = arith.constant dense<0.000000e+00> : vector<10000x128xf32>
    %dot_general3A_5 = tpu.matmul %get3A_1, %get3A_4, %dot_general3A {dimension_numbers = #tpu.dot_dimension_numbers<[1], [0], [0], [1], [0, 0, 1, 1], [], []>, precision = #tpu.contract_precision<fp32>, transpose_lhs_hint = false} : vector<10000x128xf32>, vector<128x128xf32>, vector<10000x128xf32> -> vector<10000x128xf32>
    %get3A_6 = arith.constant 0 : index
    %get3A_7 = arith.constant 0 : index
    %get3A_8 = vector.load %arg4[%get3A_6, %get3A_7] : memref<1x128xf32, #tpu.memory_space<vmem>>, vector<1x128xf32>
    %add3A = vector.broadcast %get3A_8 : vector<1x128xf32> to vector<10000x128xf32>
    %add3A_9 = arith.addf %dot_general3A_5, %add3A : vector<10000x128xf32>
    %get3A_10 = arith.constant 0 : index
    %get3A_11 = arith.constant 0 : index
    %get3A_12 = vector.load %arg1[%get3A_10, %get3A_11] : memref<10000x128xf32, #tpu.memory_space<vmem>>, vector<10000x128xf32>
    %get3A_13 = arith.constant 0 : index
    %get3A_14 = arith.constant 0 : index
    %get3A_15 = vector.load %arg5[%get3A_13, %get3A_14] : memref<128x128xf32, #tpu.memory_space<vmem>>, vector<128x128xf32>
    %dot_general3A_16 = arith.constant dense<0.000000e+00> : vector<10000x128xf32>
    %dot_general3A_17 = tpu.matmul %get3A_12, %get3A_15, %dot_general3A_16 {dimension_numbers = #tpu.dot_dimension_numbers<[1], [0], [0], [1], [0, 0, 1, 1], [], []>, precision = #tpu.contract_precision<fp32>, transpose_lhs_hint = false} : vector<10000x128xf32>, vector<128x128xf32>, vector<10000x128xf32> -> vector<10000x128xf32>
    %add3A_18 = arith.addf %add3A_9, %dot_general3A_17 : vector<10000x128xf32>
    %max3A = arith.constant 0.000000e+00 : f32
    %max3A_19 = vector.broadcast %max3A : f32 to vector<10000x128xf32>
    %max3A_20 = arith.maximumf %add3A_18, %max3A_19 : vector<10000x128xf32>
    %get3A_21 = arith.constant 0 : index
    %get3A_22 = arith.constant 0 : index
    %get3A_23 = vector.load %arg2[%get3A_21, %get3A_22] : memref<10000x1xf32, #tpu.memory_space<vmem>>, vector<10000x1xf32>
    %mul3A = vector.broadcast %get3A_23 : vector<10000x1xf32> to vector<10000x128xf32>
    %mul3A_24 = arith.mulf %max3A_20, %mul3A : vector<10000x128xf32>
    %reduce_sum3A = arith.constant dense<0.000000e+00> : vector<128xf32>
    %reduce_sum3A_25 = vector.multi_reduction <add>, %mul3A_24, %reduce_sum3A [0] : vector<10000x128xf32> to vector<128xf32>
    %broadcast_in_dim3A = vector.shape_cast %reduce_sum3A_25 : vector<128xf32> to vector<1x128xf32>
    %mul3A_26 = arith.constant 1.250000e-04 : f32
    %mul3A_27 = vector.broadcast %mul3A_26 : f32 to vector<1x128xf32>
    %mul3A_28 = arith.mulf %broadcast_in_dim3A, %mul3A_27 : vector<1x128xf32>
    %sub3A = vector.broadcast %mul3A_28 : vector<1x128xf32> to vector<10000x128xf32>
    %sub3A_29 = arith.subf %max3A_20, %sub3A : vector<10000x128xf32>
    %mul3A_30 = arith.mulf %sub3A_29, %sub3A_29 : vector<10000x128xf32>
    %mul3A_31 = vector.broadcast %get3A_23 : vector<10000x1xf32> to vector<10000x128xf32>
    %mul3A_32 = arith.mulf %mul3A_30, %mul3A_31 : vector<10000x128xf32>
    %reduce_sum3A_33 = arith.constant dense<0.000000e+00> : vector<128xf32>
    %reduce_sum3A_34 = vector.multi_reduction <add>, %mul3A_32, %reduce_sum3A_33 [0] : vector<10000x128xf32> to vector<128xf32>
    %broadcast_in_dim3A_35 = vector.shape_cast %reduce_sum3A_34 : vector<128xf32> to vector<1x128xf32>
    %mul3A_36 = arith.constant 1.250000e-04 : f32
    %mul3A_37 = vector.broadcast %mul3A_36 : f32 to vector<1x128xf32>
    %mul3A_38 = arith.mulf %broadcast_in_dim3A_35, %mul3A_37 : vector<1x128xf32>
    %add3A_39 = arith.constant 9.99999974E-6 : f32
    %add3A_40 = vector.broadcast %add3A_39 : f32 to vector<1x128xf32>
    %add3A_41 = arith.addf %mul3A_38, %add3A_40 : vector<1x128xf32>
    %sqrt3A = math.sqrt %add3A_41 : vector<1x128xf32>
    %div3A = vector.broadcast %sqrt3A : vector<1x128xf32> to vector<10000x128xf32>
    %div3A_42 = arith.divf %sub3A_29, %div3A : vector<10000x128xf32>
    %get3A_43 = arith.constant 0 : index
    %get3A_44 = arith.constant 0 : index
    %get3A_45 = vector.load %arg6[%get3A_43, %get3A_44] : memref<1x128xf32, #tpu.memory_space<vmem>>, vector<1x128xf32>
    %mul3A_46 = vector.broadcast %get3A_45 : vector<1x128xf32> to vector<10000x128xf32>
    %mul3A_47 = arith.mulf %div3A_42, %mul3A_46 : vector<10000x128xf32>
    %get3A_48 = arith.constant 0 : index
    %get3A_49 = arith.constant 0 : index
    %get3A_50 = vector.load %arg7[%get3A_48, %get3A_49] : memref<1x128xf32, #tpu.memory_space<vmem>>, vector<1x128xf32>
    %add3A_51 = vector.broadcast %get3A_50 : vector<1x128xf32> to vector<10000x128xf32>
    %add3A_52 = arith.addf %mul3A_47, %add3A_51 : vector<10000x128xf32>
    %mul3A_53 = vector.broadcast %get3A_23 : vector<10000x1xf32> to vector<10000x128xf32>
    %mul3A_54 = arith.mulf %add3A_52, %mul3A_53 : vector<10000x128xf32>
    %swap3A = arith.constant 0 : index
    %swap3A_55 = arith.constant 0 : index
    %swap3A_56 = vector.load %arg8[%swap3A, %swap3A_55] : memref<10000x128xf32, #tpu.memory_space<vmem>>, vector<10000x128xf32>
    tpu.vector_store %arg8[%swap3A, %swap3A_55], %mul3A_54 {strides = array<i32>} : memref<10000x128xf32, #tpu.memory_space<vmem>>, vector<10000x128xf32>,
    return
  }
}

module attributes {stable_mosaic.version = 14 : i64} {
  func.func @_topk_body(%arg0: memref<80x128xf32, #tpu.memory_space<vmem>>, %arg1: memref<80x128xf32, #tpu.memory_space<vmem>>, %arg2: memref<80x128xf32, #tpu.memory_space<vmem>>) attributes {dimension_semantics = [], scalar_prefetch = 0 : i64, scratch_operands = 0 : i64, tpu.core_type = #tpu.core_type<tc>} {
    %get3A = arith.constant 0 : index
    %get3A_0 = arith.constant 0 : index
    %get3A_1 = vector.load %arg1[%get3A, %get3A_0] : memref<80x128xf32, #tpu.memory_space<vmem>>, vector<80x128xf32>
    %gt3A = arith.constant 0.000000e+00 : f32
    %gt3A_2 = vector.broadcast %gt3A : f32 to vector<80x128xf32>
    %gt3A_3 = arith.cmpf ogt, %get3A_1, %gt3A_2 : vector<80x128xf32>
    %get3A_4 = arith.constant 0 : index
    %get3A_5 = arith.constant 0 : index
    %get3A_6 = vector.load %arg0[%get3A_4, %get3A_5] : memref<80x128xf32, #tpu.memory_space<vmem>>, vector<80x128xf32>
    %jit3A = arith.constant -3.000000e+38 : f32
    %broadcast_in_dim3A = vector.broadcast %jit3A : f32 to vector<80x128xf32>
    %select_n3A = arith.select %gt3A_3, %get3A_6, %broadcast_in_dim3A : vector<80x128xi1>, vector<80x128xf32>
    %bitcast_convert_type3A = tpu.bitcast %select_n3A : vector<80x128xf32> -> vector<80x128xi32>
    %ge3A = arith.constant 0 : i32
    %ge3A_7 = vector.broadcast %ge3A : i32 to vector<80x128xi32>
    %ge3A_8 = arith.cmpi sge, %bitcast_convert_type3A, %ge3A_7 : vector<80x128xi32>
    %xor3A = arith.constant 2147483647 : i32
    %xor3A_9 = vector.broadcast %xor3A : i32 to vector<80x128xi32>
    %xor3A_10 = arith.xori %bitcast_convert_type3A, %xor3A_9 : vector<80x128xi32>
    %select_n3A_11 = arith.select %ge3A_8, %bitcast_convert_type3A, %xor3A_10 : vector<80x128xi1>, vector<80x128xi32>
    %scan3A = arith.constant -2147483648 : i32
    %scan3A_12 = arith.constant 2147483647 : i32
    %scan3A_13 = arith.constant 0 : i32
    %scan3A_14 = arith.constant 34 : i32
    %scan3A_15 = arith.addi %scan3A_13, %scan3A_14 : i32
    %scan3A_16 = arith.constant 1 : i32
    %scan3A_17:2 = scf.for %scan3A_51 = %scan3A_13 to %scan3A_15 step %scan3A_16 iter_args(%scan3A_52 = %scan3A, %scan3A_53 = %scan3A_12) -> (i32, i32)  : i32 {
      %shift_right_arithmetic3A = arith.constant 1 : i32
      %shift_right_arithmetic3A_54 = arith.shrsi %scan3A_52, %shift_right_arithmetic3A : i32
      %shift_right_arithmetic3A_55 = arith.constant 1 : i32
      %shift_right_arithmetic3A_56 = arith.shrsi %scan3A_53, %shift_right_arithmetic3A_55 : i32
      %add3A_57 = arith.addi %shift_right_arithmetic3A_54, %shift_right_arithmetic3A_56 : i32
      %and3A_58 = arith.andi %scan3A_52, %scan3A_53 : i32
      %and3A_59 = arith.constant 1 : i32
      %and3A_60 = arith.andi %and3A_58, %and3A_59 : i32
      %add3A_61 = arith.addi %add3A_57, %and3A_60 : i32
      %ge3A_62 = vector.broadcast %add3A_61 : i32 to vector<80x128xi32>
      %ge3A_63 = arith.cmpi sge, %select_n3A_11, %ge3A_62 : vector<80x128xi32>
      %jit3A_64 = arith.constant 1 : i32
      %jit3A_65 = arith.constant 0 : i32
      %broadcast_in_dim3A_66 = vector.broadcast %jit3A_64 : i32 to vector<80x128xi32>
      %broadcast_in_dim3A_67 = vector.broadcast %jit3A_65 : i32 to vector<80x128xi32>
      %select_n3A_68 = arith.select %ge3A_63, %broadcast_in_dim3A_66, %broadcast_in_dim3A_67 : vector<80x128xi1>, vector<80x128xi32>
      %reduce_sum3A_69 = vector.shape_cast %select_n3A_68 : vector<80x128xi32> to vector<1x80x128xi32>
      %reduce_sum3A_70 = arith.constant dense<0> : vector<1xi32>
      %reduce_sum3A_71 = vector.multi_reduction <add>, %reduce_sum3A_69, %reduce_sum3A_70 [1, 2] : vector<1x80x128xi32> to vector<1xi32>
      %reduce_sum3A_72 = vector.shape_cast %reduce_sum3A_71 : vector<1xi32> to vector<1x1x1xi32>
      %reduce_sum3A_73 = vector.extract %reduce_sum3A_72[0, 0, 0] : i32 from vector<1x1x1xi32>
      %ge3A_74 = arith.constant 6400 : i32
      %ge3A_75 = arith.cmpi sge, %reduce_sum3A_73, %ge3A_74 : i32
      %select_n3A_76 = arith.select %ge3A_75, %add3A_61, %scan3A_52 : i32
      %select_n3A_77 = arith.select %ge3A_75, %scan3A_53, %add3A_61 : i32
      scf.yield %select_n3A_76, %select_n3A_77 : i32, i32
    }
    %gt3A_18 = vector.broadcast %scan3A_17#0 : i32 to vector<80x128xi32>
    %gt3A_19 = arith.cmpi sgt, %select_n3A_11, %gt3A_18 : vector<80x128xi32>
    %jit3A_20 = arith.constant 1 : i32
    %jit3A_21 = arith.constant 0 : i32
    %broadcast_in_dim3A_22 = vector.broadcast %jit3A_20 : i32 to vector<80x128xi32>
    %broadcast_in_dim3A_23 = vector.broadcast %jit3A_21 : i32 to vector<80x128xi32>
    %select_n3A_24 = arith.select %gt3A_19, %broadcast_in_dim3A_22, %broadcast_in_dim3A_23 : vector<80x128xi1>, vector<80x128xi32>
    %reduce_sum3A = vector.shape_cast %select_n3A_24 : vector<80x128xi32> to vector<1x80x128xi32>
    %reduce_sum3A_25 = arith.constant dense<0> : vector<1xi32>
    %reduce_sum3A_26 = vector.multi_reduction <add>, %reduce_sum3A, %reduce_sum3A_25 [1, 2] : vector<1x80x128xi32> to vector<1xi32>
    %reduce_sum3A_27 = vector.shape_cast %reduce_sum3A_26 : vector<1xi32> to vector<1x1x1xi32>
    %reduce_sum3A_28 = vector.extract %reduce_sum3A_27[0, 0, 0] : i32 from vector<1x1x1xi32>
    %sub3A = arith.constant 6400 : i32
    %sub3A_29 = arith.subi %sub3A, %reduce_sum3A_28 : i32
    %eq3A = vector.broadcast %scan3A_17#0 : i32 to vector<80x128xi32>
    %eq3A_30 = arith.cmpi eq, %select_n3A_11, %eq3A : vector<80x128xi32>
    %iota3A = tpu.iota {dimensions = array<i32: 0>} : vector<80x128xi32>
    %mul3A = arith.constant 128 : i32
    %mul3A_31 = vector.broadcast %mul3A : i32 to vector<80x128xi32>
    %mul3A_32 = arith.muli %iota3A, %mul3A_31 : vector<80x128xi32>
    %iota3A_33 = tpu.iota {dimensions = array<i32: 1>} : vector<80x128xi32>
    %add3A = arith.addi %mul3A_32, %iota3A_33 : vector<80x128xi32>
    %scan3A_34 = arith.constant 0 : i32
    %scan3A_35 = arith.constant 10239 : i32
    %scan3A_36 = arith.constant 0 : i32
    %scan3A_37 = arith.constant 15 : i32
    %scan3A_38 = arith.addi %scan3A_36, %scan3A_37 : i32
    %scan3A_39 = arith.constant 1 : i32
    %scan3A_40:2 = scf.for %scan3A_51 = %scan3A_36 to %scan3A_38 step %scan3A_39 iter_args(%scan3A_52 = %scan3A_34, %scan3A_53 = %scan3A_35) -> (i32, i32)  : i32 {
      %add3A_54 = arith.addi %scan3A_52, %scan3A_53 : i32
      %shift_right_arithmetic3A = arith.constant 1 : i32
      %shift_right_arithmetic3A_55 = arith.shrsi %add3A_54, %shift_right_arithmetic3A : i32
      %le3A_56 = vector.broadcast %shift_right_arithmetic3A_55 : i32 to vector<80x128xi32>
      %le3A_57 = arith.cmpi sle, %add3A, %le3A_56 : vector<80x128xi32>
      %and3A_58 = arith.andi %eq3A_30, %le3A_57 : vector<80x128xi1>
      %jit3A_59 = arith.constant 1 : i32
      %jit3A_60 = arith.constant 0 : i32
      %broadcast_in_dim3A_61 = vector.broadcast %jit3A_59 : i32 to vector<80x128xi32>
      %broadcast_in_dim3A_62 = vector.broadcast %jit3A_60 : i32 to vector<80x128xi32>
      %select_n3A_63 = arith.select %and3A_58, %broadcast_in_dim3A_61, %broadcast_in_dim3A_62 : vector<80x128xi1>, vector<80x128xi32>
      %reduce_sum3A_64 = vector.shape_cast %select_n3A_63 : vector<80x128xi32> to vector<1x80x128xi32>
      %reduce_sum3A_65 = arith.constant dense<0> : vector<1xi32>
      %reduce_sum3A_66 = vector.multi_reduction <add>, %reduce_sum3A_64, %reduce_sum3A_65 [1, 2] : vector<1x80x128xi32> to vector<1xi32>
      %reduce_sum3A_67 = vector.shape_cast %reduce_sum3A_66 : vector<1xi32> to vector<1x1x1xi32>
      %reduce_sum3A_68 = vector.extract %reduce_sum3A_67[0, 0, 0] : i32 from vector<1x1x1xi32>
      %ge3A_69 = arith.cmpi sge, %reduce_sum3A_68, %sub3A_29 : i32
      %add3A_70 = arith.constant 1 : i32
      %add3A_71 = arith.addi %shift_right_arithmetic3A_55, %add3A_70 : i32
      %select_n3A_72 = arith.select %ge3A_69, %scan3A_52, %add3A_71 : i32
      %select_n3A_73 = arith.select %ge3A_69, %shift_right_arithmetic3A_55, %scan3A_53 : i32
      scf.yield %select_n3A_72, %select_n3A_73 : i32, i32
    }
    %gt3A_41 = vector.broadcast %scan3A_17#0 : i32 to vector<80x128xi32>
    %gt3A_42 = arith.cmpi sgt, %select_n3A_11, %gt3A_41 : vector<80x128xi32>
    %le3A = vector.broadcast %scan3A_40#1 : i32 to vector<80x128xi32>
    %le3A_43 = arith.cmpi sle, %add3A, %le3A : vector<80x128xi32>
    %and3A = arith.andi %eq3A_30, %le3A_43 : vector<80x128xi1>
    %or3A = arith.ori %gt3A_42, %and3A : vector<80x128xi1>
    %jit3A_44 = arith.constant 1.000000e+00 : f32
    %jit3A_45 = arith.constant 0.000000e+00 : f32
    %broadcast_in_dim3A_46 = vector.broadcast %jit3A_44 : f32 to vector<80x128xf32>
    %broadcast_in_dim3A_47 = vector.broadcast %jit3A_45 : f32 to vector<80x128xf32>
    %select_n3A_48 = arith.select %or3A, %broadcast_in_dim3A_46, %broadcast_in_dim3A_47 : vector<80x128xi1>, vector<80x128xf32>
    %swap3A = arith.constant 0 : index
    %swap3A_49 = arith.constant 0 : index
    %swap3A_50 = vector.load %arg2[%swap3A, %swap3A_49] : memref<80x128xf32, #tpu.memory_space<vmem>>, vector<80x128xf32>
    tpu.vector_store %arg2[%swap3A, %swap3A_49], %select_n3A_48 {strides = array<i32>} : memref<80x128xf32, #tpu.memory_space<vmem>>, vector<80x128xf32>,
    return
  }
}

module attributes {stable_mosaic.version = 14 : i64} {
  func.func @_scale_bn_body(%arg0: memref<10000x128xf32, #tpu.memory_space<vmem>>, %arg1: memref<10000x1xf32, #tpu.memory_space<vmem>>, %arg2: memref<10000x1xf32, #tpu.memory_space<vmem>>, %arg3: memref<1x128xf32, #tpu.memory_space<vmem>>, %arg4: memref<1x128xf32, #tpu.memory_space<vmem>>, %arg5: memref<10000x128xf32, #tpu.memory_space<vmem>>) attributes {dimension_semantics = [], scalar_prefetch = 0 : i64, scratch_operands = 0 : i64, tpu.core_type = #tpu.core_type<tc>} {
    %get3A = arith.constant 0 : index
    %get3A_0 = arith.constant 0 : index
    %get3A_1 = vector.load %arg0[%get3A, %get3A_0] : memref<10000x128xf32, #tpu.memory_space<vmem>>, vector<10000x128xf32>
    %get3A_2 = arith.constant 0 : index
    %get3A_3 = arith.constant 0 : index
    %get3A_4 = vector.load %arg1[%get3A_2, %get3A_3] : memref<10000x1xf32, #tpu.memory_space<vmem>>, vector<10000x1xf32>
    %tanh3A = math.tanh %get3A_4 : vector<10000x1xf32>
    %mul3A = vector.broadcast %tanh3A : vector<10000x1xf32> to vector<10000x128xf32>
    %mul3A_5 = arith.mulf %get3A_1, %mul3A : vector<10000x128xf32>
    %get3A_6 = arith.constant 0 : index
    %get3A_7 = arith.constant 0 : index
    %get3A_8 = vector.load %arg2[%get3A_6, %get3A_7] : memref<10000x1xf32, #tpu.memory_space<vmem>>, vector<10000x1xf32>
    %mul3A_9 = vector.broadcast %get3A_8 : vector<10000x1xf32> to vector<10000x128xf32>
    %mul3A_10 = arith.mulf %mul3A_5, %mul3A_9 : vector<10000x128xf32>
    %reduce_sum3A = arith.constant dense<0.000000e+00> : vector<128xf32>
    %reduce_sum3A_11 = vector.multi_reduction <add>, %mul3A_10, %reduce_sum3A [0] : vector<10000x128xf32> to vector<128xf32>
    %broadcast_in_dim3A = vector.shape_cast %reduce_sum3A_11 : vector<128xf32> to vector<1x128xf32>
    %mul3A_12 = arith.constant 1.562500e-04 : f32
    %mul3A_13 = vector.broadcast %mul3A_12 : f32 to vector<1x128xf32>
    %mul3A_14 = arith.mulf %broadcast_in_dim3A, %mul3A_13 : vector<1x128xf32>
    %sub3A = vector.broadcast %mul3A_14 : vector<1x128xf32> to vector<10000x128xf32>
    %sub3A_15 = arith.subf %mul3A_5, %sub3A : vector<10000x128xf32>
    %mul3A_16 = arith.mulf %sub3A_15, %sub3A_15 : vector<10000x128xf32>
    %mul3A_17 = vector.broadcast %get3A_8 : vector<10000x1xf32> to vector<10000x128xf32>
    %mul3A_18 = arith.mulf %mul3A_16, %mul3A_17 : vector<10000x128xf32>
    %reduce_sum3A_19 = arith.constant dense<0.000000e+00> : vector<128xf32>
    %reduce_sum3A_20 = vector.multi_reduction <add>, %mul3A_18, %reduce_sum3A_19 [0] : vector<10000x128xf32> to vector<128xf32>
    %broadcast_in_dim3A_21 = vector.shape_cast %reduce_sum3A_20 : vector<128xf32> to vector<1x128xf32>
    %mul3A_22 = arith.constant 1.562500e-04 : f32
    %mul3A_23 = vector.broadcast %mul3A_22 : f32 to vector<1x128xf32>
    %mul3A_24 = arith.mulf %broadcast_in_dim3A_21, %mul3A_23 : vector<1x128xf32>
    %add3A = arith.constant 9.99999974E-6 : f32
    %add3A_25 = vector.broadcast %add3A : f32 to vector<1x128xf32>
    %add3A_26 = arith.addf %mul3A_24, %add3A_25 : vector<1x128xf32>
    %sqrt3A = math.sqrt %add3A_26 : vector<1x128xf32>
    %div3A = vector.broadcast %sqrt3A : vector<1x128xf32> to vector<10000x128xf32>
    %div3A_27 = arith.divf %sub3A_15, %div3A : vector<10000x128xf32>
    %get3A_28 = arith.constant 0 : index
    %get3A_29 = arith.constant 0 : index
    %get3A_30 = vector.load %arg3[%get3A_28, %get3A_29] : memref<1x128xf32, #tpu.memory_space<vmem>>, vector<1x128xf32>
    %mul3A_31 = vector.broadcast %get3A_30 : vector<1x128xf32> to vector<10000x128xf32>
    %mul3A_32 = arith.mulf %div3A_27, %mul3A_31 : vector<10000x128xf32>
    %get3A_33 = arith.constant 0 : index
    %get3A_34 = arith.constant 0 : index
    %get3A_35 = vector.load %arg4[%get3A_33, %get3A_34] : memref<1x128xf32, #tpu.memory_space<vmem>>, vector<1x128xf32>
    %add3A_36 = vector.broadcast %get3A_35 : vector<1x128xf32> to vector<10000x128xf32>
    %add3A_37 = arith.addf %mul3A_32, %add3A_36 : vector<10000x128xf32>
    %mul3A_38 = vector.broadcast %get3A_8 : vector<10000x1xf32> to vector<10000x128xf32>
    %mul3A_39 = arith.mulf %add3A_37, %mul3A_38 : vector<10000x128xf32>
    %swap3A = arith.constant 0 : index
    %swap3A_40 = arith.constant 0 : index
    %swap3A_41 = vector.load %arg5[%swap3A, %swap3A_40] : memref<10000x128xf32, #tpu.memory_space<vmem>>, vector<10000x128xf32>
    tpu.vector_store %arg5[%swap3A, %swap3A_40], %mul3A_39 {strides = array<i32>} : memref<10000x128xf32, #tpu.memory_space<vmem>>, vector<10000x128xf32>,
    return
  }
}

module attributes {stable_mosaic.version = 14 : i64} {
  func.func @_comb_bn_body(%arg0: memref<10000x128xf32, #tpu.memory_space<vmem>>, %arg1: memref<10000x128xf32, #tpu.memory_space<vmem>>, %arg2: memref<10000x1xf32, #tpu.memory_space<vmem>>, %arg3: memref<128x128xf32, #tpu.memory_space<vmem>>, %arg4: memref<1x128xf32, #tpu.memory_space<vmem>>, %arg5: memref<128x128xf32, #tpu.memory_space<vmem>>, %arg6: memref<1x128xf32, #tpu.memory_space<vmem>>, %arg7: memref<1x128xf32, #tpu.memory_space<vmem>>, %arg8: memref<10000x128xf32, #tpu.memory_space<vmem>>) attributes {dimension_semantics = [], scalar_prefetch = 0 : i64, scratch_operands = 0 : i64, tpu.core_type = #tpu.core_type<tc>} {
    %get3A = arith.constant 0 : index
    %get3A_0 = arith.constant 0 : index
    %get3A_1 = vector.load %arg0[%get3A, %get3A_0] : memref<10000x128xf32, #tpu.memory_space<vmem>>, vector<10000x128xf32>
    %get3A_2 = arith.constant 0 : index
    %get3A_3 = arith.constant 0 : index
    %get3A_4 = vector.load %arg3[%get3A_2, %get3A_3] : memref<128x128xf32, #tpu.memory_space<vmem>>, vector<128x128xf32>
    %dot_general3A = arith.constant dense<0.000000e+00> : vector<10000x128xf32>
    %dot_general3A_5 = tpu.matmul %get3A_1, %get3A_4, %dot_general3A {dimension_numbers = #tpu.dot_dimension_numbers<[1], [0], [0], [1], [0, 0, 1, 1], [], []>, precision = #tpu.contract_precision<fp32>, transpose_lhs_hint = false} : vector<10000x128xf32>, vector<128x128xf32>, vector<10000x128xf32> -> vector<10000x128xf32>
    %get3A_6 = arith.constant 0 : index
    %get3A_7 = arith.constant 0 : index
    %get3A_8 = vector.load %arg4[%get3A_6, %get3A_7] : memref<1x128xf32, #tpu.memory_space<vmem>>, vector<1x128xf32>
    %add3A = vector.broadcast %get3A_8 : vector<1x128xf32> to vector<10000x128xf32>
    %add3A_9 = arith.addf %dot_general3A_5, %add3A : vector<10000x128xf32>
    %get3A_10 = arith.constant 0 : index
    %get3A_11 = arith.constant 0 : index
    %get3A_12 = vector.load %arg1[%get3A_10, %get3A_11] : memref<10000x128xf32, #tpu.memory_space<vmem>>, vector<10000x128xf32>
    %get3A_13 = arith.constant 0 : index
    %get3A_14 = arith.constant 0 : index
    %get3A_15 = vector.load %arg5[%get3A_13, %get3A_14] : memref<128x128xf32, #tpu.memory_space<vmem>>, vector<128x128xf32>
    %dot_general3A_16 = arith.constant dense<0.000000e+00> : vector<10000x128xf32>
    %dot_general3A_17 = tpu.matmul %get3A_12, %get3A_15, %dot_general3A_16 {dimension_numbers = #tpu.dot_dimension_numbers<[1], [0], [0], [1], [0, 0, 1, 1], [], []>, precision = #tpu.contract_precision<fp32>, transpose_lhs_hint = false} : vector<10000x128xf32>, vector<128x128xf32>, vector<10000x128xf32> -> vector<10000x128xf32>
    %add3A_18 = arith.addf %add3A_9, %dot_general3A_17 : vector<10000x128xf32>
    %max3A = arith.constant 0.000000e+00 : f32
    %max3A_19 = vector.broadcast %max3A : f32 to vector<10000x128xf32>
    %max3A_20 = arith.maximumf %add3A_18, %max3A_19 : vector<10000x128xf32>
    %get3A_21 = arith.constant 0 : index
    %get3A_22 = arith.constant 0 : index
    %get3A_23 = vector.load %arg2[%get3A_21, %get3A_22] : memref<10000x1xf32, #tpu.memory_space<vmem>>, vector<10000x1xf32>
    %mul3A = vector.broadcast %get3A_23 : vector<10000x1xf32> to vector<10000x128xf32>
    %mul3A_24 = arith.mulf %max3A_20, %mul3A : vector<10000x128xf32>
    %reduce_sum3A = arith.constant dense<0.000000e+00> : vector<128xf32>
    %reduce_sum3A_25 = vector.multi_reduction <add>, %mul3A_24, %reduce_sum3A [0] : vector<10000x128xf32> to vector<128xf32>
    %broadcast_in_dim3A = vector.shape_cast %reduce_sum3A_25 : vector<128xf32> to vector<1x128xf32>
    %mul3A_26 = arith.constant 1.562500e-04 : f32
    %mul3A_27 = vector.broadcast %mul3A_26 : f32 to vector<1x128xf32>
    %mul3A_28 = arith.mulf %broadcast_in_dim3A, %mul3A_27 : vector<1x128xf32>
    %sub3A = vector.broadcast %mul3A_28 : vector<1x128xf32> to vector<10000x128xf32>
    %sub3A_29 = arith.subf %max3A_20, %sub3A : vector<10000x128xf32>
    %mul3A_30 = arith.mulf %sub3A_29, %sub3A_29 : vector<10000x128xf32>
    %mul3A_31 = vector.broadcast %get3A_23 : vector<10000x1xf32> to vector<10000x128xf32>
    %mul3A_32 = arith.mulf %mul3A_30, %mul3A_31 : vector<10000x128xf32>
    %reduce_sum3A_33 = arith.constant dense<0.000000e+00> : vector<128xf32>
    %reduce_sum3A_34 = vector.multi_reduction <add>, %mul3A_32, %reduce_sum3A_33 [0] : vector<10000x128xf32> to vector<128xf32>
    %broadcast_in_dim3A_35 = vector.shape_cast %reduce_sum3A_34 : vector<128xf32> to vector<1x128xf32>
    %mul3A_36 = arith.constant 1.562500e-04 : f32
    %mul3A_37 = vector.broadcast %mul3A_36 : f32 to vector<1x128xf32>
    %mul3A_38 = arith.mulf %broadcast_in_dim3A_35, %mul3A_37 : vector<1x128xf32>
    %add3A_39 = arith.constant 9.99999974E-6 : f32
    %add3A_40 = vector.broadcast %add3A_39 : f32 to vector<1x128xf32>
    %add3A_41 = arith.addf %mul3A_38, %add3A_40 : vector<1x128xf32>
    %sqrt3A = math.sqrt %add3A_41 : vector<1x128xf32>
    %div3A = vector.broadcast %sqrt3A : vector<1x128xf32> to vector<10000x128xf32>
    %div3A_42 = arith.divf %sub3A_29, %div3A : vector<10000x128xf32>
    %get3A_43 = arith.constant 0 : index
    %get3A_44 = arith.constant 0 : index
    %get3A_45 = vector.load %arg6[%get3A_43, %get3A_44] : memref<1x128xf32, #tpu.memory_space<vmem>>, vector<1x128xf32>
    %mul3A_46 = vector.broadcast %get3A_45 : vector<1x128xf32> to vector<10000x128xf32>
    %mul3A_47 = arith.mulf %div3A_42, %mul3A_46 : vector<10000x128xf32>
    %get3A_48 = arith.constant 0 : index
    %get3A_49 = arith.constant 0 : index
    %get3A_50 = vector.load %arg7[%get3A_48, %get3A_49] : memref<1x128xf32, #tpu.memory_space<vmem>>, vector<1x128xf32>
    %add3A_51 = vector.broadcast %get3A_50 : vector<1x128xf32> to vector<10000x128xf32>
    %add3A_52 = arith.addf %mul3A_47, %add3A_51 : vector<10000x128xf32>
    %mul3A_53 = vector.broadcast %get3A_23 : vector<10000x1xf32> to vector<10000x128xf32>
    %mul3A_54 = arith.mulf %add3A_52, %mul3A_53 : vector<10000x128xf32>
    %swap3A = arith.constant 0 : index
    %swap3A_55 = arith.constant 0 : index
    %swap3A_56 = vector.load %arg8[%swap3A, %swap3A_55] : memref<10000x128xf32, #tpu.memory_space<vmem>>, vector<10000x128xf32>
    tpu.vector_store %arg8[%swap3A, %swap3A_55], %mul3A_54 {strides = array<i32>} : memref<10000x128xf32, #tpu.memory_space<vmem>>, vector<10000x128xf32>,
    return
  }
}

module attributes {stable_mosaic.version = 14 : i64} {
  func.func @_final_body(%arg0: memref<10000x128xf32, #tpu.memory_space<vmem>>, %arg1: memref<10000x128xf32, #tpu.memory_space<vmem>>, %arg2: memref<10000x1xf32, #tpu.memory_space<vmem>>, %arg3: memref<128x128xf32, #tpu.memory_space<vmem>>, %arg4: memref<1x128xf32, #tpu.memory_space<vmem>>, %arg5: memref<128x128xf32, #tpu.memory_space<vmem>>, %arg6: memref<128x10xf32, #tpu.memory_space<vmem>>, %arg7: memref<1x10xf32, #tpu.memory_space<vmem>>, %arg8: memref<1x10xf32, #tpu.memory_space<vmem>>) attributes {dimension_semantics = [], scalar_prefetch = 0 : i64, scratch_operands = 0 : i64, tpu.core_type = #tpu.core_type<tc>} {
    %get3A = arith.constant 0 : index
    %get3A_0 = arith.constant 0 : index
    %get3A_1 = vector.load %arg0[%get3A, %get3A_0] : memref<10000x128xf32, #tpu.memory_space<vmem>>, vector<10000x128xf32>
    %get3A_2 = arith.constant 0 : index
    %get3A_3 = arith.constant 0 : index
    %get3A_4 = vector.load %arg3[%get3A_2, %get3A_3] : memref<128x128xf32, #tpu.memory_space<vmem>>, vector<128x128xf32>
    %dot_general3A = arith.constant dense<0.000000e+00> : vector<10000x128xf32>
    %dot_general3A_5 = tpu.matmul %get3A_1, %get3A_4, %dot_general3A {dimension_numbers = #tpu.dot_dimension_numbers<[1], [0], [0], [1], [0, 0, 1, 1], [], []>, precision = #tpu.contract_precision<fp32>, transpose_lhs_hint = false} : vector<10000x128xf32>, vector<128x128xf32>, vector<10000x128xf32> -> vector<10000x128xf32>
    %get3A_6 = arith.constant 0 : index
    %get3A_7 = arith.constant 0 : index
    %get3A_8 = vector.load %arg4[%get3A_6, %get3A_7] : memref<1x128xf32, #tpu.memory_space<vmem>>, vector<1x128xf32>
    %add3A = vector.broadcast %get3A_8 : vector<1x128xf32> to vector<10000x128xf32>
    %add3A_9 = arith.addf %dot_general3A_5, %add3A : vector<10000x128xf32>
    %get3A_10 = arith.constant 0 : index
    %get3A_11 = arith.constant 0 : index
    %get3A_12 = vector.load %arg1[%get3A_10, %get3A_11] : memref<10000x128xf32, #tpu.memory_space<vmem>>, vector<10000x128xf32>
    %get3A_13 = arith.constant 0 : index
    %get3A_14 = arith.constant 0 : index
    %get3A_15 = vector.load %arg5[%get3A_13, %get3A_14] : memref<128x128xf32, #tpu.memory_space<vmem>>, vector<128x128xf32>
    %dot_general3A_16 = arith.constant dense<0.000000e+00> : vector<10000x128xf32>
    %dot_general3A_17 = tpu.matmul %get3A_12, %get3A_15, %dot_general3A_16 {dimension_numbers = #tpu.dot_dimension_numbers<[1], [0], [0], [1], [0, 0, 1, 1], [], []>, precision = #tpu.contract_precision<fp32>, transpose_lhs_hint = false} : vector<10000x128xf32>, vector<128x128xf32>, vector<10000x128xf32> -> vector<10000x128xf32>
    %add3A_18 = arith.addf %add3A_9, %dot_general3A_17 : vector<10000x128xf32>
    %get3A_19 = arith.constant 0 : index
    %get3A_20 = arith.constant 0 : index
    %get3A_21 = vector.load %arg2[%get3A_19, %get3A_20] : memref<10000x1xf32, #tpu.memory_space<vmem>>, vector<10000x1xf32>
    %mul3A = vector.broadcast %get3A_21 : vector<10000x1xf32> to vector<10000x128xf32>
    %mul3A_22 = arith.mulf %add3A_18, %mul3A : vector<10000x128xf32>
    %reduce_sum3A = arith.constant dense<0.000000e+00> : vector<128xf32>
    %reduce_sum3A_23 = vector.multi_reduction <add>, %mul3A_22, %reduce_sum3A [0] : vector<10000x128xf32> to vector<128xf32>
    %broadcast_in_dim3A = vector.shape_cast %reduce_sum3A_23 : vector<128xf32> to vector<1x128xf32>
    %mul3A_24 = arith.constant 1.562500e-04 : f32
    %mul3A_25 = vector.broadcast %mul3A_24 : f32 to vector<1x128xf32>
    %mul3A_26 = arith.mulf %broadcast_in_dim3A, %mul3A_25 : vector<1x128xf32>
    %get3A_27 = arith.constant 0 : index
    %get3A_28 = arith.constant 0 : index
    %get3A_29 = vector.load %arg6[%get3A_27, %get3A_28] : memref<128x10xf32, #tpu.memory_space<vmem>>, vector<128x10xf32>
    %dot_general3A_30 = arith.constant dense<0.000000e+00> : vector<1x10xf32>
    %dot_general3A_31 = tpu.matmul %mul3A_26, %get3A_29, %dot_general3A_30 {dimension_numbers = #tpu.dot_dimension_numbers<[1], [0], [0], [1], [0, 0, 1, 1], [], []>, precision = #tpu.contract_precision<fp32>, transpose_lhs_hint = false} : vector<1x128xf32>, vector<128x10xf32>, vector<1x10xf32> -> vector<1x10xf32>
    %get3A_32 = arith.constant 0 : index
    %get3A_33 = arith.constant 0 : index
    %get3A_34 = vector.load %arg7[%get3A_32, %get3A_33] : memref<1x10xf32, #tpu.memory_space<vmem>>, vector<1x10xf32>
    %add3A_35 = arith.addf %dot_general3A_31, %get3A_34 : vector<1x10xf32>
    %swap3A = arith.constant 0 : index
    %swap3A_36 = arith.constant 0 : index
    %swap3A_37 = vector.load %arg8[%swap3A, %swap3A_36] : memref<1x10xf32, #tpu.memory_space<vmem>>, vector<1x10xf32>
    tpu.vector_store %arg8[%swap3A, %swap3A_36], %add3A_35 {strides = array<i32>} : memref<1x10xf32, #tpu.memory_space<vmem>>, vector<1x10xf32>,
    return
  }
}

</mosaic_0001>

<sc_bundles>
// kernel: kernel.28.cloned.1.call-start
scs
__scs_entry_jumppad:
0x0: {  	(pc) =	sbr.rel $0x88, $3  }
0x1: {  	(tag) =	ssettag $0x0;
	lr =	simm.s32 $0x1  }
0x2: {  	[smem:$0x3F97] =	sst lr;
	_ =	strace $0xD0000000  }
0x3: {  	_ = 	snop  }
0x4: {  	_ = 	snop  }
0x5: {  	_ = 	snop  }
0x6: {  	_ = 	snop  }
0x7: {  	_ = 	snop  }
__scs_overlays_trampoline_lowered:
0x8: {  	[smem:$0x3FA6] =	sst s0  }
0x9: {  	[smem:$0x3FA7] =	sst s1  }
0xa: {  	[smem:$0x3FA8] =	sst s2  }
0xb: {  	[smem:$0x3FA9] =	sst s3  }
0xc: {  	[smem:$0x3FAA] =	sst s4  }
0xd: {  	[smem:$0x3FAB] =	sst s5  }
0xe: {  	[smem:$0x3FAC] =	sst s6  }
0xf: {  	[smem:$0x3FAD] =	sst s7  }
0x10: {  	[smem:$0x3FAE] =	sst s8  }
0x11: {  	[smem:$0x3FAF] =	sst s9;
	s0 =	simm.s32 @!p0 $0x0  }
0x12: {  	s1 =	sld [smem:$0x3F95];
	s0 =	simm.s32 @p0 $0x1  }
0x13: {  	[smem:$0x3FB0] =	sst s0;
	s0 =	simm.s32 @!p1 $0x0  }
0x14: {  	s2 =	sld [smem:$0x3F94];
	s0 =	simm.s32 @p1 $0x1  }
0x15: {  	[smem:$0x3FB1] =	sst s0;
	s0 =	simm.s32 @!p2 $0x0  }
0x16: {  	s3 =	sld [smem:$0x3FDB];
	s0 =	simm.s32 @p2 $0x1  }
0x17: {  	s4 =	simm.s32 $0x1BF5;
	[smem:$0x3FB3] =	sst s0  }
0x18: {  	s0 =	sld [smem:$0x3F96];
	_ =	swait.ge [sflag:s4], $0x0  }
0x19: {  	s7 =	sld [smem:$0x3F97]  }
0x1a: {  	s8 =	sadd.s32 $0xFFFFE003, lr  }
0x1b: {  	s9 =	sadd.s32 $0xFFFFFEF7, lr;
	s5 =	simm.s32 $0xFFFFFFFF;
	p2 =	slt.u32 s8, $0xFFFFF086  }
0x1c: {  	p1 =	slt.u32 s9, $0xF7A;
	s5 =	simm.s32 @!p2 $0x0  }
0x1d: {  	s5 =	simm.s32 @p1 $0x1;
	p0 =	seq.s32 s7, s2  }
0x1e: {  	s7 =	smul.u32 @!p0 $0xF7A, s2;
	p2 =	seq.s32 @!p0 s5, $0x0  }
0x1f: {  	s9 =	smul.u32 $0xF7A, s1;
	s8 =	simm.s32 @!p0 $0x1BF5;
	p2 =	por !p2, p0  }
0x20: {  	[sflag:s8] =	ssyncset.s32 @!p0 $0xFFFFF086;
	s6 =	sadd.s32 @!p0 s3, s7;
	s7 =	simm.s32 @!p0 $0x108  }
0x21: {  	s3 =	sadd.s32 s3, s9;
	s6 =	sadd.s32 @!p0 $0x88, s6;
	s7 =	simm.s32 @p2 $0x1082  }
0x22: {  	[simem:s7], [sflag:s8] =	dma.local @!p0 [hbm:s6], $0xF7A  }
0x23: {  	s9 =	sor.u32 $0xD0000000, s2;
	s6 =	simm.s32 $0x108;
	_ =	swait.ge @!p0 [sflag:s8], $0x0  }
0x24: {  	s3 =	sadd.s32 $0x88, s3;
	s6 =	simm.s32 @!p1 $0x1082;
	[sflag:s4] =	ssyncset.s32 $0xFFFFF086  }
0x25: {  	[simem:s6], [sflag:s4] =	dma.local [hbm:s3], $0xF7A  }
0x26: {  	[smem:$0x3F97] =	sst s1;
	(tag) =	ssettag s2;
	_ =	strace s9  }
0x27: {  	s1 =	sld [smem:$0x3FA7]  }
0x28: {  	s2 =	sld [smem:$0x3FA8]  }
0x29: {  	s4 =	sld [smem:$0x3FAA]  }
0x2a: {  	p0 =	seq.s32 s5, $0x0;
	s5 =	sld [smem:$0x3FAB]  }
0x2b: {  	s6 =	sld [smem:$0x3FAC]  }
0x2c: {  	s7 =	sld [smem:$0x3FAD]  }
0x2d: {  	s3 =	simm.s32 $0x108;
	s8 =	sld [smem:$0x3FAE]  }
0x2e: {  	s3 =	simm.s32 @!p0 $0x1082;
	s9 =	sld [smem:$0x3FAF]  }
0x2f: {  	lr =	sadd.s32 s0, s3;
	s0 =	sld [smem:$0x3FA6]  }
0x30: {  	s3 =	sld [smem:$0x3FA9]  }
0x31: {  	[smem:$0x3FB2] =	sst s10  }
0x32: {  	s10 =	sld [smem:$0x3FB0];
	_ =	sdelay $0x3  }
0x33: {  	p0 =	seq.s32 s10, $0x1;
	s10 =	sld [smem:$0x3FB2];
	_ =	sdelay $0x3  }
0x34: {  	[smem:$0x3FB2] =	sst s10  }
0x35: {  	s10 =	sld [smem:$0x3FB1];
	_ =	sdelay $0x3  }
0x36: {  	p1 =	seq.s32 s10, $0x1;
	s10 =	sld [smem:$0x3FB2];
	_ =	sdelay $0x3  }
0x37: {  	[smem:$0x3FB2] =	sst s10  }
0x38: {  	s10 =	sld [smem:$0x3FB3]  }
0x39: {  	_ = 	snop;
	(pc) =	sbr.ind lr, $3  }
0x3a: {  	_ = 	snop  }
0x3b: {  	_ = 	snop  }
0x3c: {  	p2 =	seq.s32 s10, $0x1;
	s10 =	sld [smem:$0x3FB2]  }
0x3d: {  	_ =	shalt  }
0x3e: {  	_ =	shalt  }
0x3f: {  	_ =	shalt  }
0x40: {  	_ =	shalt  }
0x41: {  	_ =	shalt  }
0x42: {  	_ =	shalt  }
0x43: {  	_ =	shalt  }
0x44: {  	_ =	shalt  }
0x45: {  	_ =	shalt  }
0x46: {  	_ =	shalt  }
0x47: {  	_ =	shalt  }
0x48: {  	_ =	shalt  }
0x49: {  	_ =	shalt  }
0x4a: {  	_ =	shalt  }
0x4b: {  	_ =	shalt  }
0x4c: {  	_ =	shalt  }
0x4d: {  	_ =	shalt  }
0x4e: {  	_ =	shalt  }
0x4f: {  	_ =	shalt  }
0x50: {  	_ =	shalt  }
0x51: {  	_ =	shalt  }
0x52: {  	_ =	shalt  }
0x53: {  	_ =	shalt  }
0x54: {  	_ =	shalt  }
0x55: {  	_ =	shalt  }
0x56: {  	_ =	shalt  }
0x57: {  	_ =	shalt  }
0x58: {  	_ =	shalt  }
0x59: {  	_ =	shalt  }
0x5a: {  	_ =	shalt  }
0x5b: {  	_ =	shalt  }
0x5c: {  	_ =	shalt  }
0x5d: {  	_ =	shalt  }
0x5e: {  	_ =	shalt  }
0x5f: {  	_ =	shalt  }
0x60: {  	_ =	shalt  }
0x61: {  	_ =	shalt  }
0x62: {  	_ =	shalt  }
0x63: {  	_ =	shalt  }
0x64: {  	_ =	shalt  }
0x65: {  	_ =	shalt  }
0x66: {  	_ =	shalt  }
0x67: {  	_ =	shalt  }
0x68: {  	_ =	shalt  }
0x69: {  	_ =	shalt  }
0x6a: {  	_ =	shalt  }
0x6b: {  	_ =	shalt  }
0x6c: {  	_ =	shalt  }
0x6d: {  	_ =	shalt  }
0x6e: {  	_ =	shalt  }
0x6f: {  	_ =	shalt  }
0x70: {  	_ =	shalt  }
0x71: {  	_ =	shalt  }
0x72: {  	_ =	shalt  }
0x73: {  	_ =	shalt  }
0x74: {  	_ =	shalt  }
0x75: {  	_ =	shalt  }
0x76: {  	_ =	shalt  }
0x77: {  	_ =	shalt  }
0x78: {  	_ =	shalt  }
0x79: {  	_ =	shalt  }
0x7a: {  	_ =	shalt  }
0x7b: {  	_ =	shalt  }
0x7c: {  	_ =	shalt  }
0x7d: {  	_ =	shalt  }
0x7e: {  	_ =	shalt  }
0x7f: {  	_ =	shalt  }
0x80: {  	_ =	shalt  }
0x81: {  	_ =	shalt  }
0x82: {  	_ =	shalt  }
0x83: {  	_ =	shalt  }
0x84: {  	_ =	shalt  }
0x85: {  	_ =	shalt  }
0x86: {  	_ =	shalt  }
0x87: {  	_ =	shalt  }
.Lfunc_end0:
.L_simem_size_0:
called_computation_lowered:
.L_overlay_start_0:
0x88: {  	s2 =	sld [smem:$0x3FD9]  }
0x89: {  	s3 =	sld [smem:$0x3FFE];
	_ =	sdelay $0x1  }
0x8a: {  	s1 =	srdreg.scid  }
0x8b: {  	s0 =	sand.u32 $0x1, s1  }
0x8c: {  	s16 =	sshll.u32 s0, $0xA;
	s2 =	sadd.s32 s3, s2  }
0x8d: {  	s2 =	sadd.s32 s2, s16  }
0x8e: {  	[smem:$0x3FBE] =	sst s2  }
0x8f: {  	_ = 	snop  }
0x90: {  	(tm) =	ssettm $0x1  }
0x91: {  	s17 =	sld [smem:$0x3FFB];
	_ =	sdelay $0x3  }
0x92: {  	_ =	strace s17  }
0x93: {  	s2 =	sld [smem:$0x3FFC];
	_ =	sdelay $0x3  }
0x94: {  	_ =	strace s2  }
0x95: {  	s2 =	sld [smem:$0x3FFD];
	_ =	sdelay $0x3  }
0x96: {  	_ =	strace s2  }
0x97: {  	_ =	strace $0x8FFFFFFF  }
0x98: {  	s18 =	sld [smem:$0x3FDB];
	_ =	sdelay $0x1  }
0x99: {  	s19 =	simm.s32 $_scs_section_size  }
0x9a: {  	s4 =	simm.s32 $_size__tile_overlayer_lowered;
	s5 =	simm.s32 $_tile_overlayer_lowered  }
0x9b: {  	s22 =	simm.s32 $0x1BFF;
	s21 =	sshll.u32 s5, $0x1;
	s2 =	sadd.s32 s19, s18  }
0x9c: {  	s6 =	simm.s32 $0x0;
	s20 =	sshll.u32 s4, $0x1;
	s4 =	sadd.s32 s21, s2  }
0x9d: {  	[timem:s6], [sflag:s22] =	dma.local [hbm:s4], s20  }
0x9e: {  	_ =	swait.ge [sflag:s22], s20  }
0x9f: {  	s3 =	ssub.s32 $0x0, s20;
	[sflag:s22] =	ssyncset.done $0x0  }
0xa0: {  	[sflag:s22] =	ssyncadd.s32 s3;
	_ =	sdelay $0x1  }
0xa1: {  	s23 =	simm.s32 $0x1B8B  }
0xa2: {  	_ =	swait.ge [sflag:s23], $0x1  }
0xa3: {  	[sflag:s23] =	ssyncset.done $0x0  }
0xa4: {  	s25 =	simm.s32 $0x1B8E;
	s24 =	sld [smem:$0x3FFE];
	[sflag:s23] =	ssyncadd.s32 $0xFFFFFFFF  }
0xa5: {  	s26 =	simm.s32 $execute0_lowered;
	[smem:$0x3FD2] =	sst s25  }
0xa6: {  	s4 =	sshll.u32 s26, $0x1;
	_ =	strace $0x80000046;
	[dreg:$0x1] =	wrdreg $0xFFFFFFFF  }
0xa7: {  	s28 =	simm.s32 $_size_execute0_lowered;
	s2 =	sadd.s32 s2, s4;
	[dreg:$0x0] =	wrdreg $0x0  }
0xa8: {  	s4 =	sshll.u32 s28, $0x1;
	[dreg:$0x2] =	wrdreg s2  }
0xa9: {  	[dreg:$0x3] =	wrdreg s4  }
0xaa: {  	[dreg:$0x4] =	wrdreg $0xC0  }
0xab: {  	_ =	task [dreg:s6], $0x5FFFF  }
0xac: {  	[dreg:$0x1] =	wrdreg $0xFFFFFFFF  }
0xad: {  	[dreg:$0x0] =	wrdreg $0x60  }
0xae: {  	[dreg:$0x2] =	wrdreg s24  }
0xaf: {  	[dreg:$0x3] =	wrdreg $0x85000  }
0xb0: {  	[dreg:$0x4] =	wrdreg $0x1C5000  }
0xb1: {  	[dreg:$0x5] =	wrdreg $0x9  }
0xb2: {  	_ =	task.clear_ibuf [dreg:s6], $0x6FFFF;
	_ =	strace $0x90000046  }
0xb3: {  	s29 =	simm.s32 $0x9;
	_ =	strace $0x80000048  }
0xb4: {  	_ =	swait.ge [sflag:s29], $0x1  }
0xb5: {  	[sflag:s29] =	ssyncadd.s32 $0xFFFFFFFF  }
0xb6: {  	_ =	strace $0x90000048  }
0xb7: {  	_ =	sfence  }
0xb8: {  	s30 =	sld [smem:$0x0];
	_ =	sdelay $0x2  }
0xb9: {  	s31 =	sshll.u32 s1, $0xD;
	s1 =	sshrl.u32 s1, $0x2  }
0xba: {  	s3 =	sand.u32 $0x4000, s31;
	s1 =	sadd.s32 s1, s30  }
0xbb: {  	s0 =	sor.u32 s3, s0;
	s1 =	sshll.u32 s1, $0x11  }
0xbc: {  	s0 =	sor.u32 s1, s0  }
0xbd: {  	s0 =	sadd.s32 $0x8F2B, s0  }
0xbe: {  	[sflag:s0] =	ssyncadd.remote.s32 $0x1  }
0xbf: {  	_ =	sfence.sel $0xFFFF  }
0xc0: {  	[dreg:$0x0] =	wrdreg $0xFFFFFFFF;
	(pc) =	sbr.abs _section_cstart, $3  }
0xc1: {  	[dreg:$0x1] =	wrdreg $0xFFFFFFFF  }
0xc2: {  	_ =	task.clear_ibuf [dreg:s6], $0x2FFFF;
	_ =	strace $0x9FFFFFFF  }
0xc3: {  	(tm) =	ssettm $0x7FFFFFFF  }
tec
execute0_lowered:
.L_overlay_start_1:
0x0: {  	(tag) =	ssettag $0x1  }
0x1: {  	s0 =	rddreg [dreg:$0x0]  }
0x2: {  	s1 =	rddreg [dreg:$0x1]  }
0x3: {  	s2 =	rddreg [dreg:$0x2];
	s3 =	simm.s32 $0x0;
	s4 =	srdreg.scid  }
0x4: {  	s13 =	stileid.u32;
	s30 =	simm.s32 $0x1;
	s31 =	simm.s32 $0x2  }
0x5: {  	s28 =	simm.s32 $0x0;
	[smem:$0x7FF] =	sst s3;
	s5 =	sadd.s32 $0x1A000, s0  }
0x6: {  	s4 =	sand.u32 $0x1, s4;
	s6 =	sadd.s32 $0x10000, s0;
	s7 =	sadd.s32 $0x6000, s0  }
0x7: {  	s8 =	sadd.s32 $0x43A00, s0;
	s10 =	smul.u32 $0x14000, s13;
	s11 =	sadd.s32 $0x41200, s0  }
0x8: {  	s16 =	sadd.s32 $0x4600, s0;
	s17 =	smul.u32 $0x500, s13;
	s12 =	sshll.u32 s13, $0x1  }
0x9: {  	s23 =	smul.u32 $0x50000, s13;
	_ =	strace $0x80000047;
	[dreg:$0x4] =	wrdreg s11  }
0xa: {  	s26 =	sshll.u32 s13, $0x6;
	s9 =	smul.u32 $0x140000, s4;
	[dreg:$0x5] =	wrdreg s16  }
0xb: {  	s18 =	sshll.u32 s4, $0x7;
	s19 =	sor.u32 s4, s12;
	s20 =	ssub.s32 $0x2, s4  }
0xc: {  	s16 =	sor.u32 $0x1C06, s26;
	s4 =	smul.u32 $0x500, s4;
	s26 =	simm.s32 $0x5  }
0xd: {  	s11 =	smul.u32 $0x500, s19;
	s21 =	sshrl.u32 s20, $0x1;
	s25 =	sshrl.u32 s23, $0x2  }
0xe: {  	s23 =	simm.s32 $0x80;
	s9 =	sadd.s32 s10, s9;
	s10 =	sor.u32 s18, s17  }
0xf: {  	s9 =	sshrl.u32 s9, $0x3;
	s10 =	sshrl.u32 s10, $0x3;
	s22 =	sadd.s32 s6, s11  }
0x10: {  	s14 =	sadd.s32 s7, s11;
	s11 =	sor.u32 $0x10, s11;
	s9 =	sadd.s32 s9, s0  }
0x11: {  	s0 =	sadd.s32 s10, s0;
	s10 =	ssub.s32 s20, s21;
	[dreg:$0x6] =	wrdreg s22  }
0x12: {  	[dreg:$0x7] =	wrdreg s14;
	s21 =	smul.u32 $0xA00, s13;
	s24 =	sadd.s32 s6, s11  }
.Ltmp0:
0x13: {  	s11 =	sadd.s32 s7, s11;
	[dreg:$0x8] =	wrdreg s24;
	(pc) =	sbr.rel .LBB2_1-.Ltmp0, $4  }
0x14: {  	[dreg:$0x9] =	wrdreg s11;
	s11 =	sadd.s32 s25, s1;
	s18 =	sadd.s32 $0x44A00, s9  }
0x15: {  	s19 =	sadd.s32 $0x44000, s0;
	s20 =	smax.u32 s10, $0x1;
	s25 =	simm.s32 $0x6  }
0x16: {  	s0 =	simm.s32 $0x3;
	[dreg:$0xa] =	wrdreg s11;
	s29 =	sshrl.u32 s21, $0x2  }
0x17: {  	s21 =	sadd.s32 s4, s21;
	s4 =	simm.s32 $0x4;
	s17 =	sadd.s32 s29, s2  }
.LBB2_7:
0x18: {  	_ =	swait.ge [sflag:s0], $0x4000  }
0x19: {  	[sflag:s0] =	ssyncset.done $0x0  }
0x1a: {  	[sflag:s0] =	ssyncadd.s32 $0xFFFFC000  }
0x1b: {  	_ =	swait.ge [sflag:s4], $0x80  }
0x1c: {  	[sflag:s4] =	ssyncset.done $0x0  }
0x1d: {  	[sflag:s4] =	ssyncadd.s32 $0xFFFFFF80  }
0x1e: {  	[bflag:$0x0] =	sbarrier.arrive $0xFFFF  }
0x1f: {  	[hbm:s18], [sflag:s16] =	dma.local [spmem:s29], $0x2800  }
0x20: {  	s28 =	sadd.s32 $0x1, s28;
	_ =	swait.ge [sflag:s25], $0x2800  }
0x21: {  	s9 =	simm.s32 $0x20;
	p0 =	sne.s32 s28, s20;
	[sflag:s25] =	ssyncset.done $0x0  }
.Ltmp1:
0x22: {  	s10 =	simm.s32 $0x10;
	[sflag:s25] =	ssyncadd.s32 $0xFFFFD800;
	(pc) =	sbr.rel @!p0 .LBB2_8-.Ltmp1, $4  }
0x23: {  	[hbm:s19@s9], [sflag:s16] =	dma.strided [spmem:s22@s10], $0x50, s30, $0x10   }
0x24: {  	_ =	swait.ge [sflag:s25], $0x50  }
0x25: {  	[sflag:s25] =	ssyncset.done $0x0  }
0x26: {  	[sflag:s25] =	ssyncadd.s32 $0xFFFFFFB0  }
.LBB2_1:
0x27: {  	s9 =	rddreg [dreg:$0x6]  }
0x28: {  	s22 =	rddreg [dreg:$0x7]  }
0x29: {  	s24 =	rddreg [dreg:$0x8]  }
0x2a: {  	[tilespmem:s3], [sflag:$0x5] =	stream.linear.gather [hbm4b:s9+s3], $0x80, $0x38;
	[tilespmem:$0x1C780] =	vst v63  }
0x2b: {  	s10 =	simm.s32 $0x200;
	s12 =	rddreg [dreg:$0xa]  }
0x2c: {  	[tilespmem:s10], [sflag:$0x5] =	stream.linear.gather [hbm4b:s22+s3], $0x80, $0x38;
	[tilespmem:$0x1C780] =	vst v63  }
0x2d: {  	s13 =	rddreg [dreg:$0x4]  }
0x2e: {  	[tilespmem:s23], [sflag:$0x5] =	stream.linear.gather [hbm4b:s24+s3], $0x80, $0x38;
	[tilespmem:$0x1C780] =	vst v63  }
0x2f: {  	s11 =	simm.s32 $0x280;
	s29 =	sshrl.u32 s12, $0x3;
	s10 =	rddreg [dreg:$0x9]  }
0x30: {  	[tilespmem:s11], [sflag:$0x5] =	stream.linear.gather [hbm4b:s10+s3], $0x80, $0x38;
	[tilespmem:$0x1C780] =	vst v63  }
0x31: {  	[spmem:s29], [sflag:s16] =	dma.local [hbm:s13], $0x2800  }
0x32: {  	_ =	swait.ge [sflag:s25], $0x2800  }
0x33: {  	[sflag:s25] =	ssyncset.done $0x0  }
0x34: {  	s22 =	sshrl.u32 s17, $0x3;
	s14 =	rddreg [dreg:$0x5];
	[sflag:s25] =	ssyncadd.s32 $0xFFFFD800  }
0x35: {  	[spmem:s22], [sflag:s16] =	dma.local [hbm:s14], $0x50  }
0x36: {  	_ =	swait.ge [sflag:s25], $0x50  }
0x37: {  	[sflag:s25] =	ssyncset.done $0x0  }
0x38: {  	[sflag:s25] =	ssyncadd.s32 $0xFFFFFFB0  }
0x39: {  	[bflag:$0x0] =	sbarrier.arrive $0xFFFF  }
0x3a: {  	_ =	swait.ge [sflag:s26], $0x80  }
0x3b: {  	[sflag:s26] =	ssyncset.done $0x0  }
0x3c: {  	[sflag:s26] =	ssyncadd.s32 $0xFFFFFF80  }
0x3d: {  	_ =	swait.ge [sflag:s26], $0x80  }
0x3e: {  	[sflag:s26] =	ssyncset.done $0x0  }
.Ltmp2:
0x3f: {  	s15 =	simm.s32 $0x500;
	[sflag:s26] =	ssyncadd.s32 $0xFFFFFF80;
	(pc) =	sbr.rel .LBB2_2-.Ltmp2, $4  }
0x40: {  	[tilespmem:s15], [sflag:$0x1] =	stream.indirect.gather [hbm4b:s5+s23], $0x80, s3, s23, $0xb8;
	[tilespmem:$0x1C780] =	vst v63  }
0x41: {  	s24 =	simm.s32 $0x400  }
0x42: {  	[tilespmem:s24], [sflag:$0x2] =	stream.indirect.gather [hbm4b:s8+s23], $0x1, s3, s23, $0xb8;
	[tilespmem:$0x1C780] =	vst v63  }
0x43: {  	s9 =	simm.s32 $0x0;
	s24 =	simm.s32 $0x20  }
.LBB2_3:
0x44: {  	s13 =	sadd.s32 $0x156, s12  }
0x45: {  	s13 =	sshrl.u32 s13, $0x9  }
0x46: {  	s13 =	sand.u32 $0x7F, s13  }
0x47: {  	s13 =	smul.u32 $0x3, s13;
	_ =	sdelay $0x1  }
0x48: {  	s14 =	sadd.s32 s24, s21;
	s13 =	ssub.s32 s9, s13  }
0x49: {  	s15 =	sand.u32 $0x70, s24;
	s14 =	sand.u32 $0xFFFFF80, s14;
	s13 =	sadd.s32 $0x2, s13  }
0x4a: {  	s14 =	sor.u32 s15, s14;
	s13 =	sand.u32 $0xFF, s13  }
0x4b: {  	s15 =	sadd.s32 s6, s14;
	s13 =	sshll.u32 s13, $0x7  }
0x4c: {  	[tilespmem:s13], [sflag:$0x5] =	stream.linear.gather [hbm4b:s15+s3], $0x80, $0x38;
	[tilespmem:$0x1C780] =	vst v63  }
0x4d: {  	s14 =	sadd.s32 s7, s14;
	s13 =	sadd.s32 $0x200, s13  }
0x4e: {  	[tilespmem:s13], [sflag:$0x5] =	stream.linear.gather [hbm4b:s14+s3], $0x80, $0x38;
	[tilespmem:$0x1C780] =	vst v63  }
.LBB2_5:
0x4f: {  	s13 =	sadd.s32 $0xAB, s12  }
0x50: {  	s13 =	sshrl.u32 s13, $0x9  }
0x51: {  	_ =	swait.ge [sflag:s26], $0x80;
	s13 =	sand.u32 $0x7F, s13  }
0x52: {  	[sflag:s26] =	ssyncset.done $0x0;
	s13 =	smul.u32 $0x3, s13  }
0x53: {  	s14 =	sxor.u32 $0x1, s11;
	[sflag:s26] =	ssyncadd.s32 $0xFFFFFF80  }
0x54: {  	s15 =	sshll.u32 s14, $0xE;
	_ =	swait.ge [sflag:s26], $0x80;
	s13 =	ssub.s32 s10, s13  }
0x55: {  	s14 =	sshll.u32 s14, $0x7;
	[sflag:s26] =	ssyncset.done $0x0;
	s13 =	sand.u32 $0xFF, s13  }
0x56: {  	s15 =	sor.u32 $0x500, s15;
	[sflag:s26] =	ssyncadd.s32 $0xFFFFFF80;
	s13 =	sshll.u32 s13, $0x7  }
0x57: {  	[tilespmem:s15], [sflag:$0x1] =	stream.indirect.gather [hbm4b:s5+s23], $0x80, s13, s23, $0xb8;
	[tilespmem:$0x1C780] =	vst v63  }
0x58: {  	s14 =	sor.u32 $0x400, s14  }
0x59: {  	[tilespmem:s14], [sflag:$0x2] =	stream.indirect.gather [hbm4b:s8+s23], $0x1, s13, s23, $0xb8;
	[tilespmem:$0x1C780] =	vst v63  }
.LBB2_6:
0x5a: {  	s12 =	sshrl.u32 s12, $0x9  }
0x5b: {  	s12 =	sand.u32 $0x7F, s12  }
0x5c: {  	_ =	swait.ge [sflag:s30], $0x4000;
	s12 =	smul.u32 $0x3, s12  }
0x5d: {  	s14 =	sshll.u32 s11, $0xE;
	[sflag:s30] =	ssyncset.done $0x0  }
0x5e: {  	s15 =	sshll.u32 s11, $0x7;
	[sflag:s30] =	ssyncadd.s32 $0xFFFFC000;
	s9 =	ssub.s32 s9, s12  }
0x5f: {  	p0 =	sne.s32 s10, $0x50;
	_ =	swait.ge [sflag:s31], $0x80;
	s9 =	sand.u32 $0xFF, s9  }
0x60: {  	s12 =	sor.u32 $0x500, s14;
	[sflag:s31] =	ssyncset.done $0x0;
	s9 =	sshll.u32 s9, $0x7  }
.Ltmp3:
0x61: {  	[sflag:s31] =	ssyncadd.s32 $0xFFFFFF80;
	s9 =	sadd.s32 $0x200, s9;
	(pc) =	sbr.rel @!p0 .LBB2_7-.Ltmp3, $4  }
0x62: {  	[spmem:s1] =	stream.indirect.scatter.add.f32 [tilespmem:s12], [sflag:$0x3], $0x80, s9, s23, $0xb8;
	[tilespmem:$0x1C780] =	vst v63  }
0x63: {  	s11 =	sor.u32 $0x400, s15  }
0x64: {  	[spmem:s2] =	stream.indirect.scatter.add.f32 [tilespmem:s11], [sflag:$0x4], $0x1, s9, s23, $0xb8;
	[tilespmem:$0x1C780] =	vst v63  }
0x65: {  	s24 =	sadd.s32 $0x10, s24;
	s9 =	smov.u32 s10  }
.LBB2_2:
0x66: {  	p0 =	seq.s32 s9, $0x0  }
0x67: {  	s10 =	simm.s32 @!p0 $0x3;
	p1 =	sgt.u32 @!p0 s9, $0x4D  }
0x68: {  	_ =	swait.ge @!p0 [sflag:s10], $0x4000;
	p1 =	por p0, !p1  }
.Ltmp4:
0x69: {  	[sflag:s10] =	ssyncset.done @!p0 $0x0;
	(pc) =	sbr.rel @p1 .LBB2_3-.Ltmp4, $4  }
0x6a: {  	s13 =	simm.s32 @!p0 $0x4;
	[sflag:s10] =	ssyncadd.s32 @!p0 $0xFFFFC000  }
0x6b: {  	_ =	swait.ge @!p0 [sflag:s13], $0x80  }
0x6c: {  	s12 =	smul.u32 $0xAB, s9;
	[sflag:s13] =	ssyncset.done @!p0 $0x0  }
0x6d: {  	s11 =	sand.u32 $0x1, s9;
	s10 =	sadd.s32 $0x1, s9;
	[sflag:s13] =	ssyncadd.s32 @!p0 $0xFFFFFF80  }
0x6e: {  	p0 =	seq.s32 s9, $0x4F  }
.Ltmp5:
0x6f: {  	_ = 	snop;
	(pc) =	sbr.rel @p0 .LBB2_6-.Ltmp5, $4  }
.Ltmp6:
0x70: {  	_ = 	snop;
	(pc) =	sbr.rel @!p0 .LBB2_5-.Ltmp6, $4  }
0x71: {  	_ = 	snop  }
0x72: {  	_ = 	snop  }
0x73: {  	_ = 	snop  }
0x74: {  	_ = 	snop  }
.LBB2_8:
0x75: {  	_ =	sfence.sel $0x180000  }
0x76: {  	[bflag:$0x0] =	sbarrier.arrive $0xFFFF  }
0x77: {  	_ =	strace $0x90000047  }
0x78: {  	s0 =	stileid.u32;
	[bflag:$0x2] =	sbarrier.arrive $0xFFFF  }
0x79: {  	p0 =	sne.s32 s0, $0x0;
	s0 =	rddreg [dreg:$0x3]  }
0x7a: {  	s0 =	sadd.s32 @!p0 $0x100000, s0  }
0x7b: {  	[sflag:s0] =	ssyncadd.tile.s32 @!p0 $0x1;
	_ =	shalt  }
.Lfunc_end2:
_tile_overlayer_lowered:
.L_overlay_start_2:
0x7c: {  	(tag) =	ssettag $0x2  }
0x7d: {  	s0 =	rddreg [dreg:$0x0];
	s2 =	stileid.u32  }
0x7e: {  	s1 =	rddreg [dreg:$0x1];
	p0 =	sne.s32 s2, $0x0  }
0x7f: {  	s3 =	rddreg [dreg:$0x2];
	[bflag:$0x3] =	sbarrier.arrive $0xFFFF;
	s2 =	simm.s32 @!p0 $0x1C06  }
0x80: {  	[timem:s3], [sflag:s2] =	dma.local @!p0 [hbm:s0], s1  }
0x81: {  	s0 =	simm.s32 @!p0 $0x6  }
0x82: {  	_ =	swait.ge @!p0 [sflag:s0], s1  }
0x83: {  	s1 =	ssub.s32 @!p0 $0x0, s1;
	[sflag:s0] =	ssyncset.done @!p0 $0x0  }
0x84: {  	[sflag:s0] =	ssyncadd.s32 @!p0 s1  }
0x85: {  	[bflag:$0x3] =	sbarrier.arrive $0xFFFF  }
0x86: {  	_ =	shalt  }

// kernel: kernel.31.cloned.1.call-start
scs
__scs_entry_jumppad:
0x0: {  	(pc) =	sbr.rel $0x88, $3  }
0x1: {  	(tag) =	ssettag $0x0;
	lr =	simm.s32 $0x1  }
0x2: {  	[smem:$0x3F97] =	sst lr;
	_ =	strace $0xD0000000  }
0x3: {  	_ = 	snop  }
0x4: {  	_ = 	snop  }
0x5: {  	_ = 	snop  }
0x6: {  	_ = 	snop  }
0x7: {  	_ = 	snop  }
__scs_overlays_trampoline_lowered:
0x8: {  	[smem:$0x3FA6] =	sst s0  }
0x9: {  	[smem:$0x3FA7] =	sst s1  }
0xa: {  	[smem:$0x3FA8] =	sst s2  }
0xb: {  	[smem:$0x3FA9] =	sst s3  }
0xc: {  	[smem:$0x3FAA] =	sst s4  }
0xd: {  	[smem:$0x3FAB] =	sst s5  }
0xe: {  	[smem:$0x3FAC] =	sst s6  }
0xf: {  	[smem:$0x3FAD] =	sst s7  }
0x10: {  	[smem:$0x3FAE] =	sst s8  }
0x11: {  	[smem:$0x3FAF] =	sst s9;
	s0 =	simm.s32 @!p0 $0x0  }
0x12: {  	s1 =	sld [smem:$0x3F95];
	s0 =	simm.s32 @p0 $0x1  }
0x13: {  	[smem:$0x3FB0] =	sst s0;
	s0 =	simm.s32 @!p1 $0x0  }
0x14: {  	s2 =	sld [smem:$0x3F94];
	s0 =	simm.s32 @p1 $0x1  }
0x15: {  	[smem:$0x3FB1] =	sst s0;
	s0 =	simm.s32 @!p2 $0x0  }
0x16: {  	s3 =	sld [smem:$0x3FDB];
	s0 =	simm.s32 @p2 $0x1  }
0x17: {  	s4 =	simm.s32 $0x1BF5;
	[smem:$0x3FB3] =	sst s0  }
0x18: {  	s0 =	sld [smem:$0x3F96];
	_ =	swait.ge [sflag:s4], $0x0  }
0x19: {  	s7 =	sld [smem:$0x3F97]  }
0x1a: {  	s8 =	sadd.s32 $0xFFFFE003, lr  }
0x1b: {  	s9 =	sadd.s32 $0xFFFFFEF7, lr;
	s5 =	simm.s32 $0xFFFFFFFF;
	p2 =	slt.u32 s8, $0xFFFFF086  }
0x1c: {  	p1 =	slt.u32 s9, $0xF7A;
	s5 =	simm.s32 @!p2 $0x0  }
0x1d: {  	s5 =	simm.s32 @p1 $0x1;
	p0 =	seq.s32 s7, s2  }
0x1e: {  	s7 =	smul.u32 @!p0 $0xF7A, s2;
	p2 =	seq.s32 @!p0 s5, $0x0  }
0x1f: {  	s9 =	smul.u32 $0xF7A, s1;
	s8 =	simm.s32 @!p0 $0x1BF5;
	p2 =	por !p2, p0  }
0x20: {  	[sflag:s8] =	ssyncset.s32 @!p0 $0xFFFFF086;
	s6 =	sadd.s32 @!p0 s3, s7;
	s7 =	simm.s32 @!p0 $0x108  }
0x21: {  	s3 =	sadd.s32 s3, s9;
	s6 =	sadd.s32 @!p0 $0x88, s6;
	s7 =	simm.s32 @p2 $0x1082  }
0x22: {  	[simem:s7], [sflag:s8] =	dma.local @!p0 [hbm:s6], $0xF7A  }
0x23: {  	s9 =	sor.u32 $0xD0000000, s2;
	s6 =	simm.s32 $0x108;
	_ =	swait.ge @!p0 [sflag:s8], $0x0  }
0x24: {  	s3 =	sadd.s32 $0x88, s3;
	s6 =	simm.s32 @!p1 $0x1082;
	[sflag:s4] =	ssyncset.s32 $0xFFFFF086  }
0x25: {  	[simem:s6], [sflag:s4] =	dma.local [hbm:s3], $0xF7A  }
0x26: {  	[smem:$0x3F97] =	sst s1;
	(tag) =	ssettag s2;
	_ =	strace s9  }
0x27: {  	s1 =	sld [smem:$0x3FA7]  }
0x28: {  	s2 =	sld [smem:$0x3FA8]  }
0x29: {  	s4 =	sld [smem:$0x3FAA]  }
0x2a: {  	p0 =	seq.s32 s5, $0x0;
	s5 =	sld [smem:$0x3FAB]  }
0x2b: {  	s6 =	sld [smem:$0x3FAC]  }
0x2c: {  	s7 =	sld [smem:$0x3FAD]  }
0x2d: {  	s3 =	simm.s32 $0x108;
	s8 =	sld [smem:$0x3FAE]  }
0x2e: {  	s3 =	simm.s32 @!p0 $0x1082;
	s9 =	sld [smem:$0x3FAF]  }
0x2f: {  	lr =	sadd.s32 s0, s3;
	s0 =	sld [smem:$0x3FA6]  }
0x30: {  	s3 =	sld [smem:$0x3FA9]  }
0x31: {  	[smem:$0x3FB2] =	sst s10  }
0x32: {  	s10 =	sld [smem:$0x3FB0];
	_ =	sdelay $0x3  }
0x33: {  	p0 =	seq.s32 s10, $0x1;
	s10 =	sld [smem:$0x3FB2];
	_ =	sdelay $0x3  }
0x34: {  	[smem:$0x3FB2] =	sst s10  }
0x35: {  	s10 =	sld [smem:$0x3FB1];
	_ =	sdelay $0x3  }
0x36: {  	p1 =	seq.s32 s10, $0x1;
	s10 =	sld [smem:$0x3FB2];
	_ =	sdelay $0x3  }
0x37: {  	[smem:$0x3FB2] =	sst s10  }
0x38: {  	s10 =	sld [smem:$0x3FB3]  }
0x39: {  	_ = 	snop;
	(pc) =	sbr.ind lr, $3  }
0x3a: {  	_ = 	snop  }
0x3b: {  	_ = 	snop  }
0x3c: {  	p2 =	seq.s32 s10, $0x1;
	s10 =	sld [smem:$0x3FB2]  }
0x3d: {  	_ =	shalt  }
0x3e: {  	_ =	shalt  }
0x3f: {  	_ =	shalt  }
0x40: {  	_ =	shalt  }
0x41: {  	_ =	shalt  }
0x42: {  	_ =	shalt  }
0x43: {  	_ =	shalt  }
0x44: {  	_ =	shalt  }
0x45: {  	_ =	shalt  }
0x46: {  	_ =	shalt  }
0x47: {  	_ =	shalt  }
0x48: {  	_ =	shalt  }
0x49: {  	_ =	shalt  }
0x4a: {  	_ =	shalt  }
0x4b: {  	_ =	shalt  }
0x4c: {  	_ =	shalt  }
0x4d: {  	_ =	shalt  }
0x4e: {  	_ =	shalt  }
0x4f: {  	_ =	shalt  }
0x50: {  	_ =	shalt  }
0x51: {  	_ =	shalt  }
0x52: {  	_ =	shalt  }
0x53: {  	_ =	shalt  }
0x54: {  	_ =	shalt  }
0x55: {  	_ =	shalt  }
0x56: {  	_ =	shalt  }
0x57: {  	_ =	shalt  }
0x58: {  	_ =	shalt  }
0x59: {  	_ =	shalt  }
0x5a: {  	_ =	shalt  }
0x5b: {  	_ =	shalt  }
0x5c: {  	_ =	shalt  }
0x5d: {  	_ =	shalt  }
0x5e: {  	_ =	shalt  }
0x5f: {  	_ =	shalt  }
0x60: {  	_ =	shalt  }
0x61: {  	_ =	shalt  }
0x62: {  	_ =	shalt  }
0x63: {  	_ =	shalt  }
0x64: {  	_ =	shalt  }
0x65: {  	_ =	shalt  }
0x66: {  	_ =	shalt  }
0x67: {  	_ =	shalt  }
0x68: {  	_ =	shalt  }
0x69: {  	_ =	shalt  }
0x6a: {  	_ =	shalt  }
0x6b: {  	_ =	shalt  }
0x6c: {  	_ =	shalt  }
0x6d: {  	_ =	shalt  }
0x6e: {  	_ =	shalt  }
0x6f: {  	_ =	shalt  }
0x70: {  	_ =	shalt  }
0x71: {  	_ =	shalt  }
0x72: {  	_ =	shalt  }
0x73: {  	_ =	shalt  }
0x74: {  	_ =	shalt  }
0x75: {  	_ =	shalt  }
0x76: {  	_ =	shalt  }
0x77: {  	_ =	shalt  }
0x78: {  	_ =	shalt  }
0x79: {  	_ =	shalt  }
0x7a: {  	_ =	shalt  }
0x7b: {  	_ =	shalt  }
0x7c: {  	_ =	shalt  }
0x7d: {  	_ =	shalt  }
0x7e: {  	_ =	shalt  }
0x7f: {  	_ =	shalt  }
0x80: {  	_ =	shalt  }
0x81: {  	_ =	shalt  }
0x82: {  	_ =	shalt  }
0x83: {  	_ =	shalt  }
0x84: {  	_ =	shalt  }
0x85: {  	_ =	shalt  }
0x86: {  	_ =	shalt  }
0x87: {  	_ =	shalt  }
.Lfunc_end0:
.L_simem_size_0:
called_computation.1_lowered:
.L_overlay_start_0:
0x88: {  	s2 =	sld [smem:$0x3FD9]  }
0x89: {  	s3 =	sld [smem:$0x3FFE];
	_ =	sdelay $0x1  }
0x8a: {  	s1 =	srdreg.scid  }
0x8b: {  	s0 =	sand.u32 $0x1, s1  }
0x8c: {  	s16 =	sshll.u32 s0, $0xA;
	s2 =	sadd.s32 s3, s2  }
0x8d: {  	s2 =	sadd.s32 s2, s16  }
0x8e: {  	[smem:$0x3FBE] =	sst s2  }
0x8f: {  	_ = 	snop  }
0x90: {  	(tm) =	ssettm $0x1  }
0x91: {  	s17 =	sld [smem:$0x3FFB];
	_ =	sdelay $0x3  }
0x92: {  	_ =	strace s17  }
0x93: {  	s2 =	sld [smem:$0x3FFC];
	_ =	sdelay $0x3  }
0x94: {  	_ =	strace s2  }
0x95: {  	s2 =	sld [smem:$0x3FFD];
	_ =	sdelay $0x3  }
0x96: {  	_ =	strace s2  }
0x97: {  	_ =	strace $0x8FFFFFFF  }
0x98: {  	s18 =	sld [smem:$0x3FDB];
	_ =	sdelay $0x1  }
0x99: {  	s19 =	simm.s32 $_scs_section_size  }
0x9a: {  	s4 =	simm.s32 $_size__tile_overlayer_lowered;
	s5 =	simm.s32 $_tile_overlayer_lowered  }
0x9b: {  	s22 =	simm.s32 $0x1BFF;
	s21 =	sshll.u32 s5, $0x1;
	s2 =	sadd.s32 s19, s18  }
0x9c: {  	s6 =	simm.s32 $0x0;
	s20 =	sshll.u32 s4, $0x1;
	s4 =	sadd.s32 s21, s2  }
0x9d: {  	[timem:s6], [sflag:s22] =	dma.local [hbm:s4], s20  }
0x9e: {  	_ =	swait.ge [sflag:s22], s20  }
0x9f: {  	s3 =	ssub.s32 $0x0, s20;
	[sflag:s22] =	ssyncset.done $0x0  }
0xa0: {  	[sflag:s22] =	ssyncadd.s32 s3;
	_ =	sdelay $0x1  }
0xa1: {  	s23 =	simm.s32 $0x1B8B  }
0xa2: {  	_ =	swait.ge [sflag:s23], $0x1  }
0xa3: {  	[sflag:s23] =	ssyncset.done $0x0  }
0xa4: {  	s25 =	simm.s32 $0x1B8E;
	s24 =	sld [smem:$0x3FFE];
	[sflag:s23] =	ssyncadd.s32 $0xFFFFFFFF  }
0xa5: {  	s26 =	simm.s32 $execute0_lowered;
	[smem:$0x3FD2] =	sst s25  }
0xa6: {  	s4 =	sshll.u32 s26, $0x1;
	_ =	strace $0x80000049;
	[dreg:$0x1] =	wrdreg $0xFFFFFFFF  }
0xa7: {  	s28 =	simm.s32 $_size_execute0_lowered;
	s2 =	sadd.s32 s2, s4;
	[dreg:$0x0] =	wrdreg $0x0  }
0xa8: {  	s4 =	sshll.u32 s28, $0x1;
	[dreg:$0x2] =	wrdreg s2  }
0xa9: {  	[dreg:$0x3] =	wrdreg s4  }
0xaa: {  	[dreg:$0x4] =	wrdreg $0xC0  }
0xab: {  	_ =	task [dreg:s6], $0x5FFFF  }
0xac: {  	[dreg:$0x1] =	wrdreg $0xFFFFFFFF  }
0xad: {  	[dreg:$0x0] =	wrdreg $0x60  }
0xae: {  	[dreg:$0x2] =	wrdreg s24  }
0xaf: {  	[dreg:$0x3] =	wrdreg $0x85000  }
0xb0: {  	[dreg:$0x4] =	wrdreg $0x1C5000  }
0xb1: {  	[dreg:$0x5] =	wrdreg $0x9  }
0xb2: {  	_ =	task.clear_ibuf [dreg:s6], $0x6FFFF;
	_ =	strace $0x90000049  }
0xb3: {  	s29 =	simm.s32 $0x9;
	_ =	strace $0x8000004B  }
0xb4: {  	_ =	swait.ge [sflag:s29], $0x1  }
0xb5: {  	[sflag:s29] =	ssyncadd.s32 $0xFFFFFFFF  }
0xb6: {  	_ =	strace $0x9000004B  }
0xb7: {  	_ =	sfence  }
0xb8: {  	s30 =	sld [smem:$0x0];
	_ =	sdelay $0x2  }
0xb9: {  	s31 =	sshll.u32 s1, $0xD;
	s1 =	sshrl.u32 s1, $0x2  }
0xba: {  	s3 =	sand.u32 $0x4000, s31;
	s1 =	sadd.s32 s1, s30  }
0xbb: {  	s0 =	sor.u32 s3, s0;
	s1 =	sshll.u32 s1, $0x11  }
0xbc: {  	s0 =	sor.u32 s1, s0  }
0xbd: {  	s0 =	sadd.s32 $0x8F2B, s0  }
0xbe: {  	[sflag:s0] =	ssyncadd.remote.s32 $0x1  }
0xbf: {  	_ =	sfence.sel $0xFFFF  }
0xc0: {  	[dreg:$0x0] =	wrdreg $0xFFFFFFFF;
	(pc) =	sbr.abs _section_cstart, $3  }
0xc1: {  	[dreg:$0x1] =	wrdreg $0xFFFFFFFF  }
0xc2: {  	_ =	task.clear_ibuf [dreg:s6], $0x2FFFF;
	_ =	strace $0x9FFFFFFF  }
0xc3: {  	(tm) =	ssettm $0x7FFFFFFF  }
tec
execute0_lowered:
.L_overlay_start_1:
0x0: {  	(tag) =	ssettag $0x1  }
0x1: {  	s0 =	rddreg [dreg:$0x0]  }
0x2: {  	s1 =	rddreg [dreg:$0x1]  }
0x3: {  	s2 =	rddreg [dreg:$0x2];
	s3 =	simm.s32 $0x0;
	s4 =	srdreg.scid  }
0x4: {  	s13 =	stileid.u32;
	s30 =	simm.s32 $0x1;
	s31 =	simm.s32 $0x2  }
0x5: {  	s28 =	simm.s32 $0x0;
	[smem:$0x7FF] =	sst s3;
	s5 =	sadd.s32 $0x44000, s0  }
0x6: {  	s4 =	sand.u32 $0x1, s4;
	s6 =	sadd.s32 $0x10000, s0;
	s7 =	sadd.s32 $0x6000, s0  }
0x7: {  	s8 =	sadd.s32 $0x43A00, s0;
	s10 =	smul.u32 $0x14000, s13;
	s11 =	sadd.s32 $0x41200, s0  }
0x8: {  	s16 =	sadd.s32 $0x4600, s0;
	s17 =	smul.u32 $0x500, s13;
	s12 =	sshll.u32 s13, $0x1  }
0x9: {  	s23 =	smul.u32 $0x50000, s13;
	_ =	strace $0x8000004A;
	[dreg:$0x4] =	wrdreg s11  }
0xa: {  	s26 =	sshll.u32 s13, $0x6;
	s9 =	smul.u32 $0x140000, s4;
	[dreg:$0x5] =	wrdreg s16  }
0xb: {  	s18 =	sshll.u32 s4, $0x7;
	s19 =	sor.u32 s4, s12;
	s20 =	ssub.s32 $0x2, s4  }
0xc: {  	s16 =	sor.u32 $0x1C06, s26;
	s4 =	smul.u32 $0x500, s4;
	s26 =	simm.s32 $0x5  }
0xd: {  	s11 =	smul.u32 $0x500, s19;
	s21 =	sshrl.u32 s20, $0x1;
	s25 =	sshrl.u32 s23, $0x2  }
0xe: {  	s23 =	simm.s32 $0x80;
	s9 =	sadd.s32 s10, s9;
	s10 =	sor.u32 s18, s17  }
0xf: {  	s9 =	sshrl.u32 s9, $0x3;
	s10 =	sshrl.u32 s10, $0x3;
	s22 =	sadd.s32 s6, s11  }
0x10: {  	s14 =	sadd.s32 s7, s11;
	s11 =	sor.u32 $0x10, s11;
	s9 =	sadd.s32 s9, s0  }
0x11: {  	s0 =	sadd.s32 s10, s0;
	s10 =	ssub.s32 s20, s21;
	[dreg:$0x6] =	wrdreg s22  }
0x12: {  	[dreg:$0x7] =	wrdreg s14;
	s21 =	smul.u32 $0xA00, s13;
	s24 =	sadd.s32 s6, s11  }
.Ltmp0:
0x13: {  	s11 =	sadd.s32 s7, s11;
	[dreg:$0x8] =	wrdreg s24;
	(pc) =	sbr.rel .LBB2_1-.Ltmp0, $4  }
0x14: {  	[dreg:$0x9] =	wrdreg s11;
	s11 =	sadd.s32 s25, s1;
	s18 =	sadd.s32 $0x9C600, s9  }
0x15: {  	s19 =	sadd.s32 $0x95600, s0;
	s20 =	smax.u32 s10, $0x1;
	s25 =	simm.s32 $0x6  }
0x16: {  	s0 =	simm.s32 $0x3;
	[dreg:$0xa] =	wrdreg s11;
	s29 =	sshrl.u32 s21, $0x2  }
0x17: {  	s21 =	sadd.s32 s4, s21;
	s4 =	simm.s32 $0x4;
	s17 =	sadd.s32 s29, s2  }
.LBB2_7:
0x18: {  	_ =	swait.ge [sflag:s0], $0x4000  }
0x19: {  	[sflag:s0] =	ssyncset.done $0x0  }
0x1a: {  	[sflag:s0] =	ssyncadd.s32 $0xFFFFC000  }
0x1b: {  	_ =	swait.ge [sflag:s4], $0x80  }
0x1c: {  	[sflag:s4] =	ssyncset.done $0x0  }
0x1d: {  	[sflag:s4] =	ssyncadd.s32 $0xFFFFFF80  }
0x1e: {  	[bflag:$0x0] =	sbarrier.arrive $0xFFFF  }
0x1f: {  	[hbm:s18], [sflag:s16] =	dma.local [spmem:s29], $0x2800  }
0x20: {  	s28 =	sadd.s32 $0x1, s28;
	_ =	swait.ge [sflag:s25], $0x2800  }
0x21: {  	s9 =	simm.s32 $0x20;
	p0 =	sne.s32 s28, s20;
	[sflag:s25] =	ssyncset.done $0x0  }
.Ltmp1:
0x22: {  	s10 =	simm.s32 $0x10;
	[sflag:s25] =	ssyncadd.s32 $0xFFFFD800;
	(pc) =	sbr.rel @!p0 .LBB2_8-.Ltmp1, $4  }
0x23: {  	[hbm:s19@s9], [sflag:s16] =	dma.strided [spmem:s22@s10], $0x50, s30, $0x10   }
0x24: {  	_ =	swait.ge [sflag:s25], $0x50  }
0x25: {  	[sflag:s25] =	ssyncset.done $0x0  }
0x26: {  	[sflag:s25] =	ssyncadd.s32 $0xFFFFFFB0  }
.LBB2_1:
0x27: {  	s9 =	rddreg [dreg:$0x6]  }
0x28: {  	s22 =	rddreg [dreg:$0x7]  }
0x29: {  	s24 =	rddreg [dreg:$0x8]  }
0x2a: {  	[tilespmem:s3], [sflag:$0x5] =	stream.linear.gather [hbm4b:s9+s3], $0x80, $0x38;
	[tilespmem:$0x1C780] =	vst v63  }
0x2b: {  	s10 =	simm.s32 $0x200;
	s12 =	rddreg [dreg:$0xa]  }
0x2c: {  	[tilespmem:s10], [sflag:$0x5] =	stream.linear.gather [hbm4b:s22+s3], $0x80, $0x38;
	[tilespmem:$0x1C780] =	vst v63  }
0x2d: {  	s13 =	rddreg [dreg:$0x4]  }
0x2e: {  	[tilespmem:s23], [sflag:$0x5] =	stream.linear.gather [hbm4b:s24+s3], $0x80, $0x38;
	[tilespmem:$0x1C780] =	vst v63  }
0x2f: {  	s11 =	simm.s32 $0x280;
	s29 =	sshrl.u32 s12, $0x3;
	s10 =	rddreg [dreg:$0x9]  }
0x30: {  	[tilespmem:s11], [sflag:$0x5] =	stream.linear.gather [hbm4b:s10+s3], $0x80, $0x38;
	[tilespmem:$0x1C780] =	vst v63  }
0x31: {  	[spmem:s29], [sflag:s16] =	dma.local [hbm:s13], $0x2800  }
0x32: {  	_ =	swait.ge [sflag:s25], $0x2800  }
0x33: {  	[sflag:s25] =	ssyncset.done $0x0  }
0x34: {  	s22 =	sshrl.u32 s17, $0x3;
	s14 =	rddreg [dreg:$0x5];
	[sflag:s25] =	ssyncadd.s32 $0xFFFFD800  }
0x35: {  	[spmem:s22], [sflag:s16] =	dma.local [hbm:s14], $0x50  }
0x36: {  	_ =	swait.ge [sflag:s25], $0x50  }
0x37: {  	[sflag:s25] =	ssyncset.done $0x0  }
0x38: {  	[sflag:s25] =	ssyncadd.s32 $0xFFFFFFB0  }
0x39: {  	[bflag:$0x0] =	sbarrier.arrive $0xFFFF  }
0x3a: {  	_ =	swait.ge [sflag:s26], $0x80  }
0x3b: {  	[sflag:s26] =	ssyncset.done $0x0  }
0x3c: {  	[sflag:s26] =	ssyncadd.s32 $0xFFFFFF80  }
0x3d: {  	_ =	swait.ge [sflag:s26], $0x80  }
0x3e: {  	[sflag:s26] =	ssyncset.done $0x0  }
.Ltmp2:
0x3f: {  	s15 =	simm.s32 $0x500;
	[sflag:s26] =	ssyncadd.s32 $0xFFFFFF80;
	(pc) =	sbr.rel .LBB2_2-.Ltmp2, $4  }
0x40: {  	[tilespmem:s15], [sflag:$0x1] =	stream.indirect.gather [hbm4b:s5+s23], $0x80, s3, s23, $0xb8;
	[tilespmem:$0x1C780] =	vst v63  }
0x41: {  	s24 =	simm.s32 $0x400  }
0x42: {  	[tilespmem:s24], [sflag:$0x2] =	stream.indirect.gather [hbm4b:s8+s23], $0x1, s3, s23, $0xb8;
	[tilespmem:$0x1C780] =	vst v63  }
0x43: {  	s9 =	simm.s32 $0x0;
	s24 =	simm.s32 $0x20  }
.LBB2_3:
0x44: {  	s13 =	sadd.s32 $0x156, s12  }
0x45: {  	s13 =	sshrl.u32 s13, $0x9  }
0x46: {  	s13 =	sand.u32 $0x7F, s13  }
0x47: {  	s13 =	smul.u32 $0x3, s13;
	_ =	sdelay $0x1  }
0x48: {  	s14 =	sadd.s32 s24, s21;
	s13 =	ssub.s32 s9, s13  }
0x49: {  	s15 =	sand.u32 $0x70, s24;
	s14 =	sand.u32 $0xFFFFF80, s14;
	s13 =	sadd.s32 $0x2, s13  }
0x4a: {  	s14 =	sor.u32 s15, s14;
	s13 =	sand.u32 $0xFF, s13  }
0x4b: {  	s15 =	sadd.s32 s6, s14;
	s13 =	sshll.u32 s13, $0x7  }
0x4c: {  	[tilespmem:s13], [sflag:$0x5] =	stream.linear.gather [hbm4b:s15+s3], $0x80, $0x38;
	[tilespmem:$0x1C780] =	vst v63  }
0x4d: {  	s14 =	sadd.s32 s7, s14;
	s13 =	sadd.s32 $0x200, s13  }
0x4e: {  	[tilespmem:s13], [sflag:$0x5] =	stream.linear.gather [hbm4b:s14+s3], $0x80, $0x38;
	[tilespmem:$0x1C780] =	vst v63  }
.LBB2_5:
0x4f: {  	s13 =	sadd.s32 $0xAB, s12  }
0x50: {  	s13 =	sshrl.u32 s13, $0x9  }
0x51: {  	_ =	swait.ge [sflag:s26], $0x80;
	s13 =	sand.u32 $0x7F, s13  }
0x52: {  	[sflag:s26] =	ssyncset.done $0x0;
	s13 =	smul.u32 $0x3, s13  }
0x53: {  	s14 =	sxor.u32 $0x1, s11;
	[sflag:s26] =	ssyncadd.s32 $0xFFFFFF80  }
0x54: {  	s15 =	sshll.u32 s14, $0xE;
	_ =	swait.ge [sflag:s26], $0x80;
	s13 =	ssub.s32 s10, s13  }
0x55: {  	s14 =	sshll.u32 s14, $0x7;
	[sflag:s26] =	ssyncset.done $0x0;
	s13 =	sand.u32 $0xFF, s13  }
0x56: {  	s15 =	sor.u32 $0x500, s15;
	[sflag:s26] =	ssyncadd.s32 $0xFFFFFF80;
	s13 =	sshll.u32 s13, $0x7  }
0x57: {  	[tilespmem:s15], [sflag:$0x1] =	stream.indirect.gather [hbm4b:s5+s23], $0x80, s13, s23, $0xb8;
	[tilespmem:$0x1C780] =	vst v63  }
0x58: {  	s14 =	sor.u32 $0x400, s14  }
0x59: {  	[tilespmem:s14], [sflag:$0x2] =	stream.indirect.gather [hbm4b:s8+s23], $0x1, s13, s23, $0xb8;
	[tilespmem:$0x1C780] =	vst v63  }
.LBB2_6:
0x5a: {  	s12 =	sshrl.u32 s12, $0x9  }
0x5b: {  	s12 =	sand.u32 $0x7F, s12  }
0x5c: {  	_ =	swait.ge [sflag:s30], $0x4000;
	s12 =	smul.u32 $0x3, s12  }
0x5d: {  	s14 =	sshll.u32 s11, $0xE;
	[sflag:s30] =	ssyncset.done $0x0  }
0x5e: {  	s15 =	sshll.u32 s11, $0x7;
	[sflag:s30] =	ssyncadd.s32 $0xFFFFC000;
	s9 =	ssub.s32 s9, s12  }
0x5f: {  	p0 =	sne.s32 s10, $0x50;
	_ =	swait.ge [sflag:s31], $0x80;
	s9 =	sand.u32 $0xFF, s9  }
0x60: {  	s12 =	sor.u32 $0x500, s14;
	[sflag:s31] =	ssyncset.done $0x0;
	s9 =	sshll.u32 s9, $0x7  }
.Ltmp3:
0x61: {  	[sflag:s31] =	ssyncadd.s32 $0xFFFFFF80;
	s9 =	sadd.s32 $0x200, s9;
	(pc) =	sbr.rel @!p0 .LBB2_7-.Ltmp3, $4  }
0x62: {  	[spmem:s1] =	stream.indirect.scatter.add.f32 [tilespmem:s12], [sflag:$0x3], $0x80, s9, s23, $0xb8;
	[tilespmem:$0x1C780] =	vst v63  }
0x63: {  	s11 =	sor.u32 $0x400, s15  }
0x64: {  	[spmem:s2] =	stream.indirect.scatter.add.f32 [tilespmem:s11], [sflag:$0x4], $0x1, s9, s23, $0xb8;
	[tilespmem:$0x1C780] =	vst v63  }
0x65: {  	s24 =	sadd.s32 $0x10, s24;
	s9 =	smov.u32 s10  }
.LBB2_2:
0x66: {  	p0 =	seq.s32 s9, $0x0  }
0x67: {  	s10 =	simm.s32 @!p0 $0x3;
	p1 =	sgt.u32 @!p0 s9, $0x4D  }
0x68: {  	_ =	swait.ge @!p0 [sflag:s10], $0x4000;
	p1 =	por p0, !p1  }
.Ltmp4:
0x69: {  	[sflag:s10] =	ssyncset.done @!p0 $0x0;
	(pc) =	sbr.rel @p1 .LBB2_3-.Ltmp4, $4  }
0x6a: {  	s13 =	simm.s32 @!p0 $0x4;
	[sflag:s10] =	ssyncadd.s32 @!p0 $0xFFFFC000  }
0x6b: {  	_ =	swait.ge @!p0 [sflag:s13], $0x80  }
0x6c: {  	s12 =	smul.u32 $0xAB, s9;
	[sflag:s13] =	ssyncset.done @!p0 $0x0  }
0x6d: {  	s11 =	sand.u32 $0x1, s9;
	s10 =	sadd.s32 $0x1, s9;
	[sflag:s13] =	ssyncadd.s32 @!p0 $0xFFFFFF80  }
0x6e: {  	p0 =	seq.s32 s9, $0x4F  }
.Ltmp5:
0x6f: {  	_ = 	snop;
	(pc) =	sbr.rel @p0 .LBB2_6-.Ltmp5, $4  }
.Ltmp6:
0x70: {  	_ = 	snop;
	(pc) =	sbr.rel @!p0 .LBB2_5-.Ltmp6, $4  }
0x71: {  	_ = 	snop  }
0x72: {  	_ = 	snop  }
0x73: {  	_ = 	snop  }
0x74: {  	_ = 	snop  }
.LBB2_8:
0x75: {  	_ =	sfence.sel $0x180000  }
0x76: {  	[bflag:$0x0] =	sbarrier.arrive $0xFFFF  }
0x77: {  	_ =	strace $0x9000004A  }
0x78: {  	s0 =	stileid.u32;
	[bflag:$0x2] =	sbarrier.arrive $0xFFFF  }
0x79: {  	p0 =	sne.s32 s0, $0x0;
	s0 =	rddreg [dreg:$0x3]  }
0x7a: {  	s0 =	sadd.s32 @!p0 $0x100000, s0  }
0x7b: {  	[sflag:s0] =	ssyncadd.tile.s32 @!p0 $0x1;
	_ =	shalt  }
.Lfunc_end2:
_tile_overlayer_lowered:
.L_overlay_start_2:
0x7c: {  	(tag) =	ssettag $0x2  }
0x7d: {  	s0 =	rddreg [dreg:$0x0];
	s2 =	stileid.u32  }
0x7e: {  	s1 =	rddreg [dreg:$0x1];
	p0 =	sne.s32 s2, $0x0  }
0x7f: {  	s3 =	rddreg [dreg:$0x2];
	[bflag:$0x3] =	sbarrier.arrive $0xFFFF;
	s2 =	simm.s32 @!p0 $0x1C06  }
0x80: {  	[timem:s3], [sflag:s2] =	dma.local @!p0 [hbm:s0], s1  }
0x81: {  	s0 =	simm.s32 @!p0 $0x6  }
0x82: {  	_ =	swait.ge @!p0 [sflag:s0], s1  }
0x83: {  	s1 =	ssub.s32 @!p0 $0x0, s1;
	[sflag:s0] =	ssyncset.done @!p0 $0x0  }
0x84: {  	[sflag:s0] =	ssyncadd.s32 @!p0 s1  }
0x85: {  	[bflag:$0x3] =	sbarrier.arrive $0xFFFF  }
0x86: {  	_ =	shalt  }

// kernel: kernel.34.cloned.1.call-start
scs
__scs_entry_jumppad:
0x0: {  	(pc) =	sbr.rel $0x88, $3  }
0x1: {  	(tag) =	ssettag $0x0;
	lr =	simm.s32 $0x1  }
0x2: {  	[smem:$0x3F97] =	sst lr;
	_ =	strace $0xD0000000  }
0x3: {  	_ = 	snop  }
0x4: {  	_ = 	snop  }
0x5: {  	_ = 	snop  }
0x6: {  	_ = 	snop  }
0x7: {  	_ = 	snop  }
__scs_overlays_trampoline_lowered:
0x8: {  	[smem:$0x3FA6] =	sst s0  }
0x9: {  	[smem:$0x3FA7] =	sst s1  }
0xa: {  	[smem:$0x3FA8] =	sst s2  }
0xb: {  	[smem:$0x3FA9] =	sst s3  }
0xc: {  	[smem:$0x3FAA] =	sst s4  }
0xd: {  	[smem:$0x3FAB] =	sst s5  }
0xe: {  	[smem:$0x3FAC] =	sst s6  }
0xf: {  	[smem:$0x3FAD] =	sst s7  }
0x10: {  	[smem:$0x3FAE] =	sst s8  }
0x11: {  	[smem:$0x3FAF] =	sst s9;
	s0 =	simm.s32 @!p0 $0x0  }
0x12: {  	s1 =	sld [smem:$0x3F95];
	s0 =	simm.s32 @p0 $0x1  }
0x13: {  	[smem:$0x3FB0] =	sst s0;
	s0 =	simm.s32 @!p1 $0x0  }
0x14: {  	s2 =	sld [smem:$0x3F94];
	s0 =	simm.s32 @p1 $0x1  }
0x15: {  	[smem:$0x3FB1] =	sst s0;
	s0 =	simm.s32 @!p2 $0x0  }
0x16: {  	s3 =	sld [smem:$0x3FDB];
	s0 =	simm.s32 @p2 $0x1  }
0x17: {  	s4 =	simm.s32 $0x1BF5;
	[smem:$0x3FB3] =	sst s0  }
0x18: {  	s0 =	sld [smem:$0x3F96];
	_ =	swait.ge [sflag:s4], $0x0  }
0x19: {  	s7 =	sld [smem:$0x3F97]  }
0x1a: {  	s8 =	sadd.s32 $0xFFFFE003, lr  }
0x1b: {  	s9 =	sadd.s32 $0xFFFFFEF7, lr;
	s5 =	simm.s32 $0xFFFFFFFF;
	p2 =	slt.u32 s8, $0xFFFFF086  }
0x1c: {  	p1 =	slt.u32 s9, $0xF7A;
	s5 =	simm.s32 @!p2 $0x0  }
0x1d: {  	s5 =	simm.s32 @p1 $0x1;
	p0 =	seq.s32 s7, s2  }
0x1e: {  	s7 =	smul.u32 @!p0 $0xF7A, s2;
	p2 =	seq.s32 @!p0 s5, $0x0  }
0x1f: {  	s9 =	smul.u32 $0xF7A, s1;
	s8 =	simm.s32 @!p0 $0x1BF5;
	p2 =	por !p2, p0  }
0x20: {  	[sflag:s8] =	ssyncset.s32 @!p0 $0xFFFFF086;
	s6 =	sadd.s32 @!p0 s3, s7;
	s7 =	simm.s32 @!p0 $0x108  }
0x21: {  	s3 =	sadd.s32 s3, s9;
	s6 =	sadd.s32 @!p0 $0x88, s6;
	s7 =	simm.s32 @p2 $0x1082  }
0x22: {  	[simem:s7], [sflag:s8] =	dma.local @!p0 [hbm:s6], $0xF7A  }
0x23: {  	s9 =	sor.u32 $0xD0000000, s2;
	s6 =	simm.s32 $0x108;
	_ =	swait.ge @!p0 [sflag:s8], $0x0  }
0x24: {  	s3 =	sadd.s32 $0x88, s3;
	s6 =	simm.s32 @!p1 $0x1082;
	[sflag:s4] =	ssyncset.s32 $0xFFFFF086  }
0x25: {  	[simem:s6], [sflag:s4] =	dma.local [hbm:s3], $0xF7A  }
0x26: {  	[smem:$0x3F97] =	sst s1;
	(tag) =	ssettag s2;
	_ =	strace s9  }
0x27: {  	s1 =	sld [smem:$0x3FA7]  }
0x28: {  	s2 =	sld [smem:$0x3FA8]  }
0x29: {  	s4 =	sld [smem:$0x3FAA]  }
0x2a: {  	p0 =	seq.s32 s5, $0x0;
	s5 =	sld [smem:$0x3FAB]  }
0x2b: {  	s6 =	sld [smem:$0x3FAC]  }
0x2c: {  	s7 =	sld [smem:$0x3FAD]  }
0x2d: {  	s3 =	simm.s32 $0x108;
	s8 =	sld [smem:$0x3FAE]  }
0x2e: {  	s3 =	simm.s32 @!p0 $0x1082;
	s9 =	sld [smem:$0x3FAF]  }
0x2f: {  	lr =	sadd.s32 s0, s3;
	s0 =	sld [smem:$0x3FA6]  }
0x30: {  	s3 =	sld [smem:$0x3FA9]  }
0x31: {  	[smem:$0x3FB2] =	sst s10  }
0x32: {  	s10 =	sld [smem:$0x3FB0];
	_ =	sdelay $0x3  }
0x33: {  	p0 =	seq.s32 s10, $0x1;
	s10 =	sld [smem:$0x3FB2];
	_ =	sdelay $0x3  }
0x34: {  	[smem:$0x3FB2] =	sst s10  }
0x35: {  	s10 =	sld [smem:$0x3FB1];
	_ =	sdelay $0x3  }
0x36: {  	p1 =	seq.s32 s10, $0x1;
	s10 =	sld [smem:$0x3FB2];
	_ =	sdelay $0x3  }
0x37: {  	[smem:$0x3FB2] =	sst s10  }
0x38: {  	s10 =	sld [smem:$0x3FB3]  }
0x39: {  	_ = 	snop;
	(pc) =	sbr.ind lr, $3  }
0x3a: {  	_ = 	snop  }
0x3b: {  	_ = 	snop  }
0x3c: {  	p2 =	seq.s32 s10, $0x1;
	s10 =	sld [smem:$0x3FB2]  }
0x3d: {  	_ =	shalt  }
0x3e: {  	_ =	shalt  }
0x3f: {  	_ =	shalt  }
0x40: {  	_ =	shalt  }
0x41: {  	_ =	shalt  }
0x42: {  	_ =	shalt  }
0x43: {  	_ =	shalt  }
0x44: {  	_ =	shalt  }
0x45: {  	_ =	shalt  }
0x46: {  	_ =	shalt  }
0x47: {  	_ =	shalt  }
0x48: {  	_ =	shalt  }
0x49: {  	_ =	shalt  }
0x4a: {  	_ =	shalt  }
0x4b: {  	_ =	shalt  }
0x4c: {  	_ =	shalt  }
0x4d: {  	_ =	shalt  }
0x4e: {  	_ =	shalt  }
0x4f: {  	_ =	shalt  }
0x50: {  	_ =	shalt  }
0x51: {  	_ =	shalt  }
0x52: {  	_ =	shalt  }
0x53: {  	_ =	shalt  }
0x54: {  	_ =	shalt  }
0x55: {  	_ =	shalt  }
0x56: {  	_ =	shalt  }
0x57: {  	_ =	shalt  }
0x58: {  	_ =	shalt  }
0x59: {  	_ =	shalt  }
0x5a: {  	_ =	shalt  }
0x5b: {  	_ =	shalt  }
0x5c: {  	_ =	shalt  }
0x5d: {  	_ =	shalt  }
0x5e: {  	_ =	shalt  }
0x5f: {  	_ =	shalt  }
0x60: {  	_ =	shalt  }
0x61: {  	_ =	shalt  }
0x62: {  	_ =	shalt  }
0x63: {  	_ =	shalt  }
0x64: {  	_ =	shalt  }
0x65: {  	_ =	shalt  }
0x66: {  	_ =	shalt  }
0x67: {  	_ =	shalt  }
0x68: {  	_ =	shalt  }
0x69: {  	_ =	shalt  }
0x6a: {  	_ =	shalt  }
0x6b: {  	_ =	shalt  }
0x6c: {  	_ =	shalt  }
0x6d: {  	_ =	shalt  }
0x6e: {  	_ =	shalt  }
0x6f: {  	_ =	shalt  }
0x70: {  	_ =	shalt  }
0x71: {  	_ =	shalt  }
0x72: {  	_ =	shalt  }
0x73: {  	_ =	shalt  }
0x74: {  	_ =	shalt  }
0x75: {  	_ =	shalt  }
0x76: {  	_ =	shalt  }
0x77: {  	_ =	shalt  }
0x78: {  	_ =	shalt  }
0x79: {  	_ =	shalt  }
0x7a: {  	_ =	shalt  }
0x7b: {  	_ =	shalt  }
0x7c: {  	_ =	shalt  }
0x7d: {  	_ =	shalt  }
0x7e: {  	_ =	shalt  }
0x7f: {  	_ =	shalt  }
0x80: {  	_ =	shalt  }
0x81: {  	_ =	shalt  }
0x82: {  	_ =	shalt  }
0x83: {  	_ =	shalt  }
0x84: {  	_ =	shalt  }
0x85: {  	_ =	shalt  }
0x86: {  	_ =	shalt  }
0x87: {  	_ =	shalt  }
.Lfunc_end0:
.L_simem_size_0:
called_computation.2_lowered:
.L_overlay_start_0:
0x88: {  	s2 =	sld [smem:$0x3FD9]  }
0x89: {  	s3 =	sld [smem:$0x3FFE];
	_ =	sdelay $0x1  }
0x8a: {  	s1 =	srdreg.scid  }
0x8b: {  	s0 =	sand.u32 $0x1, s1  }
0x8c: {  	s16 =	sshll.u32 s0, $0xA;
	s2 =	sadd.s32 s3, s2  }
0x8d: {  	s2 =	sadd.s32 s2, s16  }
0x8e: {  	[smem:$0x3FBE] =	sst s2  }
0x8f: {  	_ = 	snop  }
0x90: {  	(tm) =	ssettm $0x1  }
0x91: {  	s17 =	sld [smem:$0x3FFB];
	_ =	sdelay $0x3  }
0x92: {  	_ =	strace s17  }
0x93: {  	s2 =	sld [smem:$0x3FFC];
	_ =	sdelay $0x3  }
0x94: {  	_ =	strace s2  }
0x95: {  	s2 =	sld [smem:$0x3FFD];
	_ =	sdelay $0x3  }
0x96: {  	_ =	strace s2  }
0x97: {  	_ =	strace $0x8FFFFFFF  }
0x98: {  	s18 =	sld [smem:$0x3FDB];
	_ =	sdelay $0x1  }
0x99: {  	s19 =	simm.s32 $_scs_section_size  }
0x9a: {  	s4 =	simm.s32 $_size__tile_overlayer_lowered;
	s5 =	simm.s32 $_tile_overlayer_lowered  }
0x9b: {  	s22 =	simm.s32 $0x1BFF;
	s21 =	sshll.u32 s5, $0x1;
	s2 =	sadd.s32 s19, s18  }
0x9c: {  	s6 =	simm.s32 $0x0;
	s20 =	sshll.u32 s4, $0x1;
	s4 =	sadd.s32 s21, s2  }
0x9d: {  	[timem:s6], [sflag:s22] =	dma.local [hbm:s4], s20  }
0x9e: {  	_ =	swait.ge [sflag:s22], s20  }
0x9f: {  	s3 =	ssub.s32 $0x0, s20;
	[sflag:s22] =	ssyncset.done $0x0  }
0xa0: {  	[sflag:s22] =	ssyncadd.s32 s3;
	_ =	sdelay $0x1  }
0xa1: {  	s23 =	simm.s32 $0x1B8B  }
0xa2: {  	_ =	swait.ge [sflag:s23], $0x1  }
0xa3: {  	[sflag:s23] =	ssyncset.done $0x0  }
0xa4: {  	s25 =	simm.s32 $0x1B8E;
	s24 =	sld [smem:$0x3FFE];
	[sflag:s23] =	ssyncadd.s32 $0xFFFFFFFF  }
0xa5: {  	s26 =	simm.s32 $execute0_lowered;
	[smem:$0x3FD2] =	sst s25  }
0xa6: {  	s4 =	sshll.u32 s26, $0x1;
	_ =	strace $0x8000004C;
	[dreg:$0x1] =	wrdreg $0xFFFFFFFF  }
0xa7: {  	s28 =	simm.s32 $_size_execute0_lowered;
	s2 =	sadd.s32 s2, s4;
	[dreg:$0x0] =	wrdreg $0x0  }
0xa8: {  	s4 =	sshll.u32 s28, $0x1;
	[dreg:$0x2] =	wrdreg s2  }
0xa9: {  	[dreg:$0x3] =	wrdreg s4  }
0xaa: {  	[dreg:$0x4] =	wrdreg $0xC0  }
0xab: {  	_ =	task [dreg:s6], $0x5FFFF  }
0xac: {  	[dreg:$0x1] =	wrdreg $0xFFFFFFFF  }
0xad: {  	[dreg:$0x0] =	wrdreg $0x60  }
0xae: {  	[dreg:$0x2] =	wrdreg s24  }
0xaf: {  	[dreg:$0x3] =	wrdreg $0x85000  }
0xb0: {  	[dreg:$0x4] =	wrdreg $0x1C5000  }
0xb1: {  	[dreg:$0x5] =	wrdreg $0x9  }
0xb2: {  	_ =	task.clear_ibuf [dreg:s6], $0x6FFFF;
	_ =	strace $0x9000004C  }
0xb3: {  	s29 =	simm.s32 $0x9;
	_ =	strace $0x8000004E  }
0xb4: {  	_ =	swait.ge [sflag:s29], $0x1  }
0xb5: {  	[sflag:s29] =	ssyncadd.s32 $0xFFFFFFFF  }
0xb6: {  	_ =	strace $0x9000004E  }
0xb7: {  	_ =	sfence  }
0xb8: {  	s30 =	sld [smem:$0x0];
	_ =	sdelay $0x2  }
0xb9: {  	s31 =	sshll.u32 s1, $0xD;
	s1 =	sshrl.u32 s1, $0x2  }
0xba: {  	s3 =	sand.u32 $0x4000, s31;
	s1 =	sadd.s32 s1, s30  }
0xbb: {  	s0 =	sor.u32 s3, s0;
	s1 =	sshll.u32 s1, $0x11  }
0xbc: {  	s0 =	sor.u32 s1, s0  }
0xbd: {  	s0 =	sadd.s32 $0x8F2B, s0  }
0xbe: {  	[sflag:s0] =	ssyncadd.remote.s32 $0x1  }
0xbf: {  	_ =	sfence.sel $0xFFFF  }
0xc0: {  	[dreg:$0x0] =	wrdreg $0xFFFFFFFF;
	(pc) =	sbr.abs _section_cstart, $3  }
0xc1: {  	[dreg:$0x1] =	wrdreg $0xFFFFFFFF  }
0xc2: {  	_ =	task.clear_ibuf [dreg:s6], $0x2FFFF;
	_ =	strace $0x9FFFFFFF  }
0xc3: {  	(tm) =	ssettm $0x7FFFFFFF  }
tec
execute0_lowered:
.L_overlay_start_1:
0x0: {  	(tag) =	ssettag $0x1  }
0x1: {  	s0 =	rddreg [dreg:$0x0]  }
0x2: {  	s1 =	rddreg [dreg:$0x1]  }
0x3: {  	s2 =	rddreg [dreg:$0x2];
	s3 =	simm.s32 $0x0;
	s4 =	srdreg.scid  }
0x4: {  	s13 =	stileid.u32;
	s30 =	simm.s32 $0x1;
	s31 =	simm.s32 $0x2  }
0x5: {  	s28 =	simm.s32 $0x0;
	[smem:$0x7FF] =	sst s3;
	s5 =	sadd.s32 $0x43A00, s0  }
0x6: {  	s4 =	sand.u32 $0x1, s4;
	s6 =	sadd.s32 $0x10000, s0;
	s7 =	sadd.s32 $0x6000, s0  }
0x7: {  	s8 =	sadd.s32 $0x95C00, s0;
	s10 =	smul.u32 $0x14000, s13;
	s11 =	sadd.s32 $0x41200, s0  }
0x8: {  	s16 =	sadd.s32 $0x4600, s0;
	s17 =	smul.u32 $0x500, s13;
	s12 =	sshll.u32 s13, $0x1  }
0x9: {  	s23 =	smul.u32 $0x50000, s13;
	_ =	strace $0x8000004D;
	[dreg:$0x4] =	wrdreg s11  }
0xa: {  	s26 =	sshll.u32 s13, $0x6;
	s9 =	smul.u32 $0x140000, s4;
	[dreg:$0x5] =	wrdreg s16  }
0xb: {  	s18 =	sshll.u32 s4, $0x7;
	s19 =	sor.u32 s4, s12;
	s20 =	ssub.s32 $0x2, s4  }
0xc: {  	s16 =	sor.u32 $0x1C06, s26;
	s4 =	smul.u32 $0x500, s4;
	s26 =	simm.s32 $0x5  }
0xd: {  	s11 =	smul.u32 $0x500, s19;
	s21 =	sshrl.u32 s20, $0x1;
	s25 =	sshrl.u32 s23, $0x2  }
0xe: {  	s23 =	simm.s32 $0x80;
	s9 =	sadd.s32 s10, s9;
	s10 =	sor.u32 s18, s17  }
0xf: {  	s9 =	sshrl.u32 s9, $0x3;
	s10 =	sshrl.u32 s10, $0x3;
	s22 =	sadd.s32 s6, s11  }
0x10: {  	s14 =	sadd.s32 s7, s11;
	s11 =	sor.u32 $0x10, s11;
	s9 =	sadd.s32 s9, s0  }
0x11: {  	s0 =	sadd.s32 s10, s0;
	s10 =	ssub.s32 s20, s21;
	[dreg:$0x6] =	wrdreg s22  }
0x12: {  	[dreg:$0x7] =	wrdreg s14;
	s21 =	smul.u32 $0xA00, s13;
	s24 =	sadd.s32 s6, s11  }
.Ltmp0:
0x13: {  	s11 =	sadd.s32 s7, s11;
	[dreg:$0x8] =	wrdreg s24;
	(pc) =	sbr.rel .LBB2_1-.Ltmp0, $4  }
0x14: {  	[dreg:$0x9] =	wrdreg s11;
	s11 =	sadd.s32 s25, s1;
	s18 =	sadd.s32 $0x9C600, s9  }
0x15: {  	s19 =	sadd.s32 $0x96200, s0;
	s20 =	smax.u32 s10, $0x1;
	s25 =	simm.s32 $0x6  }
0x16: {  	s0 =	simm.s32 $0x3;
	[dreg:$0xa] =	wrdreg s11;
	s29 =	sshrl.u32 s21, $0x2  }
0x17: {  	s21 =	sadd.s32 s4, s21;
	s4 =	simm.s32 $0x4;
	s17 =	sadd.s32 s29, s2  }
.LBB2_7:
0x18: {  	_ =	swait.ge [sflag:s0], $0x4000  }
0x19: {  	[sflag:s0] =	ssyncset.done $0x0  }
0x1a: {  	[sflag:s0] =	ssyncadd.s32 $0xFFFFC000  }
0x1b: {  	_ =	swait.ge [sflag:s4], $0x80  }
0x1c: {  	[sflag:s4] =	ssyncset.done $0x0  }
0x1d: {  	[sflag:s4] =	ssyncadd.s32 $0xFFFFFF80  }
0x1e: {  	[bflag:$0x0] =	sbarrier.arrive $0xFFFF  }
0x1f: {  	[hbm:s18], [sflag:s16] =	dma.local [spmem:s29], $0x2800  }
0x20: {  	s28 =	sadd.s32 $0x1, s28;
	_ =	swait.ge [sflag:s25], $0x2800  }
0x21: {  	s9 =	simm.s32 $0x20;
	p0 =	sne.s32 s28, s20;
	[sflag:s25] =	ssyncset.done $0x0  }
.Ltmp1:
0x22: {  	s10 =	simm.s32 $0x10;
	[sflag:s25] =	ssyncadd.s32 $0xFFFFD800;
	(pc) =	sbr.rel @!p0 .LBB2_8-.Ltmp1, $4  }
0x23: {  	[hbm:s19@s9], [sflag:s16] =	dma.strided [spmem:s22@s10], $0x50, s30, $0x10   }
0x24: {  	_ =	swait.ge [sflag:s25], $0x50  }
0x25: {  	[sflag:s25] =	ssyncset.done $0x0  }
0x26: {  	[sflag:s25] =	ssyncadd.s32 $0xFFFFFFB0  }
.LBB2_1:
0x27: {  	s9 =	rddreg [dreg:$0x6]  }
0x28: {  	s22 =	rddreg [dreg:$0x7]  }
0x29: {  	s24 =	rddreg [dreg:$0x8]  }
0x2a: {  	[tilespmem:s3], [sflag:$0x5] =	stream.linear.gather [hbm4b:s9+s3], $0x80, $0x38;
	[tilespmem:$0x1C780] =	vst v63  }
0x2b: {  	s10 =	simm.s32 $0x200;
	s12 =	rddreg [dreg:$0xa]  }
0x2c: {  	[tilespmem:s10], [sflag:$0x5] =	stream.linear.gather [hbm4b:s22+s3], $0x80, $0x38;
	[tilespmem:$0x1C780] =	vst v63  }
0x2d: {  	s13 =	rddreg [dreg:$0x4]  }
0x2e: {  	[tilespmem:s23], [sflag:$0x5] =	stream.linear.gather [hbm4b:s24+s3], $0x80, $0x38;
	[tilespmem:$0x1C780] =	vst v63  }
0x2f: {  	s11 =	simm.s32 $0x280;
	s29 =	sshrl.u32 s12, $0x3;
	s10 =	rddreg [dreg:$0x9]  }
0x30: {  	[tilespmem:s11], [sflag:$0x5] =	stream.linear.gather [hbm4b:s10+s3], $0x80, $0x38;
	[tilespmem:$0x1C780] =	vst v63  }
0x31: {  	[spmem:s29], [sflag:s16] =	dma.local [hbm:s13], $0x2800  }
0x32: {  	_ =	swait.ge [sflag:s25], $0x2800  }
0x33: {  	[sflag:s25] =	ssyncset.done $0x0  }
0x34: {  	s22 =	sshrl.u32 s17, $0x3;
	s14 =	rddreg [dreg:$0x5];
	[sflag:s25] =	ssyncadd.s32 $0xFFFFD800  }
0x35: {  	[spmem:s22], [sflag:s16] =	dma.local [hbm:s14], $0x50  }
0x36: {  	_ =	swait.ge [sflag:s25], $0x50  }
0x37: {  	[sflag:s25] =	ssyncset.done $0x0  }
0x38: {  	[sflag:s25] =	ssyncadd.s32 $0xFFFFFFB0  }
0x39: {  	[bflag:$0x0] =	sbarrier.arrive $0xFFFF  }
0x3a: {  	_ =	swait.ge [sflag:s26], $0x80  }
0x3b: {  	[sflag:s26] =	ssyncset.done $0x0  }
0x3c: {  	[sflag:s26] =	ssyncadd.s32 $0xFFFFFF80  }
0x3d: {  	_ =	swait.ge [sflag:s26], $0x80  }
0x3e: {  	[sflag:s26] =	ssyncset.done $0x0  }
.Ltmp2:
0x3f: {  	s15 =	simm.s32 $0x500;
	[sflag:s26] =	ssyncadd.s32 $0xFFFFFF80;
	(pc) =	sbr.rel .LBB2_2-.Ltmp2, $4  }
0x40: {  	[tilespmem:s15], [sflag:$0x1] =	stream.indirect.gather [hbm4b:s5+s23], $0x80, s3, s23, $0xb8;
	[tilespmem:$0x1C780] =	vst v63  }
0x41: {  	s24 =	simm.s32 $0x400  }
0x42: {  	[tilespmem:s24], [sflag:$0x2] =	stream.indirect.gather [hbm4b:s8+s23], $0x1, s3, s23, $0xb8;
	[tilespmem:$0x1C780] =	vst v63  }
0x43: {  	s9 =	simm.s32 $0x0;
	s24 =	simm.s32 $0x20  }
.LBB2_3:
0x44: {  	s13 =	sadd.s32 $0x156, s12  }
0x45: {  	s13 =	sshrl.u32 s13, $0x9  }
0x46: {  	s13 =	sand.u32 $0x7F, s13  }
0x47: {  	s13 =	smul.u32 $0x3, s13;
	_ =	sdelay $0x1  }
0x48: {  	s14 =	sadd.s32 s24, s21;
	s13 =	ssub.s32 s9, s13  }
0x49: {  	s15 =	sand.u32 $0x70, s24;
	s14 =	sand.u32 $0xFFFFF80, s14;
	s13 =	sadd.s32 $0x2, s13  }
0x4a: {  	s14 =	sor.u32 s15, s14;
	s13 =	sand.u32 $0xFF, s13  }
0x4b: {  	s15 =	sadd.s32 s6, s14;
	s13 =	sshll.u32 s13, $0x7  }
0x4c: {  	[tilespmem:s13], [sflag:$0x5] =	stream.linear.gather [hbm4b:s15+s3], $0x80, $0x38;
	[tilespmem:$0x1C780] =	vst v63  }
0x4d: {  	s14 =	sadd.s32 s7, s14;
	s13 =	sadd.s32 $0x200, s13  }
0x4e: {  	[tilespmem:s13], [sflag:$0x5] =	stream.linear.gather [hbm4b:s14+s3], $0x80, $0x38;
	[tilespmem:$0x1C780] =	vst v63  }
.LBB2_5:
0x4f: {  	s13 =	sadd.s32 $0xAB, s12  }
0x50: {  	s13 =	sshrl.u32 s13, $0x9  }
0x51: {  	_ =	swait.ge [sflag:s26], $0x80;
	s13 =	sand.u32 $0x7F, s13  }
0x52: {  	[sflag:s26] =	ssyncset.done $0x0;
	s13 =	smul.u32 $0x3, s13  }
0x53: {  	s14 =	sxor.u32 $0x1, s11;
	[sflag:s26] =	ssyncadd.s32 $0xFFFFFF80  }
0x54: {  	s15 =	sshll.u32 s14, $0xE;
	_ =	swait.ge [sflag:s26], $0x80;
	s13 =	ssub.s32 s10, s13  }
0x55: {  	s14 =	sshll.u32 s14, $0x7;
	[sflag:s26] =	ssyncset.done $0x0;
	s13 =	sand.u32 $0xFF, s13  }
0x56: {  	s15 =	sor.u32 $0x500, s15;
	[sflag:s26] =	ssyncadd.s32 $0xFFFFFF80;
	s13 =	sshll.u32 s13, $0x7  }
0x57: {  	[tilespmem:s15], [sflag:$0x1] =	stream.indirect.gather [hbm4b:s5+s23], $0x80, s13, s23, $0xb8;
	[tilespmem:$0x1C780] =	vst v63  }
0x58: {  	s14 =	sor.u32 $0x400, s14  }
0x59: {  	[tilespmem:s14], [sflag:$0x2] =	stream.indirect.gather [hbm4b:s8+s23], $0x1, s13, s23, $0xb8;
	[tilespmem:$0x1C780] =	vst v63  }
.LBB2_6:
0x5a: {  	s12 =	sshrl.u32 s12, $0x9  }
0x5b: {  	s12 =	sand.u32 $0x7F, s12  }
0x5c: {  	_ =	swait.ge [sflag:s30], $0x4000;
	s12 =	smul.u32 $0x3, s12  }
0x5d: {  	s14 =	sshll.u32 s11, $0xE;
	[sflag:s30] =	ssyncset.done $0x0  }
0x5e: {  	s15 =	sshll.u32 s11, $0x7;
	[sflag:s30] =	ssyncadd.s32 $0xFFFFC000;
	s9 =	ssub.s32 s9, s12  }
0x5f: {  	p0 =	sne.s32 s10, $0x50;
	_ =	swait.ge [sflag:s31], $0x80;
	s9 =	sand.u32 $0xFF, s9  }
0x60: {  	s12 =	sor.u32 $0x500, s14;
	[sflag:s31] =	ssyncset.done $0x0;
	s9 =	sshll.u32 s9, $0x7  }
.Ltmp3:
0x61: {  	[sflag:s31] =	ssyncadd.s32 $0xFFFFFF80;
	s9 =	sadd.s32 $0x200, s9;
	(pc) =	sbr.rel @!p0 .LBB2_7-.Ltmp3, $4  }
0x62: {  	[spmem:s1] =	stream.indirect.scatter.add.f32 [tilespmem:s12], [sflag:$0x3], $0x80, s9, s23, $0xb8;
	[tilespmem:$0x1C780] =	vst v63  }
0x63: {  	s11 =	sor.u32 $0x400, s15  }
0x64: {  	[spmem:s2] =	stream.indirect.scatter.add.f32 [tilespmem:s11], [sflag:$0x4], $0x1, s9, s23, $0xb8;
	[tilespmem:$0x1C780] =	vst v63  }
0x65: {  	s24 =	sadd.s32 $0x10, s24;
	s9 =	smov.u32 s10  }
.LBB2_2:
0x66: {  	p0 =	seq.s32 s9, $0x0  }
0x67: {  	s10 =	simm.s32 @!p0 $0x3;
	p1 =	sgt.u32 @!p0 s9, $0x4D  }
0x68: {  	_ =	swait.ge @!p0 [sflag:s10], $0x4000;
	p1 =	por p0, !p1  }
.Ltmp4:
0x69: {  	[sflag:s10] =	ssyncset.done @!p0 $0x0;
	(pc) =	sbr.rel @p1 .LBB2_3-.Ltmp4, $4  }
0x6a: {  	s13 =	simm.s32 @!p0 $0x4;
	[sflag:s10] =	ssyncadd.s32 @!p0 $0xFFFFC000  }
0x6b: {  	_ =	swait.ge @!p0 [sflag:s13], $0x80  }
0x6c: {  	s12 =	smul.u32 $0xAB, s9;
	[sflag:s13] =	ssyncset.done @!p0 $0x0  }
0x6d: {  	s11 =	sand.u32 $0x1, s9;
	s10 =	sadd.s32 $0x1, s9;
	[sflag:s13] =	ssyncadd.s32 @!p0 $0xFFFFFF80  }
0x6e: {  	p0 =	seq.s32 s9, $0x4F  }
.Ltmp5:
0x6f: {  	_ = 	snop;
	(pc) =	sbr.rel @p0 .LBB2_6-.Ltmp5, $4  }
.Ltmp6:
0x70: {  	_ = 	snop;
	(pc) =	sbr.rel @!p0 .LBB2_5-.Ltmp6, $4  }
0x71: {  	_ = 	snop  }
0x72: {  	_ = 	snop  }
0x73: {  	_ = 	snop  }
0x74: {  	_ = 	snop  }
.LBB2_8:
0x75: {  	_ =	sfence.sel $0x180000  }
0x76: {  	[bflag:$0x0] =	sbarrier.arrive $0xFFFF  }
0x77: {  	_ =	strace $0x9000004D  }
0x78: {  	s0 =	stileid.u32;
	[bflag:$0x2] =	sbarrier.arrive $0xFFFF  }
0x79: {  	p0 =	sne.s32 s0, $0x0;
	s0 =	rddreg [dreg:$0x3]  }
0x7a: {  	s0 =	sadd.s32 @!p0 $0x100000, s0  }
0x7b: {  	[sflag:s0] =	ssyncadd.tile.s32 @!p0 $0x1;
	_ =	shalt  }
.Lfunc_end2:
_tile_overlayer_lowered:
.L_overlay_start_2:
0x7c: {  	(tag) =	ssettag $0x2  }
0x7d: {  	s0 =	rddreg [dreg:$0x0];
	s2 =	stileid.u32  }
0x7e: {  	s1 =	rddreg [dreg:$0x1];
	p0 =	sne.s32 s2, $0x0  }
0x7f: {  	s3 =	rddreg [dreg:$0x2];
	[bflag:$0x3] =	sbarrier.arrive $0xFFFF;
	s2 =	simm.s32 @!p0 $0x1C06  }
0x80: {  	[timem:s3], [sflag:s2] =	dma.local @!p0 [hbm:s0], s1  }
0x81: {  	s0 =	simm.s32 @!p0 $0x6  }
0x82: {  	_ =	swait.ge @!p0 [sflag:s0], s1  }
0x83: {  	s1 =	ssub.s32 @!p0 $0x0, s1;
	[sflag:s0] =	ssyncset.done @!p0 $0x0  }
0x84: {  	[sflag:s0] =	ssyncadd.s32 @!p0 s1  }
0x85: {  	[bflag:$0x3] =	sbarrier.arrive $0xFFFF  }
0x86: {  	_ =	shalt  }

// kernel: kernel.37.cloned.1.call-start
scs
__scs_entry_jumppad:
0x0: {  	(pc) =	sbr.rel $0x88, $3  }
0x1: {  	(tag) =	ssettag $0x0;
	lr =	simm.s32 $0x1  }
0x2: {  	[smem:$0x3F97] =	sst lr;
	_ =	strace $0xD0000000  }
0x3: {  	_ = 	snop  }
0x4: {  	_ = 	snop  }
0x5: {  	_ = 	snop  }
0x6: {  	_ = 	snop  }
0x7: {  	_ = 	snop  }
__scs_overlays_trampoline_lowered:
0x8: {  	[smem:$0x3FA6] =	sst s0  }
0x9: {  	[smem:$0x3FA7] =	sst s1  }
0xa: {  	[smem:$0x3FA8] =	sst s2  }
0xb: {  	[smem:$0x3FA9] =	sst s3  }
0xc: {  	[smem:$0x3FAA] =	sst s4  }
0xd: {  	[smem:$0x3FAB] =	sst s5  }
0xe: {  	[smem:$0x3FAC] =	sst s6  }
0xf: {  	[smem:$0x3FAD] =	sst s7  }
0x10: {  	[smem:$0x3FAE] =	sst s8  }
0x11: {  	[smem:$0x3FAF] =	sst s9;
	s0 =	simm.s32 @!p0 $0x0  }
0x12: {  	s1 =	sld [smem:$0x3F95];
	s0 =	simm.s32 @p0 $0x1  }
0x13: {  	[smem:$0x3FB0] =	sst s0;
	s0 =	simm.s32 @!p1 $0x0  }
0x14: {  	s2 =	sld [smem:$0x3F94];
	s0 =	simm.s32 @p1 $0x1  }
0x15: {  	[smem:$0x3FB1] =	sst s0;
	s0 =	simm.s32 @!p2 $0x0  }
0x16: {  	s3 =	sld [smem:$0x3FDB];
	s0 =	simm.s32 @p2 $0x1  }
0x17: {  	s4 =	simm.s32 $0x1BF5;
	[smem:$0x3FB3] =	sst s0  }
0x18: {  	s0 =	sld [smem:$0x3F96];
	_ =	swait.ge [sflag:s4], $0x0  }
0x19: {  	s7 =	sld [smem:$0x3F97]  }
0x1a: {  	s8 =	sadd.s32 $0xFFFFE003, lr  }
0x1b: {  	s9 =	sadd.s32 $0xFFFFFEF7, lr;
	s5 =	simm.s32 $0xFFFFFFFF;
	p2 =	slt.u32 s8, $0xFFFFF086  }
0x1c: {  	p1 =	slt.u32 s9, $0xF7A;
	s5 =	simm.s32 @!p2 $0x0  }
0x1d: {  	s5 =	simm.s32 @p1 $0x1;
	p0 =	seq.s32 s7, s2  }
0x1e: {  	s7 =	smul.u32 @!p0 $0xF7A, s2;
	p2 =	seq.s32 @!p0 s5, $0x0  }
0x1f: {  	s9 =	smul.u32 $0xF7A, s1;
	s8 =	simm.s32 @!p0 $0x1BF5;
	p2 =	por !p2, p0  }
0x20: {  	[sflag:s8] =	ssyncset.s32 @!p0 $0xFFFFF086;
	s6 =	sadd.s32 @!p0 s3, s7;
	s7 =	simm.s32 @!p0 $0x108  }
0x21: {  	s3 =	sadd.s32 s3, s9;
	s6 =	sadd.s32 @!p0 $0x88, s6;
	s7 =	simm.s32 @p2 $0x1082  }
0x22: {  	[simem:s7], [sflag:s8] =	dma.local @!p0 [hbm:s6], $0xF7A  }
0x23: {  	s9 =	sor.u32 $0xD0000000, s2;
	s6 =	simm.s32 $0x108;
	_ =	swait.ge @!p0 [sflag:s8], $0x0  }
0x24: {  	s3 =	sadd.s32 $0x88, s3;
	s6 =	simm.s32 @!p1 $0x1082;
	[sflag:s4] =	ssyncset.s32 $0xFFFFF086  }
0x25: {  	[simem:s6], [sflag:s4] =	dma.local [hbm:s3], $0xF7A  }
0x26: {  	[smem:$0x3F97] =	sst s1;
	(tag) =	ssettag s2;
	_ =	strace s9  }
0x27: {  	s1 =	sld [smem:$0x3FA7]  }
0x28: {  	s2 =	sld [smem:$0x3FA8]  }
0x29: {  	s4 =	sld [smem:$0x3FAA]  }
0x2a: {  	p0 =	seq.s32 s5, $0x0;
	s5 =	sld [smem:$0x3FAB]  }
0x2b: {  	s6 =	sld [smem:$0x3FAC]  }
0x2c: {  	s7 =	sld [smem:$0x3FAD]  }
0x2d: {  	s3 =	simm.s32 $0x108;
	s8 =	sld [smem:$0x3FAE]  }
0x2e: {  	s3 =	simm.s32 @!p0 $0x1082;
	s9 =	sld [smem:$0x3FAF]  }
0x2f: {  	lr =	sadd.s32 s0, s3;
	s0 =	sld [smem:$0x3FA6]  }
0x30: {  	s3 =	sld [smem:$0x3FA9]  }
0x31: {  	[smem:$0x3FB2] =	sst s10  }
0x32: {  	s10 =	sld [smem:$0x3FB0];
	_ =	sdelay $0x3  }
0x33: {  	p0 =	seq.s32 s10, $0x1;
	s10 =	sld [smem:$0x3FB2];
	_ =	sdelay $0x3  }
0x34: {  	[smem:$0x3FB2] =	sst s10  }
0x35: {  	s10 =	sld [smem:$0x3FB1];
	_ =	sdelay $0x3  }
0x36: {  	p1 =	seq.s32 s10, $0x1;
	s10 =	sld [smem:$0x3FB2];
	_ =	sdelay $0x3  }
0x37: {  	[smem:$0x3FB2] =	sst s10  }
0x38: {  	s10 =	sld [smem:$0x3FB3]  }
0x39: {  	_ = 	snop;
	(pc) =	sbr.ind lr, $3  }
0x3a: {  	_ = 	snop  }
0x3b: {  	_ = 	snop  }
0x3c: {  	p2 =	seq.s32 s10, $0x1;
	s10 =	sld [smem:$0x3FB2]  }
0x3d: {  	_ =	shalt  }
0x3e: {  	_ =	shalt  }
0x3f: {  	_ =	shalt  }
0x40: {  	_ =	shalt  }
0x41: {  	_ =	shalt  }
0x42: {  	_ =	shalt  }
0x43: {  	_ =	shalt  }
0x44: {  	_ =	shalt  }
0x45: {  	_ =	shalt  }
0x46: {  	_ =	shalt  }
0x47: {  	_ =	shalt  }
0x48: {  	_ =	shalt  }
0x49: {  	_ =	shalt  }
0x4a: {  	_ =	shalt  }
0x4b: {  	_ =	shalt  }
0x4c: {  	_ =	shalt  }
0x4d: {  	_ =	shalt  }
0x4e: {  	_ =	shalt  }
0x4f: {  	_ =	shalt  }
0x50: {  	_ =	shalt  }
0x51: {  	_ =	shalt  }
0x52: {  	_ =	shalt  }
0x53: {  	_ =	shalt  }
0x54: {  	_ =	shalt  }
0x55: {  	_ =	shalt  }
0x56: {  	_ =	shalt  }
0x57: {  	_ =	shalt  }
0x58: {  	_ =	shalt  }
0x59: {  	_ =	shalt  }
0x5a: {  	_ =	shalt  }
0x5b: {  	_ =	shalt  }
0x5c: {  	_ =	shalt  }
0x5d: {  	_ =	shalt  }
0x5e: {  	_ =	shalt  }
0x5f: {  	_ =	shalt  }
0x60: {  	_ =	shalt  }
0x61: {  	_ =	shalt  }
0x62: {  	_ =	shalt  }
0x63: {  	_ =	shalt  }
0x64: {  	_ =	shalt  }
0x65: {  	_ =	shalt  }
0x66: {  	_ =	shalt  }
0x67: {  	_ =	shalt  }
0x68: {  	_ =	shalt  }
0x69: {  	_ =	shalt  }
0x6a: {  	_ =	shalt  }
0x6b: {  	_ =	shalt  }
0x6c: {  	_ =	shalt  }
0x6d: {  	_ =	shalt  }
0x6e: {  	_ =	shalt  }
0x6f: {  	_ =	shalt  }
0x70: {  	_ =	shalt  }
0x71: {  	_ =	shalt  }
0x72: {  	_ =	shalt  }
0x73: {  	_ =	shalt  }
0x74: {  	_ =	shalt  }
0x75: {  	_ =	shalt  }
0x76: {  	_ =	shalt  }
0x77: {  	_ =	shalt  }
0x78: {  	_ =	shalt  }
0x79: {  	_ =	shalt  }
0x7a: {  	_ =	shalt  }
0x7b: {  	_ =	shalt  }
0x7c: {  	_ =	shalt  }
0x7d: {  	_ =	shalt  }
0x7e: {  	_ =	shalt  }
0x7f: {  	_ =	shalt  }
0x80: {  	_ =	shalt  }
0x81: {  	_ =	shalt  }
0x82: {  	_ =	shalt  }
0x83: {  	_ =	shalt  }
0x84: {  	_ =	shalt  }
0x85: {  	_ =	shalt  }
0x86: {  	_ =	shalt  }
0x87: {  	_ =	shalt  }
.Lfunc_end0:
.L_simem_size_0:
called_computation.3_lowered:
.L_overlay_start_0:
0x88: {  	s2 =	sld [smem:$0x3FD9]  }
0x89: {  	s3 =	sld [smem:$0x3FFE];
	_ =	sdelay $0x1  }
0x8a: {  	s1 =	srdreg.scid  }
0x8b: {  	s0 =	sand.u32 $0x1, s1  }
0x8c: {  	s16 =	sshll.u32 s0, $0xA;
	s2 =	sadd.s32 s3, s2  }
0x8d: {  	s2 =	sadd.s32 s2, s16  }
0x8e: {  	[smem:$0x3FBE] =	sst s2  }
0x8f: {  	_ = 	snop  }
0x90: {  	(tm) =	ssettm $0x1  }
0x91: {  	s17 =	sld [smem:$0x3FFB];
	_ =	sdelay $0x3  }
0x92: {  	_ =	strace s17  }
0x93: {  	s2 =	sld [smem:$0x3FFC];
	_ =	sdelay $0x3  }
0x94: {  	_ =	strace s2  }
0x95: {  	s2 =	sld [smem:$0x3FFD];
	_ =	sdelay $0x3  }
0x96: {  	_ =	strace s2  }
0x97: {  	_ =	strace $0x8FFFFFFF  }
0x98: {  	s18 =	sld [smem:$0x3FDB];
	_ =	sdelay $0x1  }
0x99: {  	s19 =	simm.s32 $_scs_section_size  }
0x9a: {  	s4 =	simm.s32 $_size__tile_overlayer_lowered;
	s5 =	simm.s32 $_tile_overlayer_lowered  }
0x9b: {  	s22 =	simm.s32 $0x1BFF;
	s21 =	sshll.u32 s5, $0x1;
	s2 =	sadd.s32 s19, s18  }
0x9c: {  	s6 =	simm.s32 $0x0;
	s20 =	sshll.u32 s4, $0x1;
	s4 =	sadd.s32 s21, s2  }
0x9d: {  	[timem:s6], [sflag:s22] =	dma.local [hbm:s4], s20  }
0x9e: {  	_ =	swait.ge [sflag:s22], s20  }
0x9f: {  	s3 =	ssub.s32 $0x0, s20;
	[sflag:s22] =	ssyncset.done $0x0  }
0xa0: {  	[sflag:s22] =	ssyncadd.s32 s3;
	_ =	sdelay $0x1  }
0xa1: {  	s23 =	simm.s32 $0x1B8B  }
0xa2: {  	_ =	swait.ge [sflag:s23], $0x1  }
0xa3: {  	[sflag:s23] =	ssyncset.done $0x0  }
0xa4: {  	s25 =	simm.s32 $0x1B8E;
	s24 =	sld [smem:$0x3FFE];
	[sflag:s23] =	ssyncadd.s32 $0xFFFFFFFF  }
0xa5: {  	s26 =	simm.s32 $execute0_lowered;
	[smem:$0x3FD2] =	sst s25  }
0xa6: {  	s4 =	sshll.u32 s26, $0x1;
	_ =	strace $0x8000004F;
	[dreg:$0x1] =	wrdreg $0xFFFFFFFF  }
0xa7: {  	s28 =	simm.s32 $_size_execute0_lowered;
	s2 =	sadd.s32 s2, s4;
	[dreg:$0x0] =	wrdreg $0x0  }
0xa8: {  	s4 =	sshll.u32 s28, $0x1;
	[dreg:$0x2] =	wrdreg s2  }
0xa9: {  	[dreg:$0x3] =	wrdreg s4  }
0xaa: {  	[dreg:$0x4] =	wrdreg $0xC0  }
0xab: {  	_ =	task [dreg:s6], $0x5FFFF  }
0xac: {  	[dreg:$0x1] =	wrdreg $0xFFFFFFFF  }
0xad: {  	[dreg:$0x0] =	wrdreg $0x60  }
0xae: {  	[dreg:$0x2] =	wrdreg s24  }
0xaf: {  	[dreg:$0x3] =	wrdreg $0x85000  }
0xb0: {  	[dreg:$0x4] =	wrdreg $0x1C5000  }
0xb1: {  	[dreg:$0x5] =	wrdreg $0x9  }
0xb2: {  	_ =	task.clear_ibuf [dreg:s6], $0x6FFFF;
	_ =	strace $0x9000004F  }
0xb3: {  	s29 =	simm.s32 $0x9;
	_ =	strace $0x80000051  }
0xb4: {  	_ =	swait.ge [sflag:s29], $0x1  }
0xb5: {  	[sflag:s29] =	ssyncadd.s32 $0xFFFFFFFF  }
0xb6: {  	_ =	strace $0x90000051  }
0xb7: {  	_ =	sfence  }
0xb8: {  	s30 =	sld [smem:$0x0];
	_ =	sdelay $0x2  }
0xb9: {  	s31 =	sshll.u32 s1, $0xD;
	s1 =	sshrl.u32 s1, $0x2  }
0xba: {  	s3 =	sand.u32 $0x4000, s31;
	s1 =	sadd.s32 s1, s30  }
0xbb: {  	s0 =	sor.u32 s3, s0;
	s1 =	sshll.u32 s1, $0x11  }
0xbc: {  	s0 =	sor.u32 s1, s0  }
0xbd: {  	s0 =	sadd.s32 $0x8F2B, s0  }
0xbe: {  	[sflag:s0] =	ssyncadd.remote.s32 $0x1  }
0xbf: {  	_ =	sfence.sel $0xFFFF  }
0xc0: {  	[dreg:$0x0] =	wrdreg $0xFFFFFFFF;
	(pc) =	sbr.abs _section_cstart, $3  }
0xc1: {  	[dreg:$0x1] =	wrdreg $0xFFFFFFFF  }
0xc2: {  	_ =	task.clear_ibuf [dreg:s6], $0x2FFFF;
	_ =	strace $0x9FFFFFFF  }
0xc3: {  	(tm) =	ssettm $0x7FFFFFFF  }
tec
execute0_lowered:
.L_overlay_start_1:
0x0: {  	(tag) =	ssettag $0x1  }
0x1: {  	s0 =	rddreg [dreg:$0x0]  }
0x2: {  	s1 =	rddreg [dreg:$0x1]  }
0x3: {  	s2 =	rddreg [dreg:$0x2];
	s3 =	simm.s32 $0x0;
	s4 =	srdreg.scid  }
0x4: {  	s13 =	stileid.u32;
	s30 =	simm.s32 $0x1;
	s31 =	simm.s32 $0x2  }
0x5: {  	s28 =	simm.s32 $0x0;
	[smem:$0x7FF] =	sst s3;
	s5 =	sadd.s32 $0x6AC00, s0  }
0x6: {  	s4 =	sand.u32 $0x1, s4;
	s6 =	sadd.s32 $0x10000, s0;
	s7 =	sadd.s32 $0x6000, s0  }
0x7: {  	s8 =	sadd.s32 $0x95C00, s0;
	s10 =	smul.u32 $0x14000, s13;
	s11 =	sadd.s32 $0x41200, s0  }
0x8: {  	s16 =	sadd.s32 $0x4600, s0;
	s17 =	smul.u32 $0x500, s13;
	s12 =	sshll.u32 s13, $0x1  }
0x9: {  	s23 =	smul.u32 $0x50000, s13;
	_ =	strace $0x80000050;
	[dreg:$0x4] =	wrdreg s11  }
0xa: {  	s26 =	sshll.u32 s13, $0x6;
	s9 =	smul.u32 $0x140000, s4;
	[dreg:$0x5] =	wrdreg s16  }
0xb: {  	s18 =	sshll.u32 s4, $0x7;
	s19 =	sor.u32 s4, s12;
	s20 =	ssub.s32 $0x2, s4  }
0xc: {  	s16 =	sor.u32 $0x1C06, s26;
	s4 =	smul.u32 $0x500, s4;
	s26 =	simm.s32 $0x5  }
0xd: {  	s11 =	smul.u32 $0x500, s19;
	s21 =	sshrl.u32 s20, $0x1;
	s25 =	sshrl.u32 s23, $0x2  }
0xe: {  	s23 =	simm.s32 $0x80;
	s9 =	sadd.s32 s10, s9;
	s10 =	sor.u32 s18, s17  }
0xf: {  	s9 =	sshrl.u32 s9, $0x3;
	s10 =	sshrl.u32 s10, $0x3;
	s22 =	sadd.s32 s6, s11  }
0x10: {  	s14 =	sadd.s32 s7, s11;
	s11 =	sor.u32 $0x10, s11;
	s9 =	sadd.s32 s9, s0  }
0x11: {  	s0 =	sadd.s32 s10, s0;
	s10 =	ssub.s32 s20, s21;
	[dreg:$0x6] =	wrdreg s22  }
0x12: {  	[dreg:$0x7] =	wrdreg s14;
	s21 =	smul.u32 $0xA00, s13;
	s24 =	sadd.s32 s6, s11  }
.Ltmp0:
0x13: {  	s11 =	sadd.s32 s7, s11;
	[dreg:$0x8] =	wrdreg s24;
	(pc) =	sbr.rel .LBB2_1-.Ltmp0, $4  }
0x14: {  	[dreg:$0x9] =	wrdreg s11;
	s11 =	sadd.s32 s25, s1;
	s18 =	sadd.s32 $0x9C600, s9  }
0x15: {  	s19 =	sadd.s32 $0x4A00, s0;
	s20 =	smax.u32 s10, $0x1;
	s25 =	simm.s32 $0x6  }
0x16: {  	s0 =	simm.s32 $0x3;
	[dreg:$0xa] =	wrdreg s11;
	s29 =	sshrl.u32 s21, $0x2  }
0x17: {  	s21 =	sadd.s32 s4, s21;
	s4 =	simm.s32 $0x4;
	s17 =	sadd.s32 s29, s2  }
.LBB2_7:
0x18: {  	_ =	swait.ge [sflag:s0], $0x4000  }
0x19: {  	[sflag:s0] =	ssyncset.done $0x0  }
0x1a: {  	[sflag:s0] =	ssyncadd.s32 $0xFFFFC000  }
0x1b: {  	_ =	swait.ge [sflag:s4], $0x80  }
0x1c: {  	[sflag:s4] =	ssyncset.done $0x0  }
0x1d: {  	[sflag:s4] =	ssyncadd.s32 $0xFFFFFF80  }
0x1e: {  	[bflag:$0x0] =	sbarrier.arrive $0xFFFF  }
0x1f: {  	[hbm:s18], [sflag:s16] =	dma.local [spmem:s29], $0x2800  }
0x20: {  	s28 =	sadd.s32 $0x1, s28;
	_ =	swait.ge [sflag:s25], $0x2800  }
0x21: {  	s9 =	simm.s32 $0x20;
	p0 =	sne.s32 s28, s20;
	[sflag:s25] =	ssyncset.done $0x0  }
.Ltmp1:
0x22: {  	s10 =	simm.s32 $0x10;
	[sflag:s25] =	ssyncadd.s32 $0xFFFFD800;
	(pc) =	sbr.rel @!p0 .LBB2_8-.Ltmp1, $4  }
0x23: {  	[hbm:s19@s9], [sflag:s16] =	dma.strided [spmem:s22@s10], $0x50, s30, $0x10   }
0x24: {  	_ =	swait.ge [sflag:s25], $0x50  }
0x25: {  	[sflag:s25] =	ssyncset.done $0x0  }
0x26: {  	[sflag:s25] =	ssyncadd.s32 $0xFFFFFFB0  }
.LBB2_1:
0x27: {  	s9 =	rddreg [dreg:$0x6]  }
0x28: {  	s22 =	rddreg [dreg:$0x7]  }
0x29: {  	s24 =	rddreg [dreg:$0x8]  }
0x2a: {  	[tilespmem:s3], [sflag:$0x5] =	stream.linear.gather [hbm4b:s9+s3], $0x80, $0x38;
	[tilespmem:$0x1C780] =	vst v63  }
0x2b: {  	s10 =	simm.s32 $0x200;
	s12 =	rddreg [dreg:$0xa]  }
0x2c: {  	[tilespmem:s10], [sflag:$0x5] =	stream.linear.gather [hbm4b:s22+s3], $0x80, $0x38;
	[tilespmem:$0x1C780] =	vst v63  }
0x2d: {  	s13 =	rddreg [dreg:$0x4]  }
0x2e: {  	[tilespmem:s23], [sflag:$0x5] =	stream.linear.gather [hbm4b:s24+s3], $0x80, $0x38;
	[tilespmem:$0x1C780] =	vst v63  }
0x2f: {  	s11 =	simm.s32 $0x280;
	s29 =	sshrl.u32 s12, $0x3;
	s10 =	rddreg [dreg:$0x9]  }
0x30: {  	[tilespmem:s11], [sflag:$0x5] =	stream.linear.gather [hbm4b:s10+s3], $0x80, $0x38;
	[tilespmem:$0x1C780] =	vst v63  }
0x31: {  	[spmem:s29], [sflag:s16] =	dma.local [hbm:s13], $0x2800  }
0x32: {  	_ =	swait.ge [sflag:s25], $0x2800  }
0x33: {  	[sflag:s25] =	ssyncset.done $0x0  }
0x34: {  	s22 =	sshrl.u32 s17, $0x3;
	s14 =	rddreg [dreg:$0x5];
	[sflag:s25] =	ssyncadd.s32 $0xFFFFD800  }
0x35: {  	[spmem:s22], [sflag:s16] =	dma.local [hbm:s14], $0x50  }
0x36: {  	_ =	swait.ge [sflag:s25], $0x50  }
0x37: {  	[sflag:s25] =	ssyncset.done $0x0  }
0x38: {  	[sflag:s25] =	ssyncadd.s32 $0xFFFFFFB0  }
0x39: {  	[bflag:$0x0] =	sbarrier.arrive $0xFFFF  }
0x3a: {  	_ =	swait.ge [sflag:s26], $0x80  }
0x3b: {  	[sflag:s26] =	ssyncset.done $0x0  }
0x3c: {  	[sflag:s26] =	ssyncadd.s32 $0xFFFFFF80  }
0x3d: {  	_ =	swait.ge [sflag:s26], $0x80  }
0x3e: {  	[sflag:s26] =	ssyncset.done $0x0  }
.Ltmp2:
0x3f: {  	s15 =	simm.s32 $0x500;
	[sflag:s26] =	ssyncadd.s32 $0xFFFFFF80;
	(pc) =	sbr.rel .LBB2_2-.Ltmp2, $4  }
0x40: {  	[tilespmem:s15], [sflag:$0x1] =	stream.indirect.gather [hbm4b:s5+s23], $0x80, s3, s23, $0xb8;
	[tilespmem:$0x1C780] =	vst v63  }
0x41: {  	s24 =	simm.s32 $0x400  }
0x42: {  	[tilespmem:s24], [sflag:$0x2] =	stream.indirect.gather [hbm4b:s8+s23], $0x1, s3, s23, $0xb8;
	[tilespmem:$0x1C780] =	vst v63  }
0x43: {  	s9 =	simm.s32 $0x0;
	s24 =	simm.s32 $0x20  }
.LBB2_3:
0x44: {  	s13 =	sadd.s32 $0x156, s12  }
0x45: {  	s13 =	sshrl.u32 s13, $0x9  }
0x46: {  	s13 =	sand.u32 $0x7F, s13  }
0x47: {  	s13 =	smul.u32 $0x3, s13;
	_ =	sdelay $0x1  }
0x48: {  	s14 =	sadd.s32 s24, s21;
	s13 =	ssub.s32 s9, s13  }
0x49: {  	s15 =	sand.u32 $0x70, s24;
	s14 =	sand.u32 $0xFFFFF80, s14;
	s13 =	sadd.s32 $0x2, s13  }
0x4a: {  	s14 =	sor.u32 s15, s14;
	s13 =	sand.u32 $0xFF, s13  }
0x4b: {  	s15 =	sadd.s32 s6, s14;
	s13 =	sshll.u32 s13, $0x7  }
0x4c: {  	[tilespmem:s13], [sflag:$0x5] =	stream.linear.gather [hbm4b:s15+s3], $0x80, $0x38;
	[tilespmem:$0x1C780] =	vst v63  }
0x4d: {  	s14 =	sadd.s32 s7, s14;
	s13 =	sadd.s32 $0x200, s13  }
0x4e: {  	[tilespmem:s13], [sflag:$0x5] =	stream.linear.gather [hbm4b:s14+s3], $0x80, $0x38;
	[tilespmem:$0x1C780] =	vst v63  }
.LBB2_5:
0x4f: {  	s13 =	sadd.s32 $0xAB, s12  }
0x50: {  	s13 =	sshrl.u32 s13, $0x9  }
0x51: {  	_ =	swait.ge [sflag:s26], $0x80;
	s13 =	sand.u32 $0x7F, s13  }
0x52: {  	[sflag:s26] =	ssyncset.done $0x0;
	s13 =	smul.u32 $0x3, s13  }
0x53: {  	s14 =	sxor.u32 $0x1, s11;
	[sflag:s26] =	ssyncadd.s32 $0xFFFFFF80  }
0x54: {  	s15 =	sshll.u32 s14, $0xE;
	_ =	swait.ge [sflag:s26], $0x80;
	s13 =	ssub.s32 s10, s13  }
0x55: {  	s14 =	sshll.u32 s14, $0x7;
	[sflag:s26] =	ssyncset.done $0x0;
	s13 =	sand.u32 $0xFF, s13  }
0x56: {  	s15 =	sor.u32 $0x500, s15;
	[sflag:s26] =	ssyncadd.s32 $0xFFFFFF80;
	s13 =	sshll.u32 s13, $0x7  }
0x57: {  	[tilespmem:s15], [sflag:$0x1] =	stream.indirect.gather [hbm4b:s5+s23], $0x80, s13, s23, $0xb8;
	[tilespmem:$0x1C780] =	vst v63  }
0x58: {  	s14 =	sor.u32 $0x400, s14  }
0x59: {  	[tilespmem:s14], [sflag:$0x2] =	stream.indirect.gather [hbm4b:s8+s23], $0x1, s13, s23, $0xb8;
	[tilespmem:$0x1C780] =	vst v63  }
.LBB2_6:
0x5a: {  	s12 =	sshrl.u32 s12, $0x9  }
0x5b: {  	s12 =	sand.u32 $0x7F, s12  }
0x5c: {  	_ =	swait.ge [sflag:s30], $0x4000;
	s12 =	smul.u32 $0x3, s12  }
0x5d: {  	s14 =	sshll.u32 s11, $0xE;
	[sflag:s30] =	ssyncset.done $0x0  }
0x5e: {  	s15 =	sshll.u32 s11, $0x7;
	[sflag:s30] =	ssyncadd.s32 $0xFFFFC000;
	s9 =	ssub.s32 s9, s12  }
0x5f: {  	p0 =	sne.s32 s10, $0x50;
	_ =	swait.ge [sflag:s31], $0x80;
	s9 =	sand.u32 $0xFF, s9  }
0x60: {  	s12 =	sor.u32 $0x500, s14;
	[sflag:s31] =	ssyncset.done $0x0;
	s9 =	sshll.u32 s9, $0x7  }
.Ltmp3:
0x61: {  	[sflag:s31] =	ssyncadd.s32 $0xFFFFFF80;
	s9 =	sadd.s32 $0x200, s9;
	(pc) =	sbr.rel @!p0 .LBB2_7-.Ltmp3, $4  }
0x62: {  	[spmem:s1] =	stream.indirect.scatter.add.f32 [tilespmem:s12], [sflag:$0x3], $0x80, s9, s23, $0xb8;
	[tilespmem:$0x1C780] =	vst v63  }
0x63: {  	s11 =	sor.u32 $0x400, s15  }
0x64: {  	[spmem:s2] =	stream.indirect.scatter.add.f32 [tilespmem:s11], [sflag:$0x4], $0x1, s9, s23, $0xb8;
	[tilespmem:$0x1C780] =	vst v63  }
0x65: {  	s24 =	sadd.s32 $0x10, s24;
	s9 =	smov.u32 s10  }
.LBB2_2:
0x66: {  	p0 =	seq.s32 s9, $0x0  }
0x67: {  	s10 =	simm.s32 @!p0 $0x3;
	p1 =	sgt.u32 @!p0 s9, $0x4D  }
0x68: {  	_ =	swait.ge @!p0 [sflag:s10], $0x4000;
	p1 =	por p0, !p1  }
.Ltmp4:
0x69: {  	[sflag:s10] =	ssyncset.done @!p0 $0x0;
	(pc) =	sbr.rel @p1 .LBB2_3-.Ltmp4, $4  }
0x6a: {  	s13 =	simm.s32 @!p0 $0x4;
	[sflag:s10] =	ssyncadd.s32 @!p0 $0xFFFFC000  }
0x6b: {  	_ =	swait.ge @!p0 [sflag:s13], $0x80  }
0x6c: {  	s12 =	smul.u32 $0xAB, s9;
	[sflag:s13] =	ssyncset.done @!p0 $0x0  }
0x6d: {  	s11 =	sand.u32 $0x1, s9;
	s10 =	sadd.s32 $0x1, s9;
	[sflag:s13] =	ssyncadd.s32 @!p0 $0xFFFFFF80  }
0x6e: {  	p0 =	seq.s32 s9, $0x4F  }
.Ltmp5:
0x6f: {  	_ = 	snop;
	(pc) =	sbr.rel @p0 .LBB2_6-.Ltmp5, $4  }
.Ltmp6:
0x70: {  	_ = 	snop;
	(pc) =	sbr.rel @!p0 .LBB2_5-.Ltmp6, $4  }
0x71: {  	_ = 	snop  }
0x72: {  	_ = 	snop  }
0x73: {  	_ = 	snop  }
0x74: {  	_ = 	snop  }
.LBB2_8:
0x75: {  	_ =	sfence.sel $0x180000  }
0x76: {  	[bflag:$0x0] =	sbarrier.arrive $0xFFFF  }
0x77: {  	_ =	strace $0x90000050  }
0x78: {  	s0 =	stileid.u32;
	[bflag:$0x2] =	sbarrier.arrive $0xFFFF  }
0x79: {  	p0 =	sne.s32 s0, $0x0;
	s0 =	rddreg [dreg:$0x3]  }
0x7a: {  	s0 =	sadd.s32 @!p0 $0x100000, s0  }
0x7b: {  	[sflag:s0] =	ssyncadd.tile.s32 @!p0 $0x1;
	_ =	shalt  }
.Lfunc_end2:
_tile_overlayer_lowered:
.L_overlay_start_2:
0x7c: {  	(tag) =	ssettag $0x2  }
0x7d: {  	s0 =	rddreg [dreg:$0x0];
	s2 =	stileid.u32  }
0x7e: {  	s1 =	rddreg [dreg:$0x1];
	p0 =	sne.s32 s2, $0x0  }
0x7f: {  	s3 =	rddreg [dreg:$0x2];
	[bflag:$0x3] =	sbarrier.arrive $0xFFFF;
	s2 =	simm.s32 @!p0 $0x1C06  }
0x80: {  	[timem:s3], [sflag:s2] =	dma.local @!p0 [hbm:s0], s1  }
0x81: {  	s0 =	simm.s32 @!p0 $0x6  }
0x82: {  	_ =	swait.ge @!p0 [sflag:s0], s1  }
0x83: {  	s1 =	ssub.s32 @!p0 $0x0, s1;
	[sflag:s0] =	ssyncset.done @!p0 $0x0  }
0x84: {  	[sflag:s0] =	ssyncadd.s32 @!p0 s1  }
0x85: {  	[bflag:$0x3] =	sbarrier.arrive $0xFFFF  }
0x86: {  	_ =	shalt  }

// kernel: kernel.40.cloned.1.call-start
scs
__scs_entry_jumppad:
0x0: {  	(pc) =	sbr.rel $0x88, $3  }
0x1: {  	(tag) =	ssettag $0x0;
	lr =	simm.s32 $0x1  }
0x2: {  	[smem:$0x3F97] =	sst lr;
	_ =	strace $0xD0000000  }
0x3: {  	_ = 	snop  }
0x4: {  	_ = 	snop  }
0x5: {  	_ = 	snop  }
0x6: {  	_ = 	snop  }
0x7: {  	_ = 	snop  }
__scs_overlays_trampoline_lowered:
0x8: {  	[smem:$0x3FA6] =	sst s0  }
0x9: {  	[smem:$0x3FA7] =	sst s1  }
0xa: {  	[smem:$0x3FA8] =	sst s2  }
0xb: {  	[smem:$0x3FA9] =	sst s3  }
0xc: {  	[smem:$0x3FAA] =	sst s4  }
0xd: {  	[smem:$0x3FAB] =	sst s5  }
0xe: {  	[smem:$0x3FAC] =	sst s6  }
0xf: {  	[smem:$0x3FAD] =	sst s7  }
0x10: {  	[smem:$0x3FAE] =	sst s8  }
0x11: {  	[smem:$0x3FAF] =	sst s9;
	s0 =	simm.s32 @!p0 $0x0  }
0x12: {  	s1 =	sld [smem:$0x3F95];
	s0 =	simm.s32 @p0 $0x1  }
0x13: {  	[smem:$0x3FB0] =	sst s0;
	s0 =	simm.s32 @!p1 $0x0  }
0x14: {  	s2 =	sld [smem:$0x3F94];
	s0 =	simm.s32 @p1 $0x1  }
0x15: {  	[smem:$0x3FB1] =	sst s0;
	s0 =	simm.s32 @!p2 $0x0  }
0x16: {  	s3 =	sld [smem:$0x3FDB];
	s0 =	simm.s32 @p2 $0x1  }
0x17: {  	s4 =	simm.s32 $0x1BF5;
	[smem:$0x3FB3] =	sst s0  }
0x18: {  	s0 =	sld [smem:$0x3F96];
	_ =	swait.ge [sflag:s4], $0x0  }
0x19: {  	s7 =	sld [smem:$0x3F97]  }
0x1a: {  	s8 =	sadd.s32 $0xFFFFE003, lr  }
0x1b: {  	s9 =	sadd.s32 $0xFFFFFEF7, lr;
	s5 =	simm.s32 $0xFFFFFFFF;
	p2 =	slt.u32 s8, $0xFFFFF086  }
0x1c: {  	p1 =	slt.u32 s9, $0xF7A;
	s5 =	simm.s32 @!p2 $0x0  }
0x1d: {  	s5 =	simm.s32 @p1 $0x1;
	p0 =	seq.s32 s7, s2  }
0x1e: {  	s7 =	smul.u32 @!p0 $0xF7A, s2;
	p2 =	seq.s32 @!p0 s5, $0x0  }
0x1f: {  	s9 =	smul.u32 $0xF7A, s1;
	s8 =	simm.s32 @!p0 $0x1BF5;
	p2 =	por !p2, p0  }
0x20: {  	[sflag:s8] =	ssyncset.s32 @!p0 $0xFFFFF086;
	s6 =	sadd.s32 @!p0 s3, s7;
	s7 =	simm.s32 @!p0 $0x108  }
0x21: {  	s3 =	sadd.s32 s3, s9;
	s6 =	sadd.s32 @!p0 $0x88, s6;
	s7 =	simm.s32 @p2 $0x1082  }
0x22: {  	[simem:s7], [sflag:s8] =	dma.local @!p0 [hbm:s6], $0xF7A  }
0x23: {  	s9 =	sor.u32 $0xD0000000, s2;
	s6 =	simm.s32 $0x108;
	_ =	swait.ge @!p0 [sflag:s8], $0x0  }
0x24: {  	s3 =	sadd.s32 $0x88, s3;
	s6 =	simm.s32 @!p1 $0x1082;
	[sflag:s4] =	ssyncset.s32 $0xFFFFF086  }
0x25: {  	[simem:s6], [sflag:s4] =	dma.local [hbm:s3], $0xF7A  }
0x26: {  	[smem:$0x3F97] =	sst s1;
	(tag) =	ssettag s2;
	_ =	strace s9  }
0x27: {  	s1 =	sld [smem:$0x3FA7]  }
0x28: {  	s2 =	sld [smem:$0x3FA8]  }
0x29: {  	s4 =	sld [smem:$0x3FAA]  }
0x2a: {  	p0 =	seq.s32 s5, $0x0;
	s5 =	sld [smem:$0x3FAB]  }
0x2b: {  	s6 =	sld [smem:$0x3FAC]  }
0x2c: {  	s7 =	sld [smem:$0x3FAD]  }
0x2d: {  	s3 =	simm.s32 $0x108;
	s8 =	sld [smem:$0x3FAE]  }
0x2e: {  	s3 =	simm.s32 @!p0 $0x1082;
	s9 =	sld [smem:$0x3FAF]  }
0x2f: {  	lr =	sadd.s32 s0, s3;
	s0 =	sld [smem:$0x3FA6]  }
0x30: {  	s3 =	sld [smem:$0x3FA9]  }
0x31: {  	[smem:$0x3FB2] =	sst s10  }
0x32: {  	s10 =	sld [smem:$0x3FB0];
	_ =	sdelay $0x3  }
0x33: {  	p0 =	seq.s32 s10, $0x1;
	s10 =	sld [smem:$0x3FB2];
	_ =	sdelay $0x3  }
0x34: {  	[smem:$0x3FB2] =	sst s10  }
0x35: {  	s10 =	sld [smem:$0x3FB1];
	_ =	sdelay $0x3  }
0x36: {  	p1 =	seq.s32 s10, $0x1;
	s10 =	sld [smem:$0x3FB2];
	_ =	sdelay $0x3  }
0x37: {  	[smem:$0x3FB2] =	sst s10  }
0x38: {  	s10 =	sld [smem:$0x3FB3]  }
0x39: {  	_ = 	snop;
	(pc) =	sbr.ind lr, $3  }
0x3a: {  	_ = 	snop  }
0x3b: {  	_ = 	snop  }
0x3c: {  	p2 =	seq.s32 s10, $0x1;
	s10 =	sld [smem:$0x3FB2]  }
0x3d: {  	_ =	shalt  }
0x3e: {  	_ =	shalt  }
0x3f: {  	_ =	shalt  }
0x40: {  	_ =	shalt  }
0x41: {  	_ =	shalt  }
0x42: {  	_ =	shalt  }
0x43: {  	_ =	shalt  }
0x44: {  	_ =	shalt  }
0x45: {  	_ =	shalt  }
0x46: {  	_ =	shalt  }
0x47: {  	_ =	shalt  }
0x48: {  	_ =	shalt  }
0x49: {  	_ =	shalt  }
0x4a: {  	_ =	shalt  }
0x4b: {  	_ =	shalt  }
0x4c: {  	_ =	shalt  }
0x4d: {  	_ =	shalt  }
0x4e: {  	_ =	shalt  }
0x4f: {  	_ =	shalt  }
0x50: {  	_ =	shalt  }
0x51: {  	_ =	shalt  }
0x52: {  	_ =	shalt  }
0x53: {  	_ =	shalt  }
0x54: {  	_ =	shalt  }
0x55: {  	_ =	shalt  }
0x56: {  	_ =	shalt  }
0x57: {  	_ =	shalt  }
0x58: {  	_ =	shalt  }
0x59: {  	_ =	shalt  }
0x5a: {  	_ =	shalt  }
0x5b: {  	_ =	shalt  }
0x5c: {  	_ =	shalt  }
0x5d: {  	_ =	shalt  }
0x5e: {  	_ =	shalt  }
0x5f: {  	_ =	shalt  }
0x60: {  	_ =	shalt  }
0x61: {  	_ =	shalt  }
0x62: {  	_ =	shalt  }
0x63: {  	_ =	shalt  }
0x64: {  	_ =	shalt  }
0x65: {  	_ =	shalt  }
0x66: {  	_ =	shalt  }
0x67: {  	_ =	shalt  }
0x68: {  	_ =	shalt  }
0x69: {  	_ =	shalt  }
0x6a: {  	_ =	shalt  }
0x6b: {  	_ =	shalt  }
0x6c: {  	_ =	shalt  }
0x6d: {  	_ =	shalt  }
0x6e: {  	_ =	shalt  }
0x6f: {  	_ =	shalt  }
0x70: {  	_ =	shalt  }
0x71: {  	_ =	shalt  }
0x72: {  	_ =	shalt  }
0x73: {  	_ =	shalt  }
0x74: {  	_ =	shalt  }
0x75: {  	_ =	shalt  }
0x76: {  	_ =	shalt  }
0x77: {  	_ =	shalt  }
0x78: {  	_ =	shalt  }
0x79: {  	_ =	shalt  }
0x7a: {  	_ =	shalt  }
0x7b: {  	_ =	shalt  }
0x7c: {  	_ =	shalt  }
0x7d: {  	_ =	shalt  }
0x7e: {  	_ =	shalt  }
0x7f: {  	_ =	shalt  }
0x80: {  	_ =	shalt  }
0x81: {  	_ =	shalt  }
0x82: {  	_ =	shalt  }
0x83: {  	_ =	shalt  }
0x84: {  	_ =	shalt  }
0x85: {  	_ =	shalt  }
0x86: {  	_ =	shalt  }
0x87: {  	_ =	shalt  }
.Lfunc_end0:
.L_simem_size_0:
called_computation.4_lowered:
.L_overlay_start_0:
0x88: {  	s2 =	sld [smem:$0x3FD9]  }
0x89: {  	s3 =	sld [smem:$0x3FFE];
	_ =	sdelay $0x1  }
0x8a: {  	s1 =	srdreg.scid  }
0x8b: {  	s0 =	sand.u32 $0x1, s1  }
0x8c: {  	s16 =	sshll.u32 s0, $0xA;
	s2 =	sadd.s32 s3, s2  }
0x8d: {  	s2 =	sadd.s32 s2, s16  }
0x8e: {  	[smem:$0x3FBE] =	sst s2  }
0x8f: {  	_ = 	snop  }
0x90: {  	(tm) =	ssettm $0x1  }
0x91: {  	s17 =	sld [smem:$0x3FFB];
	_ =	sdelay $0x3  }
0x92: {  	_ =	strace s17  }
0x93: {  	s2 =	sld [smem:$0x3FFC];
	_ =	sdelay $0x3  }
0x94: {  	_ =	strace s2  }
0x95: {  	s2 =	sld [smem:$0x3FFD];
	_ =	sdelay $0x3  }
0x96: {  	_ =	strace s2  }
0x97: {  	_ =	strace $0x8FFFFFFF  }
0x98: {  	s18 =	sld [smem:$0x3FDB];
	_ =	sdelay $0x1  }
0x99: {  	s19 =	simm.s32 $_scs_section_size  }
0x9a: {  	s4 =	simm.s32 $_size__tile_overlayer_lowered;
	s5 =	simm.s32 $_tile_overlayer_lowered  }
0x9b: {  	s22 =	simm.s32 $0x1BFF;
	s21 =	sshll.u32 s5, $0x1;
	s2 =	sadd.s32 s19, s18  }
0x9c: {  	s6 =	simm.s32 $0x0;
	s20 =	sshll.u32 s4, $0x1;
	s4 =	sadd.s32 s21, s2  }
0x9d: {  	[timem:s6], [sflag:s22] =	dma.local [hbm:s4], s20  }
0x9e: {  	_ =	swait.ge [sflag:s22], s20  }
0x9f: {  	s3 =	ssub.s32 $0x0, s20;
	[sflag:s22] =	ssyncset.done $0x0  }
0xa0: {  	[sflag:s22] =	ssyncadd.s32 s3;
	_ =	sdelay $0x1  }
0xa1: {  	s23 =	simm.s32 $0x1B8B  }
0xa2: {  	_ =	swait.ge [sflag:s23], $0x1  }
0xa3: {  	[sflag:s23] =	ssyncset.done $0x0  }
0xa4: {  	s25 =	simm.s32 $0x1B8E;
	s24 =	sld [smem:$0x3FFE];
	[sflag:s23] =	ssyncadd.s32 $0xFFFFFFFF  }
0xa5: {  	s26 =	simm.s32 $execute0_lowered;
	[smem:$0x3FD2] =	sst s25  }
0xa6: {  	s4 =	sshll.u32 s26, $0x1;
	_ =	strace $0x80000052;
	[dreg:$0x1] =	wrdreg $0xFFFFFFFF  }
0xa7: {  	s28 =	simm.s32 $_size_execute0_lowered;
	s2 =	sadd.s32 s2, s4;
	[dreg:$0x0] =	wrdreg $0x0  }
0xa8: {  	s4 =	sshll.u32 s28, $0x1;
	[dreg:$0x2] =	wrdreg s2  }
0xa9: {  	[dreg:$0x3] =	wrdreg s4  }
0xaa: {  	[dreg:$0x4] =	wrdreg $0xC0  }
0xab: {  	_ =	task [dreg:s6], $0x5FFFF  }
0xac: {  	[dreg:$0x1] =	wrdreg $0xFFFFFFFF  }
0xad: {  	[dreg:$0x0] =	wrdreg $0x60  }
0xae: {  	[dreg:$0x2] =	wrdreg s24  }
0xaf: {  	[dreg:$0x3] =	wrdreg $0x85000  }
0xb0: {  	[dreg:$0x4] =	wrdreg $0x1C5000  }
0xb1: {  	[dreg:$0x5] =	wrdreg $0x9  }
0xb2: {  	_ =	task.clear_ibuf [dreg:s6], $0x6FFFF;
	_ =	strace $0x90000052  }
0xb3: {  	s29 =	simm.s32 $0x9;
	_ =	strace $0x80000054  }
0xb4: {  	_ =	swait.ge [sflag:s29], $0x1  }
0xb5: {  	[sflag:s29] =	ssyncadd.s32 $0xFFFFFFFF  }
0xb6: {  	_ =	strace $0x90000054  }
0xb7: {  	_ =	sfence  }
0xb8: {  	s30 =	sld [smem:$0x0];
	_ =	sdelay $0x2  }
0xb9: {  	s31 =	sshll.u32 s1, $0xD;
	s1 =	sshrl.u32 s1, $0x2  }
0xba: {  	s3 =	sand.u32 $0x4000, s31;
	s1 =	sadd.s32 s1, s30  }
0xbb: {  	s0 =	sor.u32 s3, s0;
	s1 =	sshll.u32 s1, $0x11  }
0xbc: {  	s0 =	sor.u32 s1, s0  }
0xbd: {  	s0 =	sadd.s32 $0x8F2B, s0  }
0xbe: {  	[sflag:s0] =	ssyncadd.remote.s32 $0x1  }
0xbf: {  	_ =	sfence.sel $0xFFFF  }
0xc0: {  	[dreg:$0x0] =	wrdreg $0xFFFFFFFF;
	(pc) =	sbr.abs _section_cstart, $3  }
0xc1: {  	[dreg:$0x1] =	wrdreg $0xFFFFFFFF  }
0xc2: {  	_ =	task.clear_ibuf [dreg:s6], $0x2FFFF;
	_ =	strace $0x9FFFFFFF  }
0xc3: {  	(tm) =	ssettm $0x7FFFFFFF  }
tec
execute0_lowered:
.L_overlay_start_1:
0x0: {  	(tag) =	ssettag $0x1  }
0x1: {  	s0 =	rddreg [dreg:$0x0]  }
0x2: {  	s1 =	rddreg [dreg:$0x1]  }
0x3: {  	s2 =	rddreg [dreg:$0x2];
	s3 =	simm.s32 $0x0;
	s4 =	srdreg.scid  }
0x4: {  	s13 =	stileid.u32;
	s30 =	simm.s32 $0x1;
	s31 =	simm.s32 $0x2  }
0x5: {  	s28 =	simm.s32 $0x0;
	[smem:$0x7FF] =	sst s3;
	s5 =	sadd.s32 $0x6AC00, s0  }
0x6: {  	s4 =	sand.u32 $0x1, s4;
	s6 =	sadd.s32 $0x10000, s0;
	s7 =	sadd.s32 $0x6000, s0  }
0x7: {  	s8 =	sadd.s32 $0x4E00, s0;
	s10 =	smul.u32 $0x14000, s13;
	s11 =	sadd.s32 $0x41200, s0  }
0x8: {  	s16 =	sadd.s32 $0x4600, s0;
	s17 =	smul.u32 $0x500, s13;
	s12 =	sshll.u32 s13, $0x1  }
0x9: {  	s23 =	smul.u32 $0x50000, s13;
	_ =	strace $0x80000053;
	[dreg:$0x4] =	wrdreg s11  }
0xa: {  	s26 =	sshll.u32 s13, $0x6;
	s9 =	smul.u32 $0x140000, s4;
	[dreg:$0x5] =	wrdreg s16  }
0xb: {  	s18 =	sshll.u32 s4, $0x7;
	s19 =	sor.u32 s4, s12;
	s20 =	ssub.s32 $0x2, s4  }
0xc: {  	s16 =	sor.u32 $0x1C06, s26;
	s4 =	smul.u32 $0x500, s4;
	s26 =	simm.s32 $0x5  }
0xd: {  	s11 =	smul.u32 $0x500, s19;
	s21 =	sshrl.u32 s20, $0x1;
	s25 =	sshrl.u32 s23, $0x2  }
0xe: {  	s23 =	simm.s32 $0x80;
	s9 =	sadd.s32 s10, s9;
	s10 =	sor.u32 s18, s17  }
0xf: {  	s9 =	sshrl.u32 s9, $0x3;
	s10 =	sshrl.u32 s10, $0x3;
	s22 =	sadd.s32 s6, s11  }
0x10: {  	s14 =	sadd.s32 s7, s11;
	s11 =	sor.u32 $0x10, s11;
	s9 =	sadd.s32 s9, s0  }
0x11: {  	s0 =	sadd.s32 s10, s0;
	s10 =	ssub.s32 s20, s21;
	[dreg:$0x6] =	wrdreg s22  }
0x12: {  	[dreg:$0x7] =	wrdreg s14;
	s21 =	smul.u32 $0xA00, s13;
	s24 =	sadd.s32 s6, s11  }
.Ltmp0:
0x13: {  	s11 =	sadd.s32 s7, s11;
	[dreg:$0x8] =	wrdreg s24;
	(pc) =	sbr.rel .LBB2_1-.Ltmp0, $4  }
0x14: {  	[dreg:$0x9] =	wrdreg s11;
	s11 =	sadd.s32 s25, s1;
	s18 =	sadd.s32 $0x9C600, s9  }
0x15: {  	s19 =	sadd.s32 $0x91E00, s0;
	s20 =	smax.u32 s10, $0x1;
	s25 =	simm.s32 $0x6  }
0x16: {  	s0 =	simm.s32 $0x3;
	[dreg:$0xa] =	wrdreg s11;
	s29 =	sshrl.u32 s21, $0x2  }
0x17: {  	s21 =	sadd.s32 s4, s21;
	s4 =	simm.s32 $0x4;
	s17 =	sadd.s32 s29, s2  }
.LBB2_7:
0x18: {  	_ =	swait.ge [sflag:s0], $0x4000  }
0x19: {  	[sflag:s0] =	ssyncset.done $0x0  }
0x1a: {  	[sflag:s0] =	ssyncadd.s32 $0xFFFFC000  }
0x1b: {  	_ =	swait.ge [sflag:s4], $0x80  }
0x1c: {  	[sflag:s4] =	ssyncset.done $0x0  }
0x1d: {  	[sflag:s4] =	ssyncadd.s32 $0xFFFFFF80  }
0x1e: {  	[bflag:$0x0] =	sbarrier.arrive $0xFFFF  }
0x1f: {  	[hbm:s18], [sflag:s16] =	dma.local [spmem:s29], $0x2800  }
0x20: {  	s28 =	sadd.s32 $0x1, s28;
	_ =	swait.ge [sflag:s25], $0x2800  }
0x21: {  	s9 =	simm.s32 $0x20;
	p0 =	sne.s32 s28, s20;
	[sflag:s25] =	ssyncset.done $0x0  }
.Ltmp1:
0x22: {  	s10 =	simm.s32 $0x10;
	[sflag:s25] =	ssyncadd.s32 $0xFFFFD800;
	(pc) =	sbr.rel @!p0 .LBB2_8-.Ltmp1, $4  }
0x23: {  	[hbm:s19@s9], [sflag:s16] =	dma.strided [spmem:s22@s10], $0x50, s30, $0x10   }
0x24: {  	_ =	swait.ge [sflag:s25], $0x50  }
0x25: {  	[sflag:s25] =	ssyncset.done $0x0  }
0x26: {  	[sflag:s25] =	ssyncadd.s32 $0xFFFFFFB0  }
.LBB2_1:
0x27: {  	s9 =	rddreg [dreg:$0x6]  }
0x28: {  	s22 =	rddreg [dreg:$0x7]  }
0x29: {  	s24 =	rddreg [dreg:$0x8]  }
0x2a: {  	[tilespmem:s3], [sflag:$0x5] =	stream.linear.gather [hbm4b:s9+s3], $0x80, $0x38;
	[tilespmem:$0x1C780] =	vst v63  }
0x2b: {  	s10 =	simm.s32 $0x200;
	s12 =	rddreg [dreg:$0xa]  }
0x2c: {  	[tilespmem:s10], [sflag:$0x5] =	stream.linear.gather [hbm4b:s22+s3], $0x80, $0x38;
	[tilespmem:$0x1C780] =	vst v63  }
0x2d: {  	s13 =	rddreg [dreg:$0x4]  }
0x2e: {  	[tilespmem:s23], [sflag:$0x5] =	stream.linear.gather [hbm4b:s24+s3], $0x80, $0x38;
	[tilespmem:$0x1C780] =	vst v63  }
0x2f: {  	s11 =	simm.s32 $0x280;
	s29 =	sshrl.u32 s12, $0x3;
	s10 =	rddreg [dreg:$0x9]  }
0x30: {  	[tilespmem:s11], [sflag:$0x5] =	stream.linear.gather [hbm4b:s10+s3], $0x80, $0x38;
	[tilespmem:$0x1C780] =	vst v63  }
0x31: {  	[spmem:s29], [sflag:s16] =	dma.local [hbm:s13], $0x2800  }
0x32: {  	_ =	swait.ge [sflag:s25], $0x2800  }
0x33: {  	[sflag:s25] =	ssyncset.done $0x0  }
0x34: {  	s22 =	sshrl.u32 s17, $0x3;
	s14 =	rddreg [dreg:$0x5];
	[sflag:s25] =	ssyncadd.s32 $0xFFFFD800  }
0x35: {  	[spmem:s22], [sflag:s16] =	dma.local [hbm:s14], $0x50  }
0x36: {  	_ =	swait.ge [sflag:s25], $0x50  }
0x37: {  	[sflag:s25] =	ssyncset.done $0x0  }
0x38: {  	[sflag:s25] =	ssyncadd.s32 $0xFFFFFFB0  }
0x39: {  	[bflag:$0x0] =	sbarrier.arrive $0xFFFF  }
0x3a: {  	_ =	swait.ge [sflag:s26], $0x80  }
0x3b: {  	[sflag:s26] =	ssyncset.done $0x0  }
0x3c: {  	[sflag:s26] =	ssyncadd.s32 $0xFFFFFF80  }
0x3d: {  	_ =	swait.ge [sflag:s26], $0x80  }
0x3e: {  	[sflag:s26] =	ssyncset.done $0x0  }
.Ltmp2:
0x3f: {  	s15 =	simm.s32 $0x500;
	[sflag:s26] =	ssyncadd.s32 $0xFFFFFF80;
	(pc) =	sbr.rel .LBB2_2-.Ltmp2, $4  }
0x40: {  	[tilespmem:s15], [sflag:$0x1] =	stream.indirect.gather [hbm4b:s5+s23], $0x80, s3, s23, $0xb8;
	[tilespmem:$0x1C780] =	vst v63  }
0x41: {  	s24 =	simm.s32 $0x400  }
0x42: {  	[tilespmem:s24], [sflag:$0x2] =	stream.indirect.gather [hbm4b:s8+s23], $0x1, s3, s23, $0xb8;
	[tilespmem:$0x1C780] =	vst v63  }
0x43: {  	s9 =	simm.s32 $0x0;
	s24 =	simm.s32 $0x20  }
.LBB2_3:
0x44: {  	s13 =	sadd.s32 $0x156, s12  }
0x45: {  	s13 =	sshrl.u32 s13, $0x9  }
0x46: {  	s13 =	sand.u32 $0x7F, s13  }
0x47: {  	s13 =	smul.u32 $0x3, s13;
	_ =	sdelay $0x1  }
0x48: {  	s14 =	sadd.s32 s24, s21;
	s13 =	ssub.s32 s9, s13  }
0x49: {  	s15 =	sand.u32 $0x70, s24;
	s14 =	sand.u32 $0xFFFFF80, s14;
	s13 =	sadd.s32 $0x2, s13  }
0x4a: {  	s14 =	sor.u32 s15, s14;
	s13 =	sand.u32 $0xFF, s13  }
0x4b: {  	s15 =	sadd.s32 s6, s14;
	s13 =	sshll.u32 s13, $0x7  }
0x4c: {  	[tilespmem:s13], [sflag:$0x5] =	stream.linear.gather [hbm4b:s15+s3], $0x80, $0x38;
	[tilespmem:$0x1C780] =	vst v63  }
0x4d: {  	s14 =	sadd.s32 s7, s14;
	s13 =	sadd.s32 $0x200, s13  }
0x4e: {  	[tilespmem:s13], [sflag:$0x5] =	stream.linear.gather [hbm4b:s14+s3], $0x80, $0x38;
	[tilespmem:$0x1C780] =	vst v63  }
.LBB2_5:
0x4f: {  	s13 =	sadd.s32 $0xAB, s12  }
0x50: {  	s13 =	sshrl.u32 s13, $0x9  }
0x51: {  	_ =	swait.ge [sflag:s26], $0x80;
	s13 =	sand.u32 $0x7F, s13  }
0x52: {  	[sflag:s26] =	ssyncset.done $0x0;
	s13 =	smul.u32 $0x3, s13  }
0x53: {  	s14 =	sxor.u32 $0x1, s11;
	[sflag:s26] =	ssyncadd.s32 $0xFFFFFF80  }
0x54: {  	s15 =	sshll.u32 s14, $0xE;
	_ =	swait.ge [sflag:s26], $0x80;
	s13 =	ssub.s32 s10, s13  }
0x55: {  	s14 =	sshll.u32 s14, $0x7;
	[sflag:s26] =	ssyncset.done $0x0;
	s13 =	sand.u32 $0xFF, s13  }
0x56: {  	s15 =	sor.u32 $0x500, s15;
	[sflag:s26] =	ssyncadd.s32 $0xFFFFFF80;
	s13 =	sshll.u32 s13, $0x7  }
0x57: {  	[tilespmem:s15], [sflag:$0x1] =	stream.indirect.gather [hbm4b:s5+s23], $0x80, s13, s23, $0xb8;
	[tilespmem:$0x1C780] =	vst v63  }
0x58: {  	s14 =	sor.u32 $0x400, s14  }
0x59: {  	[tilespmem:s14], [sflag:$0x2] =	stream.indirect.gather [hbm4b:s8+s23], $0x1, s13, s23, $0xb8;
	[tilespmem:$0x1C780] =	vst v63  }
.LBB2_6:
0x5a: {  	s12 =	sshrl.u32 s12, $0x9  }
0x5b: {  	s12 =	sand.u32 $0x7F, s12  }
0x5c: {  	_ =	swait.ge [sflag:s30], $0x4000;
	s12 =	smul.u32 $0x3, s12  }
0x5d: {  	s14 =	sshll.u32 s11, $0xE;
	[sflag:s30] =	ssyncset.done $0x0  }
0x5e: {  	s15 =	sshll.u32 s11, $0x7;
	[sflag:s30] =	ssyncadd.s32 $0xFFFFC000;
	s9 =	ssub.s32 s9, s12  }
0x5f: {  	p0 =	sne.s32 s10, $0x50;
	_ =	swait.ge [sflag:s31], $0x80;
	s9 =	sand.u32 $0xFF, s9  }
0x60: {  	s12 =	sor.u32 $0x500, s14;
	[sflag:s31] =	ssyncset.done $0x0;
	s9 =	sshll.u32 s9, $0x7  }
.Ltmp3:
0x61: {  	[sflag:s31] =	ssyncadd.s32 $0xFFFFFF80;
	s9 =	sadd.s32 $0x200, s9;
	(pc) =	sbr.rel @!p0 .LBB2_7-.Ltmp3, $4  }
0x62: {  	[spmem:s1] =	stream.indirect.scatter.add.f32 [tilespmem:s12], [sflag:$0x3], $0x80, s9, s23, $0xb8;
	[tilespmem:$0x1C780] =	vst v63  }
0x63: {  	s11 =	sor.u32 $0x400, s15  }
0x64: {  	[spmem:s2] =	stream.indirect.scatter.add.f32 [tilespmem:s11], [sflag:$0x4], $0x1, s9, s23, $0xb8;
	[tilespmem:$0x1C780] =	vst v63  }
0x65: {  	s24 =	sadd.s32 $0x10, s24;
	s9 =	smov.u32 s10  }
.LBB2_2:
0x66: {  	p0 =	seq.s32 s9, $0x0  }
0x67: {  	s10 =	simm.s32 @!p0 $0x3;
	p1 =	sgt.u32 @!p0 s9, $0x4D  }
0x68: {  	_ =	swait.ge @!p0 [sflag:s10], $0x4000;
	p1 =	por p0, !p1  }
.Ltmp4:
0x69: {  	[sflag:s10] =	ssyncset.done @!p0 $0x0;
	(pc) =	sbr.rel @p1 .LBB2_3-.Ltmp4, $4  }
0x6a: {  	s13 =	simm.s32 @!p0 $0x4;
	[sflag:s10] =	ssyncadd.s32 @!p0 $0xFFFFC000  }
0x6b: {  	_ =	swait.ge @!p0 [sflag:s13], $0x80  }
0x6c: {  	s12 =	smul.u32 $0xAB, s9;
	[sflag:s13] =	ssyncset.done @!p0 $0x0  }
0x6d: {  	s11 =	sand.u32 $0x1, s9;
	s10 =	sadd.s32 $0x1, s9;
	[sflag:s13] =	ssyncadd.s32 @!p0 $0xFFFFFF80  }
0x6e: {  	p0 =	seq.s32 s9, $0x4F  }
.Ltmp5:
0x6f: {  	_ = 	snop;
	(pc) =	sbr.rel @p0 .LBB2_6-.Ltmp5, $4  }
.Ltmp6:
0x70: {  	_ = 	snop;
	(pc) =	sbr.rel @!p0 .LBB2_5-.Ltmp6, $4  }
0x71: {  	_ = 	snop  }
0x72: {  	_ = 	snop  }
0x73: {  	_ = 	snop  }
0x74: {  	_ = 	snop  }
.LBB2_8:
0x75: {  	_ =	sfence.sel $0x180000  }
0x76: {  	[bflag:$0x0] =	sbarrier.arrive $0xFFFF  }
0x77: {  	_ =	strace $0x90000053  }
0x78: {  	s0 =	stileid.u32;
	[bflag:$0x2] =	sbarrier.arrive $0xFFFF  }
0x79: {  	p0 =	sne.s32 s0, $0x0;
	s0 =	rddreg [dreg:$0x3]  }
0x7a: {  	s0 =	sadd.s32 @!p0 $0x100000, s0  }
0x7b: {  	[sflag:s0] =	ssyncadd.tile.s32 @!p0 $0x1;
	_ =	shalt  }
.Lfunc_end2:
_tile_overlayer_lowered:
.L_overlay_start_2:
0x7c: {  	(tag) =	ssettag $0x2  }
0x7d: {  	s0 =	rddreg [dreg:$0x0];
	s2 =	stileid.u32  }
0x7e: {  	s1 =	rddreg [dreg:$0x1];
	p0 =	sne.s32 s2, $0x0  }
0x7f: {  	s3 =	rddreg [dreg:$0x2];
	[bflag:$0x3] =	sbarrier.arrive $0xFFFF;
	s2 =	simm.s32 @!p0 $0x1C06  }
0x80: {  	[timem:s3], [sflag:s2] =	dma.local @!p0 [hbm:s0], s1  }
0x81: {  	s0 =	simm.s32 @!p0 $0x6  }
0x82: {  	_ =	swait.ge @!p0 [sflag:s0], s1  }
0x83: {  	s1 =	ssub.s32 @!p0 $0x0, s1;
	[sflag:s0] =	ssyncset.done @!p0 $0x0  }
0x84: {  	[sflag:s0] =	ssyncadd.s32 @!p0 s1  }
0x85: {  	[bflag:$0x3] =	sbarrier.arrive $0xFFFF  }
0x86: {  	_ =	shalt  }

// kernel: kernel.43.cloned.1.call-start
scs
__scs_entry_jumppad:
0x0: {  	(pc) =	sbr.rel $0x88, $3  }
0x1: {  	(tag) =	ssettag $0x0;
	lr =	simm.s32 $0x1  }
0x2: {  	[smem:$0x3F97] =	sst lr;
	_ =	strace $0xD0000000  }
0x3: {  	_ = 	snop  }
0x4: {  	_ = 	snop  }
0x5: {  	_ = 	snop  }
0x6: {  	_ = 	snop  }
0x7: {  	_ = 	snop  }
__scs_overlays_trampoline_lowered:
0x8: {  	[smem:$0x3FA6] =	sst s0  }
0x9: {  	[smem:$0x3FA7] =	sst s1  }
0xa: {  	[smem:$0x3FA8] =	sst s2  }
0xb: {  	[smem:$0x3FA9] =	sst s3  }
0xc: {  	[smem:$0x3FAA] =	sst s4  }
0xd: {  	[smem:$0x3FAB] =	sst s5  }
0xe: {  	[smem:$0x3FAC] =	sst s6  }
0xf: {  	[smem:$0x3FAD] =	sst s7  }
0x10: {  	[smem:$0x3FAE] =	sst s8  }
0x11: {  	[smem:$0x3FAF] =	sst s9;
	s0 =	simm.s32 @!p0 $0x0  }
0x12: {  	s1 =	sld [smem:$0x3F95];
	s0 =	simm.s32 @p0 $0x1  }
0x13: {  	[smem:$0x3FB0] =	sst s0;
	s0 =	simm.s32 @!p1 $0x0  }
0x14: {  	s2 =	sld [smem:$0x3F94];
	s0 =	simm.s32 @p1 $0x1  }
0x15: {  	[smem:$0x3FB1] =	sst s0;
	s0 =	simm.s32 @!p2 $0x0  }
0x16: {  	s3 =	sld [smem:$0x3FDB];
	s0 =	simm.s32 @p2 $0x1  }
0x17: {  	s4 =	simm.s32 $0x1BF5;
	[smem:$0x3FB3] =	sst s0  }
0x18: {  	s0 =	sld [smem:$0x3F96];
	_ =	swait.ge [sflag:s4], $0x0  }
0x19: {  	s7 =	sld [smem:$0x3F97]  }
0x1a: {  	s8 =	sadd.s32 $0xFFFFE003, lr  }
0x1b: {  	s9 =	sadd.s32 $0xFFFFFEF7, lr;
	s5 =	simm.s32 $0xFFFFFFFF;
	p2 =	slt.u32 s8, $0xFFFFF086  }
0x1c: {  	p1 =	slt.u32 s9, $0xF7A;
	s5 =	simm.s32 @!p2 $0x0  }
0x1d: {  	s5 =	simm.s32 @p1 $0x1;
	p0 =	seq.s32 s7, s2  }
0x1e: {  	s7 =	smul.u32 @!p0 $0xF7A, s2;
	p2 =	seq.s32 @!p0 s5, $0x0  }
0x1f: {  	s9 =	smul.u32 $0xF7A, s1;
	s8 =	simm.s32 @!p0 $0x1BF5;
	p2 =	por !p2, p0  }
0x20: {  	[sflag:s8] =	ssyncset.s32 @!p0 $0xFFFFF086;
	s6 =	sadd.s32 @!p0 s3, s7;
	s7 =	simm.s32 @!p0 $0x108  }
0x21: {  	s3 =	sadd.s32 s3, s9;
	s6 =	sadd.s32 @!p0 $0x88, s6;
	s7 =	simm.s32 @p2 $0x1082  }
0x22: {  	[simem:s7], [sflag:s8] =	dma.local @!p0 [hbm:s6], $0xF7A  }
0x23: {  	s9 =	sor.u32 $0xD0000000, s2;
	s6 =	simm.s32 $0x108;
	_ =	swait.ge @!p0 [sflag:s8], $0x0  }
0x24: {  	s3 =	sadd.s32 $0x88, s3;
	s6 =	simm.s32 @!p1 $0x1082;
	[sflag:s4] =	ssyncset.s32 $0xFFFFF086  }
0x25: {  	[simem:s6], [sflag:s4] =	dma.local [hbm:s3], $0xF7A  }
0x26: {  	[smem:$0x3F97] =	sst s1;
	(tag) =	ssettag s2;
	_ =	strace s9  }
0x27: {  	s1 =	sld [smem:$0x3FA7]  }
0x28: {  	s2 =	sld [smem:$0x3FA8]  }
0x29: {  	s4 =	sld [smem:$0x3FAA]  }
0x2a: {  	p0 =	seq.s32 s5, $0x0;
	s5 =	sld [smem:$0x3FAB]  }
0x2b: {  	s6 =	sld [smem:$0x3FAC]  }
0x2c: {  	s7 =	sld [smem:$0x3FAD]  }
0x2d: {  	s3 =	simm.s32 $0x108;
	s8 =	sld [smem:$0x3FAE]  }
0x2e: {  	s3 =	simm.s32 @!p0 $0x1082;
	s9 =	sld [smem:$0x3FAF]  }
0x2f: {  	lr =	sadd.s32 s0, s3;
	s0 =	sld [smem:$0x3FA6]  }
0x30: {  	s3 =	sld [smem:$0x3FA9]  }
0x31: {  	[smem:$0x3FB2] =	sst s10  }
0x32: {  	s10 =	sld [smem:$0x3FB0];
	_ =	sdelay $0x3  }
0x33: {  	p0 =	seq.s32 s10, $0x1;
	s10 =	sld [smem:$0x3FB2];
	_ =	sdelay $0x3  }
0x34: {  	[smem:$0x3FB2] =	sst s10  }
0x35: {  	s10 =	sld [smem:$0x3FB1];
	_ =	sdelay $0x3  }
0x36: {  	p1 =	seq.s32 s10, $0x1;
	s10 =	sld [smem:$0x3FB2];
	_ =	sdelay $0x3  }
0x37: {  	[smem:$0x3FB2] =	sst s10  }
0x38: {  	s10 =	sld [smem:$0x3FB3]  }
0x39: {  	_ = 	snop;
	(pc) =	sbr.ind lr, $3  }
0x3a: {  	_ = 	snop  }
0x3b: {  	_ = 	snop  }
0x3c: {  	p2 =	seq.s32 s10, $0x1;
	s10 =	sld [smem:$0x3FB2]  }
0x3d: {  	_ =	shalt  }
0x3e: {  	_ =	shalt  }
0x3f: {  	_ =	shalt  }
0x40: {  	_ =	shalt  }
0x41: {  	_ =	shalt  }
0x42: {  	_ =	shalt  }
0x43: {  	_ =	shalt  }
0x44: {  	_ =	shalt  }
0x45: {  	_ =	shalt  }
0x46: {  	_ =	shalt  }
0x47: {  	_ =	shalt  }
0x48: {  	_ =	shalt  }
0x49: {  	_ =	shalt  }
0x4a: {  	_ =	shalt  }
0x4b: {  	_ =	shalt  }
0x4c: {  	_ =	shalt  }
0x4d: {  	_ =	shalt  }
0x4e: {  	_ =	shalt  }
0x4f: {  	_ =	shalt  }
0x50: {  	_ =	shalt  }
0x51: {  	_ =	shalt  }
0x52: {  	_ =	shalt  }
0x53: {  	_ =	shalt  }
0x54: {  	_ =	shalt  }
0x55: {  	_ =	shalt  }
0x56: {  	_ =	shalt  }
0x57: {  	_ =	shalt  }
0x58: {  	_ =	shalt  }
0x59: {  	_ =	shalt  }
0x5a: {  	_ =	shalt  }
0x5b: {  	_ =	shalt  }
0x5c: {  	_ =	shalt  }
0x5d: {  	_ =	shalt  }
0x5e: {  	_ =	shalt  }
0x5f: {  	_ =	shalt  }
0x60: {  	_ =	shalt  }
0x61: {  	_ =	shalt  }
0x62: {  	_ =	shalt  }
0x63: {  	_ =	shalt  }
0x64: {  	_ =	shalt  }
0x65: {  	_ =	shalt  }
0x66: {  	_ =	shalt  }
0x67: {  	_ =	shalt  }
0x68: {  	_ =	shalt  }
0x69: {  	_ =	shalt  }
0x6a: {  	_ =	shalt  }
0x6b: {  	_ =	shalt  }
0x6c: {  	_ =	shalt  }
0x6d: {  	_ =	shalt  }
0x6e: {  	_ =	shalt  }
0x6f: {  	_ =	shalt  }
0x70: {  	_ =	shalt  }
0x71: {  	_ =	shalt  }
0x72: {  	_ =	shalt  }
0x73: {  	_ =	shalt  }
0x74: {  	_ =	shalt  }
0x75: {  	_ =	shalt  }
0x76: {  	_ =	shalt  }
0x77: {  	_ =	shalt  }
0x78: {  	_ =	shalt  }
0x79: {  	_ =	shalt  }
0x7a: {  	_ =	shalt  }
0x7b: {  	_ =	shalt  }
0x7c: {  	_ =	shalt  }
0x7d: {  	_ =	shalt  }
0x7e: {  	_ =	shalt  }
0x7f: {  	_ =	shalt  }
0x80: {  	_ =	shalt  }
0x81: {  	_ =	shalt  }
0x82: {  	_ =	shalt  }
0x83: {  	_ =	shalt  }
0x84: {  	_ =	shalt  }
0x85: {  	_ =	shalt  }
0x86: {  	_ =	shalt  }
0x87: {  	_ =	shalt  }
.Lfunc_end0:
.L_simem_size_0:
called_computation.5_lowered:
.L_overlay_start_0:
0x88: {  	s2 =	sld [smem:$0x3FD9]  }
0x89: {  	s3 =	sld [smem:$0x3FFE];
	_ =	sdelay $0x1  }
0x8a: {  	s1 =	srdreg.scid  }
0x8b: {  	s0 =	sand.u32 $0x1, s1  }
0x8c: {  	s16 =	sshll.u32 s0, $0xA;
	s2 =	sadd.s32 s3, s2  }
0x8d: {  	s2 =	sadd.s32 s2, s16  }
0x8e: {  	[smem:$0x3FBE] =	sst s2  }
0x8f: {  	_ = 	snop  }
0x90: {  	(tm) =	ssettm $0x1  }
0x91: {  	s17 =	sld [smem:$0x3FFB];
	_ =	sdelay $0x3  }
0x92: {  	_ =	strace s17  }
0x93: {  	s2 =	sld [smem:$0x3FFC];
	_ =	sdelay $0x3  }
0x94: {  	_ =	strace s2  }
0x95: {  	s2 =	sld [smem:$0x3FFD];
	_ =	sdelay $0x3  }
0x96: {  	_ =	strace s2  }
0x97: {  	_ =	strace $0x8FFFFFFF  }
0x98: {  	s18 =	sld [smem:$0x3FDB];
	_ =	sdelay $0x1  }
0x99: {  	s19 =	simm.s32 $_scs_section_size  }
0x9a: {  	s4 =	simm.s32 $_size__tile_overlayer_lowered;
	s5 =	simm.s32 $_tile_overlayer_lowered  }
0x9b: {  	s22 =	simm.s32 $0x1BFF;
	s21 =	sshll.u32 s5, $0x1;
	s2 =	sadd.s32 s19, s18  }
0x9c: {  	s6 =	simm.s32 $0x0;
	s20 =	sshll.u32 s4, $0x1;
	s4 =	sadd.s32 s21, s2  }
0x9d: {  	[timem:s6], [sflag:s22] =	dma.local [hbm:s4], s20  }
0x9e: {  	_ =	swait.ge [sflag:s22], s20  }
0x9f: {  	s3 =	ssub.s32 $0x0, s20;
	[sflag:s22] =	ssyncset.done $0x0  }
0xa0: {  	[sflag:s22] =	ssyncadd.s32 s3;
	_ =	sdelay $0x1  }
0xa1: {  	s23 =	simm.s32 $0x1B8B  }
0xa2: {  	_ =	swait.ge [sflag:s23], $0x1  }
0xa3: {  	[sflag:s23] =	ssyncset.done $0x0  }
0xa4: {  	s25 =	simm.s32 $0x1B8E;
	s24 =	sld [smem:$0x3FFE];
	[sflag:s23] =	ssyncadd.s32 $0xFFFFFFFF  }
0xa5: {  	s26 =	simm.s32 $execute0_lowered;
	[smem:$0x3FD2] =	sst s25  }
0xa6: {  	s4 =	sshll.u32 s26, $0x1;
	_ =	strace $0x80000055;
	[dreg:$0x1] =	wrdreg $0xFFFFFFFF  }
0xa7: {  	s28 =	simm.s32 $_size_execute0_lowered;
	s2 =	sadd.s32 s2, s4;
	[dreg:$0x0] =	wrdreg $0x0  }
0xa8: {  	s4 =	sshll.u32 s28, $0x1;
	[dreg:$0x2] =	wrdreg s2  }
0xa9: {  	[dreg:$0x3] =	wrdreg s4  }
0xaa: {  	[dreg:$0x4] =	wrdreg $0xC0  }
0xab: {  	_ =	task [dreg:s6], $0x5FFFF  }
0xac: {  	[dreg:$0x1] =	wrdreg $0xFFFFFFFF  }
0xad: {  	[dreg:$0x0] =	wrdreg $0x60  }
0xae: {  	[dreg:$0x2] =	wrdreg s24  }
0xaf: {  	[dreg:$0x3] =	wrdreg $0x85000  }
0xb0: {  	[dreg:$0x4] =	wrdreg $0x1C5000  }
0xb1: {  	[dreg:$0x5] =	wrdreg $0x9  }
0xb2: {  	_ =	task.clear_ibuf [dreg:s6], $0x6FFFF;
	_ =	strace $0x90000055  }
0xb3: {  	s29 =	simm.s32 $0x9;
	_ =	strace $0x80000057  }
0xb4: {  	_ =	swait.ge [sflag:s29], $0x1  }
0xb5: {  	[sflag:s29] =	ssyncadd.s32 $0xFFFFFFFF  }
0xb6: {  	_ =	strace $0x90000057  }
0xb7: {  	_ =	sfence  }
0xb8: {  	s30 =	sld [smem:$0x0];
	_ =	sdelay $0x2  }
0xb9: {  	s31 =	sshll.u32 s1, $0xD;
	s1 =	sshrl.u32 s1, $0x2  }
0xba: {  	s3 =	sand.u32 $0x4000, s31;
	s1 =	sadd.s32 s1, s30  }
0xbb: {  	s0 =	sor.u32 s3, s0;
	s1 =	sshll.u32 s1, $0x11  }
0xbc: {  	s0 =	sor.u32 s1, s0  }
0xbd: {  	s0 =	sadd.s32 $0x8F2B, s0  }
0xbe: {  	[sflag:s0] =	ssyncadd.remote.s32 $0x1  }
0xbf: {  	_ =	sfence.sel $0xFFFF  }
0xc0: {  	[dreg:$0x0] =	wrdreg $0xFFFFFFFF;
	(pc) =	sbr.abs _section_cstart, $3  }
0xc1: {  	[dreg:$0x1] =	wrdreg $0xFFFFFFFF  }
0xc2: {  	_ =	task.clear_ibuf [dreg:s6], $0x2FFFF;
	_ =	strace $0x9FFFFFFF  }
0xc3: {  	(tm) =	ssettm $0x7FFFFFFF  }
tec
execute0_lowered:
.L_overlay_start_1:
0x0: {  	(tag) =	ssettag $0x1  }
0x1: {  	s0 =	rddreg [dreg:$0x0]  }
0x2: {  	s1 =	rddreg [dreg:$0x1]  }
0x3: {  	s2 =	rddreg [dreg:$0x2];
	s3 =	simm.s32 $0x0;
	s4 =	srdreg.scid  }
0x4: {  	s13 =	stileid.u32;
	s30 =	simm.s32 $0x1;
	s31 =	simm.s32 $0x2  }
0x5: {  	s28 =	simm.s32 $0x0;
	[smem:$0x7FF] =	sst s3;
	s5 =	sadd.s32 $0x1A000, s0  }
0x6: {  	s4 =	sand.u32 $0x1, s4;
	s6 =	sadd.s32 $0x10000, s0;
	s7 =	sadd.s32 $0x6000, s0  }
0x7: {  	s8 =	sadd.s32 $0x4E00, s0;
	s10 =	smul.u32 $0x14000, s13;
	s11 =	sadd.s32 $0x41200, s0  }
0x8: {  	s16 =	sadd.s32 $0x4600, s0;
	s17 =	smul.u32 $0x500, s13;
	s12 =	sshll.u32 s13, $0x1  }
0x9: {  	s23 =	smul.u32 $0x50000, s13;
	_ =	strace $0x80000056;
	[dreg:$0x4] =	wrdreg s11  }
0xa: {  	s26 =	sshll.u32 s13, $0x6;
	s9 =	smul.u32 $0x140000, s4;
	[dreg:$0x5] =	wrdreg s16  }
0xb: {  	s18 =	sshll.u32 s4, $0x7;
	s19 =	sor.u32 s4, s12;
	s20 =	ssub.s32 $0x2, s4  }
0xc: {  	s16 =	sor.u32 $0x1C06, s26;
	s4 =	smul.u32 $0x500, s4;
	s26 =	simm.s32 $0x5  }
0xd: {  	s11 =	smul.u32 $0x500, s19;
	s21 =	sshrl.u32 s20, $0x1;
	s25 =	sshrl.u32 s23, $0x2  }
0xe: {  	s23 =	simm.s32 $0x80;
	s9 =	sadd.s32 s10, s9;
	s10 =	sor.u32 s18, s17  }
0xf: {  	s9 =	sshrl.u32 s9, $0x3;
	s10 =	sshrl.u32 s10, $0x3;
	s22 =	sadd.s32 s6, s11  }
0x10: {  	s14 =	sadd.s32 s7, s11;
	s11 =	sor.u32 $0x10, s11;
	s9 =	sadd.s32 s9, s0  }
0x11: {  	s0 =	sadd.s32 s10, s0;
	s10 =	ssub.s32 s20, s21;
	[dreg:$0x6] =	wrdreg s22  }
0x12: {  	[dreg:$0x7] =	wrdreg s14;
	s21 =	smul.u32 $0xA00, s13;
	s24 =	sadd.s32 s6, s11  }
.Ltmp0:
0x13: {  	s11 =	sadd.s32 s7, s11;
	[dreg:$0x8] =	wrdreg s24;
	(pc) =	sbr.rel .LBB2_1-.Ltmp0, $4  }
0x14: {  	[dreg:$0x9] =	wrdreg s11;
	s11 =	sadd.s32 s25, s1;
	s18 =	sadd.s32 $0x9C600, s9  }
0x15: {  	s19 =	sadd.s32 $0x95600, s0;
	s20 =	smax.u32 s10, $0x1;
	s25 =	simm.s32 $0x6  }
0x16: {  	s0 =	simm.s32 $0x3;
	[dreg:$0xa] =	wrdreg s11;
	s29 =	sshrl.u32 s21, $0x2  }
0x17: {  	s21 =	sadd.s32 s4, s21;
	s4 =	simm.s32 $0x4;
	s17 =	sadd.s32 s29, s2  }
.LBB2_7:
0x18: {  	_ =	swait.ge [sflag:s0], $0x4000  }
0x19: {  	[sflag:s0] =	ssyncset.done $0x0  }
0x1a: {  	[sflag:s0] =	ssyncadd.s32 $0xFFFFC000  }
0x1b: {  	_ =	swait.ge [sflag:s4], $0x80  }
0x1c: {  	[sflag:s4] =	ssyncset.done $0x0  }
0x1d: {  	[sflag:s4] =	ssyncadd.s32 $0xFFFFFF80  }
0x1e: {  	[bflag:$0x0] =	sbarrier.arrive $0xFFFF  }
0x1f: {  	[hbm:s18], [sflag:s16] =	dma.local [spmem:s29], $0x2800  }
0x20: {  	s28 =	sadd.s32 $0x1, s28;
	_ =	swait.ge [sflag:s25], $0x2800  }
0x21: {  	s9 =	simm.s32 $0x20;
	p0 =	sne.s32 s28, s20;
	[sflag:s25] =	ssyncset.done $0x0  }
.Ltmp1:
0x22: {  	s10 =	simm.s32 $0x10;
	[sflag:s25] =	ssyncadd.s32 $0xFFFFD800;
	(pc) =	sbr.rel @!p0 .LBB2_8-.Ltmp1, $4  }
0x23: {  	[hbm:s19@s9], [sflag:s16] =	dma.strided [spmem:s22@s10], $0x50, s30, $0x10   }
0x24: {  	_ =	swait.ge [sflag:s25], $0x50  }
0x25: {  	[sflag:s25] =	ssyncset.done $0x0  }
0x26: {  	[sflag:s25] =	ssyncadd.s32 $0xFFFFFFB0  }
.LBB2_1:
0x27: {  	s9 =	rddreg [dreg:$0x6]  }
0x28: {  	s22 =	rddreg [dreg:$0x7]  }
0x29: {  	s24 =	rddreg [dreg:$0x8]  }
0x2a: {  	[tilespmem:s3], [sflag:$0x5] =	stream.linear.gather [hbm4b:s9+s3], $0x80, $0x38;
	[tilespmem:$0x1C780] =	vst v63  }
0x2b: {  	s10 =	simm.s32 $0x200;
	s12 =	rddreg [dreg:$0xa]  }
0x2c: {  	[tilespmem:s10], [sflag:$0x5] =	stream.linear.gather [hbm4b:s22+s3], $0x80, $0x38;
	[tilespmem:$0x1C780] =	vst v63  }
0x2d: {  	s13 =	rddreg [dreg:$0x4]  }
0x2e: {  	[tilespmem:s23], [sflag:$0x5] =	stream.linear.gather [hbm4b:s24+s3], $0x80, $0x38;
	[tilespmem:$0x1C780] =	vst v63  }
0x2f: {  	s11 =	simm.s32 $0x280;
	s29 =	sshrl.u32 s12, $0x3;
	s10 =	rddreg [dreg:$0x9]  }
0x30: {  	[tilespmem:s11], [sflag:$0x5] =	stream.linear.gather [hbm4b:s10+s3], $0x80, $0x38;
	[tilespmem:$0x1C780] =	vst v63  }
0x31: {  	[spmem:s29], [sflag:s16] =	dma.local [hbm:s13], $0x2800  }
0x32: {  	_ =	swait.ge [sflag:s25], $0x2800  }
0x33: {  	[sflag:s25] =	ssyncset.done $0x0  }
0x34: {  	s22 =	sshrl.u32 s17, $0x3;
	s14 =	rddreg [dreg:$0x5];
	[sflag:s25] =	ssyncadd.s32 $0xFFFFD800  }
0x35: {  	[spmem:s22], [sflag:s16] =	dma.local [hbm:s14], $0x50  }
0x36: {  	_ =	swait.ge [sflag:s25], $0x50  }
0x37: {  	[sflag:s25] =	ssyncset.done $0x0  }
0x38: {  	[sflag:s25] =	ssyncadd.s32 $0xFFFFFFB0  }
0x39: {  	[bflag:$0x0] =	sbarrier.arrive $0xFFFF  }
0x3a: {  	_ =	swait.ge [sflag:s26], $0x80  }
0x3b: {  	[sflag:s26] =	ssyncset.done $0x0  }
0x3c: {  	[sflag:s26] =	ssyncadd.s32 $0xFFFFFF80  }
0x3d: {  	_ =	swait.ge [sflag:s26], $0x80  }
0x3e: {  	[sflag:s26] =	ssyncset.done $0x0  }
.Ltmp2:
0x3f: {  	s15 =	simm.s32 $0x500;
	[sflag:s26] =	ssyncadd.s32 $0xFFFFFF80;
	(pc) =	sbr.rel .LBB2_2-.Ltmp2, $4  }
0x40: {  	[tilespmem:s15], [sflag:$0x1] =	stream.indirect.gather [hbm4b:s5+s23], $0x80, s3, s23, $0xb8;
	[tilespmem:$0x1C780] =	vst v63  }
0x41: {  	s24 =	simm.s32 $0x400  }
0x42: {  	[tilespmem:s24], [sflag:$0x2] =	stream.indirect.gather [hbm4b:s8+s23], $0x1, s3, s23, $0xb8;
	[tilespmem:$0x1C780] =	vst v63  }
0x43: {  	s9 =	simm.s32 $0x0;
	s24 =	simm.s32 $0x20  }
.LBB2_3:
0x44: {  	s13 =	sadd.s32 $0x156, s12  }
0x45: {  	s13 =	sshrl.u32 s13, $0x9  }
0x46: {  	s13 =	sand.u32 $0x7F, s13  }
0x47: {  	s13 =	smul.u32 $0x3, s13;
	_ =	sdelay $0x1  }
0x48: {  	s14 =	sadd.s32 s24, s21;
	s13 =	ssub.s32 s9, s13  }
0x49: {  	s15 =	sand.u32 $0x70, s24;
	s14 =	sand.u32 $0xFFFFF80, s14;
	s13 =	sadd.s32 $0x2, s13  }
0x4a: {  	s14 =	sor.u32 s15, s14;
	s13 =	sand.u32 $0xFF, s13  }
0x4b: {  	s15 =	sadd.s32 s6, s14;
	s13 =	sshll.u32 s13, $0x7  }
0x4c: {  	[tilespmem:s13], [sflag:$0x5] =	stream.linear.gather [hbm4b:s15+s3], $0x80, $0x38;
	[tilespmem:$0x1C780] =	vst v63  }
0x4d: {  	s14 =	sadd.s32 s7, s14;
	s13 =	sadd.s32 $0x200, s13  }
0x4e: {  	[tilespmem:s13], [sflag:$0x5] =	stream.linear.gather [hbm4b:s14+s3], $0x80, $0x38;
	[tilespmem:$0x1C780] =	vst v63  }
.LBB2_5:
0x4f: {  	s13 =	sadd.s32 $0xAB, s12  }
0x50: {  	s13 =	sshrl.u32 s13, $0x9  }
0x51: {  	_ =	swait.ge [sflag:s26], $0x80;
	s13 =	sand.u32 $0x7F, s13  }
0x52: {  	[sflag:s26] =	ssyncset.done $0x0;
	s13 =	smul.u32 $0x3, s13  }
0x53: {  	s14 =	sxor.u32 $0x1, s11;
	[sflag:s26] =	ssyncadd.s32 $0xFFFFFF80  }
0x54: {  	s15 =	sshll.u32 s14, $0xE;
	_ =	swait.ge [sflag:s26], $0x80;
	s13 =	ssub.s32 s10, s13  }
0x55: {  	s14 =	sshll.u32 s14, $0x7;
	[sflag:s26] =	ssyncset.done $0x0;
	s13 =	sand.u32 $0xFF, s13  }
0x56: {  	s15 =	sor.u32 $0x500, s15;
	[sflag:s26] =	ssyncadd.s32 $0xFFFFFF80;
	s13 =	sshll.u32 s13, $0x7  }
0x57: {  	[tilespmem:s15], [sflag:$0x1] =	stream.indirect.gather [hbm4b:s5+s23], $0x80, s13, s23, $0xb8;
	[tilespmem:$0x1C780] =	vst v63  }
0x58: {  	s14 =	sor.u32 $0x400, s14  }
0x59: {  	[tilespmem:s14], [sflag:$0x2] =	stream.indirect.gather [hbm4b:s8+s23], $0x1, s13, s23, $0xb8;
	[tilespmem:$0x1C780] =	vst v63  }
.LBB2_6:
0x5a: {  	s12 =	sshrl.u32 s12, $0x9  }
0x5b: {  	s12 =	sand.u32 $0x7F, s12  }
0x5c: {  	_ =	swait.ge [sflag:s30], $0x4000;
	s12 =	smul.u32 $0x3, s12  }
0x5d: {  	s14 =	sshll.u32 s11, $0xE;
	[sflag:s30] =	ssyncset.done $0x0  }
0x5e: {  	s15 =	sshll.u32 s11, $0x7;
	[sflag:s30] =	ssyncadd.s32 $0xFFFFC000;
	s9 =	ssub.s32 s9, s12  }
0x5f: {  	p0 =	sne.s32 s10, $0x50;
	_ =	swait.ge [sflag:s31], $0x80;
	s9 =	sand.u32 $0xFF, s9  }
0x60: {  	s12 =	sor.u32 $0x500, s14;
	[sflag:s31] =	ssyncset.done $0x0;
	s9 =	sshll.u32 s9, $0x7  }
.Ltmp3:
0x61: {  	[sflag:s31] =	ssyncadd.s32 $0xFFFFFF80;
	s9 =	sadd.s32 $0x200, s9;
	(pc) =	sbr.rel @!p0 .LBB2_7-.Ltmp3, $4  }
0x62: {  	[spmem:s1] =	stream.indirect.scatter.add.f32 [tilespmem:s12], [sflag:$0x3], $0x80, s9, s23, $0xb8;
	[tilespmem:$0x1C780] =	vst v63  }
0x63: {  	s11 =	sor.u32 $0x400, s15  }
0x64: {  	[spmem:s2] =	stream.indirect.scatter.add.f32 [tilespmem:s11], [sflag:$0x4], $0x1, s9, s23, $0xb8;
	[tilespmem:$0x1C780] =	vst v63  }
0x65: {  	s24 =	sadd.s32 $0x10, s24;
	s9 =	smov.u32 s10  }
.LBB2_2:
0x66: {  	p0 =	seq.s32 s9, $0x0  }
0x67: {  	s10 =	simm.s32 @!p0 $0x3;
	p1 =	sgt.u32 @!p0 s9, $0x4D  }
0x68: {  	_ =	swait.ge @!p0 [sflag:s10], $0x4000;
	p1 =	por p0, !p1  }
.Ltmp4:
0x69: {  	[sflag:s10] =	ssyncset.done @!p0 $0x0;
	(pc) =	sbr.rel @p1 .LBB2_3-.Ltmp4, $4  }
0x6a: {  	s13 =	simm.s32 @!p0 $0x4;
	[sflag:s10] =	ssyncadd.s32 @!p0 $0xFFFFC000  }
0x6b: {  	_ =	swait.ge @!p0 [sflag:s13], $0x80  }
0x6c: {  	s12 =	smul.u32 $0xAB, s9;
	[sflag:s13] =	ssyncset.done @!p0 $0x0  }
0x6d: {  	s11 =	sand.u32 $0x1, s9;
	s10 =	sadd.s32 $0x1, s9;
	[sflag:s13] =	ssyncadd.s32 @!p0 $0xFFFFFF80  }
0x6e: {  	p0 =	seq.s32 s9, $0x4F  }
.Ltmp5:
0x6f: {  	_ = 	snop;
	(pc) =	sbr.rel @p0 .LBB2_6-.Ltmp5, $4  }
.Ltmp6:
0x70: {  	_ = 	snop;
	(pc) =	sbr.rel @!p0 .LBB2_5-.Ltmp6, $4  }
0x71: {  	_ = 	snop  }
0x72: {  	_ = 	snop  }
0x73: {  	_ = 	snop  }
0x74: {  	_ = 	snop  }
.LBB2_8:
0x75: {  	_ =	sfence.sel $0x180000  }
0x76: {  	[bflag:$0x0] =	sbarrier.arrive $0xFFFF  }
0x77: {  	_ =	strace $0x90000056  }
0x78: {  	s0 =	stileid.u32;
	[bflag:$0x2] =	sbarrier.arrive $0xFFFF  }
0x79: {  	p0 =	sne.s32 s0, $0x0;
	s0 =	rddreg [dreg:$0x3]  }
0x7a: {  	s0 =	sadd.s32 @!p0 $0x100000, s0  }
0x7b: {  	[sflag:s0] =	ssyncadd.tile.s32 @!p0 $0x1;
	_ =	shalt  }
.Lfunc_end2:
_tile_overlayer_lowered:
.L_overlay_start_2:
0x7c: {  	(tag) =	ssettag $0x2  }
0x7d: {  	s0 =	rddreg [dreg:$0x0];
	s2 =	stileid.u32  }
0x7e: {  	s1 =	rddreg [dreg:$0x1];
	p0 =	sne.s32 s2, $0x0  }
0x7f: {  	s3 =	rddreg [dreg:$0x2];
	[bflag:$0x3] =	sbarrier.arrive $0xFFFF;
	s2 =	simm.s32 @!p0 $0x1C06  }
0x80: {  	[timem:s3], [sflag:s2] =	dma.local @!p0 [hbm:s0], s1  }
0x81: {  	s0 =	simm.s32 @!p0 $0x6  }
0x82: {  	_ =	swait.ge @!p0 [sflag:s0], s1  }
0x83: {  	s1 =	ssub.s32 @!p0 $0x0, s1;
	[sflag:s0] =	ssyncset.done @!p0 $0x0  }
0x84: {  	[sflag:s0] =	ssyncadd.s32 @!p0 s1  }
0x85: {  	[bflag:$0x3] =	sbarrier.arrive $0xFFFF  }
0x86: {  	_ =	shalt  }

// kernel: kernel.46.cloned.1.call-start
scs
__scs_entry_jumppad:
0x0: {  	(pc) =	sbr.rel $0x88, $3  }
0x1: {  	(tag) =	ssettag $0x0;
	lr =	simm.s32 $0x1  }
0x2: {  	[smem:$0x3F97] =	sst lr;
	_ =	strace $0xD0000000  }
0x3: {  	_ = 	snop  }
0x4: {  	_ = 	snop  }
0x5: {  	_ = 	snop  }
0x6: {  	_ = 	snop  }
0x7: {  	_ = 	snop  }
__scs_overlays_trampoline_lowered:
0x8: {  	[smem:$0x3FA6] =	sst s0  }
0x9: {  	[smem:$0x3FA7] =	sst s1  }
0xa: {  	[smem:$0x3FA8] =	sst s2  }
0xb: {  	[smem:$0x3FA9] =	sst s3  }
0xc: {  	[smem:$0x3FAA] =	sst s4  }
0xd: {  	[smem:$0x3FAB] =	sst s5  }
0xe: {  	[smem:$0x3FAC] =	sst s6  }
0xf: {  	[smem:$0x3FAD] =	sst s7  }
0x10: {  	[smem:$0x3FAE] =	sst s8  }
0x11: {  	[smem:$0x3FAF] =	sst s9;
	s0 =	simm.s32 @!p0 $0x0  }
0x12: {  	s1 =	sld [smem:$0x3F95];
	s0 =	simm.s32 @p0 $0x1  }
0x13: {  	[smem:$0x3FB0] =	sst s0;
	s0 =	simm.s32 @!p1 $0x0  }
0x14: {  	s2 =	sld [smem:$0x3F94];
	s0 =	simm.s32 @p1 $0x1  }
0x15: {  	[smem:$0x3FB1] =	sst s0;
	s0 =	simm.s32 @!p2 $0x0  }
0x16: {  	s3 =	sld [smem:$0x3FDB];
	s0 =	simm.s32 @p2 $0x1  }
0x17: {  	s4 =	simm.s32 $0x1BF5;
	[smem:$0x3FB3] =	sst s0  }
0x18: {  	s0 =	sld [smem:$0x3F96];
	_ =	swait.ge [sflag:s4], $0x0  }
0x19: {  	s7 =	sld [smem:$0x3F97]  }
0x1a: {  	s8 =	sadd.s32 $0xFFFFE003, lr  }
0x1b: {  	s9 =	sadd.s32 $0xFFFFFEF7, lr;
	s5 =	simm.s32 $0xFFFFFFFF;
	p2 =	slt.u32 s8, $0xFFFFF086  }
0x1c: {  	p1 =	slt.u32 s9, $0xF7A;
	s5 =	simm.s32 @!p2 $0x0  }
0x1d: {  	s5 =	simm.s32 @p1 $0x1;
	p0 =	seq.s32 s7, s2  }
0x1e: {  	s7 =	smul.u32 @!p0 $0xF7A, s2;
	p2 =	seq.s32 @!p0 s5, $0x0  }
0x1f: {  	s9 =	smul.u32 $0xF7A, s1;
	s8 =	simm.s32 @!p0 $0x1BF5;
	p2 =	por !p2, p0  }
0x20: {  	[sflag:s8] =	ssyncset.s32 @!p0 $0xFFFFF086;
	s6 =	sadd.s32 @!p0 s3, s7;
	s7 =	simm.s32 @!p0 $0x108  }
0x21: {  	s3 =	sadd.s32 s3, s9;
	s6 =	sadd.s32 @!p0 $0x88, s6;
	s7 =	simm.s32 @p2 $0x1082  }
0x22: {  	[simem:s7], [sflag:s8] =	dma.local @!p0 [hbm:s6], $0xF7A  }
0x23: {  	s9 =	sor.u32 $0xD0000000, s2;
	s6 =	simm.s32 $0x108;
	_ =	swait.ge @!p0 [sflag:s8], $0x0  }
0x24: {  	s3 =	sadd.s32 $0x88, s3;
	s6 =	simm.s32 @!p1 $0x1082;
	[sflag:s4] =	ssyncset.s32 $0xFFFFF086  }
0x25: {  	[simem:s6], [sflag:s4] =	dma.local [hbm:s3], $0xF7A  }
0x26: {  	[smem:$0x3F97] =	sst s1;
	(tag) =	ssettag s2;
	_ =	strace s9  }
0x27: {  	s1 =	sld [smem:$0x3FA7]  }
0x28: {  	s2 =	sld [smem:$0x3FA8]  }
0x29: {  	s4 =	sld [smem:$0x3FAA]  }
0x2a: {  	p0 =	seq.s32 s5, $0x0;
	s5 =	sld [smem:$0x3FAB]  }
0x2b: {  	s6 =	sld [smem:$0x3FAC]  }
0x2c: {  	s7 =	sld [smem:$0x3FAD]  }
0x2d: {  	s3 =	simm.s32 $0x108;
	s8 =	sld [smem:$0x3FAE]  }
0x2e: {  	s3 =	simm.s32 @!p0 $0x1082;
	s9 =	sld [smem:$0x3FAF]  }
0x2f: {  	lr =	sadd.s32 s0, s3;
	s0 =	sld [smem:$0x3FA6]  }
0x30: {  	s3 =	sld [smem:$0x3FA9]  }
0x31: {  	[smem:$0x3FB2] =	sst s10  }
0x32: {  	s10 =	sld [smem:$0x3FB0];
	_ =	sdelay $0x3  }
0x33: {  	p0 =	seq.s32 s10, $0x1;
	s10 =	sld [smem:$0x3FB2];
	_ =	sdelay $0x3  }
0x34: {  	[smem:$0x3FB2] =	sst s10  }
0x35: {  	s10 =	sld [smem:$0x3FB1];
	_ =	sdelay $0x3  }
0x36: {  	p1 =	seq.s32 s10, $0x1;
	s10 =	sld [smem:$0x3FB2];
	_ =	sdelay $0x3  }
0x37: {  	[smem:$0x3FB2] =	sst s10  }
0x38: {  	s10 =	sld [smem:$0x3FB3]  }
0x39: {  	_ = 	snop;
	(pc) =	sbr.ind lr, $3  }
0x3a: {  	_ = 	snop  }
0x3b: {  	_ = 	snop  }
0x3c: {  	p2 =	seq.s32 s10, $0x1;
	s10 =	sld [smem:$0x3FB2]  }
0x3d: {  	_ =	shalt  }
0x3e: {  	_ =	shalt  }
0x3f: {  	_ =	shalt  }
0x40: {  	_ =	shalt  }
0x41: {  	_ =	shalt  }
0x42: {  	_ =	shalt  }
0x43: {  	_ =	shalt  }
0x44: {  	_ =	shalt  }
0x45: {  	_ =	shalt  }
0x46: {  	_ =	shalt  }
0x47: {  	_ =	shalt  }
0x48: {  	_ =	shalt  }
0x49: {  	_ =	shalt  }
0x4a: {  	_ =	shalt  }
0x4b: {  	_ =	shalt  }
0x4c: {  	_ =	shalt  }
0x4d: {  	_ =	shalt  }
0x4e: {  	_ =	shalt  }
0x4f: {  	_ =	shalt  }
0x50: {  	_ =	shalt  }
0x51: {  	_ =	shalt  }
0x52: {  	_ =	shalt  }
0x53: {  	_ =	shalt  }
0x54: {  	_ =	shalt  }
0x55: {  	_ =	shalt  }
0x56: {  	_ =	shalt  }
0x57: {  	_ =	shalt  }
0x58: {  	_ =	shalt  }
0x59: {  	_ =	shalt  }
0x5a: {  	_ =	shalt  }
0x5b: {  	_ =	shalt  }
0x5c: {  	_ =	shalt  }
0x5d: {  	_ =	shalt  }
0x5e: {  	_ =	shalt  }
0x5f: {  	_ =	shalt  }
0x60: {  	_ =	shalt  }
0x61: {  	_ =	shalt  }
0x62: {  	_ =	shalt  }
0x63: {  	_ =	shalt  }
0x64: {  	_ =	shalt  }
0x65: {  	_ =	shalt  }
0x66: {  	_ =	shalt  }
0x67: {  	_ =	shalt  }
0x68: {  	_ =	shalt  }
0x69: {  	_ =	shalt  }
0x6a: {  	_ =	shalt  }
0x6b: {  	_ =	shalt  }
0x6c: {  	_ =	shalt  }
0x6d: {  	_ =	shalt  }
0x6e: {  	_ =	shalt  }
0x6f: {  	_ =	shalt  }
0x70: {  	_ =	shalt  }
0x71: {  	_ =	shalt  }
0x72: {  	_ =	shalt  }
0x73: {  	_ =	shalt  }
0x74: {  	_ =	shalt  }
0x75: {  	_ =	shalt  }
0x76: {  	_ =	shalt  }
0x77: {  	_ =	shalt  }
0x78: {  	_ =	shalt  }
0x79: {  	_ =	shalt  }
0x7a: {  	_ =	shalt  }
0x7b: {  	_ =	shalt  }
0x7c: {  	_ =	shalt  }
0x7d: {  	_ =	shalt  }
0x7e: {  	_ =	shalt  }
0x7f: {  	_ =	shalt  }
0x80: {  	_ =	shalt  }
0x81: {  	_ =	shalt  }
0x82: {  	_ =	shalt  }
0x83: {  	_ =	shalt  }
0x84: {  	_ =	shalt  }
0x85: {  	_ =	shalt  }
0x86: {  	_ =	shalt  }
0x87: {  	_ =	shalt  }
.Lfunc_end0:
.L_simem_size_0:
called_computation.6_lowered:
.L_overlay_start_0:
0x88: {  	s2 =	sld [smem:$0x3FD9]  }
0x89: {  	s3 =	sld [smem:$0x3FFE];
	_ =	sdelay $0x1  }
0x8a: {  	s1 =	srdreg.scid  }
0x8b: {  	s0 =	sand.u32 $0x1, s1  }
0x8c: {  	s16 =	sshll.u32 s0, $0xA;
	s2 =	sadd.s32 s3, s2  }
0x8d: {  	s2 =	sadd.s32 s2, s16  }
0x8e: {  	[smem:$0x3FBE] =	sst s2  }
0x8f: {  	_ = 	snop  }
0x90: {  	(tm) =	ssettm $0x1  }
0x91: {  	s17 =	sld [smem:$0x3FFB];
	_ =	sdelay $0x3  }
0x92: {  	_ =	strace s17  }
0x93: {  	s2 =	sld [smem:$0x3FFC];
	_ =	sdelay $0x3  }
0x94: {  	_ =	strace s2  }
0x95: {  	s2 =	sld [smem:$0x3FFD];
	_ =	sdelay $0x3  }
0x96: {  	_ =	strace s2  }
0x97: {  	_ =	strace $0x8FFFFFFF  }
0x98: {  	s18 =	sld [smem:$0x3FDB];
	_ =	sdelay $0x1  }
0x99: {  	s19 =	simm.s32 $_scs_section_size  }
0x9a: {  	s4 =	simm.s32 $_size__tile_overlayer_lowered;
	s5 =	simm.s32 $_tile_overlayer_lowered  }
0x9b: {  	s22 =	simm.s32 $0x1BFF;
	s21 =	sshll.u32 s5, $0x1;
	s2 =	sadd.s32 s19, s18  }
0x9c: {  	s6 =	simm.s32 $0x0;
	s20 =	sshll.u32 s4, $0x1;
	s4 =	sadd.s32 s21, s2  }
0x9d: {  	[timem:s6], [sflag:s22] =	dma.local [hbm:s4], s20  }
0x9e: {  	_ =	swait.ge [sflag:s22], s20  }
0x9f: {  	s3 =	ssub.s32 $0x0, s20;
	[sflag:s22] =	ssyncset.done $0x0  }
0xa0: {  	[sflag:s22] =	ssyncadd.s32 s3;
	_ =	sdelay $0x1  }
0xa1: {  	s23 =	simm.s32 $0x1B8B  }
0xa2: {  	_ =	swait.ge [sflag:s23], $0x1  }
0xa3: {  	[sflag:s23] =	ssyncset.done $0x0  }
0xa4: {  	s25 =	simm.s32 $0x1B8E;
	s24 =	sld [smem:$0x3FFE];
	[sflag:s23] =	ssyncadd.s32 $0xFFFFFFFF  }
0xa5: {  	s26 =	simm.s32 $execute0_lowered;
	[smem:$0x3FD2] =	sst s25  }
0xa6: {  	s4 =	sshll.u32 s26, $0x1;
	_ =	strace $0x80000058;
	[dreg:$0x1] =	wrdreg $0xFFFFFFFF  }
0xa7: {  	s28 =	simm.s32 $_size_execute0_lowered;
	s2 =	sadd.s32 s2, s4;
	[dreg:$0x0] =	wrdreg $0x0  }
0xa8: {  	s4 =	sshll.u32 s28, $0x1;
	[dreg:$0x2] =	wrdreg s2  }
0xa9: {  	[dreg:$0x3] =	wrdreg s4  }
0xaa: {  	[dreg:$0x4] =	wrdreg $0xC0  }
0xab: {  	_ =	task [dreg:s6], $0x5FFFF  }
0xac: {  	[dreg:$0x1] =	wrdreg $0xFFFFFFFF  }
0xad: {  	[dreg:$0x0] =	wrdreg $0x60  }
0xae: {  	[dreg:$0x2] =	wrdreg s24  }
0xaf: {  	[dreg:$0x3] =	wrdreg $0x85000  }
0xb0: {  	[dreg:$0x4] =	wrdreg $0x1C5000  }
0xb1: {  	[dreg:$0x5] =	wrdreg $0x9  }
0xb2: {  	_ =	task.clear_ibuf [dreg:s6], $0x6FFFF;
	_ =	strace $0x90000058  }
0xb3: {  	s29 =	simm.s32 $0x9;
	_ =	strace $0x8000005A  }
0xb4: {  	_ =	swait.ge [sflag:s29], $0x1  }
0xb5: {  	[sflag:s29] =	ssyncadd.s32 $0xFFFFFFFF  }
0xb6: {  	_ =	strace $0x9000005A  }
0xb7: {  	_ =	sfence  }
0xb8: {  	s30 =	sld [smem:$0x0];
	_ =	sdelay $0x2  }
0xb9: {  	s31 =	sshll.u32 s1, $0xD;
	s1 =	sshrl.u32 s1, $0x2  }
0xba: {  	s3 =	sand.u32 $0x4000, s31;
	s1 =	sadd.s32 s1, s30  }
0xbb: {  	s0 =	sor.u32 s3, s0;
	s1 =	sshll.u32 s1, $0x11  }
0xbc: {  	s0 =	sor.u32 s1, s0  }
0xbd: {  	s0 =	sadd.s32 $0x8F2B, s0  }
0xbe: {  	[sflag:s0] =	ssyncadd.remote.s32 $0x1  }
0xbf: {  	_ =	sfence.sel $0xFFFF  }
0xc0: {  	[dreg:$0x0] =	wrdreg $0xFFFFFFFF;
	(pc) =	sbr.abs _section_cstart, $3  }
0xc1: {  	[dreg:$0x1] =	wrdreg $0xFFFFFFFF  }
0xc2: {  	_ =	task.clear_ibuf [dreg:s6], $0x2FFFF;
	_ =	strace $0x9FFFFFFF  }
0xc3: {  	(tm) =	ssettm $0x7FFFFFFF  }
tec
execute0_lowered:
.L_overlay_start_1:
0x0: {  	(tag) =	ssettag $0x1  }
0x1: {  	s0 =	rddreg [dreg:$0x0]  }
0x2: {  	s1 =	rddreg [dreg:$0x1]  }
0x3: {  	s2 =	rddreg [dreg:$0x2];
	s3 =	simm.s32 $0x0;
	s4 =	srdreg.scid  }
0x4: {  	s13 =	stileid.u32;
	s30 =	simm.s32 $0x1;
	s31 =	simm.s32 $0x2  }
0x5: {  	s28 =	simm.s32 $0x0;
	[smem:$0x7FF] =	sst s3;
	s5 =	sadd.s32 $0x6AC00, s0  }
0x6: {  	s4 =	sand.u32 $0x1, s4;
	s6 =	sadd.s32 $0x10000, s0;
	s7 =	sadd.s32 $0x6000, s0  }
0x7: {  	s8 =	sadd.s32 $0x4E00, s0;
	s10 =	smul.u32 $0x14000, s13;
	s11 =	sadd.s32 $0x41200, s0  }
0x8: {  	s16 =	sadd.s32 $0x4600, s0;
	s17 =	smul.u32 $0x500, s13;
	s12 =	sshll.u32 s13, $0x1  }
0x9: {  	s23 =	smul.u32 $0x50000, s13;
	_ =	strace $0x80000059;
	[dreg:$0x4] =	wrdreg s11  }
0xa: {  	s26 =	sshll.u32 s13, $0x6;
	s9 =	smul.u32 $0x140000, s4;
	[dreg:$0x5] =	wrdreg s16  }
0xb: {  	s18 =	sshll.u32 s4, $0x7;
	s19 =	sor.u32 s4, s12;
	s20 =	ssub.s32 $0x2, s4  }
0xc: {  	s16 =	sor.u32 $0x1C06, s26;
	s4 =	smul.u32 $0x500, s4;
	s26 =	simm.s32 $0x5  }
0xd: {  	s11 =	smul.u32 $0x500, s19;
	s21 =	sshrl.u32 s20, $0x1;
	s25 =	sshrl.u32 s23, $0x2  }
0xe: {  	s23 =	simm.s32 $0x80;
	s9 =	sadd.s32 s10, s9;
	s10 =	sor.u32 s18, s17  }
0xf: {  	s9 =	sshrl.u32 s9, $0x3;
	s10 =	sshrl.u32 s10, $0x3;
	s22 =	sadd.s32 s6, s11  }
0x10: {  	s14 =	sadd.s32 s7, s11;
	s11 =	sor.u32 $0x10, s11;
	s9 =	sadd.s32 s9, s0  }
0x11: {  	s0 =	sadd.s32 s10, s0;
	s10 =	ssub.s32 s20, s21;
	[dreg:$0x6] =	wrdreg s22  }
0x12: {  	[dreg:$0x7] =	wrdreg s14;
	s21 =	smul.u32 $0xA00, s13;
	s24 =	sadd.s32 s6, s11  }
.Ltmp0:
0x13: {  	s11 =	sadd.s32 s7, s11;
	[dreg:$0x8] =	wrdreg s24;
	(pc) =	sbr.rel .LBB2_1-.Ltmp0, $4  }
0x14: {  	[dreg:$0x9] =	wrdreg s11;
	s11 =	sadd.s32 s25, s1;
	s18 =	sadd.s32 $0x9C600, s9  }
0x15: {  	s19 =	sadd.s32 $0x5400, s0;
	s20 =	smax.u32 s10, $0x1;
	s25 =	simm.s32 $0x6  }
0x16: {  	s0 =	simm.s32 $0x3;
	[dreg:$0xa] =	wrdreg s11;
	s29 =	sshrl.u32 s21, $0x2  }
0x17: {  	s21 =	sadd.s32 s4, s21;
	s4 =	simm.s32 $0x4;
	s17 =	sadd.s32 s29, s2  }
.LBB2_7:
0x18: {  	_ =	swait.ge [sflag:s0], $0x4000  }
0x19: {  	[sflag:s0] =	ssyncset.done $0x0  }
0x1a: {  	[sflag:s0] =	ssyncadd.s32 $0xFFFFC000  }
0x1b: {  	_ =	swait.ge [sflag:s4], $0x80  }
0x1c: {  	[sflag:s4] =	ssyncset.done $0x0  }
0x1d: {  	[sflag:s4] =	ssyncadd.s32 $0xFFFFFF80  }
0x1e: {  	[bflag:$0x0] =	sbarrier.arrive $0xFFFF  }
0x1f: {  	[hbm:s18], [sflag:s16] =	dma.local [spmem:s29], $0x2800  }
0x20: {  	s28 =	sadd.s32 $0x1, s28;
	_ =	swait.ge [sflag:s25], $0x2800  }
0x21: {  	s9 =	simm.s32 $0x20;
	p0 =	sne.s32 s28, s20;
	[sflag:s25] =	ssyncset.done $0x0  }
.Ltmp1:
0x22: {  	s10 =	simm.s32 $0x10;
	[sflag:s25] =	ssyncadd.s32 $0xFFFFD800;
	(pc) =	sbr.rel @!p0 .LBB2_8-.Ltmp1, $4  }
0x23: {  	[hbm:s19@s9], [sflag:s16] =	dma.strided [spmem:s22@s10], $0x50, s30, $0x10   }
0x24: {  	_ =	swait.ge [sflag:s25], $0x50  }
0x25: {  	[sflag:s25] =	ssyncset.done $0x0  }
0x26: {  	[sflag:s25] =	ssyncadd.s32 $0xFFFFFFB0  }
.LBB2_1:
0x27: {  	s9 =	rddreg [dreg:$0x6]  }
0x28: {  	s22 =	rddreg [dreg:$0x7]  }
0x29: {  	s24 =	rddreg [dreg:$0x8]  }
0x2a: {  	[tilespmem:s3], [sflag:$0x5] =	stream.linear.gather [hbm4b:s9+s3], $0x80, $0x38;
	[tilespmem:$0x1C780] =	vst v63  }
0x2b: {  	s10 =	simm.s32 $0x200;
	s12 =	rddreg [dreg:$0xa]  }
0x2c: {  	[tilespmem:s10], [sflag:$0x5] =	stream.linear.gather [hbm4b:s22+s3], $0x80, $0x38;
	[tilespmem:$0x1C780] =	vst v63  }
0x2d: {  	s13 =	rddreg [dreg:$0x4]  }
0x2e: {  	[tilespmem:s23], [sflag:$0x5] =	stream.linear.gather [hbm4b:s24+s3], $0x80, $0x38;
	[tilespmem:$0x1C780] =	vst v63  }
0x2f: {  	s11 =	simm.s32 $0x280;
	s29 =	sshrl.u32 s12, $0x3;
	s10 =	rddreg [dreg:$0x9]  }
0x30: {  	[tilespmem:s11], [sflag:$0x5] =	stream.linear.gather [hbm4b:s10+s3], $0x80, $0x38;
	[tilespmem:$0x1C780] =	vst v63  }
0x31: {  	[spmem:s29], [sflag:s16] =	dma.local [hbm:s13], $0x2800  }
0x32: {  	_ =	swait.ge [sflag:s25], $0x2800  }
0x33: {  	[sflag:s25] =	ssyncset.done $0x0  }
0x34: {  	s22 =	sshrl.u32 s17, $0x3;
	s14 =	rddreg [dreg:$0x5];
	[sflag:s25] =	ssyncadd.s32 $0xFFFFD800  }
0x35: {  	[spmem:s22], [sflag:s16] =	dma.local [hbm:s14], $0x50  }
0x36: {  	_ =	swait.ge [sflag:s25], $0x50  }
0x37: {  	[sflag:s25] =	ssyncset.done $0x0  }
0x38: {  	[sflag:s25] =	ssyncadd.s32 $0xFFFFFFB0  }
0x39: {  	[bflag:$0x0] =	sbarrier.arrive $0xFFFF  }
0x3a: {  	_ =	swait.ge [sflag:s26], $0x80  }
0x3b: {  	[sflag:s26] =	ssyncset.done $0x0  }
0x3c: {  	[sflag:s26] =	ssyncadd.s32 $0xFFFFFF80  }
0x3d: {  	_ =	swait.ge [sflag:s26], $0x80  }
0x3e: {  	[sflag:s26] =	ssyncset.done $0x0  }
.Ltmp2:
0x3f: {  	s15 =	simm.s32 $0x500;
	[sflag:s26] =	ssyncadd.s32 $0xFFFFFF80;
	(pc) =	sbr.rel .LBB2_2-.Ltmp2, $4  }
0x40: {  	[tilespmem:s15], [sflag:$0x1] =	stream.indirect.gather [hbm4b:s5+s23], $0x80, s3, s23, $0xb8;
	[tilespmem:$0x1C780] =	vst v63  }
0x41: {  	s24 =	simm.s32 $0x400  }
0x42: {  	[tilespmem:s24], [sflag:$0x2] =	stream.indirect.gather [hbm4b:s8+s23], $0x1, s3, s23, $0xb8;
	[tilespmem:$0x1C780] =	vst v63  }
0x43: {  	s9 =	simm.s32 $0x0;
	s24 =	simm.s32 $0x20  }
.LBB2_3:
0x44: {  	s13 =	sadd.s32 $0x156, s12  }
0x45: {  	s13 =	sshrl.u32 s13, $0x9  }
0x46: {  	s13 =	sand.u32 $0x7F, s13  }
0x47: {  	s13 =	smul.u32 $0x3, s13;
	_ =	sdelay $0x1  }
0x48: {  	s14 =	sadd.s32 s24, s21;
	s13 =	ssub.s32 s9, s13  }
0x49: {  	s15 =	sand.u32 $0x70, s24;
	s14 =	sand.u32 $0xFFFFF80, s14;
	s13 =	sadd.s32 $0x2, s13  }
0x4a: {  	s14 =	sor.u32 s15, s14;
	s13 =	sand.u32 $0xFF, s13  }
0x4b: {  	s15 =	sadd.s32 s6, s14;
	s13 =	sshll.u32 s13, $0x7  }
0x4c: {  	[tilespmem:s13], [sflag:$0x5] =	stream.linear.gather [hbm4b:s15+s3], $0x80, $0x38;
	[tilespmem:$0x1C780] =	vst v63  }
0x4d: {  	s14 =	sadd.s32 s7, s14;
	s13 =	sadd.s32 $0x200, s13  }
0x4e: {  	[tilespmem:s13], [sflag:$0x5] =	stream.linear.gather [hbm4b:s14+s3], $0x80, $0x38;
	[tilespmem:$0x1C780] =	vst v63  }
.LBB2_5:
0x4f: {  	s13 =	sadd.s32 $0xAB, s12  }
0x50: {  	s13 =	sshrl.u32 s13, $0x9  }
0x51: {  	_ =	swait.ge [sflag:s26], $0x80;
	s13 =	sand.u32 $0x7F, s13  }
0x52: {  	[sflag:s26] =	ssyncset.done $0x0;
	s13 =	smul.u32 $0x3, s13  }
0x53: {  	s14 =	sxor.u32 $0x1, s11;
	[sflag:s26] =	ssyncadd.s32 $0xFFFFFF80  }
0x54: {  	s15 =	sshll.u32 s14, $0xE;
	_ =	swait.ge [sflag:s26], $0x80;
	s13 =	ssub.s32 s10, s13  }
0x55: {  	s14 =	sshll.u32 s14, $0x7;
	[sflag:s26] =	ssyncset.done $0x0;
	s13 =	sand.u32 $0xFF, s13  }
0x56: {  	s15 =	sor.u32 $0x500, s15;
	[sflag:s26] =	ssyncadd.s32 $0xFFFFFF80;
	s13 =	sshll.u32 s13, $0x7  }
0x57: {  	[tilespmem:s15], [sflag:$0x1] =	stream.indirect.gather [hbm4b:s5+s23], $0x80, s13, s23, $0xb8;
	[tilespmem:$0x1C780] =	vst v63  }
0x58: {  	s14 =	sor.u32 $0x400, s14  }
0x59: {  	[tilespmem:s14], [sflag:$0x2] =	stream.indirect.gather [hbm4b:s8+s23], $0x1, s13, s23, $0xb8;
	[tilespmem:$0x1C780] =	vst v63  }
.LBB2_6:
0x5a: {  	s12 =	sshrl.u32 s12, $0x9  }
0x5b: {  	s12 =	sand.u32 $0x7F, s12  }
0x5c: {  	_ =	swait.ge [sflag:s30], $0x4000;
	s12 =	smul.u32 $0x3, s12  }
0x5d: {  	s14 =	sshll.u32 s11, $0xE;
	[sflag:s30] =	ssyncset.done $0x0  }
0x5e: {  	s15 =	sshll.u32 s11, $0x7;
	[sflag:s30] =	ssyncadd.s32 $0xFFFFC000;
	s9 =	ssub.s32 s9, s12  }
0x5f: {  	p0 =	sne.s32 s10, $0x50;
	_ =	swait.ge [sflag:s31], $0x80;
	s9 =	sand.u32 $0xFF, s9  }
0x60: {  	s12 =	sor.u32 $0x500, s14;
	[sflag:s31] =	ssyncset.done $0x0;
	s9 =	sshll.u32 s9, $0x7  }
.Ltmp3:
0x61: {  	[sflag:s31] =	ssyncadd.s32 $0xFFFFFF80;
	s9 =	sadd.s32 $0x200, s9;
	(pc) =	sbr.rel @!p0 .LBB2_7-.Ltmp3, $4  }
0x62: {  	[spmem:s1] =	stream.indirect.scatter.add.f32 [tilespmem:s12], [sflag:$0x3], $0x80, s9, s23, $0xb8;
	[tilespmem:$0x1C780] =	vst v63  }
0x63: {  	s11 =	sor.u32 $0x400, s15  }
0x64: {  	[spmem:s2] =	stream.indirect.scatter.add.f32 [tilespmem:s11], [sflag:$0x4], $0x1, s9, s23, $0xb8;
	[tilespmem:$0x1C780] =	vst v63  }
0x65: {  	s24 =	sadd.s32 $0x10, s24;
	s9 =	smov.u32 s10  }
.LBB2_2:
0x66: {  	p0 =	seq.s32 s9, $0x0  }
0x67: {  	s10 =	simm.s32 @!p0 $0x3;
	p1 =	sgt.u32 @!p0 s9, $0x4D  }
0x68: {  	_ =	swait.ge @!p0 [sflag:s10], $0x4000;
	p1 =	por p0, !p1  }
.Ltmp4:
0x69: {  	[sflag:s10] =	ssyncset.done @!p0 $0x0;
	(pc) =	sbr.rel @p1 .LBB2_3-.Ltmp4, $4  }
0x6a: {  	s13 =	simm.s32 @!p0 $0x4;
	[sflag:s10] =	ssyncadd.s32 @!p0 $0xFFFFC000  }
0x6b: {  	_ =	swait.ge @!p0 [sflag:s13], $0x80  }
0x6c: {  	s12 =	smul.u32 $0xAB, s9;
	[sflag:s13] =	ssyncset.done @!p0 $0x0  }
0x6d: {  	s11 =	sand.u32 $0x1, s9;
	s10 =	sadd.s32 $0x1, s9;
	[sflag:s13] =	ssyncadd.s32 @!p0 $0xFFFFFF80  }
0x6e: {  	p0 =	seq.s32 s9, $0x4F  }
.Ltmp5:
0x6f: {  	_ = 	snop;
	(pc) =	sbr.rel @p0 .LBB2_6-.Ltmp5, $4  }
.Ltmp6:
0x70: {  	_ = 	snop;
	(pc) =	sbr.rel @!p0 .LBB2_5-.Ltmp6, $4  }
0x71: {  	_ = 	snop  }
0x72: {  	_ = 	snop  }
0x73: {  	_ = 	snop  }
0x74: {  	_ = 	snop  }
.LBB2_8:
0x75: {  	_ =	sfence.sel $0x180000  }
0x76: {  	[bflag:$0x0] =	sbarrier.arrive $0xFFFF  }
0x77: {  	_ =	strace $0x90000059  }
0x78: {  	s0 =	stileid.u32;
	[bflag:$0x2] =	sbarrier.arrive $0xFFFF  }
0x79: {  	p0 =	sne.s32 s0, $0x0;
	s0 =	rddreg [dreg:$0x3]  }
0x7a: {  	s0 =	sadd.s32 @!p0 $0x100000, s0  }
0x7b: {  	[sflag:s0] =	ssyncadd.tile.s32 @!p0 $0x1;
	_ =	shalt  }
.Lfunc_end2:
_tile_overlayer_lowered:
.L_overlay_start_2:
0x7c: {  	(tag) =	ssettag $0x2  }
0x7d: {  	s0 =	rddreg [dreg:$0x0];
	s2 =	stileid.u32  }
0x7e: {  	s1 =	rddreg [dreg:$0x1];
	p0 =	sne.s32 s2, $0x0  }
0x7f: {  	s3 =	rddreg [dreg:$0x2];
	[bflag:$0x3] =	sbarrier.arrive $0xFFFF;
	s2 =	simm.s32 @!p0 $0x1C06  }
0x80: {  	[timem:s3], [sflag:s2] =	dma.local @!p0 [hbm:s0], s1  }
0x81: {  	s0 =	simm.s32 @!p0 $0x6  }
0x82: {  	_ =	swait.ge @!p0 [sflag:s0], s1  }
0x83: {  	s1 =	ssub.s32 @!p0 $0x0, s1;
	[sflag:s0] =	ssyncset.done @!p0 $0x0  }
0x84: {  	[sflag:s0] =	ssyncadd.s32 @!p0 s1  }
0x85: {  	[bflag:$0x3] =	sbarrier.arrive $0xFFFF  }
0x86: {  	_ =	shalt  }

</sc_bundles>
